<compile_context>
chip_gen: v7x
topology: tpu7x:2x2x1
jax: 0.10.2.dev20260603
libtpu: 0.0.44.dev20260713+nightly
codegen_flags: <defaults>
</compile_context>

<pallas_src>
import functools

import jax
import jax.numpy as jnp
import numpy as np
from jax import lax
from jax.experimental import pallas as pl
from jax.experimental.pallas import tpu as pltpu
from jax.experimental.pallas import tpu_sc as plsc

N = 10000
NP = 10112
E = 320000
D = 128
DEG_W = 16

NC = 2
NS = 16
NW = NC * NS
EPW = E // NW
C = 80
CHUNKS = EPW // C
BI = 5
NB = CHUNKS // BI
RPT = NP // NS
ZR = 79
ZCH = RPT // ZR


def _sc_segment_sum(ei, feat, zeros_agg, zeros_deg, ones_rows):
    mesh = plsc.VectorSubcoreMesh(core_axis_name="c", subcore_axis_name="s")

    @functools.partial(
        pl.kernel,
        out_type=(
            jax.ShapeDtypeStruct((NC, NP, D), jnp.float32),
            jax.ShapeDtypeStruct((NC, NP, DEG_W), jnp.float32),
        ),
        mesh=mesh,
        compiler_params=pltpu.CompilerParams(use_tc_tiling_on_sc=False),
        scratch_types=[
            pltpu.VMEM_SHARED((NP, D), jnp.float32),
            pltpu.VMEM_SHARED((NP, DEG_W), jnp.float32),
            pltpu.VMEM((BI, C), jnp.int32),
            pltpu.VMEM((BI, C), jnp.int32),
            pltpu.VMEM((BI, C), jnp.int32),
            pltpu.VMEM((BI, C), jnp.int32),
            pltpu.VMEM((C, D), jnp.float32),
            pltpu.VMEM((C, D), jnp.float32),
            pltpu.VMEM((C, DEG_W), jnp.float32),
            pltpu.SemaphoreType.DMA,
            pltpu.SemaphoreType.DMA,
            pltpu.SemaphoreType.DMA,
            pltpu.SemaphoreType.DMA,
            pltpu.SemaphoreType.DMA,
            pltpu.SemaphoreType.DMA,
            pltpu.SemaphoreType.DMA,
            pltpu.SemaphoreType.DMA,
            pltpu.SemaphoreType.DMA,
            pltpu.SemaphoreType.DMA,
        ],
    )
    def k(ei_hbm, feat_hbm, zagg_hbm, zdeg_hbm, ones_hbm,
          agg_out, deg_out, agg_sp, deg_sp,
          bsrc0, bsrc1, bdst0, bdst1, rows0, rows1, ones_v,
          gsem0, gsem1, ssem0, ssem1, dsem0, dsem1, osem0, osem1,
          bsem0, bsem1):
        cid = lax.axis_index("c")
        sid = lax.axis_index("s")
        wid = sid * NC + cid
        r0 = sid * RPT
        bsrc = (bsrc0, bsrc1)
        bdst = (bdst0, bdst1)
        rows = (rows0, rows1)
        gsem = (gsem0, gsem1)
        ssem = (ssem0, ssem1)
        dsem = (dsem0, dsem1)
        osem = (osem0, osem1)
        bsem = (bsem0, bsem1)

        pltpu.sync_copy(zagg_hbm, rows0.at[pl.ds(0, ZR)])
        pltpu.sync_copy(zdeg_hbm, ones_v.at[pl.ds(0, ZR)])
        for m in range(ZCH):
            pltpu.async_copy(rows0.at[pl.ds(0, ZR)],
                             agg_sp.at[pl.ds(r0 + m * ZR, ZR)], osem0)
            pltpu.async_copy(ones_v.at[pl.ds(0, ZR)],
                             deg_sp.at[pl.ds(r0 + m * ZR, ZR)], osem1)
        for m in range(ZCH):
            pltpu.make_async_copy(rows0.at[pl.ds(0, ZR)],
                                  agg_sp.at[pl.ds(r0 + m * ZR, ZR)],
                                  osem0).wait()
            pltpu.make_async_copy(ones_v.at[pl.ds(0, ZR)],
                                  deg_sp.at[pl.ds(r0 + m * ZR, ZR)],
                                  osem1).wait()
        pltpu.sync_copy(ones_hbm, ones_v)
        plsc.subcore_barrier()

        def load_block(blk, P):
            pltpu.async_copy(ei_hbm.at[0, wid, blk], bsrc[P], bsem[P])
            pltpu.async_copy(ei_hbm.at[1, wid, blk], bdst[P], bsem[P])

        def wait_block(P):
            pltpu.make_async_copy(ei_hbm.at[0, wid, 0], bsrc[P],
                                  bsem[P]).wait()
            pltpu.make_async_copy(ei_hbm.at[1, wid, 0], bdst[P],
                                  bsem[P]).wait()

        def start_gather(P, k, b):
            pltpu.async_copy(feat_hbm.at[bsrc[P].at[k]], rows[b],
                             gsem[b])

        def wait_gather(P, k, b):
            pltpu.make_async_copy(feat_hbm.at[bsrc[P].at[k]], rows[b],
                                  gsem[b]).wait()

        def start_scatter(P, k, b):
            pltpu.async_copy(rows[b], agg_sp.at[bdst[P].at[k]],
                             ssem[b], add=True)
            pltpu.async_copy(ones_v, deg_sp.at[bdst[P].at[k]],
                             dsem[b], add=True)

        def wait_scatter(P, k, b):
            pltpu.make_async_copy(rows[b], agg_sp.at[bdst[P].at[k]],
                                  ssem[b]).wait()
            pltpu.make_async_copy(ones_v, deg_sp.at[bdst[P].at[k]],
                                  dsem[b]).wait()

        def pkb(x):
            return ((x // BI) % 2, x % BI, x % 2)

        pltpu.sync_copy(ei_hbm.at[0, wid, 0], bsrc[0])
        pltpu.sync_copy(ei_hbm.at[1, wid, 0], bdst[0])
        load_block(1, 1)
        start_gather(*pkb(0))
        start_gather(*pkb(1))
        wait_gather(*pkb(0))
        start_scatter(*pkb(0))
        wait_scatter(*pkb(0))
        start_gather(*pkb(2))
        wait_gather(*pkb(1))
        start_scatter(*pkb(1))

        def pkb_static(x):
            return pkb(x % 10)

        def pair_body(t, _):
            for m in range(10):
                wait_scatter(*pkb_static(1 + m))
                if m == 3:
                    load_block(2 * t + 2, 0)
                if m == 8:

                    @pl.when(t < (CHUNKS - 1) // 10 - 1)
                    def _():
                        load_block(2 * t + 3, 1)

                if m == 7:
                    wait_block(0)
                if m == 2:
                    wait_block(1)
                start_gather(*pkb_static(3 + m))
                wait_gather(*pkb_static(2 + m))
                start_scatter(*pkb_static(2 + m))
            return 0

        lax.fori_loop(0, (CHUNKS - 5) // 10, pair_body, 0)

        for j in (CHUNKS - 3, CHUNKS - 2):
            wait_scatter(*pkb_static(j - 1))
            start_gather(*pkb_static(j + 1))
            wait_gather(*pkb_static(j))
            start_scatter(*pkb_static(j))
        wait_scatter(*pkb_static(CHUNKS - 2))
        wait_gather(*pkb_static(CHUNKS - 1))
        start_scatter(*pkb_static(CHUNKS - 1))
        wait_scatter(*pkb_static(CHUNKS - 1))
        plsc.subcore_barrier()

        for m in range(ZCH):
            p = m % 2
            rr = r0 + m * ZR
            if m >= 2:
                rp = r0 + (m - 2) * ZR
                pltpu.make_async_copy(rows[p].at[pl.ds(0, ZR)],
                                      agg_out.at[cid, pl.ds(rp, ZR)],
                                      osem[p]).wait()
            pltpu.sync_copy(agg_sp.at[pl.ds(rr, ZR)],
                            rows[p].at[pl.ds(0, ZR)])
            pltpu.async_copy(rows[p].at[pl.ds(0, ZR)],
                             agg_out.at[cid, pl.ds(rr, ZR)], osem[p])
            pltpu.sync_copy(deg_sp.at[pl.ds(rr, ZR)],
                            ones_v.at[pl.ds(0, ZR)])
            pltpu.sync_copy(ones_v.at[pl.ds(0, ZR)],
                            deg_out.at[cid, pl.ds(rr, ZR)])
        for m in (ZCH - 2, ZCH - 1):
            p = m % 2
            rr = r0 + m * ZR
            pltpu.make_async_copy(rows[p].at[pl.ds(0, ZR)],
                                  agg_out.at[cid, pl.ds(rr, ZR)],
                                  osem[p]).wait()

    return k(ei, feat, zeros_agg, zeros_deg, ones_rows)


def _tc_finish_body(agg_ref, deg_ref, he_ref, w_ref, out_ref):
    x = agg_ref[0] + agg_ref[1]
    x = x * he_ref[...]
    y = jnp.dot(x, w_ref[...], preferred_element_type=jnp.float32)
    deg = deg_ref[0, :, 0:1] + deg_ref[1, :, 0:1]
    out_ref[...] = y * (1.0 / jnp.maximum(deg, 1.0))


def _tc_finish(agg, deg, h_e, W):
    bn = 2000
    grid = (N // bn,)
    return pl.pallas_call(
        _tc_finish_body,
        grid=grid,
        in_specs=[
            pl.BlockSpec((NC, bn, D), lambda i: (0, i, 0)),
            pl.BlockSpec((NC, bn, DEG_W), lambda i: (0, i, 0)),
            pl.BlockSpec((1, D), lambda i: (0, 0)),
            pl.BlockSpec((D, D), lambda i: (0, 0)),
        ],
        out_specs=pl.BlockSpec((bn, D), lambda i: (i, 0)),
        out_shape=jax.ShapeDtypeStruct((N, D), jnp.float32),
    )(agg, deg, h_e, W)


_ZAGG = np.zeros((ZR, D), np.float32)
_ZDEG = np.zeros((ZR, DEG_W), np.float32)
_ONES = np.zeros((C, DEG_W), np.float32)
_ONES[:, 0] = 1.0


def kernel(feat, edge_index, h_e, W):
    ei = edge_index.reshape(2, NW, NB, BI, C)
    agg, deg = _sc_segment_sum(ei, feat, jnp.asarray(_ZAGG),
                               jnp.asarray(_ZDEG), jnp.asarray(_ONES))
    return _tc_finish(agg, deg, h_e, W)

# --- scband reference (transcript-rebuilt; emitter-appended) ---
"""Pipeline reference for scband-comp-conv-10290741641561 (READ-ONLY COPY).

The authoritative reference and input builder live on the scoring server;
editing this copy changes nothing except your own understanding.
"""

import jax, jax.numpy as jnp
import numpy as np

N = 10000
E = 320000
D_IN = 128
D_OUT = 128


def setup_inputs(seed: int = 0) -> dict:
    key = jax.random.key(seed)
    k1, k2, k3, k4 = jax.random.split(key, 4)
    feat = jax.random.normal(k1, (N, D_IN), dtype=jnp.float32)
    edge_index = jax.random.randint(k2, (2, E), 0, N, dtype=jnp.int32)
    h_e = jax.random.normal(k3, (1, D_IN), dtype=jnp.float32)
    # learned parameter: Linear weight of shape (in_feats, out_feats)
    W = jax.random.normal(k4, (D_IN, D_OUT), dtype=jnp.float32) * 0.05
    return {"feat": feat, "edge_index": edge_index, "h_e": h_e, "W": W}


def reference(feat, edge_index, h_e, W):
    src = edge_index[0]
    dst = edge_index[1]
    # comp_fn == 'mul': u_mul_e -> per-edge composition of source feature with edge-type feature
    # h_e is (1, D_IN) expanded to all edges via broadcasting
    comp_h = feat[src] * h_e  # [E, D_IN]
    # per-edge linear projection with module's own Linear parameter
    comp_h = comp_h @ W  # [E, D_OUT]
    # update_all(copy_e, sum): scatter-add edge messages to destination nodes
    rst = jax.ops.segment_sum(comp_h, dst, num_segments=N)  # [N, D_OUT]
    # norm == 'right': divide by in-degree clamped to min 1
    deg = jnp.bincount(dst, length=N).astype(jnp.float32)
    deg = jnp.maximum(deg, 1.0)
    norm = (1.0 / deg)[:, None]
    rst = rst * norm
    # bias=False, activation=None -> done
    return rst

if __name__ == "__main__":
    import jax
    _d = setup_inputs()
    print(jax.jit(kernel)(*tuple(_d.values())))

</pallas_src>

<mosaic_0001>
#map = affine_map<(d0, d1) -> (0, 0, 0, 0, 0)>
#map1 = affine_map<(d0, d1) -> (0, 0)>
#map2 = affine_map<(d0, d1) -> (0, 0, 0)>
module attributes {stable_mosaic.version = 14 : i64} {
  func.func @k(%arg0: i32, %arg1: i32, %arg2: memref<2x32x25x5x80xi32, #tpu.memory_space<hbm>>, %arg3: memref<10000x128xf32, #tpu.memory_space<hbm>>, %arg4: memref<79x128xf32, #tpu.memory_space<hbm>>, %arg5: memref<79x16xf32, #tpu.memory_space<hbm>>, %arg6: memref<80x16xf32, #tpu.memory_space<hbm>>, %arg7: memref<2x10112x128xf32, #tpu.memory_space<hbm>>, %arg8: memref<2x10112x16xf32, #tpu.memory_space<hbm>>, %arg9: memref<10112x128xf32, #tpu.memory_space<vmem_shared>>, %arg10: memref<10112x16xf32, #tpu.memory_space<vmem_shared>>, %arg11: memref<5x80xi32, #tpu.memory_space<vmem>>, %arg12: memref<5x80xi32, #tpu.memory_space<vmem>>, %arg13: memref<5x80xi32, #tpu.memory_space<vmem>>, %arg14: memref<5x80xi32, #tpu.memory_space<vmem>>, %arg15: memref<80x128xf32, #tpu.memory_space<vmem>>, %arg16: memref<80x128xf32, #tpu.memory_space<vmem>>, %arg17: memref<80x16xf32, #tpu.memory_space<vmem>>, %arg18: memref<!tpu.dma_semaphore, #tpu.memory_space<semaphore_mem>>, %arg19: memref<!tpu.dma_semaphore, #tpu.memory_space<semaphore_mem>>, %arg20: memref<!tpu.dma_semaphore, #tpu.memory_space<semaphore_mem>>, %arg21: memref<!tpu.dma_semaphore, #tpu.memory_space<semaphore_mem>>, %arg22: memref<!tpu.dma_semaphore, #tpu.memory_space<semaphore_mem>>, %arg23: memref<!tpu.dma_semaphore, #tpu.memory_space<semaphore_mem>>, %arg24: memref<!tpu.dma_semaphore, #tpu.memory_space<semaphore_mem>>, %arg25: memref<!tpu.dma_semaphore, #tpu.memory_space<semaphore_mem>>, %arg26: memref<!tpu.dma_semaphore, #tpu.memory_space<semaphore_mem>>, %arg27: memref<!tpu.dma_semaphore, #tpu.memory_space<semaphore_mem>>) attributes {dimension_semantics = [#tpu.dimension_semantics<core_parallel>, #tpu.dimension_semantics<subcore_parallel>], iteration_bounds = array<i64: 2, 16>, scalar_prefetch = 0 : i64, scratch_operands = 19 : i64, tpu.core_type = #tpu.core_type<sc_vector_subcore>, window_params = [{transform_indices = #map}, {transform_indices = #map1}, {transform_indices = #map1}, {transform_indices = #map1}, {transform_indices = #map1}, {transform_indices = #map2}, {transform_indices = #map2}]} {
    %mul3A = arith.constant 2 : i32
    %mul3A_0 = arith.muli %arg1, %mul3A : i32
    %add3A = arith.addi %mul3A_0, %arg0 : i32
    %mul3A_1 = arith.constant 632 : i32
    %mul3A_2 = arith.muli %arg1, %mul3A_1 : i32
    "tpu.region"() ({
      %run_scoped3A_849 = tpu.sem_alloc : memref<!tpu.dma_semaphore, #tpu.memory_space<semaphore_mem>>
      %dma_start3A_850 = arith.constant 0 : i32
      %dma_start3A_851 = arith.constant 0 : i32
      %dma_start3A_852 = tpu.memref_slice %arg15[%dma_start3A_850, %dma_start3A_851] : memref<80x128xf32, #tpu.memory_space<vmem>> -> memref<79x128xf32, #tpu.memory_space<vmem>>
      %dma_start3A_853 = arith.constant 0 : i32
      %dma_start3A_854 = arith.constant 0 : i32
      %dma_start3A_855 = tpu.memref_slice %arg15[%dma_start3A_853, %dma_start3A_854] : memref<80x128xf32, #tpu.memory_space<vmem>> -> memref<79x128xf32, #tpu.memory_space<vmem>>
      tpu.enqueue_dma source(%arg4 : memref<79x128xf32, #tpu.memory_space<hbm>>) target(%dma_start3A_855 : memref<79x128xf32, #tpu.memory_space<vmem>>) target_semaphore(%run_scoped3A_849 : memref<!tpu.dma_semaphore, #tpu.memory_space<semaphore_mem>>)
      %dma_wait3A_856 = arith.constant 0 : i32
      %dma_wait3A_857 = arith.constant 0 : i32
      %dma_wait3A_858 = tpu.memref_slice %arg15[%dma_wait3A_856, %dma_wait3A_857] : memref<80x128xf32, #tpu.memory_space<vmem>> -> memref<79x128xf32, #tpu.memory_space<vmem>>
      %dma_wait3A_859 = arith.constant 0 : i32
      %dma_wait3A_860 = arith.constant 0 : i32
      %dma_wait3A_861 = tpu.memref_slice %arg15[%dma_wait3A_859, %dma_wait3A_860] : memref<80x128xf32, #tpu.memory_space<vmem>> -> memref<79x128xf32, #tpu.memory_space<vmem>>
      tpu.wait_dma2 semaphore(%run_scoped3A_849 : memref<!tpu.dma_semaphore, #tpu.memory_space<semaphore_mem>>) src(%arg4 : memref<79x128xf32, #tpu.memory_space<hbm>>) dst(%dma_wait3A_861 : memref<79x128xf32, #tpu.memory_space<vmem>>)
      tpu.yield
    }) : () -> ()
    "tpu.region"() ({
      %run_scoped3A_849 = tpu.sem_alloc : memref<!tpu.dma_semaphore, #tpu.memory_space<semaphore_mem>>
      %dma_start3A_850 = arith.constant 0 : i32
      %dma_start3A_851 = arith.constant 0 : i32
      %dma_start3A_852 = tpu.memref_slice %arg17[%dma_start3A_850, %dma_start3A_851] : memref<80x16xf32, #tpu.memory_space<vmem>> -> memref<79x16xf32, #tpu.memory_space<vmem>>
      %dma_start3A_853 = arith.constant 0 : i32
      %dma_start3A_854 = arith.constant 0 : i32
      %dma_start3A_855 = tpu.memref_slice %arg17[%dma_start3A_853, %dma_start3A_854] : memref<80x16xf32, #tpu.memory_space<vmem>> -> memref<79x16xf32, #tpu.memory_space<vmem>>
      tpu.enqueue_dma source(%arg5 : memref<79x16xf32, #tpu.memory_space<hbm>>) target(%dma_start3A_855 : memref<79x16xf32, #tpu.memory_space<vmem>>) target_semaphore(%run_scoped3A_849 : memref<!tpu.dma_semaphore, #tpu.memory_space<semaphore_mem>>)
      %dma_wait3A_856 = arith.constant 0 : i32
      %dma_wait3A_857 = arith.constant 0 : i32
      %dma_wait3A_858 = tpu.memref_slice %arg17[%dma_wait3A_856, %dma_wait3A_857] : memref<80x16xf32, #tpu.memory_space<vmem>> -> memref<79x16xf32, #tpu.memory_space<vmem>>
      %dma_wait3A_859 = arith.constant 0 : i32
      %dma_wait3A_860 = arith.constant 0 : i32
      %dma_wait3A_861 = tpu.memref_slice %arg17[%dma_wait3A_859, %dma_wait3A_860] : memref<80x16xf32, #tpu.memory_space<vmem>> -> memref<79x16xf32, #tpu.memory_space<vmem>>
      tpu.wait_dma2 semaphore(%run_scoped3A_849 : memref<!tpu.dma_semaphore, #tpu.memory_space<semaphore_mem>>) src(%arg5 : memref<79x16xf32, #tpu.memory_space<hbm>>) dst(%dma_wait3A_861 : memref<79x16xf32, #tpu.memory_space<vmem>>)
      tpu.yield
    }) : () -> ()
    %add3A_3 = arith.constant 0 : i32
    %add3A_4 = arith.addi %mul3A_2, %add3A_3 : i32
    %dma_start3A = arith.constant 0 : i32
    %dma_start3A_5 = arith.constant 0 : i32
    %dma_start3A_6 = tpu.memref_slice %arg15[%dma_start3A, %dma_start3A_5] : memref<80x128xf32, #tpu.memory_space<vmem>> -> memref<79x128xf32, #tpu.memory_space<vmem>>
    %dma_start3A_7 = arith.constant 0 : i32
    %dma_start3A_8 = tpu.memref_slice %arg9[%add3A_4, %dma_start3A_7] : memref<10112x128xf32, #tpu.memory_space<vmem_shared>> -> memref<79x128xf32, #tpu.memory_space<vmem_shared>>
    %dma_start3A_9 = arith.constant 0 : i32
    %dma_start3A_10 = tpu.memref_slice %arg9[%add3A_4, %dma_start3A_9] : memref<10112x128xf32, #tpu.memory_space<vmem_shared>> -> memref<79x128xf32, #tpu.memory_space<vmem_shared>>
    %dma_start3A_11 = arith.constant 0 : i32
    %dma_start3A_12 = arith.constant 0 : i32
    %dma_start3A_13 = tpu.memref_slice %arg15[%dma_start3A_11, %dma_start3A_12] : memref<80x128xf32, #tpu.memory_space<vmem>> -> memref<79x128xf32, #tpu.memory_space<vmem>>
    tpu.enqueue_dma source(%dma_start3A_13 : memref<79x128xf32, #tpu.memory_space<vmem>>) target(%dma_start3A_10 : memref<79x128xf32, #tpu.memory_space<vmem_shared>>) target_semaphore(%arg24 : memref<!tpu.dma_semaphore, #tpu.memory_space<semaphore_mem>>)
    %add3A_14 = arith.constant 0 : i32
    %add3A_15 = arith.addi %mul3A_2, %add3A_14 : i32
    %dma_start3A_16 = arith.constant 0 : i32
    %dma_start3A_17 = arith.constant 0 : i32
    %dma_start3A_18 = tpu.memref_slice %arg17[%dma_start3A_16, %dma_start3A_17] : memref<80x16xf32, #tpu.memory_space<vmem>> -> memref<79x16xf32, #tpu.memory_space<vmem>>
    %dma_start3A_19 = arith.constant 0 : i32
    %dma_start3A_20 = tpu.memref_slice %arg10[%add3A_15, %dma_start3A_19] : memref<10112x16xf32, #tpu.memory_space<vmem_shared>> -> memref<79x16xf32, #tpu.memory_space<vmem_shared>>
    %dma_start3A_21 = arith.constant 0 : i32
    %dma_start3A_22 = tpu.memref_slice %arg10[%add3A_15, %dma_start3A_21] : memref<10112x16xf32, #tpu.memory_space<vmem_shared>> -> memref<79x16xf32, #tpu.memory_space<vmem_shared>>
    %dma_start3A_23 = arith.constant 0 : i32
    %dma_start3A_24 = arith.constant 0 : i32
    %dma_start3A_25 = tpu.memref_slice %arg17[%dma_start3A_23, %dma_start3A_24] : memref<80x16xf32, #tpu.memory_space<vmem>> -> memref<79x16xf32, #tpu.memory_space<vmem>>
    tpu.enqueue_dma source(%dma_start3A_25 : memref<79x16xf32, #tpu.memory_space<vmem>>) target(%dma_start3A_22 : memref<79x16xf32, #tpu.memory_space<vmem_shared>>) target_semaphore(%arg25 : memref<!tpu.dma_semaphore, #tpu.memory_space<semaphore_mem>>)
    %add3A_26 = arith.constant 79 : i32
    %add3A_27 = arith.addi %mul3A_2, %add3A_26 : i32
    %dma_start3A_28 = arith.constant 0 : i32
    %dma_start3A_29 = arith.constant 0 : i32
    %dma_start3A_30 = tpu.memref_slice %arg15[%dma_start3A_28, %dma_start3A_29] : memref<80x128xf32, #tpu.memory_space<vmem>> -> memref<79x128xf32, #tpu.memory_space<vmem>>
    %dma_start3A_31 = arith.constant 0 : i32
    %dma_start3A_32 = tpu.memref_slice %arg9[%add3A_27, %dma_start3A_31] : memref<10112x128xf32, #tpu.memory_space<vmem_shared>> -> memref<79x128xf32, #tpu.memory_space<vmem_shared>>
    %dma_start3A_33 = arith.constant 0 : i32
    %dma_start3A_34 = tpu.memref_slice %arg9[%add3A_27, %dma_start3A_33] : memref<10112x128xf32, #tpu.memory_space<vmem_shared>> -> memref<79x128xf32, #tpu.memory_space<vmem_shared>>
    %dma_start3A_35 = arith.constant 0 : i32
    %dma_start3A_36 = arith.constant 0 : i32
    %dma_start3A_37 = tpu.memref_slice %arg15[%dma_start3A_35, %dma_start3A_36] : memref<80x128xf32, #tpu.memory_space<vmem>> -> memref<79x128xf32, #tpu.memory_space<vmem>>
    tpu.enqueue_dma source(%dma_start3A_37 : memref<79x128xf32, #tpu.memory_space<vmem>>) target(%dma_start3A_34 : memref<79x128xf32, #tpu.memory_space<vmem_shared>>) target_semaphore(%arg24 : memref<!tpu.dma_semaphore, #tpu.memory_space<semaphore_mem>>)
    %add3A_38 = arith.constant 79 : i32
    %add3A_39 = arith.addi %mul3A_2, %add3A_38 : i32
    %dma_start3A_40 = arith.constant 0 : i32
    %dma_start3A_41 = arith.constant 0 : i32
    %dma_start3A_42 = tpu.memref_slice %arg17[%dma_start3A_40, %dma_start3A_41] : memref<80x16xf32, #tpu.memory_space<vmem>> -> memref<79x16xf32, #tpu.memory_space<vmem>>
    %dma_start3A_43 = arith.constant 0 : i32
    %dma_start3A_44 = tpu.memref_slice %arg10[%add3A_39, %dma_start3A_43] : memref<10112x16xf32, #tpu.memory_space<vmem_shared>> -> memref<79x16xf32, #tpu.memory_space<vmem_shared>>
    %dma_start3A_45 = arith.constant 0 : i32
    %dma_start3A_46 = tpu.memref_slice %arg10[%add3A_39, %dma_start3A_45] : memref<10112x16xf32, #tpu.memory_space<vmem_shared>> -> memref<79x16xf32, #tpu.memory_space<vmem_shared>>
    %dma_start3A_47 = arith.constant 0 : i32
    %dma_start3A_48 = arith.constant 0 : i32
    %dma_start3A_49 = tpu.memref_slice %arg17[%dma_start3A_47, %dma_start3A_48] : memref<80x16xf32, #tpu.memory_space<vmem>> -> memref<79x16xf32, #tpu.memory_space<vmem>>
    tpu.enqueue_dma source(%dma_start3A_49 : memref<79x16xf32, #tpu.memory_space<vmem>>) target(%dma_start3A_46 : memref<79x16xf32, #tpu.memory_space<vmem_shared>>) target_semaphore(%arg25 : memref<!tpu.dma_semaphore, #tpu.memory_space<semaphore_mem>>)
    %add3A_50 = arith.constant 158 : i32
    %add3A_51 = arith.addi %mul3A_2, %add3A_50 : i32
    %dma_start3A_52 = arith.constant 0 : i32
    %dma_start3A_53 = arith.constant 0 : i32
    %dma_start3A_54 = tpu.memref_slice %arg15[%dma_start3A_52, %dma_start3A_53] : memref<80x128xf32, #tpu.memory_space<vmem>> -> memref<79x128xf32, #tpu.memory_space<vmem>>
    %dma_start3A_55 = arith.constant 0 : i32
    %dma_start3A_56 = tpu.memref_slice %arg9[%add3A_51, %dma_start3A_55] : memref<10112x128xf32, #tpu.memory_space<vmem_shared>> -> memref<79x128xf32, #tpu.memory_space<vmem_shared>>
    %dma_start3A_57 = arith.constant 0 : i32
    %dma_start3A_58 = tpu.memref_slice %arg9[%add3A_51, %dma_start3A_57] : memref<10112x128xf32, #tpu.memory_space<vmem_shared>> -> memref<79x128xf32, #tpu.memory_space<vmem_shared>>
    %dma_start3A_59 = arith.constant 0 : i32
    %dma_start3A_60 = arith.constant 0 : i32
    %dma_start3A_61 = tpu.memref_slice %arg15[%dma_start3A_59, %dma_start3A_60] : memref<80x128xf32, #tpu.memory_space<vmem>> -> memref<79x128xf32, #tpu.memory_space<vmem>>
    tpu.enqueue_dma source(%dma_start3A_61 : memref<79x128xf32, #tpu.memory_space<vmem>>) target(%dma_start3A_58 : memref<79x128xf32, #tpu.memory_space<vmem_shared>>) target_semaphore(%arg24 : memref<!tpu.dma_semaphore, #tpu.memory_space<semaphore_mem>>)
    %add3A_62 = arith.constant 158 : i32
    %add3A_63 = arith.addi %mul3A_2, %add3A_62 : i32
    %dma_start3A_64 = arith.constant 0 : i32
    %dma_start3A_65 = arith.constant 0 : i32
    %dma_start3A_66 = tpu.memref_slice %arg17[%dma_start3A_64, %dma_start3A_65] : memref<80x16xf32, #tpu.memory_space<vmem>> -> memref<79x16xf32, #tpu.memory_space<vmem>>
    %dma_start3A_67 = arith.constant 0 : i32
    %dma_start3A_68 = tpu.memref_slice %arg10[%add3A_63, %dma_start3A_67] : memref<10112x16xf32, #tpu.memory_space<vmem_shared>> -> memref<79x16xf32, #tpu.memory_space<vmem_shared>>
    %dma_start3A_69 = arith.constant 0 : i32
    %dma_start3A_70 = tpu.memref_slice %arg10[%add3A_63, %dma_start3A_69] : memref<10112x16xf32, #tpu.memory_space<vmem_shared>> -> memref<79x16xf32, #tpu.memory_space<vmem_shared>>
    %dma_start3A_71 = arith.constant 0 : i32
    %dma_start3A_72 = arith.constant 0 : i32
    %dma_start3A_73 = tpu.memref_slice %arg17[%dma_start3A_71, %dma_start3A_72] : memref<80x16xf32, #tpu.memory_space<vmem>> -> memref<79x16xf32, #tpu.memory_space<vmem>>
    tpu.enqueue_dma source(%dma_start3A_73 : memref<79x16xf32, #tpu.memory_space<vmem>>) target(%dma_start3A_70 : memref<79x16xf32, #tpu.memory_space<vmem_shared>>) target_semaphore(%arg25 : memref<!tpu.dma_semaphore, #tpu.memory_space<semaphore_mem>>)
    %add3A_74 = arith.constant 237 : i32
    %add3A_75 = arith.addi %mul3A_2, %add3A_74 : i32
    %dma_start3A_76 = arith.constant 0 : i32
    %dma_start3A_77 = arith.constant 0 : i32
    %dma_start3A_78 = tpu.memref_slice %arg15[%dma_start3A_76, %dma_start3A_77] : memref<80x128xf32, #tpu.memory_space<vmem>> -> memref<79x128xf32, #tpu.memory_space<vmem>>
    %dma_start3A_79 = arith.constant 0 : i32
    %dma_start3A_80 = tpu.memref_slice %arg9[%add3A_75, %dma_start3A_79] : memref<10112x128xf32, #tpu.memory_space<vmem_shared>> -> memref<79x128xf32, #tpu.memory_space<vmem_shared>>
    %dma_start3A_81 = arith.constant 0 : i32
    %dma_start3A_82 = tpu.memref_slice %arg9[%add3A_75, %dma_start3A_81] : memref<10112x128xf32, #tpu.memory_space<vmem_shared>> -> memref<79x128xf32, #tpu.memory_space<vmem_shared>>
    %dma_start3A_83 = arith.constant 0 : i32
    %dma_start3A_84 = arith.constant 0 : i32
    %dma_start3A_85 = tpu.memref_slice %arg15[%dma_start3A_83, %dma_start3A_84] : memref<80x128xf32, #tpu.memory_space<vmem>> -> memref<79x128xf32, #tpu.memory_space<vmem>>
    tpu.enqueue_dma source(%dma_start3A_85 : memref<79x128xf32, #tpu.memory_space<vmem>>) target(%dma_start3A_82 : memref<79x128xf32, #tpu.memory_space<vmem_shared>>) target_semaphore(%arg24 : memref<!tpu.dma_semaphore, #tpu.memory_space<semaphore_mem>>)
    %add3A_86 = arith.constant 237 : i32
    %add3A_87 = arith.addi %mul3A_2, %add3A_86 : i32
    %dma_start3A_88 = arith.constant 0 : i32
    %dma_start3A_89 = arith.constant 0 : i32
    %dma_start3A_90 = tpu.memref_slice %arg17[%dma_start3A_88, %dma_start3A_89] : memref<80x16xf32, #tpu.memory_space<vmem>> -> memref<79x16xf32, #tpu.memory_space<vmem>>
    %dma_start3A_91 = arith.constant 0 : i32
    %dma_start3A_92 = tpu.memref_slice %arg10[%add3A_87, %dma_start3A_91] : memref<10112x16xf32, #tpu.memory_space<vmem_shared>> -> memref<79x16xf32, #tpu.memory_space<vmem_shared>>
    %dma_start3A_93 = arith.constant 0 : i32
    %dma_start3A_94 = tpu.memref_slice %arg10[%add3A_87, %dma_start3A_93] : memref<10112x16xf32, #tpu.memory_space<vmem_shared>> -> memref<79x16xf32, #tpu.memory_space<vmem_shared>>
    %dma_start3A_95 = arith.constant 0 : i32
    %dma_start3A_96 = arith.constant 0 : i32
    %dma_start3A_97 = tpu.memref_slice %arg17[%dma_start3A_95, %dma_start3A_96] : memref<80x16xf32, #tpu.memory_space<vmem>> -> memref<79x16xf32, #tpu.memory_space<vmem>>
    tpu.enqueue_dma source(%dma_start3A_97 : memref<79x16xf32, #tpu.memory_space<vmem>>) target(%dma_start3A_94 : memref<79x16xf32, #tpu.memory_space<vmem_shared>>) target_semaphore(%arg25 : memref<!tpu.dma_semaphore, #tpu.memory_space<semaphore_mem>>)
    %add3A_98 = arith.constant 316 : i32
    %add3A_99 = arith.addi %mul3A_2, %add3A_98 : i32
    %dma_start3A_100 = arith.constant 0 : i32
    %dma_start3A_101 = arith.constant 0 : i32
    %dma_start3A_102 = tpu.memref_slice %arg15[%dma_start3A_100, %dma_start3A_101] : memref<80x128xf32, #tpu.memory_space<vmem>> -> memref<79x128xf32, #tpu.memory_space<vmem>>
    %dma_start3A_103 = arith.constant 0 : i32
    %dma_start3A_104 = tpu.memref_slice %arg9[%add3A_99, %dma_start3A_103] : memref<10112x128xf32, #tpu.memory_space<vmem_shared>> -> memref<79x128xf32, #tpu.memory_space<vmem_shared>>
    %dma_start3A_105 = arith.constant 0 : i32
    %dma_start3A_106 = tpu.memref_slice %arg9[%add3A_99, %dma_start3A_105] : memref<10112x128xf32, #tpu.memory_space<vmem_shared>> -> memref<79x128xf32, #tpu.memory_space<vmem_shared>>
    %dma_start3A_107 = arith.constant 0 : i32
    %dma_start3A_108 = arith.constant 0 : i32
    %dma_start3A_109 = tpu.memref_slice %arg15[%dma_start3A_107, %dma_start3A_108] : memref<80x128xf32, #tpu.memory_space<vmem>> -> memref<79x128xf32, #tpu.memory_space<vmem>>
    tpu.enqueue_dma source(%dma_start3A_109 : memref<79x128xf32, #tpu.memory_space<vmem>>) target(%dma_start3A_106 : memref<79x128xf32, #tpu.memory_space<vmem_shared>>) target_semaphore(%arg24 : memref<!tpu.dma_semaphore, #tpu.memory_space<semaphore_mem>>)
    %add3A_110 = arith.constant 316 : i32
    %add3A_111 = arith.addi %mul3A_2, %add3A_110 : i32
    %dma_start3A_112 = arith.constant 0 : i32
    %dma_start3A_113 = arith.constant 0 : i32
    %dma_start3A_114 = tpu.memref_slice %arg17[%dma_start3A_112, %dma_start3A_113] : memref<80x16xf32, #tpu.memory_space<vmem>> -> memref<79x16xf32, #tpu.memory_space<vmem>>
    %dma_start3A_115 = arith.constant 0 : i32
    %dma_start3A_116 = tpu.memref_slice %arg10[%add3A_111, %dma_start3A_115] : memref<10112x16xf32, #tpu.memory_space<vmem_shared>> -> memref<79x16xf32, #tpu.memory_space<vmem_shared>>
    %dma_start3A_117 = arith.constant 0 : i32
    %dma_start3A_118 = tpu.memref_slice %arg10[%add3A_111, %dma_start3A_117] : memref<10112x16xf32, #tpu.memory_space<vmem_shared>> -> memref<79x16xf32, #tpu.memory_space<vmem_shared>>
    %dma_start3A_119 = arith.constant 0 : i32
    %dma_start3A_120 = arith.constant 0 : i32
    %dma_start3A_121 = tpu.memref_slice %arg17[%dma_start3A_119, %dma_start3A_120] : memref<80x16xf32, #tpu.memory_space<vmem>> -> memref<79x16xf32, #tpu.memory_space<vmem>>
    tpu.enqueue_dma source(%dma_start3A_121 : memref<79x16xf32, #tpu.memory_space<vmem>>) target(%dma_start3A_118 : memref<79x16xf32, #tpu.memory_space<vmem_shared>>) target_semaphore(%arg25 : memref<!tpu.dma_semaphore, #tpu.memory_space<semaphore_mem>>)
    %add3A_122 = arith.constant 395 : i32
    %add3A_123 = arith.addi %mul3A_2, %add3A_122 : i32
    %dma_start3A_124 = arith.constant 0 : i32
    %dma_start3A_125 = arith.constant 0 : i32
    %dma_start3A_126 = tpu.memref_slice %arg15[%dma_start3A_124, %dma_start3A_125] : memref<80x128xf32, #tpu.memory_space<vmem>> -> memref<79x128xf32, #tpu.memory_space<vmem>>
    %dma_start3A_127 = arith.constant 0 : i32
    %dma_start3A_128 = tpu.memref_slice %arg9[%add3A_123, %dma_start3A_127] : memref<10112x128xf32, #tpu.memory_space<vmem_shared>> -> memref<79x128xf32, #tpu.memory_space<vmem_shared>>
    %dma_start3A_129 = arith.constant 0 : i32
    %dma_start3A_130 = tpu.memref_slice %arg9[%add3A_123, %dma_start3A_129] : memref<10112x128xf32, #tpu.memory_space<vmem_shared>> -> memref<79x128xf32, #tpu.memory_space<vmem_shared>>
    %dma_start3A_131 = arith.constant 0 : i32
    %dma_start3A_132 = arith.constant 0 : i32
    %dma_start3A_133 = tpu.memref_slice %arg15[%dma_start3A_131, %dma_start3A_132] : memref<80x128xf32, #tpu.memory_space<vmem>> -> memref<79x128xf32, #tpu.memory_space<vmem>>
    tpu.enqueue_dma source(%dma_start3A_133 : memref<79x128xf32, #tpu.memory_space<vmem>>) target(%dma_start3A_130 : memref<79x128xf32, #tpu.memory_space<vmem_shared>>) target_semaphore(%arg24 : memref<!tpu.dma_semaphore, #tpu.memory_space<semaphore_mem>>)
    %add3A_134 = arith.constant 395 : i32
    %add3A_135 = arith.addi %mul3A_2, %add3A_134 : i32
    %dma_start3A_136 = arith.constant 0 : i32
    %dma_start3A_137 = arith.constant 0 : i32
    %dma_start3A_138 = tpu.memref_slice %arg17[%dma_start3A_136, %dma_start3A_137] : memref<80x16xf32, #tpu.memory_space<vmem>> -> memref<79x16xf32, #tpu.memory_space<vmem>>
    %dma_start3A_139 = arith.constant 0 : i32
    %dma_start3A_140 = tpu.memref_slice %arg10[%add3A_135, %dma_start3A_139] : memref<10112x16xf32, #tpu.memory_space<vmem_shared>> -> memref<79x16xf32, #tpu.memory_space<vmem_shared>>
    %dma_start3A_141 = arith.constant 0 : i32
    %dma_start3A_142 = tpu.memref_slice %arg10[%add3A_135, %dma_start3A_141] : memref<10112x16xf32, #tpu.memory_space<vmem_shared>> -> memref<79x16xf32, #tpu.memory_space<vmem_shared>>
    %dma_start3A_143 = arith.constant 0 : i32
    %dma_start3A_144 = arith.constant 0 : i32
    %dma_start3A_145 = tpu.memref_slice %arg17[%dma_start3A_143, %dma_start3A_144] : memref<80x16xf32, #tpu.memory_space<vmem>> -> memref<79x16xf32, #tpu.memory_space<vmem>>
    tpu.enqueue_dma source(%dma_start3A_145 : memref<79x16xf32, #tpu.memory_space<vmem>>) target(%dma_start3A_142 : memref<79x16xf32, #tpu.memory_space<vmem_shared>>) target_semaphore(%arg25 : memref<!tpu.dma_semaphore, #tpu.memory_space<semaphore_mem>>)
    %add3A_146 = arith.constant 474 : i32
    %add3A_147 = arith.addi %mul3A_2, %add3A_146 : i32
    %dma_start3A_148 = arith.constant 0 : i32
    %dma_start3A_149 = arith.constant 0 : i32
    %dma_start3A_150 = tpu.memref_slice %arg15[%dma_start3A_148, %dma_start3A_149] : memref<80x128xf32, #tpu.memory_space<vmem>> -> memref<79x128xf32, #tpu.memory_space<vmem>>
    %dma_start3A_151 = arith.constant 0 : i32
    %dma_start3A_152 = tpu.memref_slice %arg9[%add3A_147, %dma_start3A_151] : memref<10112x128xf32, #tpu.memory_space<vmem_shared>> -> memref<79x128xf32, #tpu.memory_space<vmem_shared>>
    %dma_start3A_153 = arith.constant 0 : i32
    %dma_start3A_154 = tpu.memref_slice %arg9[%add3A_147, %dma_start3A_153] : memref<10112x128xf32, #tpu.memory_space<vmem_shared>> -> memref<79x128xf32, #tpu.memory_space<vmem_shared>>
    %dma_start3A_155 = arith.constant 0 : i32
    %dma_start3A_156 = arith.constant 0 : i32
    %dma_start3A_157 = tpu.memref_slice %arg15[%dma_start3A_155, %dma_start3A_156] : memref<80x128xf32, #tpu.memory_space<vmem>> -> memref<79x128xf32, #tpu.memory_space<vmem>>
    tpu.enqueue_dma source(%dma_start3A_157 : memref<79x128xf32, #tpu.memory_space<vmem>>) target(%dma_start3A_154 : memref<79x128xf32, #tpu.memory_space<vmem_shared>>) target_semaphore(%arg24 : memref<!tpu.dma_semaphore, #tpu.memory_space<semaphore_mem>>)
    %add3A_158 = arith.constant 474 : i32
    %add3A_159 = arith.addi %mul3A_2, %add3A_158 : i32
    %dma_start3A_160 = arith.constant 0 : i32
    %dma_start3A_161 = arith.constant 0 : i32
    %dma_start3A_162 = tpu.memref_slice %arg17[%dma_start3A_160, %dma_start3A_161] : memref<80x16xf32, #tpu.memory_space<vmem>> -> memref<79x16xf32, #tpu.memory_space<vmem>>
    %dma_start3A_163 = arith.constant 0 : i32
    %dma_start3A_164 = tpu.memref_slice %arg10[%add3A_159, %dma_start3A_163] : memref<10112x16xf32, #tpu.memory_space<vmem_shared>> -> memref<79x16xf32, #tpu.memory_space<vmem_shared>>
    %dma_start3A_165 = arith.constant 0 : i32
    %dma_start3A_166 = tpu.memref_slice %arg10[%add3A_159, %dma_start3A_165] : memref<10112x16xf32, #tpu.memory_space<vmem_shared>> -> memref<79x16xf32, #tpu.memory_space<vmem_shared>>
    %dma_start3A_167 = arith.constant 0 : i32
    %dma_start3A_168 = arith.constant 0 : i32
    %dma_start3A_169 = tpu.memref_slice %arg17[%dma_start3A_167, %dma_start3A_168] : memref<80x16xf32, #tpu.memory_space<vmem>> -> memref<79x16xf32, #tpu.memory_space<vmem>>
    tpu.enqueue_dma source(%dma_start3A_169 : memref<79x16xf32, #tpu.memory_space<vmem>>) target(%dma_start3A_166 : memref<79x16xf32, #tpu.memory_space<vmem_shared>>) target_semaphore(%arg25 : memref<!tpu.dma_semaphore, #tpu.memory_space<semaphore_mem>>)
    %add3A_170 = arith.constant 553 : i32
    %add3A_171 = arith.addi %mul3A_2, %add3A_170 : i32
    %dma_start3A_172 = arith.constant 0 : i32
    %dma_start3A_173 = arith.constant 0 : i32
    %dma_start3A_174 = tpu.memref_slice %arg15[%dma_start3A_172, %dma_start3A_173] : memref<80x128xf32, #tpu.memory_space<vmem>> -> memref<79x128xf32, #tpu.memory_space<vmem>>
    %dma_start3A_175 = arith.constant 0 : i32
    %dma_start3A_176 = tpu.memref_slice %arg9[%add3A_171, %dma_start3A_175] : memref<10112x128xf32, #tpu.memory_space<vmem_shared>> -> memref<79x128xf32, #tpu.memory_space<vmem_shared>>
    %dma_start3A_177 = arith.constant 0 : i32
    %dma_start3A_178 = tpu.memref_slice %arg9[%add3A_171, %dma_start3A_177] : memref<10112x128xf32, #tpu.memory_space<vmem_shared>> -> memref<79x128xf32, #tpu.memory_space<vmem_shared>>
    %dma_start3A_179 = arith.constant 0 : i32
    %dma_start3A_180 = arith.constant 0 : i32
    %dma_start3A_181 = tpu.memref_slice %arg15[%dma_start3A_179, %dma_start3A_180] : memref<80x128xf32, #tpu.memory_space<vmem>> -> memref<79x128xf32, #tpu.memory_space<vmem>>
    tpu.enqueue_dma source(%dma_start3A_181 : memref<79x128xf32, #tpu.memory_space<vmem>>) target(%dma_start3A_178 : memref<79x128xf32, #tpu.memory_space<vmem_shared>>) target_semaphore(%arg24 : memref<!tpu.dma_semaphore, #tpu.memory_space<semaphore_mem>>)
    %add3A_182 = arith.constant 553 : i32
    %add3A_183 = arith.addi %mul3A_2, %add3A_182 : i32
    %dma_start3A_184 = arith.constant 0 : i32
    %dma_start3A_185 = arith.constant 0 : i32
    %dma_start3A_186 = tpu.memref_slice %arg17[%dma_start3A_184, %dma_start3A_185] : memref<80x16xf32, #tpu.memory_space<vmem>> -> memref<79x16xf32, #tpu.memory_space<vmem>>
    %dma_start3A_187 = arith.constant 0 : i32
    %dma_start3A_188 = tpu.memref_slice %arg10[%add3A_183, %dma_start3A_187] : memref<10112x16xf32, #tpu.memory_space<vmem_shared>> -> memref<79x16xf32, #tpu.memory_space<vmem_shared>>
    %dma_start3A_189 = arith.constant 0 : i32
    %dma_start3A_190 = tpu.memref_slice %arg10[%add3A_183, %dma_start3A_189] : memref<10112x16xf32, #tpu.memory_space<vmem_shared>> -> memref<79x16xf32, #tpu.memory_space<vmem_shared>>
    %dma_start3A_191 = arith.constant 0 : i32
    %dma_start3A_192 = arith.constant 0 : i32
    %dma_start3A_193 = tpu.memref_slice %arg17[%dma_start3A_191, %dma_start3A_192] : memref<80x16xf32, #tpu.memory_space<vmem>> -> memref<79x16xf32, #tpu.memory_space<vmem>>
    tpu.enqueue_dma source(%dma_start3A_193 : memref<79x16xf32, #tpu.memory_space<vmem>>) target(%dma_start3A_190 : memref<79x16xf32, #tpu.memory_space<vmem_shared>>) target_semaphore(%arg25 : memref<!tpu.dma_semaphore, #tpu.memory_space<semaphore_mem>>)
    %add3A_194 = arith.constant 0 : i32
    %add3A_195 = arith.addi %mul3A_2, %add3A_194 : i32
    %dma_wait3A = arith.constant 0 : i32
    %dma_wait3A_196 = arith.constant 0 : i32
    %dma_wait3A_197 = tpu.memref_slice %arg15[%dma_wait3A, %dma_wait3A_196] : memref<80x128xf32, #tpu.memory_space<vmem>> -> memref<79x128xf32, #tpu.memory_space<vmem>>
    %dma_wait3A_198 = arith.constant 0 : i32
    %dma_wait3A_199 = tpu.memref_slice %arg9[%add3A_195, %dma_wait3A_198] : memref<10112x128xf32, #tpu.memory_space<vmem_shared>> -> memref<79x128xf32, #tpu.memory_space<vmem_shared>>
    %dma_wait3A_200 = arith.constant 0 : i32
    %dma_wait3A_201 = tpu.memref_slice %arg9[%add3A_195, %dma_wait3A_200] : memref<10112x128xf32, #tpu.memory_space<vmem_shared>> -> memref<79x128xf32, #tpu.memory_space<vmem_shared>>
    %dma_wait3A_202 = arith.constant 0 : i32
    %dma_wait3A_203 = arith.constant 0 : i32
    %dma_wait3A_204 = tpu.memref_slice %arg15[%dma_wait3A_202, %dma_wait3A_203] : memref<80x128xf32, #tpu.memory_space<vmem>> -> memref<79x128xf32, #tpu.memory_space<vmem>>
    tpu.wait_dma2 semaphore(%arg24 : memref<!tpu.dma_semaphore, #tpu.memory_space<semaphore_mem>>) src(%dma_wait3A_204 : memref<79x128xf32, #tpu.memory_space<vmem>>) dst(%dma_wait3A_201 : memref<79x128xf32, #tpu.memory_space<vmem_shared>>)
    %add3A_205 = arith.constant 0 : i32
    %add3A_206 = arith.addi %mul3A_2, %add3A_205 : i32
    %dma_wait3A_207 = arith.constant 0 : i32
    %dma_wait3A_208 = arith.constant 0 : i32
    %dma_wait3A_209 = tpu.memref_slice %arg17[%dma_wait3A_207, %dma_wait3A_208] : memref<80x16xf32, #tpu.memory_space<vmem>> -> memref<79x16xf32, #tpu.memory_space<vmem>>
    %dma_wait3A_210 = arith.constant 0 : i32
    %dma_wait3A_211 = tpu.memref_slice %arg10[%add3A_206, %dma_wait3A_210] : memref<10112x16xf32, #tpu.memory_space<vmem_shared>> -> memref<79x16xf32, #tpu.memory_space<vmem_shared>>
    %dma_wait3A_212 = arith.constant 0 : i32
    %dma_wait3A_213 = tpu.memref_slice %arg10[%add3A_206, %dma_wait3A_212] : memref<10112x16xf32, #tpu.memory_space<vmem_shared>> -> memref<79x16xf32, #tpu.memory_space<vmem_shared>>
    %dma_wait3A_214 = arith.constant 0 : i32
    %dma_wait3A_215 = arith.constant 0 : i32
    %dma_wait3A_216 = tpu.memref_slice %arg17[%dma_wait3A_214, %dma_wait3A_215] : memref<80x16xf32, #tpu.memory_space<vmem>> -> memref<79x16xf32, #tpu.memory_space<vmem>>
    tpu.wait_dma2 semaphore(%arg25 : memref<!tpu.dma_semaphore, #tpu.memory_space<semaphore_mem>>) src(%dma_wait3A_216 : memref<79x16xf32, #tpu.memory_space<vmem>>) dst(%dma_wait3A_213 : memref<79x16xf32, #tpu.memory_space<vmem_shared>>)
    %add3A_217 = arith.constant 79 : i32
    %add3A_218 = arith.addi %mul3A_2, %add3A_217 : i32
    %dma_wait3A_219 = arith.constant 0 : i32
    %dma_wait3A_220 = arith.constant 0 : i32
    %dma_wait3A_221 = tpu.memref_slice %arg15[%dma_wait3A_219, %dma_wait3A_220] : memref<80x128xf32, #tpu.memory_space<vmem>> -> memref<79x128xf32, #tpu.memory_space<vmem>>
    %dma_wait3A_222 = arith.constant 0 : i32
    %dma_wait3A_223 = tpu.memref_slice %arg9[%add3A_218, %dma_wait3A_222] : memref<10112x128xf32, #tpu.memory_space<vmem_shared>> -> memref<79x128xf32, #tpu.memory_space<vmem_shared>>
    %dma_wait3A_224 = arith.constant 0 : i32
    %dma_wait3A_225 = tpu.memref_slice %arg9[%add3A_218, %dma_wait3A_224] : memref<10112x128xf32, #tpu.memory_space<vmem_shared>> -> memref<79x128xf32, #tpu.memory_space<vmem_shared>>
    %dma_wait3A_226 = arith.constant 0 : i32
    %dma_wait3A_227 = arith.constant 0 : i32
    %dma_wait3A_228 = tpu.memref_slice %arg15[%dma_wait3A_226, %dma_wait3A_227] : memref<80x128xf32, #tpu.memory_space<vmem>> -> memref<79x128xf32, #tpu.memory_space<vmem>>
    tpu.wait_dma2 semaphore(%arg24 : memref<!tpu.dma_semaphore, #tpu.memory_space<semaphore_mem>>) src(%dma_wait3A_228 : memref<79x128xf32, #tpu.memory_space<vmem>>) dst(%dma_wait3A_225 : memref<79x128xf32, #tpu.memory_space<vmem_shared>>)
    %add3A_229 = arith.constant 79 : i32
    %add3A_230 = arith.addi %mul3A_2, %add3A_229 : i32
    %dma_wait3A_231 = arith.constant 0 : i32
    %dma_wait3A_232 = arith.constant 0 : i32
    %dma_wait3A_233 = tpu.memref_slice %arg17[%dma_wait3A_231, %dma_wait3A_232] : memref<80x16xf32, #tpu.memory_space<vmem>> -> memref<79x16xf32, #tpu.memory_space<vmem>>
    %dma_wait3A_234 = arith.constant 0 : i32
    %dma_wait3A_235 = tpu.memref_slice %arg10[%add3A_230, %dma_wait3A_234] : memref<10112x16xf32, #tpu.memory_space<vmem_shared>> -> memref<79x16xf32, #tpu.memory_space<vmem_shared>>
    %dma_wait3A_236 = arith.constant 0 : i32
    %dma_wait3A_237 = tpu.memref_slice %arg10[%add3A_230, %dma_wait3A_236] : memref<10112x16xf32, #tpu.memory_space<vmem_shared>> -> memref<79x16xf32, #tpu.memory_space<vmem_shared>>
    %dma_wait3A_238 = arith.constant 0 : i32
    %dma_wait3A_239 = arith.constant 0 : i32
    %dma_wait3A_240 = tpu.memref_slice %arg17[%dma_wait3A_238, %dma_wait3A_239] : memref<80x16xf32, #tpu.memory_space<vmem>> -> memref<79x16xf32, #tpu.memory_space<vmem>>
    tpu.wait_dma2 semaphore(%arg25 : memref<!tpu.dma_semaphore, #tpu.memory_space<semaphore_mem>>) src(%dma_wait3A_240 : memref<79x16xf32, #tpu.memory_space<vmem>>) dst(%dma_wait3A_237 : memref<79x16xf32, #tpu.memory_space<vmem_shared>>)
    %add3A_241 = arith.constant 158 : i32
    %add3A_242 = arith.addi %mul3A_2, %add3A_241 : i32
    %dma_wait3A_243 = arith.constant 0 : i32
    %dma_wait3A_244 = arith.constant 0 : i32
    %dma_wait3A_245 = tpu.memref_slice %arg15[%dma_wait3A_243, %dma_wait3A_244] : memref<80x128xf32, #tpu.memory_space<vmem>> -> memref<79x128xf32, #tpu.memory_space<vmem>>
    %dma_wait3A_246 = arith.constant 0 : i32
    %dma_wait3A_247 = tpu.memref_slice %arg9[%add3A_242, %dma_wait3A_246] : memref<10112x128xf32, #tpu.memory_space<vmem_shared>> -> memref<79x128xf32, #tpu.memory_space<vmem_shared>>
    %dma_wait3A_248 = arith.constant 0 : i32
    %dma_wait3A_249 = tpu.memref_slice %arg9[%add3A_242, %dma_wait3A_248] : memref<10112x128xf32, #tpu.memory_space<vmem_shared>> -> memref<79x128xf32, #tpu.memory_space<vmem_shared>>
    %dma_wait3A_250 = arith.constant 0 : i32
    %dma_wait3A_251 = arith.constant 0 : i32
    %dma_wait3A_252 = tpu.memref_slice %arg15[%dma_wait3A_250, %dma_wait3A_251] : memref<80x128xf32, #tpu.memory_space<vmem>> -> memref<79x128xf32, #tpu.memory_space<vmem>>
    tpu.wait_dma2 semaphore(%arg24 : memref<!tpu.dma_semaphore, #tpu.memory_space<semaphore_mem>>) src(%dma_wait3A_252 : memref<79x128xf32, #tpu.memory_space<vmem>>) dst(%dma_wait3A_249 : memref<79x128xf32, #tpu.memory_space<vmem_shared>>)
    %add3A_253 = arith.constant 158 : i32
    %add3A_254 = arith.addi %mul3A_2, %add3A_253 : i32
    %dma_wait3A_255 = arith.constant 0 : i32
    %dma_wait3A_256 = arith.constant 0 : i32
    %dma_wait3A_257 = tpu.memref_slice %arg17[%dma_wait3A_255, %dma_wait3A_256] : memref<80x16xf32, #tpu.memory_space<vmem>> -> memref<79x16xf32, #tpu.memory_space<vmem>>
    %dma_wait3A_258 = arith.constant 0 : i32
    %dma_wait3A_259 = tpu.memref_slice %arg10[%add3A_254, %dma_wait3A_258] : memref<10112x16xf32, #tpu.memory_space<vmem_shared>> -> memref<79x16xf32, #tpu.memory_space<vmem_shared>>
    %dma_wait3A_260 = arith.constant 0 : i32
    %dma_wait3A_261 = tpu.memref_slice %arg10[%add3A_254, %dma_wait3A_260] : memref<10112x16xf32, #tpu.memory_space<vmem_shared>> -> memref<79x16xf32, #tpu.memory_space<vmem_shared>>
    %dma_wait3A_262 = arith.constant 0 : i32
    %dma_wait3A_263 = arith.constant 0 : i32
    %dma_wait3A_264 = tpu.memref_slice %arg17[%dma_wait3A_262, %dma_wait3A_263] : memref<80x16xf32, #tpu.memory_space<vmem>> -> memref<79x16xf32, #tpu.memory_space<vmem>>
    tpu.wait_dma2 semaphore(%arg25 : memref<!tpu.dma_semaphore, #tpu.memory_space<semaphore_mem>>) src(%dma_wait3A_264 : memref<79x16xf32, #tpu.memory_space<vmem>>) dst(%dma_wait3A_261 : memref<79x16xf32, #tpu.memory_space<vmem_shared>>)
    %add3A_265 = arith.constant 237 : i32
    %add3A_266 = arith.addi %mul3A_2, %add3A_265 : i32
    %dma_wait3A_267 = arith.constant 0 : i32
    %dma_wait3A_268 = arith.constant 0 : i32
    %dma_wait3A_269 = tpu.memref_slice %arg15[%dma_wait3A_267, %dma_wait3A_268] : memref<80x128xf32, #tpu.memory_space<vmem>> -> memref<79x128xf32, #tpu.memory_space<vmem>>
    %dma_wait3A_270 = arith.constant 0 : i32
    %dma_wait3A_271 = tpu.memref_slice %arg9[%add3A_266, %dma_wait3A_270] : memref<10112x128xf32, #tpu.memory_space<vmem_shared>> -> memref<79x128xf32, #tpu.memory_space<vmem_shared>>
    %dma_wait3A_272 = arith.constant 0 : i32
    %dma_wait3A_273 = tpu.memref_slice %arg9[%add3A_266, %dma_wait3A_272] : memref<10112x128xf32, #tpu.memory_space<vmem_shared>> -> memref<79x128xf32, #tpu.memory_space<vmem_shared>>
    %dma_wait3A_274 = arith.constant 0 : i32
    %dma_wait3A_275 = arith.constant 0 : i32
    %dma_wait3A_276 = tpu.memref_slice %arg15[%dma_wait3A_274, %dma_wait3A_275] : memref<80x128xf32, #tpu.memory_space<vmem>> -> memref<79x128xf32, #tpu.memory_space<vmem>>
    tpu.wait_dma2 semaphore(%arg24 : memref<!tpu.dma_semaphore, #tpu.memory_space<semaphore_mem>>) src(%dma_wait3A_276 : memref<79x128xf32, #tpu.memory_space<vmem>>) dst(%dma_wait3A_273 : memref<79x128xf32, #tpu.memory_space<vmem_shared>>)
    %add3A_277 = arith.constant 237 : i32
    %add3A_278 = arith.addi %mul3A_2, %add3A_277 : i32
    %dma_wait3A_279 = arith.constant 0 : i32
    %dma_wait3A_280 = arith.constant 0 : i32
    %dma_wait3A_281 = tpu.memref_slice %arg17[%dma_wait3A_279, %dma_wait3A_280] : memref<80x16xf32, #tpu.memory_space<vmem>> -> memref<79x16xf32, #tpu.memory_space<vmem>>
    %dma_wait3A_282 = arith.constant 0 : i32
    %dma_wait3A_283 = tpu.memref_slice %arg10[%add3A_278, %dma_wait3A_282] : memref<10112x16xf32, #tpu.memory_space<vmem_shared>> -> memref<79x16xf32, #tpu.memory_space<vmem_shared>>
    %dma_wait3A_284 = arith.constant 0 : i32
    %dma_wait3A_285 = tpu.memref_slice %arg10[%add3A_278, %dma_wait3A_284] : memref<10112x16xf32, #tpu.memory_space<vmem_shared>> -> memref<79x16xf32, #tpu.memory_space<vmem_shared>>
    %dma_wait3A_286 = arith.constant 0 : i32
    %dma_wait3A_287 = arith.constant 0 : i32
    %dma_wait3A_288 = tpu.memref_slice %arg17[%dma_wait3A_286, %dma_wait3A_287] : memref<80x16xf32, #tpu.memory_space<vmem>> -> memref<79x16xf32, #tpu.memory_space<vmem>>
    tpu.wait_dma2 semaphore(%arg25 : memref<!tpu.dma_semaphore, #tpu.memory_space<semaphore_mem>>) src(%dma_wait3A_288 : memref<79x16xf32, #tpu.memory_space<vmem>>) dst(%dma_wait3A_285 : memref<79x16xf32, #tpu.memory_space<vmem_shared>>)
    %add3A_289 = arith.constant 316 : i32
    %add3A_290 = arith.addi %mul3A_2, %add3A_289 : i32
    %dma_wait3A_291 = arith.constant 0 : i32
    %dma_wait3A_292 = arith.constant 0 : i32
    %dma_wait3A_293 = tpu.memref_slice %arg15[%dma_wait3A_291, %dma_wait3A_292] : memref<80x128xf32, #tpu.memory_space<vmem>> -> memref<79x128xf32, #tpu.memory_space<vmem>>
    %dma_wait3A_294 = arith.constant 0 : i32
    %dma_wait3A_295 = tpu.memref_slice %arg9[%add3A_290, %dma_wait3A_294] : memref<10112x128xf32, #tpu.memory_space<vmem_shared>> -> memref<79x128xf32, #tpu.memory_space<vmem_shared>>
    %dma_wait3A_296 = arith.constant 0 : i32
    %dma_wait3A_297 = tpu.memref_slice %arg9[%add3A_290, %dma_wait3A_296] : memref<10112x128xf32, #tpu.memory_space<vmem_shared>> -> memref<79x128xf32, #tpu.memory_space<vmem_shared>>
    %dma_wait3A_298 = arith.constant 0 : i32
    %dma_wait3A_299 = arith.constant 0 : i32
    %dma_wait3A_300 = tpu.memref_slice %arg15[%dma_wait3A_298, %dma_wait3A_299] : memref<80x128xf32, #tpu.memory_space<vmem>> -> memref<79x128xf32, #tpu.memory_space<vmem>>
    tpu.wait_dma2 semaphore(%arg24 : memref<!tpu.dma_semaphore, #tpu.memory_space<semaphore_mem>>) src(%dma_wait3A_300 : memref<79x128xf32, #tpu.memory_space<vmem>>) dst(%dma_wait3A_297 : memref<79x128xf32, #tpu.memory_space<vmem_shared>>)
    %add3A_301 = arith.constant 316 : i32
    %add3A_302 = arith.addi %mul3A_2, %add3A_301 : i32
    %dma_wait3A_303 = arith.constant 0 : i32
    %dma_wait3A_304 = arith.constant 0 : i32
    %dma_wait3A_305 = tpu.memref_slice %arg17[%dma_wait3A_303, %dma_wait3A_304] : memref<80x16xf32, #tpu.memory_space<vmem>> -> memref<79x16xf32, #tpu.memory_space<vmem>>
    %dma_wait3A_306 = arith.constant 0 : i32
    %dma_wait3A_307 = tpu.memref_slice %arg10[%add3A_302, %dma_wait3A_306] : memref<10112x16xf32, #tpu.memory_space<vmem_shared>> -> memref<79x16xf32, #tpu.memory_space<vmem_shared>>
    %dma_wait3A_308 = arith.constant 0 : i32
    %dma_wait3A_309 = tpu.memref_slice %arg10[%add3A_302, %dma_wait3A_308] : memref<10112x16xf32, #tpu.memory_space<vmem_shared>> -> memref<79x16xf32, #tpu.memory_space<vmem_shared>>
    %dma_wait3A_310 = arith.constant 0 : i32
    %dma_wait3A_311 = arith.constant 0 : i32
    %dma_wait3A_312 = tpu.memref_slice %arg17[%dma_wait3A_310, %dma_wait3A_311] : memref<80x16xf32, #tpu.memory_space<vmem>> -> memref<79x16xf32, #tpu.memory_space<vmem>>
    tpu.wait_dma2 semaphore(%arg25 : memref<!tpu.dma_semaphore, #tpu.memory_space<semaphore_mem>>) src(%dma_wait3A_312 : memref<79x16xf32, #tpu.memory_space<vmem>>) dst(%dma_wait3A_309 : memref<79x16xf32, #tpu.memory_space<vmem_shared>>)
    %add3A_313 = arith.constant 395 : i32
    %add3A_314 = arith.addi %mul3A_2, %add3A_313 : i32
    %dma_wait3A_315 = arith.constant 0 : i32
    %dma_wait3A_316 = arith.constant 0 : i32
    %dma_wait3A_317 = tpu.memref_slice %arg15[%dma_wait3A_315, %dma_wait3A_316] : memref<80x128xf32, #tpu.memory_space<vmem>> -> memref<79x128xf32, #tpu.memory_space<vmem>>
    %dma_wait3A_318 = arith.constant 0 : i32
    %dma_wait3A_319 = tpu.memref_slice %arg9[%add3A_314, %dma_wait3A_318] : memref<10112x128xf32, #tpu.memory_space<vmem_shared>> -> memref<79x128xf32, #tpu.memory_space<vmem_shared>>
    %dma_wait3A_320 = arith.constant 0 : i32
    %dma_wait3A_321 = tpu.memref_slice %arg9[%add3A_314, %dma_wait3A_320] : memref<10112x128xf32, #tpu.memory_space<vmem_shared>> -> memref<79x128xf32, #tpu.memory_space<vmem_shared>>
    %dma_wait3A_322 = arith.constant 0 : i32
    %dma_wait3A_323 = arith.constant 0 : i32
    %dma_wait3A_324 = tpu.memref_slice %arg15[%dma_wait3A_322, %dma_wait3A_323] : memref<80x128xf32, #tpu.memory_space<vmem>> -> memref<79x128xf32, #tpu.memory_space<vmem>>
    tpu.wait_dma2 semaphore(%arg24 : memref<!tpu.dma_semaphore, #tpu.memory_space<semaphore_mem>>) src(%dma_wait3A_324 : memref<79x128xf32, #tpu.memory_space<vmem>>) dst(%dma_wait3A_321 : memref<79x128xf32, #tpu.memory_space<vmem_shared>>)
    %add3A_325 = arith.constant 395 : i32
    %add3A_326 = arith.addi %mul3A_2, %add3A_325 : i32
    %dma_wait3A_327 = arith.constant 0 : i32
    %dma_wait3A_328 = arith.constant 0 : i32
    %dma_wait3A_329 = tpu.memref_slice %arg17[%dma_wait3A_327, %dma_wait3A_328] : memref<80x16xf32, #tpu.memory_space<vmem>> -> memref<79x16xf32, #tpu.memory_space<vmem>>
    %dma_wait3A_330 = arith.constant 0 : i32
    %dma_wait3A_331 = tpu.memref_slice %arg10[%add3A_326, %dma_wait3A_330] : memref<10112x16xf32, #tpu.memory_space<vmem_shared>> -> memref<79x16xf32, #tpu.memory_space<vmem_shared>>
    %dma_wait3A_332 = arith.constant 0 : i32
    %dma_wait3A_333 = tpu.memref_slice %arg10[%add3A_326, %dma_wait3A_332] : memref<10112x16xf32, #tpu.memory_space<vmem_shared>> -> memref<79x16xf32, #tpu.memory_space<vmem_shared>>
    %dma_wait3A_334 = arith.constant 0 : i32
    %dma_wait3A_335 = arith.constant 0 : i32
    %dma_wait3A_336 = tpu.memref_slice %arg17[%dma_wait3A_334, %dma_wait3A_335] : memref<80x16xf32, #tpu.memory_space<vmem>> -> memref<79x16xf32, #tpu.memory_space<vmem>>
    tpu.wait_dma2 semaphore(%arg25 : memref<!tpu.dma_semaphore, #tpu.memory_space<semaphore_mem>>) src(%dma_wait3A_336 : memref<79x16xf32, #tpu.memory_space<vmem>>) dst(%dma_wait3A_333 : memref<79x16xf32, #tpu.memory_space<vmem_shared>>)
    %add3A_337 = arith.constant 474 : i32
    %add3A_338 = arith.addi %mul3A_2, %add3A_337 : i32
    %dma_wait3A_339 = arith.constant 0 : i32
    %dma_wait3A_340 = arith.constant 0 : i32
    %dma_wait3A_341 = tpu.memref_slice %arg15[%dma_wait3A_339, %dma_wait3A_340] : memref<80x128xf32, #tpu.memory_space<vmem>> -> memref<79x128xf32, #tpu.memory_space<vmem>>
    %dma_wait3A_342 = arith.constant 0 : i32
    %dma_wait3A_343 = tpu.memref_slice %arg9[%add3A_338, %dma_wait3A_342] : memref<10112x128xf32, #tpu.memory_space<vmem_shared>> -> memref<79x128xf32, #tpu.memory_space<vmem_shared>>
    %dma_wait3A_344 = arith.constant 0 : i32
    %dma_wait3A_345 = tpu.memref_slice %arg9[%add3A_338, %dma_wait3A_344] : memref<10112x128xf32, #tpu.memory_space<vmem_shared>> -> memref<79x128xf32, #tpu.memory_space<vmem_shared>>
    %dma_wait3A_346 = arith.constant 0 : i32
    %dma_wait3A_347 = arith.constant 0 : i32
    %dma_wait3A_348 = tpu.memref_slice %arg15[%dma_wait3A_346, %dma_wait3A_347] : memref<80x128xf32, #tpu.memory_space<vmem>> -> memref<79x128xf32, #tpu.memory_space<vmem>>
    tpu.wait_dma2 semaphore(%arg24 : memref<!tpu.dma_semaphore, #tpu.memory_space<semaphore_mem>>) src(%dma_wait3A_348 : memref<79x128xf32, #tpu.memory_space<vmem>>) dst(%dma_wait3A_345 : memref<79x128xf32, #tpu.memory_space<vmem_shared>>)
    %add3A_349 = arith.constant 474 : i32
    %add3A_350 = arith.addi %mul3A_2, %add3A_349 : i32
    %dma_wait3A_351 = arith.constant 0 : i32
    %dma_wait3A_352 = arith.constant 0 : i32
    %dma_wait3A_353 = tpu.memref_slice %arg17[%dma_wait3A_351, %dma_wait3A_352] : memref<80x16xf32, #tpu.memory_space<vmem>> -> memref<79x16xf32, #tpu.memory_space<vmem>>
    %dma_wait3A_354 = arith.constant 0 : i32
    %dma_wait3A_355 = tpu.memref_slice %arg10[%add3A_350, %dma_wait3A_354] : memref<10112x16xf32, #tpu.memory_space<vmem_shared>> -> memref<79x16xf32, #tpu.memory_space<vmem_shared>>
    %dma_wait3A_356 = arith.constant 0 : i32
    %dma_wait3A_357 = tpu.memref_slice %arg10[%add3A_350, %dma_wait3A_356] : memref<10112x16xf32, #tpu.memory_space<vmem_shared>> -> memref<79x16xf32, #tpu.memory_space<vmem_shared>>
    %dma_wait3A_358 = arith.constant 0 : i32
    %dma_wait3A_359 = arith.constant 0 : i32
    %dma_wait3A_360 = tpu.memref_slice %arg17[%dma_wait3A_358, %dma_wait3A_359] : memref<80x16xf32, #tpu.memory_space<vmem>> -> memref<79x16xf32, #tpu.memory_space<vmem>>
    tpu.wait_dma2 semaphore(%arg25 : memref<!tpu.dma_semaphore, #tpu.memory_space<semaphore_mem>>) src(%dma_wait3A_360 : memref<79x16xf32, #tpu.memory_space<vmem>>) dst(%dma_wait3A_357 : memref<79x16xf32, #tpu.memory_space<vmem_shared>>)
    %add3A_361 = arith.constant 553 : i32
    %add3A_362 = arith.addi %mul3A_2, %add3A_361 : i32
    %dma_wait3A_363 = arith.constant 0 : i32
    %dma_wait3A_364 = arith.constant 0 : i32
    %dma_wait3A_365 = tpu.memref_slice %arg15[%dma_wait3A_363, %dma_wait3A_364] : memref<80x128xf32, #tpu.memory_space<vmem>> -> memref<79x128xf32, #tpu.memory_space<vmem>>
    %dma_wait3A_366 = arith.constant 0 : i32
    %dma_wait3A_367 = tpu.memref_slice %arg9[%add3A_362, %dma_wait3A_366] : memref<10112x128xf32, #tpu.memory_space<vmem_shared>> -> memref<79x128xf32, #tpu.memory_space<vmem_shared>>
    %dma_wait3A_368 = arith.constant 0 : i32
    %dma_wait3A_369 = tpu.memref_slice %arg9[%add3A_362, %dma_wait3A_368] : memref<10112x128xf32, #tpu.memory_space<vmem_shared>> -> memref<79x128xf32, #tpu.memory_space<vmem_shared>>
    %dma_wait3A_370 = arith.constant 0 : i32
    %dma_wait3A_371 = arith.constant 0 : i32
    %dma_wait3A_372 = tpu.memref_slice %arg15[%dma_wait3A_370, %dma_wait3A_371] : memref<80x128xf32, #tpu.memory_space<vmem>> -> memref<79x128xf32, #tpu.memory_space<vmem>>
    tpu.wait_dma2 semaphore(%arg24 : memref<!tpu.dma_semaphore, #tpu.memory_space<semaphore_mem>>) src(%dma_wait3A_372 : memref<79x128xf32, #tpu.memory_space<vmem>>) dst(%dma_wait3A_369 : memref<79x128xf32, #tpu.memory_space<vmem_shared>>)
    %add3A_373 = arith.constant 553 : i32
    %add3A_374 = arith.addi %mul3A_2, %add3A_373 : i32
    %dma_wait3A_375 = arith.constant 0 : i32
    %dma_wait3A_376 = arith.constant 0 : i32
    %dma_wait3A_377 = tpu.memref_slice %arg17[%dma_wait3A_375, %dma_wait3A_376] : memref<80x16xf32, #tpu.memory_space<vmem>> -> memref<79x16xf32, #tpu.memory_space<vmem>>
    %dma_wait3A_378 = arith.constant 0 : i32
    %dma_wait3A_379 = tpu.memref_slice %arg10[%add3A_374, %dma_wait3A_378] : memref<10112x16xf32, #tpu.memory_space<vmem_shared>> -> memref<79x16xf32, #tpu.memory_space<vmem_shared>>
    %dma_wait3A_380 = arith.constant 0 : i32
    %dma_wait3A_381 = tpu.memref_slice %arg10[%add3A_374, %dma_wait3A_380] : memref<10112x16xf32, #tpu.memory_space<vmem_shared>> -> memref<79x16xf32, #tpu.memory_space<vmem_shared>>
    %dma_wait3A_382 = arith.constant 0 : i32
    %dma_wait3A_383 = arith.constant 0 : i32
    %dma_wait3A_384 = tpu.memref_slice %arg17[%dma_wait3A_382, %dma_wait3A_383] : memref<80x16xf32, #tpu.memory_space<vmem>> -> memref<79x16xf32, #tpu.memory_space<vmem>>
    tpu.wait_dma2 semaphore(%arg25 : memref<!tpu.dma_semaphore, #tpu.memory_space<semaphore_mem>>) src(%dma_wait3A_384 : memref<79x16xf32, #tpu.memory_space<vmem>>) dst(%dma_wait3A_381 : memref<79x16xf32, #tpu.memory_space<vmem_shared>>)
    "tpu.region"() ({
      %run_scoped3A_849 = tpu.sem_alloc : memref<!tpu.dma_semaphore, #tpu.memory_space<semaphore_mem>>
      tpu.enqueue_dma source(%arg6 : memref<80x16xf32, #tpu.memory_space<hbm>>) target(%arg17 : memref<80x16xf32, #tpu.memory_space<vmem>>) target_semaphore(%run_scoped3A_849 : memref<!tpu.dma_semaphore, #tpu.memory_space<semaphore_mem>>)
      tpu.wait_dma2 semaphore(%run_scoped3A_849 : memref<!tpu.dma_semaphore, #tpu.memory_space<semaphore_mem>>) src(%arg6 : memref<80x16xf32, #tpu.memory_space<hbm>>) dst(%arg17 : memref<80x16xf32, #tpu.memory_space<vmem>>)
      tpu.yield
    }) : () -> ()
    %barrier3A = arith.constant 0 : index
    tpu.barrier barrier_id(%barrier3A)
    %run_scoped3A = arith.constant 0 : i32
    %run_scoped3A_385 = arith.constant 0 : i32
    "tpu.region"() ({
      %run_scoped3A_849 = tpu.sem_alloc : memref<!tpu.dma_semaphore, #tpu.memory_space<semaphore_mem>>
      %dma_start3A_850 = arith.constant 0 : i32
      %dma_start3A_851 = arith.constant 0 : i32
      %dma_start3A_852 = tpu.memref_slice %arg2[%run_scoped3A, %add3A, %run_scoped3A_385, %dma_start3A_850, %dma_start3A_851] : memref<2x32x25x5x80xi32, #tpu.memory_space<hbm>> -> memref<1x1x1x5x80xi32, #tpu.memory_space<hbm>>
      %dma_start3A_853 = tpu.memref_squeeze %dma_start3A_852 : memref<1x1x1x5x80xi32, #tpu.memory_space<hbm>> -> memref<5x80xi32, #tpu.memory_space<hbm>>
      %dma_start3A_854 = arith.constant 0 : i32
      %dma_start3A_855 = arith.constant 0 : i32
      %dma_start3A_856 = tpu.memref_slice %arg2[%run_scoped3A, %add3A, %run_scoped3A_385, %dma_start3A_854, %dma_start3A_855] : memref<2x32x25x5x80xi32, #tpu.memory_space<hbm>> -> memref<1x1x1x5x80xi32, #tpu.memory_space<hbm>>
      %dma_start3A_857 = tpu.memref_squeeze %dma_start3A_856 : memref<1x1x1x5x80xi32, #tpu.memory_space<hbm>> -> memref<5x80xi32, #tpu.memory_space<hbm>>
      tpu.enqueue_dma source(%dma_start3A_857 : memref<5x80xi32, #tpu.memory_space<hbm>>) target(%arg11 : memref<5x80xi32, #tpu.memory_space<vmem>>) target_semaphore(%run_scoped3A_849 : memref<!tpu.dma_semaphore, #tpu.memory_space<semaphore_mem>>)
      %dma_wait3A_858 = arith.constant 0 : i32
      %dma_wait3A_859 = arith.constant 0 : i32
      %dma_wait3A_860 = tpu.memref_slice %arg2[%run_scoped3A, %add3A, %run_scoped3A_385, %dma_wait3A_858, %dma_wait3A_859] : memref<2x32x25x5x80xi32, #tpu.memory_space<hbm>> -> memref<1x1x1x5x80xi32, #tpu.memory_space<hbm>>
      %dma_wait3A_861 = tpu.memref_squeeze %dma_wait3A_860 : memref<1x1x1x5x80xi32, #tpu.memory_space<hbm>> -> memref<5x80xi32, #tpu.memory_space<hbm>>
      %dma_wait3A_862 = arith.constant 0 : i32
      %dma_wait3A_863 = arith.constant 0 : i32
      %dma_wait3A_864 = tpu.memref_slice %arg2[%run_scoped3A, %add3A, %run_scoped3A_385, %dma_wait3A_862, %dma_wait3A_863] : memref<2x32x25x5x80xi32, #tpu.memory_space<hbm>> -> memref<1x1x1x5x80xi32, #tpu.memory_space<hbm>>
      %dma_wait3A_865 = tpu.memref_squeeze %dma_wait3A_864 : memref<1x1x1x5x80xi32, #tpu.memory_space<hbm>> -> memref<5x80xi32, #tpu.memory_space<hbm>>
      tpu.wait_dma2 semaphore(%run_scoped3A_849 : memref<!tpu.dma_semaphore, #tpu.memory_space<semaphore_mem>>) src(%dma_wait3A_865 : memref<5x80xi32, #tpu.memory_space<hbm>>) dst(%arg11 : memref<5x80xi32, #tpu.memory_space<vmem>>)
      tpu.yield
    }) : () -> ()
    %run_scoped3A_386 = arith.constant 1 : i32
    %run_scoped3A_387 = arith.constant 0 : i32
    "tpu.region"() ({
      %run_scoped3A_849 = tpu.sem_alloc : memref<!tpu.dma_semaphore, #tpu.memory_space<semaphore_mem>>
      %dma_start3A_850 = arith.constant 0 : i32
      %dma_start3A_851 = arith.constant 0 : i32
      %dma_start3A_852 = tpu.memref_slice %arg2[%run_scoped3A_386, %add3A, %run_scoped3A_387, %dma_start3A_850, %dma_start3A_851] : memref<2x32x25x5x80xi32, #tpu.memory_space<hbm>> -> memref<1x1x1x5x80xi32, #tpu.memory_space<hbm>>
      %dma_start3A_853 = tpu.memref_squeeze %dma_start3A_852 : memref<1x1x1x5x80xi32, #tpu.memory_space<hbm>> -> memref<5x80xi32, #tpu.memory_space<hbm>>
      %dma_start3A_854 = arith.constant 0 : i32
      %dma_start3A_855 = arith.constant 0 : i32
      %dma_start3A_856 = tpu.memref_slice %arg2[%run_scoped3A_386, %add3A, %run_scoped3A_387, %dma_start3A_854, %dma_start3A_855] : memref<2x32x25x5x80xi32, #tpu.memory_space<hbm>> -> memref<1x1x1x5x80xi32, #tpu.memory_space<hbm>>
      %dma_start3A_857 = tpu.memref_squeeze %dma_start3A_856 : memref<1x1x1x5x80xi32, #tpu.memory_space<hbm>> -> memref<5x80xi32, #tpu.memory_space<hbm>>
      tpu.enqueue_dma source(%dma_start3A_857 : memref<5x80xi32, #tpu.memory_space<hbm>>) target(%arg13 : memref<5x80xi32, #tpu.memory_space<vmem>>) target_semaphore(%run_scoped3A_849 : memref<!tpu.dma_semaphore, #tpu.memory_space<semaphore_mem>>)
      %dma_wait3A_858 = arith.constant 0 : i32
      %dma_wait3A_859 = arith.constant 0 : i32
      %dma_wait3A_860 = tpu.memref_slice %arg2[%run_scoped3A_386, %add3A, %run_scoped3A_387, %dma_wait3A_858, %dma_wait3A_859] : memref<2x32x25x5x80xi32, #tpu.memory_space<hbm>> -> memref<1x1x1x5x80xi32, #tpu.memory_space<hbm>>
      %dma_wait3A_861 = tpu.memref_squeeze %dma_wait3A_860 : memref<1x1x1x5x80xi32, #tpu.memory_space<hbm>> -> memref<5x80xi32, #tpu.memory_space<hbm>>
      %dma_wait3A_862 = arith.constant 0 : i32
      %dma_wait3A_863 = arith.constant 0 : i32
      %dma_wait3A_864 = tpu.memref_slice %arg2[%run_scoped3A_386, %add3A, %run_scoped3A_387, %dma_wait3A_862, %dma_wait3A_863] : memref<2x32x25x5x80xi32, #tpu.memory_space<hbm>> -> memref<1x1x1x5x80xi32, #tpu.memory_space<hbm>>
      %dma_wait3A_865 = tpu.memref_squeeze %dma_wait3A_864 : memref<1x1x1x5x80xi32, #tpu.memory_space<hbm>> -> memref<5x80xi32, #tpu.memory_space<hbm>>
      tpu.wait_dma2 semaphore(%run_scoped3A_849 : memref<!tpu.dma_semaphore, #tpu.memory_space<semaphore_mem>>) src(%dma_wait3A_865 : memref<5x80xi32, #tpu.memory_space<hbm>>) dst(%arg13 : memref<5x80xi32, #tpu.memory_space<vmem>>)
      tpu.yield
    }) : () -> ()
    %dma_start3A_388 = arith.constant 0 : i32
    %dma_start3A_389 = arith.constant 1 : i32
    %dma_start3A_390 = arith.constant 0 : i32
    %dma_start3A_391 = arith.constant 0 : i32
    %dma_start3A_392 = tpu.memref_slice %arg2[%dma_start3A_388, %add3A, %dma_start3A_389, %dma_start3A_390, %dma_start3A_391] : memref<2x32x25x5x80xi32, #tpu.memory_space<hbm>> -> memref<1x1x1x5x80xi32, #tpu.memory_space<hbm>>
    %dma_start3A_393 = tpu.memref_squeeze %dma_start3A_392 : memref<1x1x1x5x80xi32, #tpu.memory_space<hbm>> -> memref<5x80xi32, #tpu.memory_space<hbm>>
    %dma_start3A_394 = arith.constant 0 : i32
    %dma_start3A_395 = arith.constant 0 : i32
    %dma_start3A_396 = tpu.memref_slice %arg2[%dma_start3A_388, %add3A, %dma_start3A_389, %dma_start3A_394, %dma_start3A_395] : memref<2x32x25x5x80xi32, #tpu.memory_space<hbm>> -> memref<1x1x1x5x80xi32, #tpu.memory_space<hbm>>
    %dma_start3A_397 = tpu.memref_squeeze %dma_start3A_396 : memref<1x1x1x5x80xi32, #tpu.memory_space<hbm>> -> memref<5x80xi32, #tpu.memory_space<hbm>>
    tpu.enqueue_dma source(%dma_start3A_397 : memref<5x80xi32, #tpu.memory_space<hbm>>) target(%arg12 : memref<5x80xi32, #tpu.memory_space<vmem>>) target_semaphore(%arg27 : memref<!tpu.dma_semaphore, #tpu.memory_space<semaphore_mem>>)
    %dma_start3A_398 = arith.constant 1 : i32
    %dma_start3A_399 = arith.constant 1 : i32
    %dma_start3A_400 = arith.constant 0 : i32
    %dma_start3A_401 = arith.constant 0 : i32
    %dma_start3A_402 = tpu.memref_slice %arg2[%dma_start3A_398, %add3A, %dma_start3A_399, %dma_start3A_400, %dma_start3A_401] : memref<2x32x25x5x80xi32, #tpu.memory_space<hbm>> -> memref<1x1x1x5x80xi32, #tpu.memory_space<hbm>>
    %dma_start3A_403 = tpu.memref_squeeze %dma_start3A_402 : memref<1x1x1x5x80xi32, #tpu.memory_space<hbm>> -> memref<5x80xi32, #tpu.memory_space<hbm>>
    %dma_start3A_404 = arith.constant 0 : i32
    %dma_start3A_405 = arith.constant 0 : i32
    %dma_start3A_406 = tpu.memref_slice %arg2[%dma_start3A_398, %add3A, %dma_start3A_399, %dma_start3A_404, %dma_start3A_405] : memref<2x32x25x5x80xi32, #tpu.memory_space<hbm>> -> memref<1x1x1x5x80xi32, #tpu.memory_space<hbm>>
    %dma_start3A_407 = tpu.memref_squeeze %dma_start3A_406 : memref<1x1x1x5x80xi32, #tpu.memory_space<hbm>> -> memref<5x80xi32, #tpu.memory_space<hbm>>
    tpu.enqueue_dma source(%dma_start3A_407 : memref<5x80xi32, #tpu.memory_space<hbm>>) target(%arg14 : memref<5x80xi32, #tpu.memory_space<vmem>>) target_semaphore(%arg27 : memref<!tpu.dma_semaphore, #tpu.memory_space<semaphore_mem>>)
    %dma_start3A_408 = arith.constant 0 : i32
    %dma_start3A_409 = arith.constant 0 : i32
    %dma_start3A_410 = tpu.memref_slice %arg11[%dma_start3A_408, %dma_start3A_409] : memref<5x80xi32, #tpu.memory_space<vmem>> -> memref<1x80xi32, #tpu.memory_space<vmem>>
    %dma_start3A_411 = tpu.memref_squeeze %dma_start3A_410 : memref<1x80xi32, #tpu.memory_space<vmem>> -> memref<80xi32, #tpu.memory_space<vmem>>
    %dma_start3A_412 = arith.constant 0 : i32
    %dma_start3A_413 = arith.constant 0 : i32
    %dma_start3A_414 = tpu.memref_slice %arg3[%dma_start3A_412, %dma_start3A_413] : memref<10000x128xf32, #tpu.memory_space<hbm>> -> memref<10000x128xf32, #tpu.memory_space<hbm>>
    tpu.enqueue_indirect_dma source(%dma_start3A_414 : memref<10000x128xf32, #tpu.memory_space<hbm>>) target(%arg15 : memref<80x128xf32, #tpu.memory_space<vmem>>) offsets(%dma_start3A_411 : memref<80xi32, #tpu.memory_space<vmem>>) semaphore(%arg18 : memref<!tpu.dma_semaphore, #tpu.memory_space<semaphore_mem>>)
    %dma_start3A_415 = arith.constant 1 : i32
    %dma_start3A_416 = arith.constant 0 : i32
    %dma_start3A_417 = tpu.memref_slice %arg11[%dma_start3A_415, %dma_start3A_416] : memref<5x80xi32, #tpu.memory_space<vmem>> -> memref<1x80xi32, #tpu.memory_space<vmem>>
    %dma_start3A_418 = tpu.memref_squeeze %dma_start3A_417 : memref<1x80xi32, #tpu.memory_space<vmem>> -> memref<80xi32, #tpu.memory_space<vmem>>
    %dma_start3A_419 = arith.constant 0 : i32
    %dma_start3A_420 = arith.constant 0 : i32
    %dma_start3A_421 = tpu.memref_slice %arg3[%dma_start3A_419, %dma_start3A_420] : memref<10000x128xf32, #tpu.memory_space<hbm>> -> memref<10000x128xf32, #tpu.memory_space<hbm>>
    tpu.enqueue_indirect_dma source(%dma_start3A_421 : memref<10000x128xf32, #tpu.memory_space<hbm>>) target(%arg16 : memref<80x128xf32, #tpu.memory_space<vmem>>) offsets(%dma_start3A_418 : memref<80xi32, #tpu.memory_space<vmem>>) semaphore(%arg19 : memref<!tpu.dma_semaphore, #tpu.memory_space<semaphore_mem>>)
    %dma_wait3A_422 = arith.constant 0 : i32
    %dma_wait3A_423 = arith.constant 0 : i32
    %dma_wait3A_424 = tpu.memref_slice %arg11[%dma_wait3A_422, %dma_wait3A_423] : memref<5x80xi32, #tpu.memory_space<vmem>> -> memref<1x80xi32, #tpu.memory_space<vmem>>
    %dma_wait3A_425 = tpu.memref_squeeze %dma_wait3A_424 : memref<1x80xi32, #tpu.memory_space<vmem>> -> memref<80xi32, #tpu.memory_space<vmem>>
    %dma_wait3A_426 = arith.constant 0 : i32
    %dma_wait3A_427 = arith.constant 0 : i32
    %dma_wait3A_428 = tpu.memref_slice %arg3[%dma_wait3A_426, %dma_wait3A_427] : memref<10000x128xf32, #tpu.memory_space<hbm>> -> memref<10000x128xf32, #tpu.memory_space<hbm>>
    tpu.wait_indirect_dma semaphore(%arg18 : memref<!tpu.dma_semaphore, #tpu.memory_space<semaphore_mem>>) src(%dma_wait3A_428 : memref<10000x128xf32, #tpu.memory_space<hbm>>) dst(%arg15 : memref<80x128xf32, #tpu.memory_space<vmem>>)
    %dma_start3A_429 = arith.constant 0 : i32
    %dma_start3A_430 = arith.constant 0 : i32
    %dma_start3A_431 = tpu.memref_slice %arg13[%dma_start3A_429, %dma_start3A_430] : memref<5x80xi32, #tpu.memory_space<vmem>> -> memref<1x80xi32, #tpu.memory_space<vmem>>
    %dma_start3A_432 = tpu.memref_squeeze %dma_start3A_431 : memref<1x80xi32, #tpu.memory_space<vmem>> -> memref<80xi32, #tpu.memory_space<vmem>>
    %dma_start3A_433 = arith.constant 0 : i32
    %dma_start3A_434 = arith.constant 0 : i32
    %dma_start3A_435 = tpu.memref_slice %arg9[%dma_start3A_433, %dma_start3A_434] : memref<10112x128xf32, #tpu.memory_space<vmem_shared>> -> memref<10112x128xf32, #tpu.memory_space<vmem_shared>>
    tpu.enqueue_indirect_dma source(%arg15 : memref<80x128xf32, #tpu.memory_space<vmem>>) target(%dma_start3A_435 : memref<10112x128xf32, #tpu.memory_space<vmem_shared>>) offsets(%dma_start3A_432 : memref<80xi32, #tpu.memory_space<vmem>>) semaphore(%arg20 : memref<!tpu.dma_semaphore, #tpu.memory_space<semaphore_mem>>) {add = true}
    %dma_start3A_436 = arith.constant 0 : i32
    %dma_start3A_437 = arith.constant 0 : i32
    %dma_start3A_438 = tpu.memref_slice %arg13[%dma_start3A_436, %dma_start3A_437] : memref<5x80xi32, #tpu.memory_space<vmem>> -> memref<1x80xi32, #tpu.memory_space<vmem>>
    %dma_start3A_439 = tpu.memref_squeeze %dma_start3A_438 : memref<1x80xi32, #tpu.memory_space<vmem>> -> memref<80xi32, #tpu.memory_space<vmem>>
    %dma_start3A_440 = arith.constant 0 : i32
    %dma_start3A_441 = arith.constant 0 : i32
    %dma_start3A_442 = tpu.memref_slice %arg10[%dma_start3A_440, %dma_start3A_441] : memref<10112x16xf32, #tpu.memory_space<vmem_shared>> -> memref<10112x16xf32, #tpu.memory_space<vmem_shared>>
    tpu.enqueue_indirect_dma source(%arg17 : memref<80x16xf32, #tpu.memory_space<vmem>>) target(%dma_start3A_442 : memref<10112x16xf32, #tpu.memory_space<vmem_shared>>) offsets(%dma_start3A_439 : memref<80xi32, #tpu.memory_space<vmem>>) semaphore(%arg22 : memref<!tpu.dma_semaphore, #tpu.memory_space<semaphore_mem>>) {add = true}
    %dma_wait3A_443 = arith.constant 0 : i32
    %dma_wait3A_444 = arith.constant 0 : i32
    %dma_wait3A_445 = tpu.memref_slice %arg13[%dma_wait3A_443, %dma_wait3A_444] : memref<5x80xi32, #tpu.memory_space<vmem>> -> memref<1x80xi32, #tpu.memory_space<vmem>>
    %dma_wait3A_446 = tpu.memref_squeeze %dma_wait3A_445 : memref<1x80xi32, #tpu.memory_space<vmem>> -> memref<80xi32, #tpu.memory_space<vmem>>
    %dma_wait3A_447 = arith.constant 0 : i32
    %dma_wait3A_448 = arith.constant 0 : i32
    %dma_wait3A_449 = tpu.memref_slice %arg9[%dma_wait3A_447, %dma_wait3A_448] : memref<10112x128xf32, #tpu.memory_space<vmem_shared>> -> memref<10112x128xf32, #tpu.memory_space<vmem_shared>>
    tpu.wait_indirect_dma semaphore(%arg20 : memref<!tpu.dma_semaphore, #tpu.memory_space<semaphore_mem>>) src(%arg15 : memref<80x128xf32, #tpu.memory_space<vmem>>) dst(%dma_wait3A_449 : memref<10112x128xf32, #tpu.memory_space<vmem_shared>>)
    %dma_wait3A_450 = arith.constant 0 : i32
    %dma_wait3A_451 = arith.constant 0 : i32
    %dma_wait3A_452 = tpu.memref_slice %arg13[%dma_wait3A_450, %dma_wait3A_451] : memref<5x80xi32, #tpu.memory_space<vmem>> -> memref<1x80xi32, #tpu.memory_space<vmem>>
    %dma_wait3A_453 = tpu.memref_squeeze %dma_wait3A_452 : memref<1x80xi32, #tpu.memory_space<vmem>> -> memref<80xi32, #tpu.memory_space<vmem>>
    %dma_wait3A_454 = arith.constant 0 : i32
    %dma_wait3A_455 = arith.constant 0 : i32
    %dma_wait3A_456 = tpu.memref_slice %arg10[%dma_wait3A_454, %dma_wait3A_455] : memref<10112x16xf32, #tpu.memory_space<vmem_shared>> -> memref<10112x16xf32, #tpu.memory_space<vmem_shared>>
    tpu.wait_indirect_dma semaphore(%arg22 : memref<!tpu.dma_semaphore, #tpu.memory_space<semaphore_mem>>) src(%arg17 : memref<80x16xf32, #tpu.memory_space<vmem>>) dst(%dma_wait3A_456 : memref<10112x16xf32, #tpu.memory_space<vmem_shared>>)
    %dma_start3A_457 = arith.constant 2 : i32
    %dma_start3A_458 = arith.constant 0 : i32
    %dma_start3A_459 = tpu.memref_slice %arg11[%dma_start3A_457, %dma_start3A_458] : memref<5x80xi32, #tpu.memory_space<vmem>> -> memref<1x80xi32, #tpu.memory_space<vmem>>
    %dma_start3A_460 = tpu.memref_squeeze %dma_start3A_459 : memref<1x80xi32, #tpu.memory_space<vmem>> -> memref<80xi32, #tpu.memory_space<vmem>>
    %dma_start3A_461 = arith.constant 0 : i32
    %dma_start3A_462 = arith.constant 0 : i32
    %dma_start3A_463 = tpu.memref_slice %arg3[%dma_start3A_461, %dma_start3A_462] : memref<10000x128xf32, #tpu.memory_space<hbm>> -> memref<10000x128xf32, #tpu.memory_space<hbm>>
    tpu.enqueue_indirect_dma source(%dma_start3A_463 : memref<10000x128xf32, #tpu.memory_space<hbm>>) target(%arg15 : memref<80x128xf32, #tpu.memory_space<vmem>>) offsets(%dma_start3A_460 : memref<80xi32, #tpu.memory_space<vmem>>) semaphore(%arg18 : memref<!tpu.dma_semaphore, #tpu.memory_space<semaphore_mem>>)
    %dma_wait3A_464 = arith.constant 1 : i32
    %dma_wait3A_465 = arith.constant 0 : i32
    %dma_wait3A_466 = tpu.memref_slice %arg11[%dma_wait3A_464, %dma_wait3A_465] : memref<5x80xi32, #tpu.memory_space<vmem>> -> memref<1x80xi32, #tpu.memory_space<vmem>>
    %dma_wait3A_467 = tpu.memref_squeeze %dma_wait3A_466 : memref<1x80xi32, #tpu.memory_space<vmem>> -> memref<80xi32, #tpu.memory_space<vmem>>
    %dma_wait3A_468 = arith.constant 0 : i32
    %dma_wait3A_469 = arith.constant 0 : i32
    %dma_wait3A_470 = tpu.memref_slice %arg3[%dma_wait3A_468, %dma_wait3A_469] : memref<10000x128xf32, #tpu.memory_space<hbm>> -> memref<10000x128xf32, #tpu.memory_space<hbm>>
    tpu.wait_indirect_dma semaphore(%arg19 : memref<!tpu.dma_semaphore, #tpu.memory_space<semaphore_mem>>) src(%dma_wait3A_470 : memref<10000x128xf32, #tpu.memory_space<hbm>>) dst(%arg16 : memref<80x128xf32, #tpu.memory_space<vmem>>)
    %dma_start3A_471 = arith.constant 1 : i32
    %dma_start3A_472 = arith.constant 0 : i32
    %dma_start3A_473 = tpu.memref_slice %arg13[%dma_start3A_471, %dma_start3A_472] : memref<5x80xi32, #tpu.memory_space<vmem>> -> memref<1x80xi32, #tpu.memory_space<vmem>>
    %dma_start3A_474 = tpu.memref_squeeze %dma_start3A_473 : memref<1x80xi32, #tpu.memory_space<vmem>> -> memref<80xi32, #tpu.memory_space<vmem>>
    %dma_start3A_475 = arith.constant 0 : i32
    %dma_start3A_476 = arith.constant 0 : i32
    %dma_start3A_477 = tpu.memref_slice %arg9[%dma_start3A_475, %dma_start3A_476] : memref<10112x128xf32, #tpu.memory_space<vmem_shared>> -> memref<10112x128xf32, #tpu.memory_space<vmem_shared>>
    tpu.enqueue_indirect_dma source(%arg16 : memref<80x128xf32, #tpu.memory_space<vmem>>) target(%dma_start3A_477 : memref<10112x128xf32, #tpu.memory_space<vmem_shared>>) offsets(%dma_start3A_474 : memref<80xi32, #tpu.memory_space<vmem>>) semaphore(%arg21 : memref<!tpu.dma_semaphore, #tpu.memory_space<semaphore_mem>>) {add = true}
    %dma_start3A_478 = arith.constant 1 : i32
    %dma_start3A_479 = arith.constant 0 : i32
    %dma_start3A_480 = tpu.memref_slice %arg13[%dma_start3A_478, %dma_start3A_479] : memref<5x80xi32, #tpu.memory_space<vmem>> -> memref<1x80xi32, #tpu.memory_space<vmem>>
    %dma_start3A_481 = tpu.memref_squeeze %dma_start3A_480 : memref<1x80xi32, #tpu.memory_space<vmem>> -> memref<80xi32, #tpu.memory_space<vmem>>
    %dma_start3A_482 = arith.constant 0 : i32
    %dma_start3A_483 = arith.constant 0 : i32
    %dma_start3A_484 = tpu.memref_slice %arg10[%dma_start3A_482, %dma_start3A_483] : memref<10112x16xf32, #tpu.memory_space<vmem_shared>> -> memref<10112x16xf32, #tpu.memory_space<vmem_shared>>
    tpu.enqueue_indirect_dma source(%arg17 : memref<80x16xf32, #tpu.memory_space<vmem>>) target(%dma_start3A_484 : memref<10112x16xf32, #tpu.memory_space<vmem_shared>>) offsets(%dma_start3A_481 : memref<80xi32, #tpu.memory_space<vmem>>) semaphore(%arg23 : memref<!tpu.dma_semaphore, #tpu.memory_space<semaphore_mem>>) {add = true}
    %scan3A = arith.constant 0 : i32
    %scan3A_485 = arith.constant 0 : i32
    %scan3A_486 = arith.constant 12 : i32
    %scan3A_487 = arith.addi %scan3A_485, %scan3A_486 : i32
    %scan3A_488 = arith.constant 1 : i32
    %scan3A_489 = scf.for %scan3A_849 = %scan3A_485 to %scan3A_487 step %scan3A_488 iter_args(%scan3A_850 = %scan3A) -> (i32)  : i32 {
      %dma_wait3A_851 = arith.constant 1 : i32
      %dma_wait3A_852 = arith.constant 0 : i32
      %dma_wait3A_853 = tpu.memref_slice %arg13[%dma_wait3A_851, %dma_wait3A_852] : memref<5x80xi32, #tpu.memory_space<vmem>> -> memref<1x80xi32, #tpu.memory_space<vmem>>
      %dma_wait3A_854 = tpu.memref_squeeze %dma_wait3A_853 : memref<1x80xi32, #tpu.memory_space<vmem>> -> memref<80xi32, #tpu.memory_space<vmem>>
      %dma_wait3A_855 = arith.constant 0 : i32
      %dma_wait3A_856 = arith.constant 0 : i32
      %dma_wait3A_857 = tpu.memref_slice %arg9[%dma_wait3A_855, %dma_wait3A_856] : memref<10112x128xf32, #tpu.memory_space<vmem_shared>> -> memref<10112x128xf32, #tpu.memory_space<vmem_shared>>
      tpu.wait_indirect_dma semaphore(%arg21 : memref<!tpu.dma_semaphore, #tpu.memory_space<semaphore_mem>>) src(%arg16 : memref<80x128xf32, #tpu.memory_space<vmem>>) dst(%dma_wait3A_857 : memref<10112x128xf32, #tpu.memory_space<vmem_shared>>)
      %dma_wait3A_858 = arith.constant 1 : i32
      %dma_wait3A_859 = arith.constant 0 : i32
      %dma_wait3A_860 = tpu.memref_slice %arg13[%dma_wait3A_858, %dma_wait3A_859] : memref<5x80xi32, #tpu.memory_space<vmem>> -> memref<1x80xi32, #tpu.memory_space<vmem>>
      %dma_wait3A_861 = tpu.memref_squeeze %dma_wait3A_860 : memref<1x80xi32, #tpu.memory_space<vmem>> -> memref<80xi32, #tpu.memory_space<vmem>>
      %dma_wait3A_862 = arith.constant 0 : i32
      %dma_wait3A_863 = arith.constant 0 : i32
      %dma_wait3A_864 = tpu.memref_slice %arg10[%dma_wait3A_862, %dma_wait3A_863] : memref<10112x16xf32, #tpu.memory_space<vmem_shared>> -> memref<10112x16xf32, #tpu.memory_space<vmem_shared>>
      tpu.wait_indirect_dma semaphore(%arg23 : memref<!tpu.dma_semaphore, #tpu.memory_space<semaphore_mem>>) src(%arg17 : memref<80x16xf32, #tpu.memory_space<vmem>>) dst(%dma_wait3A_864 : memref<10112x16xf32, #tpu.memory_space<vmem_shared>>)
      %dma_start3A_865 = arith.constant 3 : i32
      %dma_start3A_866 = arith.constant 0 : i32
      %dma_start3A_867 = tpu.memref_slice %arg11[%dma_start3A_865, %dma_start3A_866] : memref<5x80xi32, #tpu.memory_space<vmem>> -> memref<1x80xi32, #tpu.memory_space<vmem>>
      %dma_start3A_868 = tpu.memref_squeeze %dma_start3A_867 : memref<1x80xi32, #tpu.memory_space<vmem>> -> memref<80xi32, #tpu.memory_space<vmem>>
      %dma_start3A_869 = arith.constant 0 : i32
      %dma_start3A_870 = arith.constant 0 : i32
      %dma_start3A_871 = tpu.memref_slice %arg3[%dma_start3A_869, %dma_start3A_870] : memref<10000x128xf32, #tpu.memory_space<hbm>> -> memref<10000x128xf32, #tpu.memory_space<hbm>>
      tpu.enqueue_indirect_dma source(%dma_start3A_871 : memref<10000x128xf32, #tpu.memory_space<hbm>>) target(%arg16 : memref<80x128xf32, #tpu.memory_space<vmem>>) offsets(%dma_start3A_868 : memref<80xi32, #tpu.memory_space<vmem>>) semaphore(%arg19 : memref<!tpu.dma_semaphore, #tpu.memory_space<semaphore_mem>>)
      %dma_wait3A_872 = arith.constant 2 : i32
      %dma_wait3A_873 = arith.constant 0 : i32
      %dma_wait3A_874 = tpu.memref_slice %arg11[%dma_wait3A_872, %dma_wait3A_873] : memref<5x80xi32, #tpu.memory_space<vmem>> -> memref<1x80xi32, #tpu.memory_space<vmem>>
      %dma_wait3A_875 = tpu.memref_squeeze %dma_wait3A_874 : memref<1x80xi32, #tpu.memory_space<vmem>> -> memref<80xi32, #tpu.memory_space<vmem>>
      %dma_wait3A_876 = arith.constant 0 : i32
      %dma_wait3A_877 = arith.constant 0 : i32
      %dma_wait3A_878 = tpu.memref_slice %arg3[%dma_wait3A_876, %dma_wait3A_877] : memref<10000x128xf32, #tpu.memory_space<hbm>> -> memref<10000x128xf32, #tpu.memory_space<hbm>>
      tpu.wait_indirect_dma semaphore(%arg18 : memref<!tpu.dma_semaphore, #tpu.memory_space<semaphore_mem>>) src(%dma_wait3A_878 : memref<10000x128xf32, #tpu.memory_space<hbm>>) dst(%arg15 : memref<80x128xf32, #tpu.memory_space<vmem>>)
      %dma_start3A_879 = arith.constant 2 : i32
      %dma_start3A_880 = arith.constant 0 : i32
      %dma_start3A_881 = tpu.memref_slice %arg13[%dma_start3A_879, %dma_start3A_880] : memref<5x80xi32, #tpu.memory_space<vmem>> -> memref<1x80xi32, #tpu.memory_space<vmem>>
      %dma_start3A_882 = tpu.memref_squeeze %dma_start3A_881 : memref<1x80xi32, #tpu.memory_space<vmem>> -> memref<80xi32, #tpu.memory_space<vmem>>
      %dma_start3A_883 = arith.constant 0 : i32
      %dma_start3A_884 = arith.constant 0 : i32
      %dma_start3A_885 = tpu.memref_slice %arg9[%dma_start3A_883, %dma_start3A_884] : memref<10112x128xf32, #tpu.memory_space<vmem_shared>> -> memref<10112x128xf32, #tpu.memory_space<vmem_shared>>
      tpu.enqueue_indirect_dma source(%arg15 : memref<80x128xf32, #tpu.memory_space<vmem>>) target(%dma_start3A_885 : memref<10112x128xf32, #tpu.memory_space<vmem_shared>>) offsets(%dma_start3A_882 : memref<80xi32, #tpu.memory_space<vmem>>) semaphore(%arg20 : memref<!tpu.dma_semaphore, #tpu.memory_space<semaphore_mem>>) {add = true}
      %dma_start3A_886 = arith.constant 2 : i32
      %dma_start3A_887 = arith.constant 0 : i32
      %dma_start3A_888 = tpu.memref_slice %arg13[%dma_start3A_886, %dma_start3A_887] : memref<5x80xi32, #tpu.memory_space<vmem>> -> memref<1x80xi32, #tpu.memory_space<vmem>>
      %dma_start3A_889 = tpu.memref_squeeze %dma_start3A_888 : memref<1x80xi32, #tpu.memory_space<vmem>> -> memref<80xi32, #tpu.memory_space<vmem>>
      %dma_start3A_890 = arith.constant 0 : i32
      %dma_start3A_891 = arith.constant 0 : i32
      %dma_start3A_892 = tpu.memref_slice %arg10[%dma_start3A_890, %dma_start3A_891] : memref<10112x16xf32, #tpu.memory_space<vmem_shared>> -> memref<10112x16xf32, #tpu.memory_space<vmem_shared>>
      tpu.enqueue_indirect_dma source(%arg17 : memref<80x16xf32, #tpu.memory_space<vmem>>) target(%dma_start3A_892 : memref<10112x16xf32, #tpu.memory_space<vmem_shared>>) offsets(%dma_start3A_889 : memref<80xi32, #tpu.memory_space<vmem>>) semaphore(%arg22 : memref<!tpu.dma_semaphore, #tpu.memory_space<semaphore_mem>>) {add = true}
      %dma_wait3A_893 = arith.constant 2 : i32
      %dma_wait3A_894 = arith.constant 0 : i32
      %dma_wait3A_895 = tpu.memref_slice %arg13[%dma_wait3A_893, %dma_wait3A_894] : memref<5x80xi32, #tpu.memory_space<vmem>> -> memref<1x80xi32, #tpu.memory_space<vmem>>
      %dma_wait3A_896 = tpu.memref_squeeze %dma_wait3A_895 : memref<1x80xi32, #tpu.memory_space<vmem>> -> memref<80xi32, #tpu.memory_space<vmem>>
      %dma_wait3A_897 = arith.constant 0 : i32
      %dma_wait3A_898 = arith.constant 0 : i32
      %dma_wait3A_899 = tpu.memref_slice %arg9[%dma_wait3A_897, %dma_wait3A_898] : memref<10112x128xf32, #tpu.memory_space<vmem_shared>> -> memref<10112x128xf32, #tpu.memory_space<vmem_shared>>
      tpu.wait_indirect_dma semaphore(%arg20 : memref<!tpu.dma_semaphore, #tpu.memory_space<semaphore_mem>>) src(%arg15 : memref<80x128xf32, #tpu.memory_space<vmem>>) dst(%dma_wait3A_899 : memref<10112x128xf32, #tpu.memory_space<vmem_shared>>)
      %dma_wait3A_900 = arith.constant 2 : i32
      %dma_wait3A_901 = arith.constant 0 : i32
      %dma_wait3A_902 = tpu.memref_slice %arg13[%dma_wait3A_900, %dma_wait3A_901] : memref<5x80xi32, #tpu.memory_space<vmem>> -> memref<1x80xi32, #tpu.memory_space<vmem>>
      %dma_wait3A_903 = tpu.memref_squeeze %dma_wait3A_902 : memref<1x80xi32, #tpu.memory_space<vmem>> -> memref<80xi32, #tpu.memory_space<vmem>>
      %dma_wait3A_904 = arith.constant 0 : i32
      %dma_wait3A_905 = arith.constant 0 : i32
      %dma_wait3A_906 = tpu.memref_slice %arg10[%dma_wait3A_904, %dma_wait3A_905] : memref<10112x16xf32, #tpu.memory_space<vmem_shared>> -> memref<10112x16xf32, #tpu.memory_space<vmem_shared>>
      tpu.wait_indirect_dma semaphore(%arg22 : memref<!tpu.dma_semaphore, #tpu.memory_space<semaphore_mem>>) src(%arg17 : memref<80x16xf32, #tpu.memory_space<vmem>>) dst(%dma_wait3A_906 : memref<10112x16xf32, #tpu.memory_space<vmem_shared>>)
      %dma_start3A_907 = arith.constant 4 : i32
      %dma_start3A_908 = arith.constant 0 : i32
      %dma_start3A_909 = tpu.memref_slice %arg11[%dma_start3A_907, %dma_start3A_908] : memref<5x80xi32, #tpu.memory_space<vmem>> -> memref<1x80xi32, #tpu.memory_space<vmem>>
      %dma_start3A_910 = tpu.memref_squeeze %dma_start3A_909 : memref<1x80xi32, #tpu.memory_space<vmem>> -> memref<80xi32, #tpu.memory_space<vmem>>
      %dma_start3A_911 = arith.constant 0 : i32
      %dma_start3A_912 = arith.constant 0 : i32
      %dma_start3A_913 = tpu.memref_slice %arg3[%dma_start3A_911, %dma_start3A_912] : memref<10000x128xf32, #tpu.memory_space<hbm>> -> memref<10000x128xf32, #tpu.memory_space<hbm>>
      tpu.enqueue_indirect_dma source(%dma_start3A_913 : memref<10000x128xf32, #tpu.memory_space<hbm>>) target(%arg15 : memref<80x128xf32, #tpu.memory_space<vmem>>) offsets(%dma_start3A_910 : memref<80xi32, #tpu.memory_space<vmem>>) semaphore(%arg18 : memref<!tpu.dma_semaphore, #tpu.memory_space<semaphore_mem>>)
      %dma_wait3A_914 = arith.constant 3 : i32
      %dma_wait3A_915 = arith.constant 0 : i32
      %dma_wait3A_916 = tpu.memref_slice %arg11[%dma_wait3A_914, %dma_wait3A_915] : memref<5x80xi32, #tpu.memory_space<vmem>> -> memref<1x80xi32, #tpu.memory_space<vmem>>
      %dma_wait3A_917 = tpu.memref_squeeze %dma_wait3A_916 : memref<1x80xi32, #tpu.memory_space<vmem>> -> memref<80xi32, #tpu.memory_space<vmem>>
      %dma_wait3A_918 = arith.constant 0 : i32
      %dma_wait3A_919 = arith.constant 0 : i32
      %dma_wait3A_920 = tpu.memref_slice %arg3[%dma_wait3A_918, %dma_wait3A_919] : memref<10000x128xf32, #tpu.memory_space<hbm>> -> memref<10000x128xf32, #tpu.memory_space<hbm>>
      tpu.wait_indirect_dma semaphore(%arg19 : memref<!tpu.dma_semaphore, #tpu.memory_space<semaphore_mem>>) src(%dma_wait3A_920 : memref<10000x128xf32, #tpu.memory_space<hbm>>) dst(%arg16 : memref<80x128xf32, #tpu.memory_space<vmem>>)
      %dma_start3A_921 = arith.constant 3 : i32
      %dma_start3A_922 = arith.constant 0 : i32
      %dma_start3A_923 = tpu.memref_slice %arg13[%dma_start3A_921, %dma_start3A_922] : memref<5x80xi32, #tpu.memory_space<vmem>> -> memref<1x80xi32, #tpu.memory_space<vmem>>
      %dma_start3A_924 = tpu.memref_squeeze %dma_start3A_923 : memref<1x80xi32, #tpu.memory_space<vmem>> -> memref<80xi32, #tpu.memory_space<vmem>>
      %dma_start3A_925 = arith.constant 0 : i32
      %dma_start3A_926 = arith.constant 0 : i32
      %dma_start3A_927 = tpu.memref_slice %arg9[%dma_start3A_925, %dma_start3A_926] : memref<10112x128xf32, #tpu.memory_space<vmem_shared>> -> memref<10112x128xf32, #tpu.memory_space<vmem_shared>>
      tpu.enqueue_indirect_dma source(%arg16 : memref<80x128xf32, #tpu.memory_space<vmem>>) target(%dma_start3A_927 : memref<10112x128xf32, #tpu.memory_space<vmem_shared>>) offsets(%dma_start3A_924 : memref<80xi32, #tpu.memory_space<vmem>>) semaphore(%arg21 : memref<!tpu.dma_semaphore, #tpu.memory_space<semaphore_mem>>) {add = true}
      %dma_start3A_928 = arith.constant 3 : i32
      %dma_start3A_929 = arith.constant 0 : i32
      %dma_start3A_930 = tpu.memref_slice %arg13[%dma_start3A_928, %dma_start3A_929] : memref<5x80xi32, #tpu.memory_space<vmem>> -> memref<1x80xi32, #tpu.memory_space<vmem>>
      %dma_start3A_931 = tpu.memref_squeeze %dma_start3A_930 : memref<1x80xi32, #tpu.memory_space<vmem>> -> memref<80xi32, #tpu.memory_space<vmem>>
      %dma_start3A_932 = arith.constant 0 : i32
      %dma_start3A_933 = arith.constant 0 : i32
      %dma_start3A_934 = tpu.memref_slice %arg10[%dma_start3A_932, %dma_start3A_933] : memref<10112x16xf32, #tpu.memory_space<vmem_shared>> -> memref<10112x16xf32, #tpu.memory_space<vmem_shared>>
      tpu.enqueue_indirect_dma source(%arg17 : memref<80x16xf32, #tpu.memory_space<vmem>>) target(%dma_start3A_934 : memref<10112x16xf32, #tpu.memory_space<vmem_shared>>) offsets(%dma_start3A_931 : memref<80xi32, #tpu.memory_space<vmem>>) semaphore(%arg23 : memref<!tpu.dma_semaphore, #tpu.memory_space<semaphore_mem>>) {add = true}
      %dma_wait3A_935 = arith.constant 3 : i32
      %dma_wait3A_936 = arith.constant 0 : i32
      %dma_wait3A_937 = tpu.memref_slice %arg13[%dma_wait3A_935, %dma_wait3A_936] : memref<5x80xi32, #tpu.memory_space<vmem>> -> memref<1x80xi32, #tpu.memory_space<vmem>>
      %dma_wait3A_938 = tpu.memref_squeeze %dma_wait3A_937 : memref<1x80xi32, #tpu.memory_space<vmem>> -> memref<80xi32, #tpu.memory_space<vmem>>
      %dma_wait3A_939 = arith.constant 0 : i32
      %dma_wait3A_940 = arith.constant 0 : i32
      %dma_wait3A_941 = tpu.memref_slice %arg9[%dma_wait3A_939, %dma_wait3A_940] : memref<10112x128xf32, #tpu.memory_space<vmem_shared>> -> memref<10112x128xf32, #tpu.memory_space<vmem_shared>>
      tpu.wait_indirect_dma semaphore(%arg21 : memref<!tpu.dma_semaphore, #tpu.memory_space<semaphore_mem>>) src(%arg16 : memref<80x128xf32, #tpu.memory_space<vmem>>) dst(%dma_wait3A_941 : memref<10112x128xf32, #tpu.memory_space<vmem_shared>>)
      %dma_wait3A_942 = arith.constant 3 : i32
      %dma_wait3A_943 = arith.constant 0 : i32
      %dma_wait3A_944 = tpu.memref_slice %arg13[%dma_wait3A_942, %dma_wait3A_943] : memref<5x80xi32, #tpu.memory_space<vmem>> -> memref<1x80xi32, #tpu.memory_space<vmem>>
      %dma_wait3A_945 = tpu.memref_squeeze %dma_wait3A_944 : memref<1x80xi32, #tpu.memory_space<vmem>> -> memref<80xi32, #tpu.memory_space<vmem>>
      %dma_wait3A_946 = arith.constant 0 : i32
      %dma_wait3A_947 = arith.constant 0 : i32
      %dma_wait3A_948 = tpu.memref_slice %arg10[%dma_wait3A_946, %dma_wait3A_947] : memref<10112x16xf32, #tpu.memory_space<vmem_shared>> -> memref<10112x16xf32, #tpu.memory_space<vmem_shared>>
      tpu.wait_indirect_dma semaphore(%arg23 : memref<!tpu.dma_semaphore, #tpu.memory_space<semaphore_mem>>) src(%arg17 : memref<80x16xf32, #tpu.memory_space<vmem>>) dst(%dma_wait3A_948 : memref<10112x16xf32, #tpu.memory_space<vmem_shared>>)
      %dma_wait3A_949 = arith.constant 0 : i32
      %dma_wait3A_950 = arith.constant 0 : i32
      %dma_wait3A_951 = arith.constant 0 : i32
      %dma_wait3A_952 = arith.constant 0 : i32
      %dma_wait3A_953 = tpu.memref_slice %arg2[%dma_wait3A_949, %add3A, %dma_wait3A_950, %dma_wait3A_951, %dma_wait3A_952] : memref<2x32x25x5x80xi32, #tpu.memory_space<hbm>> -> memref<1x1x1x5x80xi32, #tpu.memory_space<hbm>>
      %dma_wait3A_954 = tpu.memref_squeeze %dma_wait3A_953 : memref<1x1x1x5x80xi32, #tpu.memory_space<hbm>> -> memref<5x80xi32, #tpu.memory_space<hbm>>
      %dma_wait3A_955 = arith.constant 0 : i32
      %dma_wait3A_956 = arith.constant 0 : i32
      %dma_wait3A_957 = tpu.memref_slice %arg2[%dma_wait3A_949, %add3A, %dma_wait3A_950, %dma_wait3A_955, %dma_wait3A_956] : memref<2x32x25x5x80xi32, #tpu.memory_space<hbm>> -> memref<1x1x1x5x80xi32, #tpu.memory_space<hbm>>
      %dma_wait3A_958 = tpu.memref_squeeze %dma_wait3A_957 : memref<1x1x1x5x80xi32, #tpu.memory_space<hbm>> -> memref<5x80xi32, #tpu.memory_space<hbm>>
      tpu.wait_dma2 semaphore(%arg27 : memref<!tpu.dma_semaphore, #tpu.memory_space<semaphore_mem>>) src(%dma_wait3A_958 : memref<5x80xi32, #tpu.memory_space<hbm>>) dst(%arg12 : memref<5x80xi32, #tpu.memory_space<vmem>>)
      %dma_wait3A_959 = arith.constant 1 : i32
      %dma_wait3A_960 = arith.constant 0 : i32
      %dma_wait3A_961 = arith.constant 0 : i32
      %dma_wait3A_962 = arith.constant 0 : i32
      %dma_wait3A_963 = tpu.memref_slice %arg2[%dma_wait3A_959, %add3A, %dma_wait3A_960, %dma_wait3A_961, %dma_wait3A_962] : memref<2x32x25x5x80xi32, #tpu.memory_space<hbm>> -> memref<1x1x1x5x80xi32, #tpu.memory_space<hbm>>
      %dma_wait3A_964 = tpu.memref_squeeze %dma_wait3A_963 : memref<1x1x1x5x80xi32, #tpu.memory_space<hbm>> -> memref<5x80xi32, #tpu.memory_space<hbm>>
      %dma_wait3A_965 = arith.constant 0 : i32
      %dma_wait3A_966 = arith.constant 0 : i32
      %dma_wait3A_967 = tpu.memref_slice %arg2[%dma_wait3A_959, %add3A, %dma_wait3A_960, %dma_wait3A_965, %dma_wait3A_966] : memref<2x32x25x5x80xi32, #tpu.memory_space<hbm>> -> memref<1x1x1x5x80xi32, #tpu.memory_space<hbm>>
      %dma_wait3A_968 = tpu.memref_squeeze %dma_wait3A_967 : memref<1x1x1x5x80xi32, #tpu.memory_space<hbm>> -> memref<5x80xi32, #tpu.memory_space<hbm>>
      tpu.wait_dma2 semaphore(%arg27 : memref<!tpu.dma_semaphore, #tpu.memory_space<semaphore_mem>>) src(%dma_wait3A_968 : memref<5x80xi32, #tpu.memory_space<hbm>>) dst(%arg14 : memref<5x80xi32, #tpu.memory_space<vmem>>)
      %dma_start3A_969 = arith.constant 0 : i32
      %dma_start3A_970 = arith.constant 0 : i32
      %dma_start3A_971 = tpu.memref_slice %arg12[%dma_start3A_969, %dma_start3A_970] : memref<5x80xi32, #tpu.memory_space<vmem>> -> memref<1x80xi32, #tpu.memory_space<vmem>>
      %dma_start3A_972 = tpu.memref_squeeze %dma_start3A_971 : memref<1x80xi32, #tpu.memory_space<vmem>> -> memref<80xi32, #tpu.memory_space<vmem>>
      %dma_start3A_973 = arith.constant 0 : i32
      %dma_start3A_974 = arith.constant 0 : i32
      %dma_start3A_975 = tpu.memref_slice %arg3[%dma_start3A_973, %dma_start3A_974] : memref<10000x128xf32, #tpu.memory_space<hbm>> -> memref<10000x128xf32, #tpu.memory_space<hbm>>
      tpu.enqueue_indirect_dma source(%dma_start3A_975 : memref<10000x128xf32, #tpu.memory_space<hbm>>) target(%arg16 : memref<80x128xf32, #tpu.memory_space<vmem>>) offsets(%dma_start3A_972 : memref<80xi32, #tpu.memory_space<vmem>>) semaphore(%arg19 : memref<!tpu.dma_semaphore, #tpu.memory_space<semaphore_mem>>)
      %dma_wait3A_976 = arith.constant 4 : i32
      %dma_wait3A_977 = arith.constant 0 : i32
      %dma_wait3A_978 = tpu.memref_slice %arg11[%dma_wait3A_976, %dma_wait3A_977] : memref<5x80xi32, #tpu.memory_space<vmem>> -> memref<1x80xi32, #tpu.memory_space<vmem>>
      %dma_wait3A_979 = tpu.memref_squeeze %dma_wait3A_978 : memref<1x80xi32, #tpu.memory_space<vmem>> -> memref<80xi32, #tpu.memory_space<vmem>>
      %dma_wait3A_980 = arith.constant 0 : i32
      %dma_wait3A_981 = arith.constant 0 : i32
      %dma_wait3A_982 = tpu.memref_slice %arg3[%dma_wait3A_980, %dma_wait3A_981] : memref<10000x128xf32, #tpu.memory_space<hbm>> -> memref<10000x128xf32, #tpu.memory_space<hbm>>
      tpu.wait_indirect_dma semaphore(%arg18 : memref<!tpu.dma_semaphore, #tpu.memory_space<semaphore_mem>>) src(%dma_wait3A_982 : memref<10000x128xf32, #tpu.memory_space<hbm>>) dst(%arg15 : memref<80x128xf32, #tpu.memory_space<vmem>>)
      %dma_start3A_983 = arith.constant 4 : i32
      %dma_start3A_984 = arith.constant 0 : i32
      %dma_start3A_985 = tpu.memref_slice %arg13[%dma_start3A_983, %dma_start3A_984] : memref<5x80xi32, #tpu.memory_space<vmem>> -> memref<1x80xi32, #tpu.memory_space<vmem>>
      %dma_start3A_986 = tpu.memref_squeeze %dma_start3A_985 : memref<1x80xi32, #tpu.memory_space<vmem>> -> memref<80xi32, #tpu.memory_space<vmem>>
      %dma_start3A_987 = arith.constant 0 : i32
      %dma_start3A_988 = arith.constant 0 : i32
      %dma_start3A_989 = tpu.memref_slice %arg9[%dma_start3A_987, %dma_start3A_988] : memref<10112x128xf32, #tpu.memory_space<vmem_shared>> -> memref<10112x128xf32, #tpu.memory_space<vmem_shared>>
      tpu.enqueue_indirect_dma source(%arg15 : memref<80x128xf32, #tpu.memory_space<vmem>>) target(%dma_start3A_989 : memref<10112x128xf32, #tpu.memory_space<vmem_shared>>) offsets(%dma_start3A_986 : memref<80xi32, #tpu.memory_space<vmem>>) semaphore(%arg20 : memref<!tpu.dma_semaphore, #tpu.memory_space<semaphore_mem>>) {add = true}
      %dma_start3A_990 = arith.constant 4 : i32
      %dma_start3A_991 = arith.constant 0 : i32
      %dma_start3A_992 = tpu.memref_slice %arg13[%dma_start3A_990, %dma_start3A_991] : memref<5x80xi32, #tpu.memory_space<vmem>> -> memref<1x80xi32, #tpu.memory_space<vmem>>
      %dma_start3A_993 = tpu.memref_squeeze %dma_start3A_992 : memref<1x80xi32, #tpu.memory_space<vmem>> -> memref<80xi32, #tpu.memory_space<vmem>>
      %dma_start3A_994 = arith.constant 0 : i32
      %dma_start3A_995 = arith.constant 0 : i32
      %dma_start3A_996 = tpu.memref_slice %arg10[%dma_start3A_994, %dma_start3A_995] : memref<10112x16xf32, #tpu.memory_space<vmem_shared>> -> memref<10112x16xf32, #tpu.memory_space<vmem_shared>>
      tpu.enqueue_indirect_dma source(%arg17 : memref<80x16xf32, #tpu.memory_space<vmem>>) target(%dma_start3A_996 : memref<10112x16xf32, #tpu.memory_space<vmem_shared>>) offsets(%dma_start3A_993 : memref<80xi32, #tpu.memory_space<vmem>>) semaphore(%arg22 : memref<!tpu.dma_semaphore, #tpu.memory_space<semaphore_mem>>) {add = true}
      %dma_wait3A_997 = arith.constant 4 : i32
      %dma_wait3A_998 = arith.constant 0 : i32
      %dma_wait3A_999 = tpu.memref_slice %arg13[%dma_wait3A_997, %dma_wait3A_998] : memref<5x80xi32, #tpu.memory_space<vmem>> -> memref<1x80xi32, #tpu.memory_space<vmem>>
      %dma_wait3A_1000 = tpu.memref_squeeze %dma_wait3A_999 : memref<1x80xi32, #tpu.memory_space<vmem>> -> memref<80xi32, #tpu.memory_space<vmem>>
      %dma_wait3A_1001 = arith.constant 0 : i32
      %dma_wait3A_1002 = arith.constant 0 : i32
      %dma_wait3A_1003 = tpu.memref_slice %arg9[%dma_wait3A_1001, %dma_wait3A_1002] : memref<10112x128xf32, #tpu.memory_space<vmem_shared>> -> memref<10112x128xf32, #tpu.memory_space<vmem_shared>>
      tpu.wait_indirect_dma semaphore(%arg20 : memref<!tpu.dma_semaphore, #tpu.memory_space<semaphore_mem>>) src(%arg15 : memref<80x128xf32, #tpu.memory_space<vmem>>) dst(%dma_wait3A_1003 : memref<10112x128xf32, #tpu.memory_space<vmem_shared>>)
      %dma_wait3A_1004 = arith.constant 4 : i32
      %dma_wait3A_1005 = arith.constant 0 : i32
      %dma_wait3A_1006 = tpu.memref_slice %arg13[%dma_wait3A_1004, %dma_wait3A_1005] : memref<5x80xi32, #tpu.memory_space<vmem>> -> memref<1x80xi32, #tpu.memory_space<vmem>>
      %dma_wait3A_1007 = tpu.memref_squeeze %dma_wait3A_1006 : memref<1x80xi32, #tpu.memory_space<vmem>> -> memref<80xi32, #tpu.memory_space<vmem>>
      %dma_wait3A_1008 = arith.constant 0 : i32
      %dma_wait3A_1009 = arith.constant 0 : i32
      %dma_wait3A_1010 = tpu.memref_slice %arg10[%dma_wait3A_1008, %dma_wait3A_1009] : memref<10112x16xf32, #tpu.memory_space<vmem_shared>> -> memref<10112x16xf32, #tpu.memory_space<vmem_shared>>
      tpu.wait_indirect_dma semaphore(%arg22 : memref<!tpu.dma_semaphore, #tpu.memory_space<semaphore_mem>>) src(%arg17 : memref<80x16xf32, #tpu.memory_space<vmem>>) dst(%dma_wait3A_1010 : memref<10112x16xf32, #tpu.memory_space<vmem_shared>>)
      %mul3A_1011 = arith.constant 2 : i32
      %mul3A_1012 = arith.muli %mul3A_1011, %scan3A_849 : i32
      %add3A_1013 = arith.constant 2 : i32
      %add3A_1014 = arith.addi %mul3A_1012, %add3A_1013 : i32
      %dma_start3A_1015 = arith.constant 0 : i32
      %dma_start3A_1016 = arith.constant 0 : i32
      %dma_start3A_1017 = arith.constant 0 : i32
      %dma_start3A_1018 = tpu.memref_slice %arg2[%dma_start3A_1015, %add3A, %add3A_1014, %dma_start3A_1016, %dma_start3A_1017] : memref<2x32x25x5x80xi32, #tpu.memory_space<hbm>> -> memref<1x1x1x5x80xi32, #tpu.memory_space<hbm>>
      %dma_start3A_1019 = tpu.memref_squeeze %dma_start3A_1018 : memref<1x1x1x5x80xi32, #tpu.memory_space<hbm>> -> memref<5x80xi32, #tpu.memory_space<hbm>>
      %dma_start3A_1020 = arith.constant 0 : i32
      %dma_start3A_1021 = arith.constant 0 : i32
      %dma_start3A_1022 = tpu.memref_slice %arg2[%dma_start3A_1015, %add3A, %add3A_1014, %dma_start3A_1020, %dma_start3A_1021] : memref<2x32x25x5x80xi32, #tpu.memory_space<hbm>> -> memref<1x1x1x5x80xi32, #tpu.memory_space<hbm>>
      %dma_start3A_1023 = tpu.memref_squeeze %dma_start3A_1022 : memref<1x1x1x5x80xi32, #tpu.memory_space<hbm>> -> memref<5x80xi32, #tpu.memory_space<hbm>>
      tpu.enqueue_dma source(%dma_start3A_1023 : memref<5x80xi32, #tpu.memory_space<hbm>>) target(%arg11 : memref<5x80xi32, #tpu.memory_space<vmem>>) target_semaphore(%arg26 : memref<!tpu.dma_semaphore, #tpu.memory_space<semaphore_mem>>)
      %dma_start3A_1024 = arith.constant 1 : i32
      %dma_start3A_1025 = arith.constant 0 : i32
      %dma_start3A_1026 = arith.constant 0 : i32
      %dma_start3A_1027 = tpu.memref_slice %arg2[%dma_start3A_1024, %add3A, %add3A_1014, %dma_start3A_1025, %dma_start3A_1026] : memref<2x32x25x5x80xi32, #tpu.memory_space<hbm>> -> memref<1x1x1x5x80xi32, #tpu.memory_space<hbm>>
      %dma_start3A_1028 = tpu.memref_squeeze %dma_start3A_1027 : memref<1x1x1x5x80xi32, #tpu.memory_space<hbm>> -> memref<5x80xi32, #tpu.memory_space<hbm>>
      %dma_start3A_1029 = arith.constant 0 : i32
      %dma_start3A_1030 = arith.constant 0 : i32
      %dma_start3A_1031 = tpu.memref_slice %arg2[%dma_start3A_1024, %add3A, %add3A_1014, %dma_start3A_1029, %dma_start3A_1030] : memref<2x32x25x5x80xi32, #tpu.memory_space<hbm>> -> memref<1x1x1x5x80xi32, #tpu.memory_space<hbm>>
      %dma_start3A_1032 = tpu.memref_squeeze %dma_start3A_1031 : memref<1x1x1x5x80xi32, #tpu.memory_space<hbm>> -> memref<5x80xi32, #tpu.memory_space<hbm>>
      tpu.enqueue_dma source(%dma_start3A_1032 : memref<5x80xi32, #tpu.memory_space<hbm>>) target(%arg13 : memref<5x80xi32, #tpu.memory_space<vmem>>) target_semaphore(%arg26 : memref<!tpu.dma_semaphore, #tpu.memory_space<semaphore_mem>>)
      %dma_start3A_1033 = arith.constant 1 : i32
      %dma_start3A_1034 = arith.constant 0 : i32
      %dma_start3A_1035 = tpu.memref_slice %arg12[%dma_start3A_1033, %dma_start3A_1034] : memref<5x80xi32, #tpu.memory_space<vmem>> -> memref<1x80xi32, #tpu.memory_space<vmem>>
      %dma_start3A_1036 = tpu.memref_squeeze %dma_start3A_1035 : memref<1x80xi32, #tpu.memory_space<vmem>> -> memref<80xi32, #tpu.memory_space<vmem>>
      %dma_start3A_1037 = arith.constant 0 : i32
      %dma_start3A_1038 = arith.constant 0 : i32
      %dma_start3A_1039 = tpu.memref_slice %arg3[%dma_start3A_1037, %dma_start3A_1038] : memref<10000x128xf32, #tpu.memory_space<hbm>> -> memref<10000x128xf32, #tpu.memory_space<hbm>>
      tpu.enqueue_indirect_dma source(%dma_start3A_1039 : memref<10000x128xf32, #tpu.memory_space<hbm>>) target(%arg15 : memref<80x128xf32, #tpu.memory_space<vmem>>) offsets(%dma_start3A_1036 : memref<80xi32, #tpu.memory_space<vmem>>) semaphore(%arg18 : memref<!tpu.dma_semaphore, #tpu.memory_space<semaphore_mem>>)
      %dma_wait3A_1040 = arith.constant 0 : i32
      %dma_wait3A_1041 = arith.constant 0 : i32
      %dma_wait3A_1042 = tpu.memref_slice %arg12[%dma_wait3A_1040, %dma_wait3A_1041] : memref<5x80xi32, #tpu.memory_space<vmem>> -> memref<1x80xi32, #tpu.memory_space<vmem>>
      %dma_wait3A_1043 = tpu.memref_squeeze %dma_wait3A_1042 : memref<1x80xi32, #tpu.memory_space<vmem>> -> memref<80xi32, #tpu.memory_space<vmem>>
      %dma_wait3A_1044 = arith.constant 0 : i32
      %dma_wait3A_1045 = arith.constant 0 : i32
      %dma_wait3A_1046 = tpu.memref_slice %arg3[%dma_wait3A_1044, %dma_wait3A_1045] : memref<10000x128xf32, #tpu.memory_space<hbm>> -> memref<10000x128xf32, #tpu.memory_space<hbm>>
      tpu.wait_indirect_dma semaphore(%arg19 : memref<!tpu.dma_semaphore, #tpu.memory_space<semaphore_mem>>) src(%dma_wait3A_1046 : memref<10000x128xf32, #tpu.memory_space<hbm>>) dst(%arg16 : memref<80x128xf32, #tpu.memory_space<vmem>>)
      %dma_start3A_1047 = arith.constant 0 : i32
      %dma_start3A_1048 = arith.constant 0 : i32
      %dma_start3A_1049 = tpu.memref_slice %arg14[%dma_start3A_1047, %dma_start3A_1048] : memref<5x80xi32, #tpu.memory_space<vmem>> -> memref<1x80xi32, #tpu.memory_space<vmem>>
      %dma_start3A_1050 = tpu.memref_squeeze %dma_start3A_1049 : memref<1x80xi32, #tpu.memory_space<vmem>> -> memref<80xi32, #tpu.memory_space<vmem>>
      %dma_start3A_1051 = arith.constant 0 : i32
      %dma_start3A_1052 = arith.constant 0 : i32
      %dma_start3A_1053 = tpu.memref_slice %arg9[%dma_start3A_1051, %dma_start3A_1052] : memref<10112x128xf32, #tpu.memory_space<vmem_shared>> -> memref<10112x128xf32, #tpu.memory_space<vmem_shared>>
      tpu.enqueue_indirect_dma source(%arg16 : memref<80x128xf32, #tpu.memory_space<vmem>>) target(%dma_start3A_1053 : memref<10112x128xf32, #tpu.memory_space<vmem_shared>>) offsets(%dma_start3A_1050 : memref<80xi32, #tpu.memory_space<vmem>>) semaphore(%arg21 : memref<!tpu.dma_semaphore, #tpu.memory_space<semaphore_mem>>) {add = true}
      %dma_start3A_1054 = arith.constant 0 : i32
      %dma_start3A_1055 = arith.constant 0 : i32
      %dma_start3A_1056 = tpu.memref_slice %arg14[%dma_start3A_1054, %dma_start3A_1055] : memref<5x80xi32, #tpu.memory_space<vmem>> -> memref<1x80xi32, #tpu.memory_space<vmem>>
      %dma_start3A_1057 = tpu.memref_squeeze %dma_start3A_1056 : memref<1x80xi32, #tpu.memory_space<vmem>> -> memref<80xi32, #tpu.memory_space<vmem>>
      %dma_start3A_1058 = arith.constant 0 : i32
      %dma_start3A_1059 = arith.constant 0 : i32
      %dma_start3A_1060 = tpu.memref_slice %arg10[%dma_start3A_1058, %dma_start3A_1059] : memref<10112x16xf32, #tpu.memory_space<vmem_shared>> -> memref<10112x16xf32, #tpu.memory_space<vmem_shared>>
      tpu.enqueue_indirect_dma source(%arg17 : memref<80x16xf32, #tpu.memory_space<vmem>>) target(%dma_start3A_1060 : memref<10112x16xf32, #tpu.memory_space<vmem_shared>>) offsets(%dma_start3A_1057 : memref<80xi32, #tpu.memory_space<vmem>>) semaphore(%arg23 : memref<!tpu.dma_semaphore, #tpu.memory_space<semaphore_mem>>) {add = true}
      %dma_wait3A_1061 = arith.constant 0 : i32
      %dma_wait3A_1062 = arith.constant 0 : i32
      %dma_wait3A_1063 = tpu.memref_slice %arg14[%dma_wait3A_1061, %dma_wait3A_1062] : memref<5x80xi32, #tpu.memory_space<vmem>> -> memref<1x80xi32, #tpu.memory_space<vmem>>
      %dma_wait3A_1064 = tpu.memref_squeeze %dma_wait3A_1063 : memref<1x80xi32, #tpu.memory_space<vmem>> -> memref<80xi32, #tpu.memory_space<vmem>>
      %dma_wait3A_1065 = arith.constant 0 : i32
      %dma_wait3A_1066 = arith.constant 0 : i32
      %dma_wait3A_1067 = tpu.memref_slice %arg9[%dma_wait3A_1065, %dma_wait3A_1066] : memref<10112x128xf32, #tpu.memory_space<vmem_shared>> -> memref<10112x128xf32, #tpu.memory_space<vmem_shared>>
      tpu.wait_indirect_dma semaphore(%arg21 : memref<!tpu.dma_semaphore, #tpu.memory_space<semaphore_mem>>) src(%arg16 : memref<80x128xf32, #tpu.memory_space<vmem>>) dst(%dma_wait3A_1067 : memref<10112x128xf32, #tpu.memory_space<vmem_shared>>)
      %dma_wait3A_1068 = arith.constant 0 : i32
      %dma_wait3A_1069 = arith.constant 0 : i32
      %dma_wait3A_1070 = tpu.memref_slice %arg14[%dma_wait3A_1068, %dma_wait3A_1069] : memref<5x80xi32, #tpu.memory_space<vmem>> -> memref<1x80xi32, #tpu.memory_space<vmem>>
      %dma_wait3A_1071 = tpu.memref_squeeze %dma_wait3A_1070 : memref<1x80xi32, #tpu.memory_space<vmem>> -> memref<80xi32, #tpu.memory_space<vmem>>
      %dma_wait3A_1072 = arith.constant 0 : i32
      %dma_wait3A_1073 = arith.constant 0 : i32
      %dma_wait3A_1074 = tpu.memref_slice %arg10[%dma_wait3A_1072, %dma_wait3A_1073] : memref<10112x16xf32, #tpu.memory_space<vmem_shared>> -> memref<10112x16xf32, #tpu.memory_space<vmem_shared>>
      tpu.wait_indirect_dma semaphore(%arg23 : memref<!tpu.dma_semaphore, #tpu.memory_space<semaphore_mem>>) src(%arg17 : memref<80x16xf32, #tpu.memory_space<vmem>>) dst(%dma_wait3A_1074 : memref<10112x16xf32, #tpu.memory_space<vmem_shared>>)
      %dma_start3A_1075 = arith.constant 2 : i32
      %dma_start3A_1076 = arith.constant 0 : i32
      %dma_start3A_1077 = tpu.memref_slice %arg12[%dma_start3A_1075, %dma_start3A_1076] : memref<5x80xi32, #tpu.memory_space<vmem>> -> memref<1x80xi32, #tpu.memory_space<vmem>>
      %dma_start3A_1078 = tpu.memref_squeeze %dma_start3A_1077 : memref<1x80xi32, #tpu.memory_space<vmem>> -> memref<80xi32, #tpu.memory_space<vmem>>
      %dma_start3A_1079 = arith.constant 0 : i32
      %dma_start3A_1080 = arith.constant 0 : i32
      %dma_start3A_1081 = tpu.memref_slice %arg3[%dma_start3A_1079, %dma_start3A_1080] : memref<10000x128xf32, #tpu.memory_space<hbm>> -> memref<10000x128xf32, #tpu.memory_space<hbm>>
      tpu.enqueue_indirect_dma source(%dma_start3A_1081 : memref<10000x128xf32, #tpu.memory_space<hbm>>) target(%arg16 : memref<80x128xf32, #tpu.memory_space<vmem>>) offsets(%dma_start3A_1078 : memref<80xi32, #tpu.memory_space<vmem>>) semaphore(%arg19 : memref<!tpu.dma_semaphore, #tpu.memory_space<semaphore_mem>>)
      %dma_wait3A_1082 = arith.constant 1 : i32
      %dma_wait3A_1083 = arith.constant 0 : i32
      %dma_wait3A_1084 = tpu.memref_slice %arg12[%dma_wait3A_1082, %dma_wait3A_1083] : memref<5x80xi32, #tpu.memory_space<vmem>> -> memref<1x80xi32, #tpu.memory_space<vmem>>
      %dma_wait3A_1085 = tpu.memref_squeeze %dma_wait3A_1084 : memref<1x80xi32, #tpu.memory_space<vmem>> -> memref<80xi32, #tpu.memory_space<vmem>>
      %dma_wait3A_1086 = arith.constant 0 : i32
      %dma_wait3A_1087 = arith.constant 0 : i32
      %dma_wait3A_1088 = tpu.memref_slice %arg3[%dma_wait3A_1086, %dma_wait3A_1087] : memref<10000x128xf32, #tpu.memory_space<hbm>> -> memref<10000x128xf32, #tpu.memory_space<hbm>>
      tpu.wait_indirect_dma semaphore(%arg18 : memref<!tpu.dma_semaphore, #tpu.memory_space<semaphore_mem>>) src(%dma_wait3A_1088 : memref<10000x128xf32, #tpu.memory_space<hbm>>) dst(%arg15 : memref<80x128xf32, #tpu.memory_space<vmem>>)
      %dma_start3A_1089 = arith.constant 1 : i32
      %dma_start3A_1090 = arith.constant 0 : i32
      %dma_start3A_1091 = tpu.memref_slice %arg14[%dma_start3A_1089, %dma_start3A_1090] : memref<5x80xi32, #tpu.memory_space<vmem>> -> memref<1x80xi32, #tpu.memory_space<vmem>>
      %dma_start3A_1092 = tpu.memref_squeeze %dma_start3A_1091 : memref<1x80xi32, #tpu.memory_space<vmem>> -> memref<80xi32, #tpu.memory_space<vmem>>
      %dma_start3A_1093 = arith.constant 0 : i32
      %dma_start3A_1094 = arith.constant 0 : i32
      %dma_start3A_1095 = tpu.memref_slice %arg9[%dma_start3A_1093, %dma_start3A_1094] : memref<10112x128xf32, #tpu.memory_space<vmem_shared>> -> memref<10112x128xf32, #tpu.memory_space<vmem_shared>>
      tpu.enqueue_indirect_dma source(%arg15 : memref<80x128xf32, #tpu.memory_space<vmem>>) target(%dma_start3A_1095 : memref<10112x128xf32, #tpu.memory_space<vmem_shared>>) offsets(%dma_start3A_1092 : memref<80xi32, #tpu.memory_space<vmem>>) semaphore(%arg20 : memref<!tpu.dma_semaphore, #tpu.memory_space<semaphore_mem>>) {add = true}
      %dma_start3A_1096 = arith.constant 1 : i32
      %dma_start3A_1097 = arith.constant 0 : i32
      %dma_start3A_1098 = tpu.memref_slice %arg14[%dma_start3A_1096, %dma_start3A_1097] : memref<5x80xi32, #tpu.memory_space<vmem>> -> memref<1x80xi32, #tpu.memory_space<vmem>>
      %dma_start3A_1099 = tpu.memref_squeeze %dma_start3A_1098 : memref<1x80xi32, #tpu.memory_space<vmem>> -> memref<80xi32, #tpu.memory_space<vmem>>
      %dma_start3A_1100 = arith.constant 0 : i32
      %dma_start3A_1101 = arith.constant 0 : i32
      %dma_start3A_1102 = tpu.memref_slice %arg10[%dma_start3A_1100, %dma_start3A_1101] : memref<10112x16xf32, #tpu.memory_space<vmem_shared>> -> memref<10112x16xf32, #tpu.memory_space<vmem_shared>>
      tpu.enqueue_indirect_dma source(%arg17 : memref<80x16xf32, #tpu.memory_space<vmem>>) target(%dma_start3A_1102 : memref<10112x16xf32, #tpu.memory_space<vmem_shared>>) offsets(%dma_start3A_1099 : memref<80xi32, #tpu.memory_space<vmem>>) semaphore(%arg22 : memref<!tpu.dma_semaphore, #tpu.memory_space<semaphore_mem>>) {add = true}
      %dma_wait3A_1103 = arith.constant 1 : i32
      %dma_wait3A_1104 = arith.constant 0 : i32
      %dma_wait3A_1105 = tpu.memref_slice %arg14[%dma_wait3A_1103, %dma_wait3A_1104] : memref<5x80xi32, #tpu.memory_space<vmem>> -> memref<1x80xi32, #tpu.memory_space<vmem>>
      %dma_wait3A_1106 = tpu.memref_squeeze %dma_wait3A_1105 : memref<1x80xi32, #tpu.memory_space<vmem>> -> memref<80xi32, #tpu.memory_space<vmem>>
      %dma_wait3A_1107 = arith.constant 0 : i32
      %dma_wait3A_1108 = arith.constant 0 : i32
      %dma_wait3A_1109 = tpu.memref_slice %arg9[%dma_wait3A_1107, %dma_wait3A_1108] : memref<10112x128xf32, #tpu.memory_space<vmem_shared>> -> memref<10112x128xf32, #tpu.memory_space<vmem_shared>>
      tpu.wait_indirect_dma semaphore(%arg20 : memref<!tpu.dma_semaphore, #tpu.memory_space<semaphore_mem>>) src(%arg15 : memref<80x128xf32, #tpu.memory_space<vmem>>) dst(%dma_wait3A_1109 : memref<10112x128xf32, #tpu.memory_space<vmem_shared>>)
      %dma_wait3A_1110 = arith.constant 1 : i32
      %dma_wait3A_1111 = arith.constant 0 : i32
      %dma_wait3A_1112 = tpu.memref_slice %arg14[%dma_wait3A_1110, %dma_wait3A_1111] : memref<5x80xi32, #tpu.memory_space<vmem>> -> memref<1x80xi32, #tpu.memory_space<vmem>>
      %dma_wait3A_1113 = tpu.memref_squeeze %dma_wait3A_1112 : memref<1x80xi32, #tpu.memory_space<vmem>> -> memref<80xi32, #tpu.memory_space<vmem>>
      %dma_wait3A_1114 = arith.constant 0 : i32
      %dma_wait3A_1115 = arith.constant 0 : i32
      %dma_wait3A_1116 = tpu.memref_slice %arg10[%dma_wait3A_1114, %dma_wait3A_1115] : memref<10112x16xf32, #tpu.memory_space<vmem_shared>> -> memref<10112x16xf32, #tpu.memory_space<vmem_shared>>
      tpu.wait_indirect_dma semaphore(%arg22 : memref<!tpu.dma_semaphore, #tpu.memory_space<semaphore_mem>>) src(%arg17 : memref<80x16xf32, #tpu.memory_space<vmem>>) dst(%dma_wait3A_1116 : memref<10112x16xf32, #tpu.memory_space<vmem_shared>>)
      %dma_start3A_1117 = arith.constant 3 : i32
      %dma_start3A_1118 = arith.constant 0 : i32
      %dma_start3A_1119 = tpu.memref_slice %arg12[%dma_start3A_1117, %dma_start3A_1118] : memref<5x80xi32, #tpu.memory_space<vmem>> -> memref<1x80xi32, #tpu.memory_space<vmem>>
      %dma_start3A_1120 = tpu.memref_squeeze %dma_start3A_1119 : memref<1x80xi32, #tpu.memory_space<vmem>> -> memref<80xi32, #tpu.memory_space<vmem>>
      %dma_start3A_1121 = arith.constant 0 : i32
      %dma_start3A_1122 = arith.constant 0 : i32
      %dma_start3A_1123 = tpu.memref_slice %arg3[%dma_start3A_1121, %dma_start3A_1122] : memref<10000x128xf32, #tpu.memory_space<hbm>> -> memref<10000x128xf32, #tpu.memory_space<hbm>>
      tpu.enqueue_indirect_dma source(%dma_start3A_1123 : memref<10000x128xf32, #tpu.memory_space<hbm>>) target(%arg15 : memref<80x128xf32, #tpu.memory_space<vmem>>) offsets(%dma_start3A_1120 : memref<80xi32, #tpu.memory_space<vmem>>) semaphore(%arg18 : memref<!tpu.dma_semaphore, #tpu.memory_space<semaphore_mem>>)
      %dma_wait3A_1124 = arith.constant 2 : i32
      %dma_wait3A_1125 = arith.constant 0 : i32
      %dma_wait3A_1126 = tpu.memref_slice %arg12[%dma_wait3A_1124, %dma_wait3A_1125] : memref<5x80xi32, #tpu.memory_space<vmem>> -> memref<1x80xi32, #tpu.memory_space<vmem>>
      %dma_wait3A_1127 = tpu.memref_squeeze %dma_wait3A_1126 : memref<1x80xi32, #tpu.memory_space<vmem>> -> memref<80xi32, #tpu.memory_space<vmem>>
      %dma_wait3A_1128 = arith.constant 0 : i32
      %dma_wait3A_1129 = arith.constant 0 : i32
      %dma_wait3A_1130 = tpu.memref_slice %arg3[%dma_wait3A_1128, %dma_wait3A_1129] : memref<10000x128xf32, #tpu.memory_space<hbm>> -> memref<10000x128xf32, #tpu.memory_space<hbm>>
      tpu.wait_indirect_dma semaphore(%arg19 : memref<!tpu.dma_semaphore, #tpu.memory_space<semaphore_mem>>) src(%dma_wait3A_1130 : memref<10000x128xf32, #tpu.memory_space<hbm>>) dst(%arg16 : memref<80x128xf32, #tpu.memory_space<vmem>>)
      %dma_start3A_1131 = arith.constant 2 : i32
      %dma_start3A_1132 = arith.constant 0 : i32
      %dma_start3A_1133 = tpu.memref_slice %arg14[%dma_start3A_1131, %dma_start3A_1132] : memref<5x80xi32, #tpu.memory_space<vmem>> -> memref<1x80xi32, #tpu.memory_space<vmem>>
      %dma_start3A_1134 = tpu.memref_squeeze %dma_start3A_1133 : memref<1x80xi32, #tpu.memory_space<vmem>> -> memref<80xi32, #tpu.memory_space<vmem>>
      %dma_start3A_1135 = arith.constant 0 : i32
      %dma_start3A_1136 = arith.constant 0 : i32
      %dma_start3A_1137 = tpu.memref_slice %arg9[%dma_start3A_1135, %dma_start3A_1136] : memref<10112x128xf32, #tpu.memory_space<vmem_shared>> -> memref<10112x128xf32, #tpu.memory_space<vmem_shared>>
      tpu.enqueue_indirect_dma source(%arg16 : memref<80x128xf32, #tpu.memory_space<vmem>>) target(%dma_start3A_1137 : memref<10112x128xf32, #tpu.memory_space<vmem_shared>>) offsets(%dma_start3A_1134 : memref<80xi32, #tpu.memory_space<vmem>>) semaphore(%arg21 : memref<!tpu.dma_semaphore, #tpu.memory_space<semaphore_mem>>) {add = true}
      %dma_start3A_1138 = arith.constant 2 : i32
      %dma_start3A_1139 = arith.constant 0 : i32
      %dma_start3A_1140 = tpu.memref_slice %arg14[%dma_start3A_1138, %dma_start3A_1139] : memref<5x80xi32, #tpu.memory_space<vmem>> -> memref<1x80xi32, #tpu.memory_space<vmem>>
      %dma_start3A_1141 = tpu.memref_squeeze %dma_start3A_1140 : memref<1x80xi32, #tpu.memory_space<vmem>> -> memref<80xi32, #tpu.memory_space<vmem>>
      %dma_start3A_1142 = arith.constant 0 : i32
      %dma_start3A_1143 = arith.constant 0 : i32
      %dma_start3A_1144 = tpu.memref_slice %arg10[%dma_start3A_1142, %dma_start3A_1143] : memref<10112x16xf32, #tpu.memory_space<vmem_shared>> -> memref<10112x16xf32, #tpu.memory_space<vmem_shared>>
      tpu.enqueue_indirect_dma source(%arg17 : memref<80x16xf32, #tpu.memory_space<vmem>>) target(%dma_start3A_1144 : memref<10112x16xf32, #tpu.memory_space<vmem_shared>>) offsets(%dma_start3A_1141 : memref<80xi32, #tpu.memory_space<vmem>>) semaphore(%arg23 : memref<!tpu.dma_semaphore, #tpu.memory_space<semaphore_mem>>) {add = true}
      %dma_wait3A_1145 = arith.constant 2 : i32
      %dma_wait3A_1146 = arith.constant 0 : i32
      %dma_wait3A_1147 = tpu.memref_slice %arg14[%dma_wait3A_1145, %dma_wait3A_1146] : memref<5x80xi32, #tpu.memory_space<vmem>> -> memref<1x80xi32, #tpu.memory_space<vmem>>
      %dma_wait3A_1148 = tpu.memref_squeeze %dma_wait3A_1147 : memref<1x80xi32, #tpu.memory_space<vmem>> -> memref<80xi32, #tpu.memory_space<vmem>>
      %dma_wait3A_1149 = arith.constant 0 : i32
      %dma_wait3A_1150 = arith.constant 0 : i32
      %dma_wait3A_1151 = tpu.memref_slice %arg9[%dma_wait3A_1149, %dma_wait3A_1150] : memref<10112x128xf32, #tpu.memory_space<vmem_shared>> -> memref<10112x128xf32, #tpu.memory_space<vmem_shared>>
      tpu.wait_indirect_dma semaphore(%arg21 : memref<!tpu.dma_semaphore, #tpu.memory_space<semaphore_mem>>) src(%arg16 : memref<80x128xf32, #tpu.memory_space<vmem>>) dst(%dma_wait3A_1151 : memref<10112x128xf32, #tpu.memory_space<vmem_shared>>)
      %dma_wait3A_1152 = arith.constant 2 : i32
      %dma_wait3A_1153 = arith.constant 0 : i32
      %dma_wait3A_1154 = tpu.memref_slice %arg14[%dma_wait3A_1152, %dma_wait3A_1153] : memref<5x80xi32, #tpu.memory_space<vmem>> -> memref<1x80xi32, #tpu.memory_space<vmem>>
      %dma_wait3A_1155 = tpu.memref_squeeze %dma_wait3A_1154 : memref<1x80xi32, #tpu.memory_space<vmem>> -> memref<80xi32, #tpu.memory_space<vmem>>
      %dma_wait3A_1156 = arith.constant 0 : i32
      %dma_wait3A_1157 = arith.constant 0 : i32
      %dma_wait3A_1158 = tpu.memref_slice %arg10[%dma_wait3A_1156, %dma_wait3A_1157] : memref<10112x16xf32, #tpu.memory_space<vmem_shared>> -> memref<10112x16xf32, #tpu.memory_space<vmem_shared>>
      tpu.wait_indirect_dma semaphore(%arg23 : memref<!tpu.dma_semaphore, #tpu.memory_space<semaphore_mem>>) src(%arg17 : memref<80x16xf32, #tpu.memory_space<vmem>>) dst(%dma_wait3A_1158 : memref<10112x16xf32, #tpu.memory_space<vmem_shared>>)
      %dma_start3A_1159 = arith.constant 4 : i32
      %dma_start3A_1160 = arith.constant 0 : i32
      %dma_start3A_1161 = tpu.memref_slice %arg12[%dma_start3A_1159, %dma_start3A_1160] : memref<5x80xi32, #tpu.memory_space<vmem>> -> memref<1x80xi32, #tpu.memory_space<vmem>>
      %dma_start3A_1162 = tpu.memref_squeeze %dma_start3A_1161 : memref<1x80xi32, #tpu.memory_space<vmem>> -> memref<80xi32, #tpu.memory_space<vmem>>
      %dma_start3A_1163 = arith.constant 0 : i32
      %dma_start3A_1164 = arith.constant 0 : i32
      %dma_start3A_1165 = tpu.memref_slice %arg3[%dma_start3A_1163, %dma_start3A_1164] : memref<10000x128xf32, #tpu.memory_space<hbm>> -> memref<10000x128xf32, #tpu.memory_space<hbm>>
      tpu.enqueue_indirect_dma source(%dma_start3A_1165 : memref<10000x128xf32, #tpu.memory_space<hbm>>) target(%arg16 : memref<80x128xf32, #tpu.memory_space<vmem>>) offsets(%dma_start3A_1162 : memref<80xi32, #tpu.memory_space<vmem>>) semaphore(%arg19 : memref<!tpu.dma_semaphore, #tpu.memory_space<semaphore_mem>>)
      %dma_wait3A_1166 = arith.constant 3 : i32
      %dma_wait3A_1167 = arith.constant 0 : i32
      %dma_wait3A_1168 = tpu.memref_slice %arg12[%dma_wait3A_1166, %dma_wait3A_1167] : memref<5x80xi32, #tpu.memory_space<vmem>> -> memref<1x80xi32, #tpu.memory_space<vmem>>
      %dma_wait3A_1169 = tpu.memref_squeeze %dma_wait3A_1168 : memref<1x80xi32, #tpu.memory_space<vmem>> -> memref<80xi32, #tpu.memory_space<vmem>>
      %dma_wait3A_1170 = arith.constant 0 : i32
      %dma_wait3A_1171 = arith.constant 0 : i32
      %dma_wait3A_1172 = tpu.memref_slice %arg3[%dma_wait3A_1170, %dma_wait3A_1171] : memref<10000x128xf32, #tpu.memory_space<hbm>> -> memref<10000x128xf32, #tpu.memory_space<hbm>>
      tpu.wait_indirect_dma semaphore(%arg18 : memref<!tpu.dma_semaphore, #tpu.memory_space<semaphore_mem>>) src(%dma_wait3A_1172 : memref<10000x128xf32, #tpu.memory_space<hbm>>) dst(%arg15 : memref<80x128xf32, #tpu.memory_space<vmem>>)
      %dma_start3A_1173 = arith.constant 3 : i32
      %dma_start3A_1174 = arith.constant 0 : i32
      %dma_start3A_1175 = tpu.memref_slice %arg14[%dma_start3A_1173, %dma_start3A_1174] : memref<5x80xi32, #tpu.memory_space<vmem>> -> memref<1x80xi32, #tpu.memory_space<vmem>>
      %dma_start3A_1176 = tpu.memref_squeeze %dma_start3A_1175 : memref<1x80xi32, #tpu.memory_space<vmem>> -> memref<80xi32, #tpu.memory_space<vmem>>
      %dma_start3A_1177 = arith.constant 0 : i32
      %dma_start3A_1178 = arith.constant 0 : i32
      %dma_start3A_1179 = tpu.memref_slice %arg9[%dma_start3A_1177, %dma_start3A_1178] : memref<10112x128xf32, #tpu.memory_space<vmem_shared>> -> memref<10112x128xf32, #tpu.memory_space<vmem_shared>>
      tpu.enqueue_indirect_dma source(%arg15 : memref<80x128xf32, #tpu.memory_space<vmem>>) target(%dma_start3A_1179 : memref<10112x128xf32, #tpu.memory_space<vmem_shared>>) offsets(%dma_start3A_1176 : memref<80xi32, #tpu.memory_space<vmem>>) semaphore(%arg20 : memref<!tpu.dma_semaphore, #tpu.memory_space<semaphore_mem>>) {add = true}
      %dma_start3A_1180 = arith.constant 3 : i32
      %dma_start3A_1181 = arith.constant 0 : i32
      %dma_start3A_1182 = tpu.memref_slice %arg14[%dma_start3A_1180, %dma_start3A_1181] : memref<5x80xi32, #tpu.memory_space<vmem>> -> memref<1x80xi32, #tpu.memory_space<vmem>>
      %dma_start3A_1183 = tpu.memref_squeeze %dma_start3A_1182 : memref<1x80xi32, #tpu.memory_space<vmem>> -> memref<80xi32, #tpu.memory_space<vmem>>
      %dma_start3A_1184 = arith.constant 0 : i32
      %dma_start3A_1185 = arith.constant 0 : i32
      %dma_start3A_1186 = tpu.memref_slice %arg10[%dma_start3A_1184, %dma_start3A_1185] : memref<10112x16xf32, #tpu.memory_space<vmem_shared>> -> memref<10112x16xf32, #tpu.memory_space<vmem_shared>>
      tpu.enqueue_indirect_dma source(%arg17 : memref<80x16xf32, #tpu.memory_space<vmem>>) target(%dma_start3A_1186 : memref<10112x16xf32, #tpu.memory_space<vmem_shared>>) offsets(%dma_start3A_1183 : memref<80xi32, #tpu.memory_space<vmem>>) semaphore(%arg22 : memref<!tpu.dma_semaphore, #tpu.memory_space<semaphore_mem>>) {add = true}
      %dma_wait3A_1187 = arith.constant 3 : i32
      %dma_wait3A_1188 = arith.constant 0 : i32
      %dma_wait3A_1189 = tpu.memref_slice %arg14[%dma_wait3A_1187, %dma_wait3A_1188] : memref<5x80xi32, #tpu.memory_space<vmem>> -> memref<1x80xi32, #tpu.memory_space<vmem>>
      %dma_wait3A_1190 = tpu.memref_squeeze %dma_wait3A_1189 : memref<1x80xi32, #tpu.memory_space<vmem>> -> memref<80xi32, #tpu.memory_space<vmem>>
      %dma_wait3A_1191 = arith.constant 0 : i32
      %dma_wait3A_1192 = arith.constant 0 : i32
      %dma_wait3A_1193 = tpu.memref_slice %arg9[%dma_wait3A_1191, %dma_wait3A_1192] : memref<10112x128xf32, #tpu.memory_space<vmem_shared>> -> memref<10112x128xf32, #tpu.memory_space<vmem_shared>>
      tpu.wait_indirect_dma semaphore(%arg20 : memref<!tpu.dma_semaphore, #tpu.memory_space<semaphore_mem>>) src(%arg15 : memref<80x128xf32, #tpu.memory_space<vmem>>) dst(%dma_wait3A_1193 : memref<10112x128xf32, #tpu.memory_space<vmem_shared>>)
      %dma_wait3A_1194 = arith.constant 3 : i32
      %dma_wait3A_1195 = arith.constant 0 : i32
      %dma_wait3A_1196 = tpu.memref_slice %arg14[%dma_wait3A_1194, %dma_wait3A_1195] : memref<5x80xi32, #tpu.memory_space<vmem>> -> memref<1x80xi32, #tpu.memory_space<vmem>>
      %dma_wait3A_1197 = tpu.memref_squeeze %dma_wait3A_1196 : memref<1x80xi32, #tpu.memory_space<vmem>> -> memref<80xi32, #tpu.memory_space<vmem>>
      %dma_wait3A_1198 = arith.constant 0 : i32
      %dma_wait3A_1199 = arith.constant 0 : i32
      %dma_wait3A_1200 = tpu.memref_slice %arg10[%dma_wait3A_1198, %dma_wait3A_1199] : memref<10112x16xf32, #tpu.memory_space<vmem_shared>> -> memref<10112x16xf32, #tpu.memory_space<vmem_shared>>
      tpu.wait_indirect_dma semaphore(%arg22 : memref<!tpu.dma_semaphore, #tpu.memory_space<semaphore_mem>>) src(%arg17 : memref<80x16xf32, #tpu.memory_space<vmem>>) dst(%dma_wait3A_1200 : memref<10112x16xf32, #tpu.memory_space<vmem_shared>>)
      %dma_wait3A_1201 = arith.constant 0 : i32
      %dma_wait3A_1202 = arith.constant 0 : i32
      %dma_wait3A_1203 = arith.constant 0 : i32
      %dma_wait3A_1204 = arith.constant 0 : i32
      %dma_wait3A_1205 = tpu.memref_slice %arg2[%dma_wait3A_1201, %add3A, %dma_wait3A_1202, %dma_wait3A_1203, %dma_wait3A_1204] : memref<2x32x25x5x80xi32, #tpu.memory_space<hbm>> -> memref<1x1x1x5x80xi32, #tpu.memory_space<hbm>>
      %dma_wait3A_1206 = tpu.memref_squeeze %dma_wait3A_1205 : memref<1x1x1x5x80xi32, #tpu.memory_space<hbm>> -> memref<5x80xi32, #tpu.memory_space<hbm>>
      %dma_wait3A_1207 = arith.constant 0 : i32
      %dma_wait3A_1208 = arith.constant 0 : i32
      %dma_wait3A_1209 = tpu.memref_slice %arg2[%dma_wait3A_1201, %add3A, %dma_wait3A_1202, %dma_wait3A_1207, %dma_wait3A_1208] : memref<2x32x25x5x80xi32, #tpu.memory_space<hbm>> -> memref<1x1x1x5x80xi32, #tpu.memory_space<hbm>>
      %dma_wait3A_1210 = tpu.memref_squeeze %dma_wait3A_1209 : memref<1x1x1x5x80xi32, #tpu.memory_space<hbm>> -> memref<5x80xi32, #tpu.memory_space<hbm>>
      tpu.wait_dma2 semaphore(%arg26 : memref<!tpu.dma_semaphore, #tpu.memory_space<semaphore_mem>>) src(%dma_wait3A_1210 : memref<5x80xi32, #tpu.memory_space<hbm>>) dst(%arg11 : memref<5x80xi32, #tpu.memory_space<vmem>>)
      %dma_wait3A_1211 = arith.constant 1 : i32
      %dma_wait3A_1212 = arith.constant 0 : i32
      %dma_wait3A_1213 = arith.constant 0 : i32
      %dma_wait3A_1214 = arith.constant 0 : i32
      %dma_wait3A_1215 = tpu.memref_slice %arg2[%dma_wait3A_1211, %add3A, %dma_wait3A_1212, %dma_wait3A_1213, %dma_wait3A_1214] : memref<2x32x25x5x80xi32, #tpu.memory_space<hbm>> -> memref<1x1x1x5x80xi32, #tpu.memory_space<hbm>>
      %dma_wait3A_1216 = tpu.memref_squeeze %dma_wait3A_1215 : memref<1x1x1x5x80xi32, #tpu.memory_space<hbm>> -> memref<5x80xi32, #tpu.memory_space<hbm>>
      %dma_wait3A_1217 = arith.constant 0 : i32
      %dma_wait3A_1218 = arith.constant 0 : i32
      %dma_wait3A_1219 = tpu.memref_slice %arg2[%dma_wait3A_1211, %add3A, %dma_wait3A_1212, %dma_wait3A_1217, %dma_wait3A_1218] : memref<2x32x25x5x80xi32, #tpu.memory_space<hbm>> -> memref<1x1x1x5x80xi32, #tpu.memory_space<hbm>>
      %dma_wait3A_1220 = tpu.memref_squeeze %dma_wait3A_1219 : memref<1x1x1x5x80xi32, #tpu.memory_space<hbm>> -> memref<5x80xi32, #tpu.memory_space<hbm>>
      tpu.wait_dma2 semaphore(%arg26 : memref<!tpu.dma_semaphore, #tpu.memory_space<semaphore_mem>>) src(%dma_wait3A_1220 : memref<5x80xi32, #tpu.memory_space<hbm>>) dst(%arg13 : memref<5x80xi32, #tpu.memory_space<vmem>>)
      %dma_start3A_1221 = arith.constant 0 : i32
      %dma_start3A_1222 = arith.constant 0 : i32
      %dma_start3A_1223 = tpu.memref_slice %arg11[%dma_start3A_1221, %dma_start3A_1222] : memref<5x80xi32, #tpu.memory_space<vmem>> -> memref<1x80xi32, #tpu.memory_space<vmem>>
      %dma_start3A_1224 = tpu.memref_squeeze %dma_start3A_1223 : memref<1x80xi32, #tpu.memory_space<vmem>> -> memref<80xi32, #tpu.memory_space<vmem>>
      %dma_start3A_1225 = arith.constant 0 : i32
      %dma_start3A_1226 = arith.constant 0 : i32
      %dma_start3A_1227 = tpu.memref_slice %arg3[%dma_start3A_1225, %dma_start3A_1226] : memref<10000x128xf32, #tpu.memory_space<hbm>> -> memref<10000x128xf32, #tpu.memory_space<hbm>>
      tpu.enqueue_indirect_dma source(%dma_start3A_1227 : memref<10000x128xf32, #tpu.memory_space<hbm>>) target(%arg15 : memref<80x128xf32, #tpu.memory_space<vmem>>) offsets(%dma_start3A_1224 : memref<80xi32, #tpu.memory_space<vmem>>) semaphore(%arg18 : memref<!tpu.dma_semaphore, #tpu.memory_space<semaphore_mem>>)
      %dma_wait3A_1228 = arith.constant 4 : i32
      %dma_wait3A_1229 = arith.constant 0 : i32
      %dma_wait3A_1230 = tpu.memref_slice %arg12[%dma_wait3A_1228, %dma_wait3A_1229] : memref<5x80xi32, #tpu.memory_space<vmem>> -> memref<1x80xi32, #tpu.memory_space<vmem>>
      %dma_wait3A_1231 = tpu.memref_squeeze %dma_wait3A_1230 : memref<1x80xi32, #tpu.memory_space<vmem>> -> memref<80xi32, #tpu.memory_space<vmem>>
      %dma_wait3A_1232 = arith.constant 0 : i32
      %dma_wait3A_1233 = arith.constant 0 : i32
      %dma_wait3A_1234 = tpu.memref_slice %arg3[%dma_wait3A_1232, %dma_wait3A_1233] : memref<10000x128xf32, #tpu.memory_space<hbm>> -> memref<10000x128xf32, #tpu.memory_space<hbm>>
      tpu.wait_indirect_dma semaphore(%arg19 : memref<!tpu.dma_semaphore, #tpu.memory_space<semaphore_mem>>) src(%dma_wait3A_1234 : memref<10000x128xf32, #tpu.memory_space<hbm>>) dst(%arg16 : memref<80x128xf32, #tpu.memory_space<vmem>>)
      %dma_start3A_1235 = arith.constant 4 : i32
      %dma_start3A_1236 = arith.constant 0 : i32
      %dma_start3A_1237 = tpu.memref_slice %arg14[%dma_start3A_1235, %dma_start3A_1236] : memref<5x80xi32, #tpu.memory_space<vmem>> -> memref<1x80xi32, #tpu.memory_space<vmem>>
      %dma_start3A_1238 = tpu.memref_squeeze %dma_start3A_1237 : memref<1x80xi32, #tpu.memory_space<vmem>> -> memref<80xi32, #tpu.memory_space<vmem>>
      %dma_start3A_1239 = arith.constant 0 : i32
      %dma_start3A_1240 = arith.constant 0 : i32
      %dma_start3A_1241 = tpu.memref_slice %arg9[%dma_start3A_1239, %dma_start3A_1240] : memref<10112x128xf32, #tpu.memory_space<vmem_shared>> -> memref<10112x128xf32, #tpu.memory_space<vmem_shared>>
      tpu.enqueue_indirect_dma source(%arg16 : memref<80x128xf32, #tpu.memory_space<vmem>>) target(%dma_start3A_1241 : memref<10112x128xf32, #tpu.memory_space<vmem_shared>>) offsets(%dma_start3A_1238 : memref<80xi32, #tpu.memory_space<vmem>>) semaphore(%arg21 : memref<!tpu.dma_semaphore, #tpu.memory_space<semaphore_mem>>) {add = true}
      %dma_start3A_1242 = arith.constant 4 : i32
      %dma_start3A_1243 = arith.constant 0 : i32
      %dma_start3A_1244 = tpu.memref_slice %arg14[%dma_start3A_1242, %dma_start3A_1243] : memref<5x80xi32, #tpu.memory_space<vmem>> -> memref<1x80xi32, #tpu.memory_space<vmem>>
      %dma_start3A_1245 = tpu.memref_squeeze %dma_start3A_1244 : memref<1x80xi32, #tpu.memory_space<vmem>> -> memref<80xi32, #tpu.memory_space<vmem>>
      %dma_start3A_1246 = arith.constant 0 : i32
      %dma_start3A_1247 = arith.constant 0 : i32
      %dma_start3A_1248 = tpu.memref_slice %arg10[%dma_start3A_1246, %dma_start3A_1247] : memref<10112x16xf32, #tpu.memory_space<vmem_shared>> -> memref<10112x16xf32, #tpu.memory_space<vmem_shared>>
      tpu.enqueue_indirect_dma source(%arg17 : memref<80x16xf32, #tpu.memory_space<vmem>>) target(%dma_start3A_1248 : memref<10112x16xf32, #tpu.memory_space<vmem_shared>>) offsets(%dma_start3A_1245 : memref<80xi32, #tpu.memory_space<vmem>>) semaphore(%arg23 : memref<!tpu.dma_semaphore, #tpu.memory_space<semaphore_mem>>) {add = true}
      %dma_wait3A_1249 = arith.constant 4 : i32
      %dma_wait3A_1250 = arith.constant 0 : i32
      %dma_wait3A_1251 = tpu.memref_slice %arg14[%dma_wait3A_1249, %dma_wait3A_1250] : memref<5x80xi32, #tpu.memory_space<vmem>> -> memref<1x80xi32, #tpu.memory_space<vmem>>
      %dma_wait3A_1252 = tpu.memref_squeeze %dma_wait3A_1251 : memref<1x80xi32, #tpu.memory_space<vmem>> -> memref<80xi32, #tpu.memory_space<vmem>>
      %dma_wait3A_1253 = arith.constant 0 : i32
      %dma_wait3A_1254 = arith.constant 0 : i32
      %dma_wait3A_1255 = tpu.memref_slice %arg9[%dma_wait3A_1253, %dma_wait3A_1254] : memref<10112x128xf32, #tpu.memory_space<vmem_shared>> -> memref<10112x128xf32, #tpu.memory_space<vmem_shared>>
      tpu.wait_indirect_dma semaphore(%arg21 : memref<!tpu.dma_semaphore, #tpu.memory_space<semaphore_mem>>) src(%arg16 : memref<80x128xf32, #tpu.memory_space<vmem>>) dst(%dma_wait3A_1255 : memref<10112x128xf32, #tpu.memory_space<vmem_shared>>)
      %dma_wait3A_1256 = arith.constant 4 : i32
      %dma_wait3A_1257 = arith.constant 0 : i32
      %dma_wait3A_1258 = tpu.memref_slice %arg14[%dma_wait3A_1256, %dma_wait3A_1257] : memref<5x80xi32, #tpu.memory_space<vmem>> -> memref<1x80xi32, #tpu.memory_space<vmem>>
      %dma_wait3A_1259 = tpu.memref_squeeze %dma_wait3A_1258 : memref<1x80xi32, #tpu.memory_space<vmem>> -> memref<80xi32, #tpu.memory_space<vmem>>
      %dma_wait3A_1260 = arith.constant 0 : i32
      %dma_wait3A_1261 = arith.constant 0 : i32
      %dma_wait3A_1262 = tpu.memref_slice %arg10[%dma_wait3A_1260, %dma_wait3A_1261] : memref<10112x16xf32, #tpu.memory_space<vmem_shared>> -> memref<10112x16xf32, #tpu.memory_space<vmem_shared>>
      tpu.wait_indirect_dma semaphore(%arg23 : memref<!tpu.dma_semaphore, #tpu.memory_space<semaphore_mem>>) src(%arg17 : memref<80x16xf32, #tpu.memory_space<vmem>>) dst(%dma_wait3A_1262 : memref<10112x16xf32, #tpu.memory_space<vmem_shared>>)
      %lt3A = arith.constant 11 : i32
      %lt3A_1263 = arith.cmpi slt, %scan3A_849, %lt3A : i32
      %convert_element_type3A = arith.extui %lt3A_1263 : i1 to i32
      %cond3A = arith.constant 0 : i32
      %cond3A_1264 = arith.cmpi ne, %convert_element_type3A, %cond3A : i32
      scf.if %cond3A_1264 {
        %mul3A_1336 = arith.constant 2 : i32
        %mul3A_1337 = arith.muli %mul3A_1336, %scan3A_849 : i32
        %add3A_1338 = arith.constant 3 : i32
        %add3A_1339 = arith.addi %mul3A_1337, %add3A_1338 : i32
        %dma_start3A_1340 = arith.constant 0 : i32
        %dma_start3A_1341 = arith.constant 0 : i32
        %dma_start3A_1342 = arith.constant 0 : i32
        %dma_start3A_1343 = tpu.memref_slice %arg2[%dma_start3A_1340, %add3A, %add3A_1339, %dma_start3A_1341, %dma_start3A_1342] : memref<2x32x25x5x80xi32, #tpu.memory_space<hbm>> -> memref<1x1x1x5x80xi32, #tpu.memory_space<hbm>>
        %dma_start3A_1344 = tpu.memref_squeeze %dma_start3A_1343 : memref<1x1x1x5x80xi32, #tpu.memory_space<hbm>> -> memref<5x80xi32, #tpu.memory_space<hbm>>
        %dma_start3A_1345 = arith.constant 0 : i32
        %dma_start3A_1346 = arith.constant 0 : i32
        %dma_start3A_1347 = tpu.memref_slice %arg2[%dma_start3A_1340, %add3A, %add3A_1339, %dma_start3A_1345, %dma_start3A_1346] : memref<2x32x25x5x80xi32, #tpu.memory_space<hbm>> -> memref<1x1x1x5x80xi32, #tpu.memory_space<hbm>>
        %dma_start3A_1348 = tpu.memref_squeeze %dma_start3A_1347 : memref<1x1x1x5x80xi32, #tpu.memory_space<hbm>> -> memref<5x80xi32, #tpu.memory_space<hbm>>
        tpu.enqueue_dma source(%dma_start3A_1348 : memref<5x80xi32, #tpu.memory_space<hbm>>) target(%arg12 : memref<5x80xi32, #tpu.memory_space<vmem>>) target_semaphore(%arg27 : memref<!tpu.dma_semaphore, #tpu.memory_space<semaphore_mem>>)
        %dma_start3A_1349 = arith.constant 1 : i32
        %dma_start3A_1350 = arith.constant 0 : i32
        %dma_start3A_1351 = arith.constant 0 : i32
        %dma_start3A_1352 = tpu.memref_slice %arg2[%dma_start3A_1349, %add3A, %add3A_1339, %dma_start3A_1350, %dma_start3A_1351] : memref<2x32x25x5x80xi32, #tpu.memory_space<hbm>> -> memref<1x1x1x5x80xi32, #tpu.memory_space<hbm>>
        %dma_start3A_1353 = tpu.memref_squeeze %dma_start3A_1352 : memref<1x1x1x5x80xi32, #tpu.memory_space<hbm>> -> memref<5x80xi32, #tpu.memory_space<hbm>>
        %dma_start3A_1354 = arith.constant 0 : i32
        %dma_start3A_1355 = arith.constant 0 : i32
        %dma_start3A_1356 = tpu.memref_slice %arg2[%dma_start3A_1349, %add3A, %add3A_1339, %dma_start3A_1354, %dma_start3A_1355] : memref<2x32x25x5x80xi32, #tpu.memory_space<hbm>> -> memref<1x1x1x5x80xi32, #tpu.memory_space<hbm>>
        %dma_start3A_1357 = tpu.memref_squeeze %dma_start3A_1356 : memref<1x1x1x5x80xi32, #tpu.memory_space<hbm>> -> memref<5x80xi32, #tpu.memory_space<hbm>>
        tpu.enqueue_dma source(%dma_start3A_1357 : memref<5x80xi32, #tpu.memory_space<hbm>>) target(%arg14 : memref<5x80xi32, #tpu.memory_space<vmem>>) target_semaphore(%arg27 : memref<!tpu.dma_semaphore, #tpu.memory_space<semaphore_mem>>)
      } else {
      }
      %dma_start3A_1265 = arith.constant 1 : i32
      %dma_start3A_1266 = arith.constant 0 : i32
      %dma_start3A_1267 = tpu.memref_slice %arg11[%dma_start3A_1265, %dma_start3A_1266] : memref<5x80xi32, #tpu.memory_space<vmem>> -> memref<1x80xi32, #tpu.memory_space<vmem>>
      %dma_start3A_1268 = tpu.memref_squeeze %dma_start3A_1267 : memref<1x80xi32, #tpu.memory_space<vmem>> -> memref<80xi32, #tpu.memory_space<vmem>>
      %dma_start3A_1269 = arith.constant 0 : i32
      %dma_start3A_1270 = arith.constant 0 : i32
      %dma_start3A_1271 = tpu.memref_slice %arg3[%dma_start3A_1269, %dma_start3A_1270] : memref<10000x128xf32, #tpu.memory_space<hbm>> -> memref<10000x128xf32, #tpu.memory_space<hbm>>
      tpu.enqueue_indirect_dma source(%dma_start3A_1271 : memref<10000x128xf32, #tpu.memory_space<hbm>>) target(%arg16 : memref<80x128xf32, #tpu.memory_space<vmem>>) offsets(%dma_start3A_1268 : memref<80xi32, #tpu.memory_space<vmem>>) semaphore(%arg19 : memref<!tpu.dma_semaphore, #tpu.memory_space<semaphore_mem>>)
      %dma_wait3A_1272 = arith.constant 0 : i32
      %dma_wait3A_1273 = arith.constant 0 : i32
      %dma_wait3A_1274 = tpu.memref_slice %arg11[%dma_wait3A_1272, %dma_wait3A_1273] : memref<5x80xi32, #tpu.memory_space<vmem>> -> memref<1x80xi32, #tpu.memory_space<vmem>>
      %dma_wait3A_1275 = tpu.memref_squeeze %dma_wait3A_1274 : memref<1x80xi32, #tpu.memory_space<vmem>> -> memref<80xi32, #tpu.memory_space<vmem>>
      %dma_wait3A_1276 = arith.constant 0 : i32
      %dma_wait3A_1277 = arith.constant 0 : i32
      %dma_wait3A_1278 = tpu.memref_slice %arg3[%dma_wait3A_1276, %dma_wait3A_1277] : memref<10000x128xf32, #tpu.memory_space<hbm>> -> memref<10000x128xf32, #tpu.memory_space<hbm>>
      tpu.wait_indirect_dma semaphore(%arg18 : memref<!tpu.dma_semaphore, #tpu.memory_space<semaphore_mem>>) src(%dma_wait3A_1278 : memref<10000x128xf32, #tpu.memory_space<hbm>>) dst(%arg15 : memref<80x128xf32, #tpu.memory_space<vmem>>)
      %dma_start3A_1279 = arith.constant 0 : i32
      %dma_start3A_1280 = arith.constant 0 : i32
      %dma_start3A_1281 = tpu.memref_slice %arg13[%dma_start3A_1279, %dma_start3A_1280] : memref<5x80xi32, #tpu.memory_space<vmem>> -> memref<1x80xi32, #tpu.memory_space<vmem>>
      %dma_start3A_1282 = tpu.memref_squeeze %dma_start3A_1281 : memref<1x80xi32, #tpu.memory_space<vmem>> -> memref<80xi32, #tpu.memory_space<vmem>>
      %dma_start3A_1283 = arith.constant 0 : i32
      %dma_start3A_1284 = arith.constant 0 : i32
      %dma_start3A_1285 = tpu.memref_slice %arg9[%dma_start3A_1283, %dma_start3A_1284] : memref<10112x128xf32, #tpu.memory_space<vmem_shared>> -> memref<10112x128xf32, #tpu.memory_space<vmem_shared>>
      tpu.enqueue_indirect_dma source(%arg15 : memref<80x128xf32, #tpu.memory_space<vmem>>) target(%dma_start3A_1285 : memref<10112x128xf32, #tpu.memory_space<vmem_shared>>) offsets(%dma_start3A_1282 : memref<80xi32, #tpu.memory_space<vmem>>) semaphore(%arg20 : memref<!tpu.dma_semaphore, #tpu.memory_space<semaphore_mem>>) {add = true}
      %dma_start3A_1286 = arith.constant 0 : i32
      %dma_start3A_1287 = arith.constant 0 : i32
      %dma_start3A_1288 = tpu.memref_slice %arg13[%dma_start3A_1286, %dma_start3A_1287] : memref<5x80xi32, #tpu.memory_space<vmem>> -> memref<1x80xi32, #tpu.memory_space<vmem>>
      %dma_start3A_1289 = tpu.memref_squeeze %dma_start3A_1288 : memref<1x80xi32, #tpu.memory_space<vmem>> -> memref<80xi32, #tpu.memory_space<vmem>>
      %dma_start3A_1290 = arith.constant 0 : i32
      %dma_start3A_1291 = arith.constant 0 : i32
      %dma_start3A_1292 = tpu.memref_slice %arg10[%dma_start3A_1290, %dma_start3A_1291] : memref<10112x16xf32, #tpu.memory_space<vmem_shared>> -> memref<10112x16xf32, #tpu.memory_space<vmem_shared>>
      tpu.enqueue_indirect_dma source(%arg17 : memref<80x16xf32, #tpu.memory_space<vmem>>) target(%dma_start3A_1292 : memref<10112x16xf32, #tpu.memory_space<vmem_shared>>) offsets(%dma_start3A_1289 : memref<80xi32, #tpu.memory_space<vmem>>) semaphore(%arg22 : memref<!tpu.dma_semaphore, #tpu.memory_space<semaphore_mem>>) {add = true}
      %dma_wait3A_1293 = arith.constant 0 : i32
      %dma_wait3A_1294 = arith.constant 0 : i32
      %dma_wait3A_1295 = tpu.memref_slice %arg13[%dma_wait3A_1293, %dma_wait3A_1294] : memref<5x80xi32, #tpu.memory_space<vmem>> -> memref<1x80xi32, #tpu.memory_space<vmem>>
      %dma_wait3A_1296 = tpu.memref_squeeze %dma_wait3A_1295 : memref<1x80xi32, #tpu.memory_space<vmem>> -> memref<80xi32, #tpu.memory_space<vmem>>
      %dma_wait3A_1297 = arith.constant 0 : i32
      %dma_wait3A_1298 = arith.constant 0 : i32
      %dma_wait3A_1299 = tpu.memref_slice %arg9[%dma_wait3A_1297, %dma_wait3A_1298] : memref<10112x128xf32, #tpu.memory_space<vmem_shared>> -> memref<10112x128xf32, #tpu.memory_space<vmem_shared>>
      tpu.wait_indirect_dma semaphore(%arg20 : memref<!tpu.dma_semaphore, #tpu.memory_space<semaphore_mem>>) src(%arg15 : memref<80x128xf32, #tpu.memory_space<vmem>>) dst(%dma_wait3A_1299 : memref<10112x128xf32, #tpu.memory_space<vmem_shared>>)
      %dma_wait3A_1300 = arith.constant 0 : i32
      %dma_wait3A_1301 = arith.constant 0 : i32
      %dma_wait3A_1302 = tpu.memref_slice %arg13[%dma_wait3A_1300, %dma_wait3A_1301] : memref<5x80xi32, #tpu.memory_space<vmem>> -> memref<1x80xi32, #tpu.memory_space<vmem>>
      %dma_wait3A_1303 = tpu.memref_squeeze %dma_wait3A_1302 : memref<1x80xi32, #tpu.memory_space<vmem>> -> memref<80xi32, #tpu.memory_space<vmem>>
      %dma_wait3A_1304 = arith.constant 0 : i32
      %dma_wait3A_1305 = arith.constant 0 : i32
      %dma_wait3A_1306 = tpu.memref_slice %arg10[%dma_wait3A_1304, %dma_wait3A_1305] : memref<10112x16xf32, #tpu.memory_space<vmem_shared>> -> memref<10112x16xf32, #tpu.memory_space<vmem_shared>>
      tpu.wait_indirect_dma semaphore(%arg22 : memref<!tpu.dma_semaphore, #tpu.memory_space<semaphore_mem>>) src(%arg17 : memref<80x16xf32, #tpu.memory_space<vmem>>) dst(%dma_wait3A_1306 : memref<10112x16xf32, #tpu.memory_space<vmem_shared>>)
      %dma_start3A_1307 = arith.constant 2 : i32
      %dma_start3A_1308 = arith.constant 0 : i32
      %dma_start3A_1309 = tpu.memref_slice %arg11[%dma_start3A_1307, %dma_start3A_1308] : memref<5x80xi32, #tpu.memory_space<vmem>> -> memref<1x80xi32, #tpu.memory_space<vmem>>
      %dma_start3A_1310 = tpu.memref_squeeze %dma_start3A_1309 : memref<1x80xi32, #tpu.memory_space<vmem>> -> memref<80xi32, #tpu.memory_space<vmem>>
      %dma_start3A_1311 = arith.constant 0 : i32
      %dma_start3A_1312 = arith.constant 0 : i32
      %dma_start3A_1313 = tpu.memref_slice %arg3[%dma_start3A_1311, %dma_start3A_1312] : memref<10000x128xf32, #tpu.memory_space<hbm>> -> memref<10000x128xf32, #tpu.memory_space<hbm>>
      tpu.enqueue_indirect_dma source(%dma_start3A_1313 : memref<10000x128xf32, #tpu.memory_space<hbm>>) target(%arg15 : memref<80x128xf32, #tpu.memory_space<vmem>>) offsets(%dma_start3A_1310 : memref<80xi32, #tpu.memory_space<vmem>>) semaphore(%arg18 : memref<!tpu.dma_semaphore, #tpu.memory_space<semaphore_mem>>)
      %dma_wait3A_1314 = arith.constant 1 : i32
      %dma_wait3A_1315 = arith.constant 0 : i32
      %dma_wait3A_1316 = tpu.memref_slice %arg11[%dma_wait3A_1314, %dma_wait3A_1315] : memref<5x80xi32, #tpu.memory_space<vmem>> -> memref<1x80xi32, #tpu.memory_space<vmem>>
      %dma_wait3A_1317 = tpu.memref_squeeze %dma_wait3A_1316 : memref<1x80xi32, #tpu.memory_space<vmem>> -> memref<80xi32, #tpu.memory_space<vmem>>
      %dma_wait3A_1318 = arith.constant 0 : i32
      %dma_wait3A_1319 = arith.constant 0 : i32
      %dma_wait3A_1320 = tpu.memref_slice %arg3[%dma_wait3A_1318, %dma_wait3A_1319] : memref<10000x128xf32, #tpu.memory_space<hbm>> -> memref<10000x128xf32, #tpu.memory_space<hbm>>
      tpu.wait_indirect_dma semaphore(%arg19 : memref<!tpu.dma_semaphore, #tpu.memory_space<semaphore_mem>>) src(%dma_wait3A_1320 : memref<10000x128xf32, #tpu.memory_space<hbm>>) dst(%arg16 : memref<80x128xf32, #tpu.memory_space<vmem>>)
      %dma_start3A_1321 = arith.constant 1 : i32
      %dma_start3A_1322 = arith.constant 0 : i32
      %dma_start3A_1323 = tpu.memref_slice %arg13[%dma_start3A_1321, %dma_start3A_1322] : memref<5x80xi32, #tpu.memory_space<vmem>> -> memref<1x80xi32, #tpu.memory_space<vmem>>
      %dma_start3A_1324 = tpu.memref_squeeze %dma_start3A_1323 : memref<1x80xi32, #tpu.memory_space<vmem>> -> memref<80xi32, #tpu.memory_space<vmem>>
      %dma_start3A_1325 = arith.constant 0 : i32
      %dma_start3A_1326 = arith.constant 0 : i32
      %dma_start3A_1327 = tpu.memref_slice %arg9[%dma_start3A_1325, %dma_start3A_1326] : memref<10112x128xf32, #tpu.memory_space<vmem_shared>> -> memref<10112x128xf32, #tpu.memory_space<vmem_shared>>
      tpu.enqueue_indirect_dma source(%arg16 : memref<80x128xf32, #tpu.memory_space<vmem>>) target(%dma_start3A_1327 : memref<10112x128xf32, #tpu.memory_space<vmem_shared>>) offsets(%dma_start3A_1324 : memref<80xi32, #tpu.memory_space<vmem>>) semaphore(%arg21 : memref<!tpu.dma_semaphore, #tpu.memory_space<semaphore_mem>>) {add = true}
      %dma_start3A_1328 = arith.constant 1 : i32
      %dma_start3A_1329 = arith.constant 0 : i32
      %dma_start3A_1330 = tpu.memref_slice %arg13[%dma_start3A_1328, %dma_start3A_1329] : memref<5x80xi32, #tpu.memory_space<vmem>> -> memref<1x80xi32, #tpu.memory_space<vmem>>
      %dma_start3A_1331 = tpu.memref_squeeze %dma_start3A_1330 : memref<1x80xi32, #tpu.memory_space<vmem>> -> memref<80xi32, #tpu.memory_space<vmem>>
      %dma_start3A_1332 = arith.constant 0 : i32
      %dma_start3A_1333 = arith.constant 0 : i32
      %dma_start3A_1334 = tpu.memref_slice %arg10[%dma_start3A_1332, %dma_start3A_1333] : memref<10112x16xf32, #tpu.memory_space<vmem_shared>> -> memref<10112x16xf32, #tpu.memory_space<vmem_shared>>
      tpu.enqueue_indirect_dma source(%arg17 : memref<80x16xf32, #tpu.memory_space<vmem>>) target(%dma_start3A_1334 : memref<10112x16xf32, #tpu.memory_space<vmem_shared>>) offsets(%dma_start3A_1331 : memref<80xi32, #tpu.memory_space<vmem>>) semaphore(%arg23 : memref<!tpu.dma_semaphore, #tpu.memory_space<semaphore_mem>>) {add = true}
      %scan3A_1335 = arith.constant 0 : i32
      scf.yield %scan3A_1335 : i32
    }
    %scan3A_490 = arith.constant 12 : i32
    %dma_wait3A_491 = arith.constant 1 : i32
    %dma_wait3A_492 = arith.constant 0 : i32
    %dma_wait3A_493 = tpu.memref_slice %arg13[%dma_wait3A_491, %dma_wait3A_492] : memref<5x80xi32, #tpu.memory_space<vmem>> -> memref<1x80xi32, #tpu.memory_space<vmem>>
    %dma_wait3A_494 = tpu.memref_squeeze %dma_wait3A_493 : memref<1x80xi32, #tpu.memory_space<vmem>> -> memref<80xi32, #tpu.memory_space<vmem>>
    %dma_wait3A_495 = arith.constant 0 : i32
    %dma_wait3A_496 = arith.constant 0 : i32
    %dma_wait3A_497 = tpu.memref_slice %arg9[%dma_wait3A_495, %dma_wait3A_496] : memref<10112x128xf32, #tpu.memory_space<vmem_shared>> -> memref<10112x128xf32, #tpu.memory_space<vmem_shared>>
    tpu.wait_indirect_dma semaphore(%arg21 : memref<!tpu.dma_semaphore, #tpu.memory_space<semaphore_mem>>) src(%arg16 : memref<80x128xf32, #tpu.memory_space<vmem>>) dst(%dma_wait3A_497 : memref<10112x128xf32, #tpu.memory_space<vmem_shared>>)
    %dma_wait3A_498 = arith.constant 1 : i32
    %dma_wait3A_499 = arith.constant 0 : i32
    %dma_wait3A_500 = tpu.memref_slice %arg13[%dma_wait3A_498, %dma_wait3A_499] : memref<5x80xi32, #tpu.memory_space<vmem>> -> memref<1x80xi32, #tpu.memory_space<vmem>>
    %dma_wait3A_501 = tpu.memref_squeeze %dma_wait3A_500 : memref<1x80xi32, #tpu.memory_space<vmem>> -> memref<80xi32, #tpu.memory_space<vmem>>
    %dma_wait3A_502 = arith.constant 0 : i32
    %dma_wait3A_503 = arith.constant 0 : i32
    %dma_wait3A_504 = tpu.memref_slice %arg10[%dma_wait3A_502, %dma_wait3A_503] : memref<10112x16xf32, #tpu.memory_space<vmem_shared>> -> memref<10112x16xf32, #tpu.memory_space<vmem_shared>>
    tpu.wait_indirect_dma semaphore(%arg23 : memref<!tpu.dma_semaphore, #tpu.memory_space<semaphore_mem>>) src(%arg17 : memref<80x16xf32, #tpu.memory_space<vmem>>) dst(%dma_wait3A_504 : memref<10112x16xf32, #tpu.memory_space<vmem_shared>>)
    %dma_start3A_505 = arith.constant 3 : i32
    %dma_start3A_506 = arith.constant 0 : i32
    %dma_start3A_507 = tpu.memref_slice %arg11[%dma_start3A_505, %dma_start3A_506] : memref<5x80xi32, #tpu.memory_space<vmem>> -> memref<1x80xi32, #tpu.memory_space<vmem>>
    %dma_start3A_508 = tpu.memref_squeeze %dma_start3A_507 : memref<1x80xi32, #tpu.memory_space<vmem>> -> memref<80xi32, #tpu.memory_space<vmem>>
    %dma_start3A_509 = arith.constant 0 : i32
    %dma_start3A_510 = arith.constant 0 : i32
    %dma_start3A_511 = tpu.memref_slice %arg3[%dma_start3A_509, %dma_start3A_510] : memref<10000x128xf32, #tpu.memory_space<hbm>> -> memref<10000x128xf32, #tpu.memory_space<hbm>>
    tpu.enqueue_indirect_dma source(%dma_start3A_511 : memref<10000x128xf32, #tpu.memory_space<hbm>>) target(%arg16 : memref<80x128xf32, #tpu.memory_space<vmem>>) offsets(%dma_start3A_508 : memref<80xi32, #tpu.memory_space<vmem>>) semaphore(%arg19 : memref<!tpu.dma_semaphore, #tpu.memory_space<semaphore_mem>>)
    %dma_wait3A_512 = arith.constant 2 : i32
    %dma_wait3A_513 = arith.constant 0 : i32
    %dma_wait3A_514 = tpu.memref_slice %arg11[%dma_wait3A_512, %dma_wait3A_513] : memref<5x80xi32, #tpu.memory_space<vmem>> -> memref<1x80xi32, #tpu.memory_space<vmem>>
    %dma_wait3A_515 = tpu.memref_squeeze %dma_wait3A_514 : memref<1x80xi32, #tpu.memory_space<vmem>> -> memref<80xi32, #tpu.memory_space<vmem>>
    %dma_wait3A_516 = arith.constant 0 : i32
    %dma_wait3A_517 = arith.constant 0 : i32
    %dma_wait3A_518 = tpu.memref_slice %arg3[%dma_wait3A_516, %dma_wait3A_517] : memref<10000x128xf32, #tpu.memory_space<hbm>> -> memref<10000x128xf32, #tpu.memory_space<hbm>>
    tpu.wait_indirect_dma semaphore(%arg18 : memref<!tpu.dma_semaphore, #tpu.memory_space<semaphore_mem>>) src(%dma_wait3A_518 : memref<10000x128xf32, #tpu.memory_space<hbm>>) dst(%arg15 : memref<80x128xf32, #tpu.memory_space<vmem>>)
    %dma_start3A_519 = arith.constant 2 : i32
    %dma_start3A_520 = arith.constant 0 : i32
    %dma_start3A_521 = tpu.memref_slice %arg13[%dma_start3A_519, %dma_start3A_520] : memref<5x80xi32, #tpu.memory_space<vmem>> -> memref<1x80xi32, #tpu.memory_space<vmem>>
    %dma_start3A_522 = tpu.memref_squeeze %dma_start3A_521 : memref<1x80xi32, #tpu.memory_space<vmem>> -> memref<80xi32, #tpu.memory_space<vmem>>
    %dma_start3A_523 = arith.constant 0 : i32
    %dma_start3A_524 = arith.constant 0 : i32
    %dma_start3A_525 = tpu.memref_slice %arg9[%dma_start3A_523, %dma_start3A_524] : memref<10112x128xf32, #tpu.memory_space<vmem_shared>> -> memref<10112x128xf32, #tpu.memory_space<vmem_shared>>
    tpu.enqueue_indirect_dma source(%arg15 : memref<80x128xf32, #tpu.memory_space<vmem>>) target(%dma_start3A_525 : memref<10112x128xf32, #tpu.memory_space<vmem_shared>>) offsets(%dma_start3A_522 : memref<80xi32, #tpu.memory_space<vmem>>) semaphore(%arg20 : memref<!tpu.dma_semaphore, #tpu.memory_space<semaphore_mem>>) {add = true}
    %dma_start3A_526 = arith.constant 2 : i32
    %dma_start3A_527 = arith.constant 0 : i32
    %dma_start3A_528 = tpu.memref_slice %arg13[%dma_start3A_526, %dma_start3A_527] : memref<5x80xi32, #tpu.memory_space<vmem>> -> memref<1x80xi32, #tpu.memory_space<vmem>>
    %dma_start3A_529 = tpu.memref_squeeze %dma_start3A_528 : memref<1x80xi32, #tpu.memory_space<vmem>> -> memref<80xi32, #tpu.memory_space<vmem>>
    %dma_start3A_530 = arith.constant 0 : i32
    %dma_start3A_531 = arith.constant 0 : i32
    %dma_start3A_532 = tpu.memref_slice %arg10[%dma_start3A_530, %dma_start3A_531] : memref<10112x16xf32, #tpu.memory_space<vmem_shared>> -> memref<10112x16xf32, #tpu.memory_space<vmem_shared>>
    tpu.enqueue_indirect_dma source(%arg17 : memref<80x16xf32, #tpu.memory_space<vmem>>) target(%dma_start3A_532 : memref<10112x16xf32, #tpu.memory_space<vmem_shared>>) offsets(%dma_start3A_529 : memref<80xi32, #tpu.memory_space<vmem>>) semaphore(%arg22 : memref<!tpu.dma_semaphore, #tpu.memory_space<semaphore_mem>>) {add = true}
    %dma_wait3A_533 = arith.constant 2 : i32
    %dma_wait3A_534 = arith.constant 0 : i32
    %dma_wait3A_535 = tpu.memref_slice %arg13[%dma_wait3A_533, %dma_wait3A_534] : memref<5x80xi32, #tpu.memory_space<vmem>> -> memref<1x80xi32, #tpu.memory_space<vmem>>
    %dma_wait3A_536 = tpu.memref_squeeze %dma_wait3A_535 : memref<1x80xi32, #tpu.memory_space<vmem>> -> memref<80xi32, #tpu.memory_space<vmem>>
    %dma_wait3A_537 = arith.constant 0 : i32
    %dma_wait3A_538 = arith.constant 0 : i32
    %dma_wait3A_539 = tpu.memref_slice %arg9[%dma_wait3A_537, %dma_wait3A_538] : memref<10112x128xf32, #tpu.memory_space<vmem_shared>> -> memref<10112x128xf32, #tpu.memory_space<vmem_shared>>
    tpu.wait_indirect_dma semaphore(%arg20 : memref<!tpu.dma_semaphore, #tpu.memory_space<semaphore_mem>>) src(%arg15 : memref<80x128xf32, #tpu.memory_space<vmem>>) dst(%dma_wait3A_539 : memref<10112x128xf32, #tpu.memory_space<vmem_shared>>)
    %dma_wait3A_540 = arith.constant 2 : i32
    %dma_wait3A_541 = arith.constant 0 : i32
    %dma_wait3A_542 = tpu.memref_slice %arg13[%dma_wait3A_540, %dma_wait3A_541] : memref<5x80xi32, #tpu.memory_space<vmem>> -> memref<1x80xi32, #tpu.memory_space<vmem>>
    %dma_wait3A_543 = tpu.memref_squeeze %dma_wait3A_542 : memref<1x80xi32, #tpu.memory_space<vmem>> -> memref<80xi32, #tpu.memory_space<vmem>>
    %dma_wait3A_544 = arith.constant 0 : i32
    %dma_wait3A_545 = arith.constant 0 : i32
    %dma_wait3A_546 = tpu.memref_slice %arg10[%dma_wait3A_544, %dma_wait3A_545] : memref<10112x16xf32, #tpu.memory_space<vmem_shared>> -> memref<10112x16xf32, #tpu.memory_space<vmem_shared>>
    tpu.wait_indirect_dma semaphore(%arg22 : memref<!tpu.dma_semaphore, #tpu.memory_space<semaphore_mem>>) src(%arg17 : memref<80x16xf32, #tpu.memory_space<vmem>>) dst(%dma_wait3A_546 : memref<10112x16xf32, #tpu.memory_space<vmem_shared>>)
    %dma_start3A_547 = arith.constant 4 : i32
    %dma_start3A_548 = arith.constant 0 : i32
    %dma_start3A_549 = tpu.memref_slice %arg11[%dma_start3A_547, %dma_start3A_548] : memref<5x80xi32, #tpu.memory_space<vmem>> -> memref<1x80xi32, #tpu.memory_space<vmem>>
    %dma_start3A_550 = tpu.memref_squeeze %dma_start3A_549 : memref<1x80xi32, #tpu.memory_space<vmem>> -> memref<80xi32, #tpu.memory_space<vmem>>
    %dma_start3A_551 = arith.constant 0 : i32
    %dma_start3A_552 = arith.constant 0 : i32
    %dma_start3A_553 = tpu.memref_slice %arg3[%dma_start3A_551, %dma_start3A_552] : memref<10000x128xf32, #tpu.memory_space<hbm>> -> memref<10000x128xf32, #tpu.memory_space<hbm>>
    tpu.enqueue_indirect_dma source(%dma_start3A_553 : memref<10000x128xf32, #tpu.memory_space<hbm>>) target(%arg15 : memref<80x128xf32, #tpu.memory_space<vmem>>) offsets(%dma_start3A_550 : memref<80xi32, #tpu.memory_space<vmem>>) semaphore(%arg18 : memref<!tpu.dma_semaphore, #tpu.memory_space<semaphore_mem>>)
    %dma_wait3A_554 = arith.constant 3 : i32
    %dma_wait3A_555 = arith.constant 0 : i32
    %dma_wait3A_556 = tpu.memref_slice %arg11[%dma_wait3A_554, %dma_wait3A_555] : memref<5x80xi32, #tpu.memory_space<vmem>> -> memref<1x80xi32, #tpu.memory_space<vmem>>
    %dma_wait3A_557 = tpu.memref_squeeze %dma_wait3A_556 : memref<1x80xi32, #tpu.memory_space<vmem>> -> memref<80xi32, #tpu.memory_space<vmem>>
    %dma_wait3A_558 = arith.constant 0 : i32
    %dma_wait3A_559 = arith.constant 0 : i32
    %dma_wait3A_560 = tpu.memref_slice %arg3[%dma_wait3A_558, %dma_wait3A_559] : memref<10000x128xf32, #tpu.memory_space<hbm>> -> memref<10000x128xf32, #tpu.memory_space<hbm>>
    tpu.wait_indirect_dma semaphore(%arg19 : memref<!tpu.dma_semaphore, #tpu.memory_space<semaphore_mem>>) src(%dma_wait3A_560 : memref<10000x128xf32, #tpu.memory_space<hbm>>) dst(%arg16 : memref<80x128xf32, #tpu.memory_space<vmem>>)
    %dma_start3A_561 = arith.constant 3 : i32
    %dma_start3A_562 = arith.constant 0 : i32
    %dma_start3A_563 = tpu.memref_slice %arg13[%dma_start3A_561, %dma_start3A_562] : memref<5x80xi32, #tpu.memory_space<vmem>> -> memref<1x80xi32, #tpu.memory_space<vmem>>
    %dma_start3A_564 = tpu.memref_squeeze %dma_start3A_563 : memref<1x80xi32, #tpu.memory_space<vmem>> -> memref<80xi32, #tpu.memory_space<vmem>>
    %dma_start3A_565 = arith.constant 0 : i32
    %dma_start3A_566 = arith.constant 0 : i32
    %dma_start3A_567 = tpu.memref_slice %arg9[%dma_start3A_565, %dma_start3A_566] : memref<10112x128xf32, #tpu.memory_space<vmem_shared>> -> memref<10112x128xf32, #tpu.memory_space<vmem_shared>>
    tpu.enqueue_indirect_dma source(%arg16 : memref<80x128xf32, #tpu.memory_space<vmem>>) target(%dma_start3A_567 : memref<10112x128xf32, #tpu.memory_space<vmem_shared>>) offsets(%dma_start3A_564 : memref<80xi32, #tpu.memory_space<vmem>>) semaphore(%arg21 : memref<!tpu.dma_semaphore, #tpu.memory_space<semaphore_mem>>) {add = true}
    %dma_start3A_568 = arith.constant 3 : i32
    %dma_start3A_569 = arith.constant 0 : i32
    %dma_start3A_570 = tpu.memref_slice %arg13[%dma_start3A_568, %dma_start3A_569] : memref<5x80xi32, #tpu.memory_space<vmem>> -> memref<1x80xi32, #tpu.memory_space<vmem>>
    %dma_start3A_571 = tpu.memref_squeeze %dma_start3A_570 : memref<1x80xi32, #tpu.memory_space<vmem>> -> memref<80xi32, #tpu.memory_space<vmem>>
    %dma_start3A_572 = arith.constant 0 : i32
    %dma_start3A_573 = arith.constant 0 : i32
    %dma_start3A_574 = tpu.memref_slice %arg10[%dma_start3A_572, %dma_start3A_573] : memref<10112x16xf32, #tpu.memory_space<vmem_shared>> -> memref<10112x16xf32, #tpu.memory_space<vmem_shared>>
    tpu.enqueue_indirect_dma source(%arg17 : memref<80x16xf32, #tpu.memory_space<vmem>>) target(%dma_start3A_574 : memref<10112x16xf32, #tpu.memory_space<vmem_shared>>) offsets(%dma_start3A_571 : memref<80xi32, #tpu.memory_space<vmem>>) semaphore(%arg23 : memref<!tpu.dma_semaphore, #tpu.memory_space<semaphore_mem>>) {add = true}
    %dma_wait3A_575 = arith.constant 3 : i32
    %dma_wait3A_576 = arith.constant 0 : i32
    %dma_wait3A_577 = tpu.memref_slice %arg13[%dma_wait3A_575, %dma_wait3A_576] : memref<5x80xi32, #tpu.memory_space<vmem>> -> memref<1x80xi32, #tpu.memory_space<vmem>>
    %dma_wait3A_578 = tpu.memref_squeeze %dma_wait3A_577 : memref<1x80xi32, #tpu.memory_space<vmem>> -> memref<80xi32, #tpu.memory_space<vmem>>
    %dma_wait3A_579 = arith.constant 0 : i32
    %dma_wait3A_580 = arith.constant 0 : i32
    %dma_wait3A_581 = tpu.memref_slice %arg9[%dma_wait3A_579, %dma_wait3A_580] : memref<10112x128xf32, #tpu.memory_space<vmem_shared>> -> memref<10112x128xf32, #tpu.memory_space<vmem_shared>>
    tpu.wait_indirect_dma semaphore(%arg21 : memref<!tpu.dma_semaphore, #tpu.memory_space<semaphore_mem>>) src(%arg16 : memref<80x128xf32, #tpu.memory_space<vmem>>) dst(%dma_wait3A_581 : memref<10112x128xf32, #tpu.memory_space<vmem_shared>>)
    %dma_wait3A_582 = arith.constant 3 : i32
    %dma_wait3A_583 = arith.constant 0 : i32
    %dma_wait3A_584 = tpu.memref_slice %arg13[%dma_wait3A_582, %dma_wait3A_583] : memref<5x80xi32, #tpu.memory_space<vmem>> -> memref<1x80xi32, #tpu.memory_space<vmem>>
    %dma_wait3A_585 = tpu.memref_squeeze %dma_wait3A_584 : memref<1x80xi32, #tpu.memory_space<vmem>> -> memref<80xi32, #tpu.memory_space<vmem>>
    %dma_wait3A_586 = arith.constant 0 : i32
    %dma_wait3A_587 = arith.constant 0 : i32
    %dma_wait3A_588 = tpu.memref_slice %arg10[%dma_wait3A_586, %dma_wait3A_587] : memref<10112x16xf32, #tpu.memory_space<vmem_shared>> -> memref<10112x16xf32, #tpu.memory_space<vmem_shared>>
    tpu.wait_indirect_dma semaphore(%arg23 : memref<!tpu.dma_semaphore, #tpu.memory_space<semaphore_mem>>) src(%arg17 : memref<80x16xf32, #tpu.memory_space<vmem>>) dst(%dma_wait3A_588 : memref<10112x16xf32, #tpu.memory_space<vmem_shared>>)
    %dma_wait3A_589 = arith.constant 4 : i32
    %dma_wait3A_590 = arith.constant 0 : i32
    %dma_wait3A_591 = tpu.memref_slice %arg11[%dma_wait3A_589, %dma_wait3A_590] : memref<5x80xi32, #tpu.memory_space<vmem>> -> memref<1x80xi32, #tpu.memory_space<vmem>>
    %dma_wait3A_592 = tpu.memref_squeeze %dma_wait3A_591 : memref<1x80xi32, #tpu.memory_space<vmem>> -> memref<80xi32, #tpu.memory_space<vmem>>
    %dma_wait3A_593 = arith.constant 0 : i32
    %dma_wait3A_594 = arith.constant 0 : i32
    %dma_wait3A_595 = tpu.memref_slice %arg3[%dma_wait3A_593, %dma_wait3A_594] : memref<10000x128xf32, #tpu.memory_space<hbm>> -> memref<10000x128xf32, #tpu.memory_space<hbm>>
    tpu.wait_indirect_dma semaphore(%arg18 : memref<!tpu.dma_semaphore, #tpu.memory_space<semaphore_mem>>) src(%dma_wait3A_595 : memref<10000x128xf32, #tpu.memory_space<hbm>>) dst(%arg15 : memref<80x128xf32, #tpu.memory_space<vmem>>)
    %dma_start3A_596 = arith.constant 4 : i32
    %dma_start3A_597 = arith.constant 0 : i32
    %dma_start3A_598 = tpu.memref_slice %arg13[%dma_start3A_596, %dma_start3A_597] : memref<5x80xi32, #tpu.memory_space<vmem>> -> memref<1x80xi32, #tpu.memory_space<vmem>>
    %dma_start3A_599 = tpu.memref_squeeze %dma_start3A_598 : memref<1x80xi32, #tpu.memory_space<vmem>> -> memref<80xi32, #tpu.memory_space<vmem>>
    %dma_start3A_600 = arith.constant 0 : i32
    %dma_start3A_601 = arith.constant 0 : i32
    %dma_start3A_602 = tpu.memref_slice %arg9[%dma_start3A_600, %dma_start3A_601] : memref<10112x128xf32, #tpu.memory_space<vmem_shared>> -> memref<10112x128xf32, #tpu.memory_space<vmem_shared>>
    tpu.enqueue_indirect_dma source(%arg15 : memref<80x128xf32, #tpu.memory_space<vmem>>) target(%dma_start3A_602 : memref<10112x128xf32, #tpu.memory_space<vmem_shared>>) offsets(%dma_start3A_599 : memref<80xi32, #tpu.memory_space<vmem>>) semaphore(%arg20 : memref<!tpu.dma_semaphore, #tpu.memory_space<semaphore_mem>>) {add = true}
    %dma_start3A_603 = arith.constant 4 : i32
    %dma_start3A_604 = arith.constant 0 : i32
    %dma_start3A_605 = tpu.memref_slice %arg13[%dma_start3A_603, %dma_start3A_604] : memref<5x80xi32, #tpu.memory_space<vmem>> -> memref<1x80xi32, #tpu.memory_space<vmem>>
    %dma_start3A_606 = tpu.memref_squeeze %dma_start3A_605 : memref<1x80xi32, #tpu.memory_space<vmem>> -> memref<80xi32, #tpu.memory_space<vmem>>
    %dma_start3A_607 = arith.constant 0 : i32
    %dma_start3A_608 = arith.constant 0 : i32
    %dma_start3A_609 = tpu.memref_slice %arg10[%dma_start3A_607, %dma_start3A_608] : memref<10112x16xf32, #tpu.memory_space<vmem_shared>> -> memref<10112x16xf32, #tpu.memory_space<vmem_shared>>
    tpu.enqueue_indirect_dma source(%arg17 : memref<80x16xf32, #tpu.memory_space<vmem>>) target(%dma_start3A_609 : memref<10112x16xf32, #tpu.memory_space<vmem_shared>>) offsets(%dma_start3A_606 : memref<80xi32, #tpu.memory_space<vmem>>) semaphore(%arg22 : memref<!tpu.dma_semaphore, #tpu.memory_space<semaphore_mem>>) {add = true}
    %dma_wait3A_610 = arith.constant 4 : i32
    %dma_wait3A_611 = arith.constant 0 : i32
    %dma_wait3A_612 = tpu.memref_slice %arg13[%dma_wait3A_610, %dma_wait3A_611] : memref<5x80xi32, #tpu.memory_space<vmem>> -> memref<1x80xi32, #tpu.memory_space<vmem>>
    %dma_wait3A_613 = tpu.memref_squeeze %dma_wait3A_612 : memref<1x80xi32, #tpu.memory_space<vmem>> -> memref<80xi32, #tpu.memory_space<vmem>>
    %dma_wait3A_614 = arith.constant 0 : i32
    %dma_wait3A_615 = arith.constant 0 : i32
    %dma_wait3A_616 = tpu.memref_slice %arg9[%dma_wait3A_614, %dma_wait3A_615] : memref<10112x128xf32, #tpu.memory_space<vmem_shared>> -> memref<10112x128xf32, #tpu.memory_space<vmem_shared>>
    tpu.wait_indirect_dma semaphore(%arg20 : memref<!tpu.dma_semaphore, #tpu.memory_space<semaphore_mem>>) src(%arg15 : memref<80x128xf32, #tpu.memory_space<vmem>>) dst(%dma_wait3A_616 : memref<10112x128xf32, #tpu.memory_space<vmem_shared>>)
    %dma_wait3A_617 = arith.constant 4 : i32
    %dma_wait3A_618 = arith.constant 0 : i32
    %dma_wait3A_619 = tpu.memref_slice %arg13[%dma_wait3A_617, %dma_wait3A_618] : memref<5x80xi32, #tpu.memory_space<vmem>> -> memref<1x80xi32, #tpu.memory_space<vmem>>
    %dma_wait3A_620 = tpu.memref_squeeze %dma_wait3A_619 : memref<1x80xi32, #tpu.memory_space<vmem>> -> memref<80xi32, #tpu.memory_space<vmem>>
    %dma_wait3A_621 = arith.constant 0 : i32
    %dma_wait3A_622 = arith.constant 0 : i32
    %dma_wait3A_623 = tpu.memref_slice %arg10[%dma_wait3A_621, %dma_wait3A_622] : memref<10112x16xf32, #tpu.memory_space<vmem_shared>> -> memref<10112x16xf32, #tpu.memory_space<vmem_shared>>
    tpu.wait_indirect_dma semaphore(%arg22 : memref<!tpu.dma_semaphore, #tpu.memory_space<semaphore_mem>>) src(%arg17 : memref<80x16xf32, #tpu.memory_space<vmem>>) dst(%dma_wait3A_623 : memref<10112x16xf32, #tpu.memory_space<vmem_shared>>)
    %barrier3A_624 = arith.constant 0 : index
    tpu.barrier barrier_id(%barrier3A_624)
    %add3A_625 = arith.constant 0 : i32
    %add3A_626 = arith.addi %mul3A_2, %add3A_625 : i32
    "tpu.region"() ({
      %run_scoped3A_849 = tpu.sem_alloc : memref<!tpu.dma_semaphore, #tpu.memory_space<semaphore_mem>>
      %dma_start3A_850 = arith.constant 0 : i32
      %dma_start3A_851 = arith.constant 0 : i32
      %dma_start3A_852 = tpu.memref_slice %arg15[%dma_start3A_850, %dma_start3A_851] : memref<80x128xf32, #tpu.memory_space<vmem>> -> memref<79x128xf32, #tpu.memory_space<vmem>>
      %dma_start3A_853 = arith.constant 0 : i32
      %dma_start3A_854 = tpu.memref_slice %arg9[%add3A_626, %dma_start3A_853] : memref<10112x128xf32, #tpu.memory_space<vmem_shared>> -> memref<79x128xf32, #tpu.memory_space<vmem_shared>>
      %dma_start3A_855 = arith.constant 0 : i32
      %dma_start3A_856 = arith.constant 0 : i32
      %dma_start3A_857 = tpu.memref_slice %arg15[%dma_start3A_855, %dma_start3A_856] : memref<80x128xf32, #tpu.memory_space<vmem>> -> memref<79x128xf32, #tpu.memory_space<vmem>>
      %dma_start3A_858 = arith.constant 0 : i32
      %dma_start3A_859 = tpu.memref_slice %arg9[%add3A_626, %dma_start3A_858] : memref<10112x128xf32, #tpu.memory_space<vmem_shared>> -> memref<79x128xf32, #tpu.memory_space<vmem_shared>>
      tpu.enqueue_dma source(%dma_start3A_859 : memref<79x128xf32, #tpu.memory_space<vmem_shared>>) target(%dma_start3A_857 : memref<79x128xf32, #tpu.memory_space<vmem>>) target_semaphore(%run_scoped3A_849 : memref<!tpu.dma_semaphore, #tpu.memory_space<semaphore_mem>>)
      %dma_wait3A_860 = arith.constant 0 : i32
      %dma_wait3A_861 = arith.constant 0 : i32
      %dma_wait3A_862 = tpu.memref_slice %arg15[%dma_wait3A_860, %dma_wait3A_861] : memref<80x128xf32, #tpu.memory_space<vmem>> -> memref<79x128xf32, #tpu.memory_space<vmem>>
      %dma_wait3A_863 = arith.constant 0 : i32
      %dma_wait3A_864 = tpu.memref_slice %arg9[%add3A_626, %dma_wait3A_863] : memref<10112x128xf32, #tpu.memory_space<vmem_shared>> -> memref<79x128xf32, #tpu.memory_space<vmem_shared>>
      %dma_wait3A_865 = arith.constant 0 : i32
      %dma_wait3A_866 = arith.constant 0 : i32
      %dma_wait3A_867 = tpu.memref_slice %arg15[%dma_wait3A_865, %dma_wait3A_866] : memref<80x128xf32, #tpu.memory_space<vmem>> -> memref<79x128xf32, #tpu.memory_space<vmem>>
      %dma_wait3A_868 = arith.constant 0 : i32
      %dma_wait3A_869 = tpu.memref_slice %arg9[%add3A_626, %dma_wait3A_868] : memref<10112x128xf32, #tpu.memory_space<vmem_shared>> -> memref<79x128xf32, #tpu.memory_space<vmem_shared>>
      tpu.wait_dma2 semaphore(%run_scoped3A_849 : memref<!tpu.dma_semaphore, #tpu.memory_space<semaphore_mem>>) src(%dma_wait3A_869 : memref<79x128xf32, #tpu.memory_space<vmem_shared>>) dst(%dma_wait3A_867 : memref<79x128xf32, #tpu.memory_space<vmem>>)
      tpu.yield
    }) : () -> ()
    %dma_start3A_627 = arith.constant 0 : i32
    %dma_start3A_628 = arith.constant 0 : i32
    %dma_start3A_629 = tpu.memref_slice %arg15[%dma_start3A_627, %dma_start3A_628] : memref<80x128xf32, #tpu.memory_space<vmem>> -> memref<79x128xf32, #tpu.memory_space<vmem>>
    %dma_start3A_630 = arith.constant 0 : i32
    %dma_start3A_631 = tpu.memref_slice %arg7[%arg0, %add3A_626, %dma_start3A_630] : memref<2x10112x128xf32, #tpu.memory_space<hbm>> -> memref<1x79x128xf32, #tpu.memory_space<hbm>>
    %dma_start3A_632 = tpu.memref_squeeze %dma_start3A_631 : memref<1x79x128xf32, #tpu.memory_space<hbm>> -> memref<79x128xf32, #tpu.memory_space<hbm>>
    %dma_start3A_633 = arith.constant 0 : i32
    %dma_start3A_634 = tpu.memref_slice %arg7[%arg0, %add3A_626, %dma_start3A_633] : memref<2x10112x128xf32, #tpu.memory_space<hbm>> -> memref<1x79x128xf32, #tpu.memory_space<hbm>>
    %dma_start3A_635 = tpu.memref_squeeze %dma_start3A_634 : memref<1x79x128xf32, #tpu.memory_space<hbm>> -> memref<79x128xf32, #tpu.memory_space<hbm>>
    %dma_start3A_636 = arith.constant 0 : i32
    %dma_start3A_637 = arith.constant 0 : i32
    %dma_start3A_638 = tpu.memref_slice %arg15[%dma_start3A_636, %dma_start3A_637] : memref<80x128xf32, #tpu.memory_space<vmem>> -> memref<79x128xf32, #tpu.memory_space<vmem>>
    tpu.enqueue_dma source(%dma_start3A_638 : memref<79x128xf32, #tpu.memory_space<vmem>>) target(%dma_start3A_635 : memref<79x128xf32, #tpu.memory_space<hbm>>) target_semaphore(%arg24 : memref<!tpu.dma_semaphore, #tpu.memory_space<semaphore_mem>>)
    "tpu.region"() ({
      %run_scoped3A_849 = tpu.sem_alloc : memref<!tpu.dma_semaphore, #tpu.memory_space<semaphore_mem>>
      %dma_start3A_850 = arith.constant 0 : i32
      %dma_start3A_851 = arith.constant 0 : i32
      %dma_start3A_852 = tpu.memref_slice %arg17[%dma_start3A_850, %dma_start3A_851] : memref<80x16xf32, #tpu.memory_space<vmem>> -> memref<79x16xf32, #tpu.memory_space<vmem>>
      %dma_start3A_853 = arith.constant 0 : i32
      %dma_start3A_854 = tpu.memref_slice %arg10[%add3A_626, %dma_start3A_853] : memref<10112x16xf32, #tpu.memory_space<vmem_shared>> -> memref<79x16xf32, #tpu.memory_space<vmem_shared>>
      %dma_start3A_855 = arith.constant 0 : i32
      %dma_start3A_856 = arith.constant 0 : i32
      %dma_start3A_857 = tpu.memref_slice %arg17[%dma_start3A_855, %dma_start3A_856] : memref<80x16xf32, #tpu.memory_space<vmem>> -> memref<79x16xf32, #tpu.memory_space<vmem>>
      %dma_start3A_858 = arith.constant 0 : i32
      %dma_start3A_859 = tpu.memref_slice %arg10[%add3A_626, %dma_start3A_858] : memref<10112x16xf32, #tpu.memory_space<vmem_shared>> -> memref<79x16xf32, #tpu.memory_space<vmem_shared>>
      tpu.enqueue_dma source(%dma_start3A_859 : memref<79x16xf32, #tpu.memory_space<vmem_shared>>) target(%dma_start3A_857 : memref<79x16xf32, #tpu.memory_space<vmem>>) target_semaphore(%run_scoped3A_849 : memref<!tpu.dma_semaphore, #tpu.memory_space<semaphore_mem>>)
      %dma_wait3A_860 = arith.constant 0 : i32
      %dma_wait3A_861 = arith.constant 0 : i32
      %dma_wait3A_862 = tpu.memref_slice %arg17[%dma_wait3A_860, %dma_wait3A_861] : memref<80x16xf32, #tpu.memory_space<vmem>> -> memref<79x16xf32, #tpu.memory_space<vmem>>
      %dma_wait3A_863 = arith.constant 0 : i32
      %dma_wait3A_864 = tpu.memref_slice %arg10[%add3A_626, %dma_wait3A_863] : memref<10112x16xf32, #tpu.memory_space<vmem_shared>> -> memref<79x16xf32, #tpu.memory_space<vmem_shared>>
      %dma_wait3A_865 = arith.constant 0 : i32
      %dma_wait3A_866 = arith.constant 0 : i32
      %dma_wait3A_867 = tpu.memref_slice %arg17[%dma_wait3A_865, %dma_wait3A_866] : memref<80x16xf32, #tpu.memory_space<vmem>> -> memref<79x16xf32, #tpu.memory_space<vmem>>
      %dma_wait3A_868 = arith.constant 0 : i32
      %dma_wait3A_869 = tpu.memref_slice %arg10[%add3A_626, %dma_wait3A_868] : memref<10112x16xf32, #tpu.memory_space<vmem_shared>> -> memref<79x16xf32, #tpu.memory_space<vmem_shared>>
      tpu.wait_dma2 semaphore(%run_scoped3A_849 : memref<!tpu.dma_semaphore, #tpu.memory_space<semaphore_mem>>) src(%dma_wait3A_869 : memref<79x16xf32, #tpu.memory_space<vmem_shared>>) dst(%dma_wait3A_867 : memref<79x16xf32, #tpu.memory_space<vmem>>)
      tpu.yield
    }) : () -> ()
    "tpu.region"() ({
      %run_scoped3A_849 = tpu.sem_alloc : memref<!tpu.dma_semaphore, #tpu.memory_space<semaphore_mem>>
      %dma_start3A_850 = arith.constant 0 : i32
      %dma_start3A_851 = arith.constant 0 : i32
      %dma_start3A_852 = tpu.memref_slice %arg17[%dma_start3A_850, %dma_start3A_851] : memref<80x16xf32, #tpu.memory_space<vmem>> -> memref<79x16xf32, #tpu.memory_space<vmem>>
      %dma_start3A_853 = arith.constant 0 : i32
      %dma_start3A_854 = tpu.memref_slice %arg8[%arg0, %add3A_626, %dma_start3A_853] : memref<2x10112x16xf32, #tpu.memory_space<hbm>> -> memref<1x79x16xf32, #tpu.memory_space<hbm>>
      %dma_start3A_855 = tpu.memref_squeeze %dma_start3A_854 : memref<1x79x16xf32, #tpu.memory_space<hbm>> -> memref<79x16xf32, #tpu.memory_space<hbm>>
      %dma_start3A_856 = arith.constant 0 : i32
      %dma_start3A_857 = tpu.memref_slice %arg8[%arg0, %add3A_626, %dma_start3A_856] : memref<2x10112x16xf32, #tpu.memory_space<hbm>> -> memref<1x79x16xf32, #tpu.memory_space<hbm>>
      %dma_start3A_858 = tpu.memref_squeeze %dma_start3A_857 : memref<1x79x16xf32, #tpu.memory_space<hbm>> -> memref<79x16xf32, #tpu.memory_space<hbm>>
      %dma_start3A_859 = arith.constant 0 : i32
      %dma_start3A_860 = arith.constant 0 : i32
      %dma_start3A_861 = tpu.memref_slice %arg17[%dma_start3A_859, %dma_start3A_860] : memref<80x16xf32, #tpu.memory_space<vmem>> -> memref<79x16xf32, #tpu.memory_space<vmem>>
      tpu.enqueue_dma source(%dma_start3A_861 : memref<79x16xf32, #tpu.memory_space<vmem>>) target(%dma_start3A_858 : memref<79x16xf32, #tpu.memory_space<hbm>>) target_semaphore(%run_scoped3A_849 : memref<!tpu.dma_semaphore, #tpu.memory_space<semaphore_mem>>)
      %dma_wait3A_862 = arith.constant 0 : i32
      %dma_wait3A_863 = arith.constant 0 : i32
      %dma_wait3A_864 = tpu.memref_slice %arg17[%dma_wait3A_862, %dma_wait3A_863] : memref<80x16xf32, #tpu.memory_space<vmem>> -> memref<79x16xf32, #tpu.memory_space<vmem>>
      %dma_wait3A_865 = arith.constant 0 : i32
      %dma_wait3A_866 = tpu.memref_slice %arg8[%arg0, %add3A_626, %dma_wait3A_865] : memref<2x10112x16xf32, #tpu.memory_space<hbm>> -> memref<1x79x16xf32, #tpu.memory_space<hbm>>
      %dma_wait3A_867 = tpu.memref_squeeze %dma_wait3A_866 : memref<1x79x16xf32, #tpu.memory_space<hbm>> -> memref<79x16xf32, #tpu.memory_space<hbm>>
      %dma_wait3A_868 = arith.constant 0 : i32
      %dma_wait3A_869 = tpu.memref_slice %arg8[%arg0, %add3A_626, %dma_wait3A_868] : memref<2x10112x16xf32, #tpu.memory_space<hbm>> -> memref<1x79x16xf32, #tpu.memory_space<hbm>>
      %dma_wait3A_870 = tpu.memref_squeeze %dma_wait3A_869 : memref<1x79x16xf32, #tpu.memory_space<hbm>> -> memref<79x16xf32, #tpu.memory_space<hbm>>
      %dma_wait3A_871 = arith.constant 0 : i32
      %dma_wait3A_872 = arith.constant 0 : i32
      %dma_wait3A_873 = tpu.memref_slice %arg17[%dma_wait3A_871, %dma_wait3A_872] : memref<80x16xf32, #tpu.memory_space<vmem>> -> memref<79x16xf32, #tpu.memory_space<vmem>>
      tpu.wait_dma2 semaphore(%run_scoped3A_849 : memref<!tpu.dma_semaphore, #tpu.memory_space<semaphore_mem>>) src(%dma_wait3A_873 : memref<79x16xf32, #tpu.memory_space<vmem>>) dst(%dma_wait3A_870 : memref<79x16xf32, #tpu.memory_space<hbm>>)
      tpu.yield
    }) : () -> ()
    %add3A_639 = arith.constant 79 : i32
    %add3A_640 = arith.addi %mul3A_2, %add3A_639 : i32
    "tpu.region"() ({
      %run_scoped3A_849 = tpu.sem_alloc : memref<!tpu.dma_semaphore, #tpu.memory_space<semaphore_mem>>
      %dma_start3A_850 = arith.constant 0 : i32
      %dma_start3A_851 = arith.constant 0 : i32
      %dma_start3A_852 = tpu.memref_slice %arg16[%dma_start3A_850, %dma_start3A_851] : memref<80x128xf32, #tpu.memory_space<vmem>> -> memref<79x128xf32, #tpu.memory_space<vmem>>
      %dma_start3A_853 = arith.constant 0 : i32
      %dma_start3A_854 = tpu.memref_slice %arg9[%add3A_640, %dma_start3A_853] : memref<10112x128xf32, #tpu.memory_space<vmem_shared>> -> memref<79x128xf32, #tpu.memory_space<vmem_shared>>
      %dma_start3A_855 = arith.constant 0 : i32
      %dma_start3A_856 = arith.constant 0 : i32
      %dma_start3A_857 = tpu.memref_slice %arg16[%dma_start3A_855, %dma_start3A_856] : memref<80x128xf32, #tpu.memory_space<vmem>> -> memref<79x128xf32, #tpu.memory_space<vmem>>
      %dma_start3A_858 = arith.constant 0 : i32
      %dma_start3A_859 = tpu.memref_slice %arg9[%add3A_640, %dma_start3A_858] : memref<10112x128xf32, #tpu.memory_space<vmem_shared>> -> memref<79x128xf32, #tpu.memory_space<vmem_shared>>
      tpu.enqueue_dma source(%dma_start3A_859 : memref<79x128xf32, #tpu.memory_space<vmem_shared>>) target(%dma_start3A_857 : memref<79x128xf32, #tpu.memory_space<vmem>>) target_semaphore(%run_scoped3A_849 : memref<!tpu.dma_semaphore, #tpu.memory_space<semaphore_mem>>)
      %dma_wait3A_860 = arith.constant 0 : i32
      %dma_wait3A_861 = arith.constant 0 : i32
      %dma_wait3A_862 = tpu.memref_slice %arg16[%dma_wait3A_860, %dma_wait3A_861] : memref<80x128xf32, #tpu.memory_space<vmem>> -> memref<79x128xf32, #tpu.memory_space<vmem>>
      %dma_wait3A_863 = arith.constant 0 : i32
      %dma_wait3A_864 = tpu.memref_slice %arg9[%add3A_640, %dma_wait3A_863] : memref<10112x128xf32, #tpu.memory_space<vmem_shared>> -> memref<79x128xf32, #tpu.memory_space<vmem_shared>>
      %dma_wait3A_865 = arith.constant 0 : i32
      %dma_wait3A_866 = arith.constant 0 : i32
      %dma_wait3A_867 = tpu.memref_slice %arg16[%dma_wait3A_865, %dma_wait3A_866] : memref<80x128xf32, #tpu.memory_space<vmem>> -> memref<79x128xf32, #tpu.memory_space<vmem>>
      %dma_wait3A_868 = arith.constant 0 : i32
      %dma_wait3A_869 = tpu.memref_slice %arg9[%add3A_640, %dma_wait3A_868] : memref<10112x128xf32, #tpu.memory_space<vmem_shared>> -> memref<79x128xf32, #tpu.memory_space<vmem_shared>>
      tpu.wait_dma2 semaphore(%run_scoped3A_849 : memref<!tpu.dma_semaphore, #tpu.memory_space<semaphore_mem>>) src(%dma_wait3A_869 : memref<79x128xf32, #tpu.memory_space<vmem_shared>>) dst(%dma_wait3A_867 : memref<79x128xf32, #tpu.memory_space<vmem>>)
      tpu.yield
    }) : () -> ()
    %dma_start3A_641 = arith.constant 0 : i32
    %dma_start3A_642 = arith.constant 0 : i32
    %dma_start3A_643 = tpu.memref_slice %arg16[%dma_start3A_641, %dma_start3A_642] : memref<80x128xf32, #tpu.memory_space<vmem>> -> memref<79x128xf32, #tpu.memory_space<vmem>>
    %dma_start3A_644 = arith.constant 0 : i32
    %dma_start3A_645 = tpu.memref_slice %arg7[%arg0, %add3A_640, %dma_start3A_644] : memref<2x10112x128xf32, #tpu.memory_space<hbm>> -> memref<1x79x128xf32, #tpu.memory_space<hbm>>
    %dma_start3A_646 = tpu.memref_squeeze %dma_start3A_645 : memref<1x79x128xf32, #tpu.memory_space<hbm>> -> memref<79x128xf32, #tpu.memory_space<hbm>>
    %dma_start3A_647 = arith.constant 0 : i32
    %dma_start3A_648 = tpu.memref_slice %arg7[%arg0, %add3A_640, %dma_start3A_647] : memref<2x10112x128xf32, #tpu.memory_space<hbm>> -> memref<1x79x128xf32, #tpu.memory_space<hbm>>
    %dma_start3A_649 = tpu.memref_squeeze %dma_start3A_648 : memref<1x79x128xf32, #tpu.memory_space<hbm>> -> memref<79x128xf32, #tpu.memory_space<hbm>>
    %dma_start3A_650 = arith.constant 0 : i32
    %dma_start3A_651 = arith.constant 0 : i32
    %dma_start3A_652 = tpu.memref_slice %arg16[%dma_start3A_650, %dma_start3A_651] : memref<80x128xf32, #tpu.memory_space<vmem>> -> memref<79x128xf32, #tpu.memory_space<vmem>>
    tpu.enqueue_dma source(%dma_start3A_652 : memref<79x128xf32, #tpu.memory_space<vmem>>) target(%dma_start3A_649 : memref<79x128xf32, #tpu.memory_space<hbm>>) target_semaphore(%arg25 : memref<!tpu.dma_semaphore, #tpu.memory_space<semaphore_mem>>)
    "tpu.region"() ({
      %run_scoped3A_849 = tpu.sem_alloc : memref<!tpu.dma_semaphore, #tpu.memory_space<semaphore_mem>>
      %dma_start3A_850 = arith.constant 0 : i32
      %dma_start3A_851 = arith.constant 0 : i32
      %dma_start3A_852 = tpu.memref_slice %arg17[%dma_start3A_850, %dma_start3A_851] : memref<80x16xf32, #tpu.memory_space<vmem>> -> memref<79x16xf32, #tpu.memory_space<vmem>>
      %dma_start3A_853 = arith.constant 0 : i32
      %dma_start3A_854 = tpu.memref_slice %arg10[%add3A_640, %dma_start3A_853] : memref<10112x16xf32, #tpu.memory_space<vmem_shared>> -> memref<79x16xf32, #tpu.memory_space<vmem_shared>>
      %dma_start3A_855 = arith.constant 0 : i32
      %dma_start3A_856 = arith.constant 0 : i32
      %dma_start3A_857 = tpu.memref_slice %arg17[%dma_start3A_855, %dma_start3A_856] : memref<80x16xf32, #tpu.memory_space<vmem>> -> memref<79x16xf32, #tpu.memory_space<vmem>>
      %dma_start3A_858 = arith.constant 0 : i32
      %dma_start3A_859 = tpu.memref_slice %arg10[%add3A_640, %dma_start3A_858] : memref<10112x16xf32, #tpu.memory_space<vmem_shared>> -> memref<79x16xf32, #tpu.memory_space<vmem_shared>>
      tpu.enqueue_dma source(%dma_start3A_859 : memref<79x16xf32, #tpu.memory_space<vmem_shared>>) target(%dma_start3A_857 : memref<79x16xf32, #tpu.memory_space<vmem>>) target_semaphore(%run_scoped3A_849 : memref<!tpu.dma_semaphore, #tpu.memory_space<semaphore_mem>>)
      %dma_wait3A_860 = arith.constant 0 : i32
      %dma_wait3A_861 = arith.constant 0 : i32
      %dma_wait3A_862 = tpu.memref_slice %arg17[%dma_wait3A_860, %dma_wait3A_861] : memref<80x16xf32, #tpu.memory_space<vmem>> -> memref<79x16xf32, #tpu.memory_space<vmem>>
      %dma_wait3A_863 = arith.constant 0 : i32
      %dma_wait3A_864 = tpu.memref_slice %arg10[%add3A_640, %dma_wait3A_863] : memref<10112x16xf32, #tpu.memory_space<vmem_shared>> -> memref<79x16xf32, #tpu.memory_space<vmem_shared>>
      %dma_wait3A_865 = arith.constant 0 : i32
      %dma_wait3A_866 = arith.constant 0 : i32
      %dma_wait3A_867 = tpu.memref_slice %arg17[%dma_wait3A_865, %dma_wait3A_866] : memref<80x16xf32, #tpu.memory_space<vmem>> -> memref<79x16xf32, #tpu.memory_space<vmem>>
      %dma_wait3A_868 = arith.constant 0 : i32
      %dma_wait3A_869 = tpu.memref_slice %arg10[%add3A_640, %dma_wait3A_868] : memref<10112x16xf32, #tpu.memory_space<vmem_shared>> -> memref<79x16xf32, #tpu.memory_space<vmem_shared>>
      tpu.wait_dma2 semaphore(%run_scoped3A_849 : memref<!tpu.dma_semaphore, #tpu.memory_space<semaphore_mem>>) src(%dma_wait3A_869 : memref<79x16xf32, #tpu.memory_space<vmem_shared>>) dst(%dma_wait3A_867 : memref<79x16xf32, #tpu.memory_space<vmem>>)
      tpu.yield
    }) : () -> ()
    "tpu.region"() ({
      %run_scoped3A_849 = tpu.sem_alloc : memref<!tpu.dma_semaphore, #tpu.memory_space<semaphore_mem>>
      %dma_start3A_850 = arith.constant 0 : i32
      %dma_start3A_851 = arith.constant 0 : i32
      %dma_start3A_852 = tpu.memref_slice %arg17[%dma_start3A_850, %dma_start3A_851] : memref<80x16xf32, #tpu.memory_space<vmem>> -> memref<79x16xf32, #tpu.memory_space<vmem>>
      %dma_start3A_853 = arith.constant 0 : i32
      %dma_start3A_854 = tpu.memref_slice %arg8[%arg0, %add3A_640, %dma_start3A_853] : memref<2x10112x16xf32, #tpu.memory_space<hbm>> -> memref<1x79x16xf32, #tpu.memory_space<hbm>>
      %dma_start3A_855 = tpu.memref_squeeze %dma_start3A_854 : memref<1x79x16xf32, #tpu.memory_space<hbm>> -> memref<79x16xf32, #tpu.memory_space<hbm>>
      %dma_start3A_856 = arith.constant 0 : i32
      %dma_start3A_857 = tpu.memref_slice %arg8[%arg0, %add3A_640, %dma_start3A_856] : memref<2x10112x16xf32, #tpu.memory_space<hbm>> -> memref<1x79x16xf32, #tpu.memory_space<hbm>>
      %dma_start3A_858 = tpu.memref_squeeze %dma_start3A_857 : memref<1x79x16xf32, #tpu.memory_space<hbm>> -> memref<79x16xf32, #tpu.memory_space<hbm>>
      %dma_start3A_859 = arith.constant 0 : i32
      %dma_start3A_860 = arith.constant 0 : i32
      %dma_start3A_861 = tpu.memref_slice %arg17[%dma_start3A_859, %dma_start3A_860] : memref<80x16xf32, #tpu.memory_space<vmem>> -> memref<79x16xf32, #tpu.memory_space<vmem>>
      tpu.enqueue_dma source(%dma_start3A_861 : memref<79x16xf32, #tpu.memory_space<vmem>>) target(%dma_start3A_858 : memref<79x16xf32, #tpu.memory_space<hbm>>) target_semaphore(%run_scoped3A_849 : memref<!tpu.dma_semaphore, #tpu.memory_space<semaphore_mem>>)
      %dma_wait3A_862 = arith.constant 0 : i32
      %dma_wait3A_863 = arith.constant 0 : i32
      %dma_wait3A_864 = tpu.memref_slice %arg17[%dma_wait3A_862, %dma_wait3A_863] : memref<80x16xf32, #tpu.memory_space<vmem>> -> memref<79x16xf32, #tpu.memory_space<vmem>>
      %dma_wait3A_865 = arith.constant 0 : i32
      %dma_wait3A_866 = tpu.memref_slice %arg8[%arg0, %add3A_640, %dma_wait3A_865] : memref<2x10112x16xf32, #tpu.memory_space<hbm>> -> memref<1x79x16xf32, #tpu.memory_space<hbm>>
      %dma_wait3A_867 = tpu.memref_squeeze %dma_wait3A_866 : memref<1x79x16xf32, #tpu.memory_space<hbm>> -> memref<79x16xf32, #tpu.memory_space<hbm>>
      %dma_wait3A_868 = arith.constant 0 : i32
      %dma_wait3A_869 = tpu.memref_slice %arg8[%arg0, %add3A_640, %dma_wait3A_868] : memref<2x10112x16xf32, #tpu.memory_space<hbm>> -> memref<1x79x16xf32, #tpu.memory_space<hbm>>
      %dma_wait3A_870 = tpu.memref_squeeze %dma_wait3A_869 : memref<1x79x16xf32, #tpu.memory_space<hbm>> -> memref<79x16xf32, #tpu.memory_space<hbm>>
      %dma_wait3A_871 = arith.constant 0 : i32
      %dma_wait3A_872 = arith.constant 0 : i32
      %dma_wait3A_873 = tpu.memref_slice %arg17[%dma_wait3A_871, %dma_wait3A_872] : memref<80x16xf32, #tpu.memory_space<vmem>> -> memref<79x16xf32, #tpu.memory_space<vmem>>
      tpu.wait_dma2 semaphore(%run_scoped3A_849 : memref<!tpu.dma_semaphore, #tpu.memory_space<semaphore_mem>>) src(%dma_wait3A_873 : memref<79x16xf32, #tpu.memory_space<vmem>>) dst(%dma_wait3A_870 : memref<79x16xf32, #tpu.memory_space<hbm>>)
      tpu.yield
    }) : () -> ()
    %add3A_653 = arith.constant 158 : i32
    %add3A_654 = arith.addi %mul3A_2, %add3A_653 : i32
    %add3A_655 = arith.constant 0 : i32
    %add3A_656 = arith.addi %mul3A_2, %add3A_655 : i32
    %dma_wait3A_657 = arith.constant 0 : i32
    %dma_wait3A_658 = arith.constant 0 : i32
    %dma_wait3A_659 = tpu.memref_slice %arg15[%dma_wait3A_657, %dma_wait3A_658] : memref<80x128xf32, #tpu.memory_space<vmem>> -> memref<79x128xf32, #tpu.memory_space<vmem>>
    %dma_wait3A_660 = arith.constant 0 : i32
    %dma_wait3A_661 = tpu.memref_slice %arg7[%arg0, %add3A_656, %dma_wait3A_660] : memref<2x10112x128xf32, #tpu.memory_space<hbm>> -> memref<1x79x128xf32, #tpu.memory_space<hbm>>
    %dma_wait3A_662 = tpu.memref_squeeze %dma_wait3A_661 : memref<1x79x128xf32, #tpu.memory_space<hbm>> -> memref<79x128xf32, #tpu.memory_space<hbm>>
    %dma_wait3A_663 = arith.constant 0 : i32
    %dma_wait3A_664 = tpu.memref_slice %arg7[%arg0, %add3A_656, %dma_wait3A_663] : memref<2x10112x128xf32, #tpu.memory_space<hbm>> -> memref<1x79x128xf32, #tpu.memory_space<hbm>>
    %dma_wait3A_665 = tpu.memref_squeeze %dma_wait3A_664 : memref<1x79x128xf32, #tpu.memory_space<hbm>> -> memref<79x128xf32, #tpu.memory_space<hbm>>
    %dma_wait3A_666 = arith.constant 0 : i32
    %dma_wait3A_667 = arith.constant 0 : i32
    %dma_wait3A_668 = tpu.memref_slice %arg15[%dma_wait3A_666, %dma_wait3A_667] : memref<80x128xf32, #tpu.memory_space<vmem>> -> memref<79x128xf32, #tpu.memory_space<vmem>>
    tpu.wait_dma2 semaphore(%arg24 : memref<!tpu.dma_semaphore, #tpu.memory_space<semaphore_mem>>) src(%dma_wait3A_668 : memref<79x128xf32, #tpu.memory_space<vmem>>) dst(%dma_wait3A_665 : memref<79x128xf32, #tpu.memory_space<hbm>>)
    "tpu.region"() ({
      %run_scoped3A_849 = tpu.sem_alloc : memref<!tpu.dma_semaphore, #tpu.memory_space<semaphore_mem>>
      %dma_start3A_850 = arith.constant 0 : i32
      %dma_start3A_851 = arith.constant 0 : i32
      %dma_start3A_852 = tpu.memref_slice %arg15[%dma_start3A_850, %dma_start3A_851] : memref<80x128xf32, #tpu.memory_space<vmem>> -> memref<79x128xf32, #tpu.memory_space<vmem>>
      %dma_start3A_853 = arith.constant 0 : i32
      %dma_start3A_854 = tpu.memref_slice %arg9[%add3A_654, %dma_start3A_853] : memref<10112x128xf32, #tpu.memory_space<vmem_shared>> -> memref<79x128xf32, #tpu.memory_space<vmem_shared>>
      %dma_start3A_855 = arith.constant 0 : i32
      %dma_start3A_856 = arith.constant 0 : i32
      %dma_start3A_857 = tpu.memref_slice %arg15[%dma_start3A_855, %dma_start3A_856] : memref<80x128xf32, #tpu.memory_space<vmem>> -> memref<79x128xf32, #tpu.memory_space<vmem>>
      %dma_start3A_858 = arith.constant 0 : i32
      %dma_start3A_859 = tpu.memref_slice %arg9[%add3A_654, %dma_start3A_858] : memref<10112x128xf32, #tpu.memory_space<vmem_shared>> -> memref<79x128xf32, #tpu.memory_space<vmem_shared>>
      tpu.enqueue_dma source(%dma_start3A_859 : memref<79x128xf32, #tpu.memory_space<vmem_shared>>) target(%dma_start3A_857 : memref<79x128xf32, #tpu.memory_space<vmem>>) target_semaphore(%run_scoped3A_849 : memref<!tpu.dma_semaphore, #tpu.memory_space<semaphore_mem>>)
      %dma_wait3A_860 = arith.constant 0 : i32
      %dma_wait3A_861 = arith.constant 0 : i32
      %dma_wait3A_862 = tpu.memref_slice %arg15[%dma_wait3A_860, %dma_wait3A_861] : memref<80x128xf32, #tpu.memory_space<vmem>> -> memref<79x128xf32, #tpu.memory_space<vmem>>
      %dma_wait3A_863 = arith.constant 0 : i32
      %dma_wait3A_864 = tpu.memref_slice %arg9[%add3A_654, %dma_wait3A_863] : memref<10112x128xf32, #tpu.memory_space<vmem_shared>> -> memref<79x128xf32, #tpu.memory_space<vmem_shared>>
      %dma_wait3A_865 = arith.constant 0 : i32
      %dma_wait3A_866 = arith.constant 0 : i32
      %dma_wait3A_867 = tpu.memref_slice %arg15[%dma_wait3A_865, %dma_wait3A_866] : memref<80x128xf32, #tpu.memory_space<vmem>> -> memref<79x128xf32, #tpu.memory_space<vmem>>
      %dma_wait3A_868 = arith.constant 0 : i32
      %dma_wait3A_869 = tpu.memref_slice %arg9[%add3A_654, %dma_wait3A_868] : memref<10112x128xf32, #tpu.memory_space<vmem_shared>> -> memref<79x128xf32, #tpu.memory_space<vmem_shared>>
      tpu.wait_dma2 semaphore(%run_scoped3A_849 : memref<!tpu.dma_semaphore, #tpu.memory_space<semaphore_mem>>) src(%dma_wait3A_869 : memref<79x128xf32, #tpu.memory_space<vmem_shared>>) dst(%dma_wait3A_867 : memref<79x128xf32, #tpu.memory_space<vmem>>)
      tpu.yield
    }) : () -> ()
    %dma_start3A_669 = arith.constant 0 : i32
    %dma_start3A_670 = arith.constant 0 : i32
    %dma_start3A_671 = tpu.memref_slice %arg15[%dma_start3A_669, %dma_start3A_670] : memref<80x128xf32, #tpu.memory_space<vmem>> -> memref<79x128xf32, #tpu.memory_space<vmem>>
    %dma_start3A_672 = arith.constant 0 : i32
    %dma_start3A_673 = tpu.memref_slice %arg7[%arg0, %add3A_654, %dma_start3A_672] : memref<2x10112x128xf32, #tpu.memory_space<hbm>> -> memref<1x79x128xf32, #tpu.memory_space<hbm>>
    %dma_start3A_674 = tpu.memref_squeeze %dma_start3A_673 : memref<1x79x128xf32, #tpu.memory_space<hbm>> -> memref<79x128xf32, #tpu.memory_space<hbm>>
    %dma_start3A_675 = arith.constant 0 : i32
    %dma_start3A_676 = tpu.memref_slice %arg7[%arg0, %add3A_654, %dma_start3A_675] : memref<2x10112x128xf32, #tpu.memory_space<hbm>> -> memref<1x79x128xf32, #tpu.memory_space<hbm>>
    %dma_start3A_677 = tpu.memref_squeeze %dma_start3A_676 : memref<1x79x128xf32, #tpu.memory_space<hbm>> -> memref<79x128xf32, #tpu.memory_space<hbm>>
    %dma_start3A_678 = arith.constant 0 : i32
    %dma_start3A_679 = arith.constant 0 : i32
    %dma_start3A_680 = tpu.memref_slice %arg15[%dma_start3A_678, %dma_start3A_679] : memref<80x128xf32, #tpu.memory_space<vmem>> -> memref<79x128xf32, #tpu.memory_space<vmem>>
    tpu.enqueue_dma source(%dma_start3A_680 : memref<79x128xf32, #tpu.memory_space<vmem>>) target(%dma_start3A_677 : memref<79x128xf32, #tpu.memory_space<hbm>>) target_semaphore(%arg24 : memref<!tpu.dma_semaphore, #tpu.memory_space<semaphore_mem>>)
    "tpu.region"() ({
      %run_scoped3A_849 = tpu.sem_alloc : memref<!tpu.dma_semaphore, #tpu.memory_space<semaphore_mem>>
      %dma_start3A_850 = arith.constant 0 : i32
      %dma_start3A_851 = arith.constant 0 : i32
      %dma_start3A_852 = tpu.memref_slice %arg17[%dma_start3A_850, %dma_start3A_851] : memref<80x16xf32, #tpu.memory_space<vmem>> -> memref<79x16xf32, #tpu.memory_space<vmem>>
      %dma_start3A_853 = arith.constant 0 : i32
      %dma_start3A_854 = tpu.memref_slice %arg10[%add3A_654, %dma_start3A_853] : memref<10112x16xf32, #tpu.memory_space<vmem_shared>> -> memref<79x16xf32, #tpu.memory_space<vmem_shared>>
      %dma_start3A_855 = arith.constant 0 : i32
      %dma_start3A_856 = arith.constant 0 : i32
      %dma_start3A_857 = tpu.memref_slice %arg17[%dma_start3A_855, %dma_start3A_856] : memref<80x16xf32, #tpu.memory_space<vmem>> -> memref<79x16xf32, #tpu.memory_space<vmem>>
      %dma_start3A_858 = arith.constant 0 : i32
      %dma_start3A_859 = tpu.memref_slice %arg10[%add3A_654, %dma_start3A_858] : memref<10112x16xf32, #tpu.memory_space<vmem_shared>> -> memref<79x16xf32, #tpu.memory_space<vmem_shared>>
      tpu.enqueue_dma source(%dma_start3A_859 : memref<79x16xf32, #tpu.memory_space<vmem_shared>>) target(%dma_start3A_857 : memref<79x16xf32, #tpu.memory_space<vmem>>) target_semaphore(%run_scoped3A_849 : memref<!tpu.dma_semaphore, #tpu.memory_space<semaphore_mem>>)
      %dma_wait3A_860 = arith.constant 0 : i32
      %dma_wait3A_861 = arith.constant 0 : i32
      %dma_wait3A_862 = tpu.memref_slice %arg17[%dma_wait3A_860, %dma_wait3A_861] : memref<80x16xf32, #tpu.memory_space<vmem>> -> memref<79x16xf32, #tpu.memory_space<vmem>>
      %dma_wait3A_863 = arith.constant 0 : i32
      %dma_wait3A_864 = tpu.memref_slice %arg10[%add3A_654, %dma_wait3A_863] : memref<10112x16xf32, #tpu.memory_space<vmem_shared>> -> memref<79x16xf32, #tpu.memory_space<vmem_shared>>
      %dma_wait3A_865 = arith.constant 0 : i32
      %dma_wait3A_866 = arith.constant 0 : i32
      %dma_wait3A_867 = tpu.memref_slice %arg17[%dma_wait3A_865, %dma_wait3A_866] : memref<80x16xf32, #tpu.memory_space<vmem>> -> memref<79x16xf32, #tpu.memory_space<vmem>>
      %dma_wait3A_868 = arith.constant 0 : i32
      %dma_wait3A_869 = tpu.memref_slice %arg10[%add3A_654, %dma_wait3A_868] : memref<10112x16xf32, #tpu.memory_space<vmem_shared>> -> memref<79x16xf32, #tpu.memory_space<vmem_shared>>
      tpu.wait_dma2 semaphore(%run_scoped3A_849 : memref<!tpu.dma_semaphore, #tpu.memory_space<semaphore_mem>>) src(%dma_wait3A_869 : memref<79x16xf32, #tpu.memory_space<vmem_shared>>) dst(%dma_wait3A_867 : memref<79x16xf32, #tpu.memory_space<vmem>>)
      tpu.yield
    }) : () -> ()
    "tpu.region"() ({
      %run_scoped3A_849 = tpu.sem_alloc : memref<!tpu.dma_semaphore, #tpu.memory_space<semaphore_mem>>
      %dma_start3A_850 = arith.constant 0 : i32
      %dma_start3A_851 = arith.constant 0 : i32
      %dma_start3A_852 = tpu.memref_slice %arg17[%dma_start3A_850, %dma_start3A_851] : memref<80x16xf32, #tpu.memory_space<vmem>> -> memref<79x16xf32, #tpu.memory_space<vmem>>
      %dma_start3A_853 = arith.constant 0 : i32
      %dma_start3A_854 = tpu.memref_slice %arg8[%arg0, %add3A_654, %dma_start3A_853] : memref<2x10112x16xf32, #tpu.memory_space<hbm>> -> memref<1x79x16xf32, #tpu.memory_space<hbm>>
      %dma_start3A_855 = tpu.memref_squeeze %dma_start3A_854 : memref<1x79x16xf32, #tpu.memory_space<hbm>> -> memref<79x16xf32, #tpu.memory_space<hbm>>
      %dma_start3A_856 = arith.constant 0 : i32
      %dma_start3A_857 = tpu.memref_slice %arg8[%arg0, %add3A_654, %dma_start3A_856] : memref<2x10112x16xf32, #tpu.memory_space<hbm>> -> memref<1x79x16xf32, #tpu.memory_space<hbm>>
      %dma_start3A_858 = tpu.memref_squeeze %dma_start3A_857 : memref<1x79x16xf32, #tpu.memory_space<hbm>> -> memref<79x16xf32, #tpu.memory_space<hbm>>
      %dma_start3A_859 = arith.constant 0 : i32
      %dma_start3A_860 = arith.constant 0 : i32
      %dma_start3A_861 = tpu.memref_slice %arg17[%dma_start3A_859, %dma_start3A_860] : memref<80x16xf32, #tpu.memory_space<vmem>> -> memref<79x16xf32, #tpu.memory_space<vmem>>
      tpu.enqueue_dma source(%dma_start3A_861 : memref<79x16xf32, #tpu.memory_space<vmem>>) target(%dma_start3A_858 : memref<79x16xf32, #tpu.memory_space<hbm>>) target_semaphore(%run_scoped3A_849 : memref<!tpu.dma_semaphore, #tpu.memory_space<semaphore_mem>>)
      %dma_wait3A_862 = arith.constant 0 : i32
      %dma_wait3A_863 = arith.constant 0 : i32
      %dma_wait3A_864 = tpu.memref_slice %arg17[%dma_wait3A_862, %dma_wait3A_863] : memref<80x16xf32, #tpu.memory_space<vmem>> -> memref<79x16xf32, #tpu.memory_space<vmem>>
      %dma_wait3A_865 = arith.constant 0 : i32
      %dma_wait3A_866 = tpu.memref_slice %arg8[%arg0, %add3A_654, %dma_wait3A_865] : memref<2x10112x16xf32, #tpu.memory_space<hbm>> -> memref<1x79x16xf32, #tpu.memory_space<hbm>>
      %dma_wait3A_867 = tpu.memref_squeeze %dma_wait3A_866 : memref<1x79x16xf32, #tpu.memory_space<hbm>> -> memref<79x16xf32, #tpu.memory_space<hbm>>
      %dma_wait3A_868 = arith.constant 0 : i32
      %dma_wait3A_869 = tpu.memref_slice %arg8[%arg0, %add3A_654, %dma_wait3A_868] : memref<2x10112x16xf32, #tpu.memory_space<hbm>> -> memref<1x79x16xf32, #tpu.memory_space<hbm>>
      %dma_wait3A_870 = tpu.memref_squeeze %dma_wait3A_869 : memref<1x79x16xf32, #tpu.memory_space<hbm>> -> memref<79x16xf32, #tpu.memory_space<hbm>>
      %dma_wait3A_871 = arith.constant 0 : i32
      %dma_wait3A_872 = arith.constant 0 : i32
      %dma_wait3A_873 = tpu.memref_slice %arg17[%dma_wait3A_871, %dma_wait3A_872] : memref<80x16xf32, #tpu.memory_space<vmem>> -> memref<79x16xf32, #tpu.memory_space<vmem>>
      tpu.wait_dma2 semaphore(%run_scoped3A_849 : memref<!tpu.dma_semaphore, #tpu.memory_space<semaphore_mem>>) src(%dma_wait3A_873 : memref<79x16xf32, #tpu.memory_space<vmem>>) dst(%dma_wait3A_870 : memref<79x16xf32, #tpu.memory_space<hbm>>)
      tpu.yield
    }) : () -> ()
    %add3A_681 = arith.constant 237 : i32
    %add3A_682 = arith.addi %mul3A_2, %add3A_681 : i32
    %add3A_683 = arith.constant 79 : i32
    %add3A_684 = arith.addi %mul3A_2, %add3A_683 : i32
    %dma_wait3A_685 = arith.constant 0 : i32
    %dma_wait3A_686 = arith.constant 0 : i32
    %dma_wait3A_687 = tpu.memref_slice %arg16[%dma_wait3A_685, %dma_wait3A_686] : memref<80x128xf32, #tpu.memory_space<vmem>> -> memref<79x128xf32, #tpu.memory_space<vmem>>
    %dma_wait3A_688 = arith.constant 0 : i32
    %dma_wait3A_689 = tpu.memref_slice %arg7[%arg0, %add3A_684, %dma_wait3A_688] : memref<2x10112x128xf32, #tpu.memory_space<hbm>> -> memref<1x79x128xf32, #tpu.memory_space<hbm>>
    %dma_wait3A_690 = tpu.memref_squeeze %dma_wait3A_689 : memref<1x79x128xf32, #tpu.memory_space<hbm>> -> memref<79x128xf32, #tpu.memory_space<hbm>>
    %dma_wait3A_691 = arith.constant 0 : i32
    %dma_wait3A_692 = tpu.memref_slice %arg7[%arg0, %add3A_684, %dma_wait3A_691] : memref<2x10112x128xf32, #tpu.memory_space<hbm>> -> memref<1x79x128xf32, #tpu.memory_space<hbm>>
    %dma_wait3A_693 = tpu.memref_squeeze %dma_wait3A_692 : memref<1x79x128xf32, #tpu.memory_space<hbm>> -> memref<79x128xf32, #tpu.memory_space<hbm>>
    %dma_wait3A_694 = arith.constant 0 : i32
    %dma_wait3A_695 = arith.constant 0 : i32
    %dma_wait3A_696 = tpu.memref_slice %arg16[%dma_wait3A_694, %dma_wait3A_695] : memref<80x128xf32, #tpu.memory_space<vmem>> -> memref<79x128xf32, #tpu.memory_space<vmem>>
    tpu.wait_dma2 semaphore(%arg25 : memref<!tpu.dma_semaphore, #tpu.memory_space<semaphore_mem>>) src(%dma_wait3A_696 : memref<79x128xf32, #tpu.memory_space<vmem>>) dst(%dma_wait3A_693 : memref<79x128xf32, #tpu.memory_space<hbm>>)
    "tpu.region"() ({
      %run_scoped3A_849 = tpu.sem_alloc : memref<!tpu.dma_semaphore, #tpu.memory_space<semaphore_mem>>
      %dma_start3A_850 = arith.constant 0 : i32
      %dma_start3A_851 = arith.constant 0 : i32
      %dma_start3A_852 = tpu.memref_slice %arg16[%dma_start3A_850, %dma_start3A_851] : memref<80x128xf32, #tpu.memory_space<vmem>> -> memref<79x128xf32, #tpu.memory_space<vmem>>
      %dma_start3A_853 = arith.constant 0 : i32
      %dma_start3A_854 = tpu.memref_slice %arg9[%add3A_682, %dma_start3A_853] : memref<10112x128xf32, #tpu.memory_space<vmem_shared>> -> memref<79x128xf32, #tpu.memory_space<vmem_shared>>
      %dma_start3A_855 = arith.constant 0 : i32
      %dma_start3A_856 = arith.constant 0 : i32
      %dma_start3A_857 = tpu.memref_slice %arg16[%dma_start3A_855, %dma_start3A_856] : memref<80x128xf32, #tpu.memory_space<vmem>> -> memref<79x128xf32, #tpu.memory_space<vmem>>
      %dma_start3A_858 = arith.constant 0 : i32
      %dma_start3A_859 = tpu.memref_slice %arg9[%add3A_682, %dma_start3A_858] : memref<10112x128xf32, #tpu.memory_space<vmem_shared>> -> memref<79x128xf32, #tpu.memory_space<vmem_shared>>
      tpu.enqueue_dma source(%dma_start3A_859 : memref<79x128xf32, #tpu.memory_space<vmem_shared>>) target(%dma_start3A_857 : memref<79x128xf32, #tpu.memory_space<vmem>>) target_semaphore(%run_scoped3A_849 : memref<!tpu.dma_semaphore, #tpu.memory_space<semaphore_mem>>)
      %dma_wait3A_860 = arith.constant 0 : i32
      %dma_wait3A_861 = arith.constant 0 : i32
      %dma_wait3A_862 = tpu.memref_slice %arg16[%dma_wait3A_860, %dma_wait3A_861] : memref<80x128xf32, #tpu.memory_space<vmem>> -> memref<79x128xf32, #tpu.memory_space<vmem>>
      %dma_wait3A_863 = arith.constant 0 : i32
      %dma_wait3A_864 = tpu.memref_slice %arg9[%add3A_682, %dma_wait3A_863] : memref<10112x128xf32, #tpu.memory_space<vmem_shared>> -> memref<79x128xf32, #tpu.memory_space<vmem_shared>>
      %dma_wait3A_865 = arith.constant 0 : i32
      %dma_wait3A_866 = arith.constant 0 : i32
      %dma_wait3A_867 = tpu.memref_slice %arg16[%dma_wait3A_865, %dma_wait3A_866] : memref<80x128xf32, #tpu.memory_space<vmem>> -> memref<79x128xf32, #tpu.memory_space<vmem>>
      %dma_wait3A_868 = arith.constant 0 : i32
      %dma_wait3A_869 = tpu.memref_slice %arg9[%add3A_682, %dma_wait3A_868] : memref<10112x128xf32, #tpu.memory_space<vmem_shared>> -> memref<79x128xf32, #tpu.memory_space<vmem_shared>>
      tpu.wait_dma2 semaphore(%run_scoped3A_849 : memref<!tpu.dma_semaphore, #tpu.memory_space<semaphore_mem>>) src(%dma_wait3A_869 : memref<79x128xf32, #tpu.memory_space<vmem_shared>>) dst(%dma_wait3A_867 : memref<79x128xf32, #tpu.memory_space<vmem>>)
      tpu.yield
    }) : () -> ()
    %dma_start3A_697 = arith.constant 0 : i32
    %dma_start3A_698 = arith.constant 0 : i32
    %dma_start3A_699 = tpu.memref_slice %arg16[%dma_start3A_697, %dma_start3A_698] : memref<80x128xf32, #tpu.memory_space<vmem>> -> memref<79x128xf32, #tpu.memory_space<vmem>>
    %dma_start3A_700 = arith.constant 0 : i32
    %dma_start3A_701 = tpu.memref_slice %arg7[%arg0, %add3A_682, %dma_start3A_700] : memref<2x10112x128xf32, #tpu.memory_space<hbm>> -> memref<1x79x128xf32, #tpu.memory_space<hbm>>
    %dma_start3A_702 = tpu.memref_squeeze %dma_start3A_701 : memref<1x79x128xf32, #tpu.memory_space<hbm>> -> memref<79x128xf32, #tpu.memory_space<hbm>>
    %dma_start3A_703 = arith.constant 0 : i32
    %dma_start3A_704 = tpu.memref_slice %arg7[%arg0, %add3A_682, %dma_start3A_703] : memref<2x10112x128xf32, #tpu.memory_space<hbm>> -> memref<1x79x128xf32, #tpu.memory_space<hbm>>
    %dma_start3A_705 = tpu.memref_squeeze %dma_start3A_704 : memref<1x79x128xf32, #tpu.memory_space<hbm>> -> memref<79x128xf32, #tpu.memory_space<hbm>>
    %dma_start3A_706 = arith.constant 0 : i32
    %dma_start3A_707 = arith.constant 0 : i32
    %dma_start3A_708 = tpu.memref_slice %arg16[%dma_start3A_706, %dma_start3A_707] : memref<80x128xf32, #tpu.memory_space<vmem>> -> memref<79x128xf32, #tpu.memory_space<vmem>>
    tpu.enqueue_dma source(%dma_start3A_708 : memref<79x128xf32, #tpu.memory_space<vmem>>) target(%dma_start3A_705 : memref<79x128xf32, #tpu.memory_space<hbm>>) target_semaphore(%arg25 : memref<!tpu.dma_semaphore, #tpu.memory_space<semaphore_mem>>)
    "tpu.region"() ({
      %run_scoped3A_849 = tpu.sem_alloc : memref<!tpu.dma_semaphore, #tpu.memory_space<semaphore_mem>>
      %dma_start3A_850 = arith.constant 0 : i32
      %dma_start3A_851 = arith.constant 0 : i32
      %dma_start3A_852 = tpu.memref_slice %arg17[%dma_start3A_850, %dma_start3A_851] : memref<80x16xf32, #tpu.memory_space<vmem>> -> memref<79x16xf32, #tpu.memory_space<vmem>>
      %dma_start3A_853 = arith.constant 0 : i32
      %dma_start3A_854 = tpu.memref_slice %arg10[%add3A_682, %dma_start3A_853] : memref<10112x16xf32, #tpu.memory_space<vmem_shared>> -> memref<79x16xf32, #tpu.memory_space<vmem_shared>>
      %dma_start3A_855 = arith.constant 0 : i32
      %dma_start3A_856 = arith.constant 0 : i32
      %dma_start3A_857 = tpu.memref_slice %arg17[%dma_start3A_855, %dma_start3A_856] : memref<80x16xf32, #tpu.memory_space<vmem>> -> memref<79x16xf32, #tpu.memory_space<vmem>>
      %dma_start3A_858 = arith.constant 0 : i32
      %dma_start3A_859 = tpu.memref_slice %arg10[%add3A_682, %dma_start3A_858] : memref<10112x16xf32, #tpu.memory_space<vmem_shared>> -> memref<79x16xf32, #tpu.memory_space<vmem_shared>>
      tpu.enqueue_dma source(%dma_start3A_859 : memref<79x16xf32, #tpu.memory_space<vmem_shared>>) target(%dma_start3A_857 : memref<79x16xf32, #tpu.memory_space<vmem>>) target_semaphore(%run_scoped3A_849 : memref<!tpu.dma_semaphore, #tpu.memory_space<semaphore_mem>>)
      %dma_wait3A_860 = arith.constant 0 : i32
      %dma_wait3A_861 = arith.constant 0 : i32
      %dma_wait3A_862 = tpu.memref_slice %arg17[%dma_wait3A_860, %dma_wait3A_861] : memref<80x16xf32, #tpu.memory_space<vmem>> -> memref<79x16xf32, #tpu.memory_space<vmem>>
      %dma_wait3A_863 = arith.constant 0 : i32
      %dma_wait3A_864 = tpu.memref_slice %arg10[%add3A_682, %dma_wait3A_863] : memref<10112x16xf32, #tpu.memory_space<vmem_shared>> -> memref<79x16xf32, #tpu.memory_space<vmem_shared>>
      %dma_wait3A_865 = arith.constant 0 : i32
      %dma_wait3A_866 = arith.constant 0 : i32
      %dma_wait3A_867 = tpu.memref_slice %arg17[%dma_wait3A_865, %dma_wait3A_866] : memref<80x16xf32, #tpu.memory_space<vmem>> -> memref<79x16xf32, #tpu.memory_space<vmem>>
      %dma_wait3A_868 = arith.constant 0 : i32
      %dma_wait3A_869 = tpu.memref_slice %arg10[%add3A_682, %dma_wait3A_868] : memref<10112x16xf32, #tpu.memory_space<vmem_shared>> -> memref<79x16xf32, #tpu.memory_space<vmem_shared>>
      tpu.wait_dma2 semaphore(%run_scoped3A_849 : memref<!tpu.dma_semaphore, #tpu.memory_space<semaphore_mem>>) src(%dma_wait3A_869 : memref<79x16xf32, #tpu.memory_space<vmem_shared>>) dst(%dma_wait3A_867 : memref<79x16xf32, #tpu.memory_space<vmem>>)
      tpu.yield
    }) : () -> ()
    "tpu.region"() ({
      %run_scoped3A_849 = tpu.sem_alloc : memref<!tpu.dma_semaphore, #tpu.memory_space<semaphore_mem>>
      %dma_start3A_850 = arith.constant 0 : i32
      %dma_start3A_851 = arith.constant 0 : i32
      %dma_start3A_852 = tpu.memref_slice %arg17[%dma_start3A_850, %dma_start3A_851] : memref<80x16xf32, #tpu.memory_space<vmem>> -> memref<79x16xf32, #tpu.memory_space<vmem>>
      %dma_start3A_853 = arith.constant 0 : i32
      %dma_start3A_854 = tpu.memref_slice %arg8[%arg0, %add3A_682, %dma_start3A_853] : memref<2x10112x16xf32, #tpu.memory_space<hbm>> -> memref<1x79x16xf32, #tpu.memory_space<hbm>>
      %dma_start3A_855 = tpu.memref_squeeze %dma_start3A_854 : memref<1x79x16xf32, #tpu.memory_space<hbm>> -> memref<79x16xf32, #tpu.memory_space<hbm>>
      %dma_start3A_856 = arith.constant 0 : i32
      %dma_start3A_857 = tpu.memref_slice %arg8[%arg0, %add3A_682, %dma_start3A_856] : memref<2x10112x16xf32, #tpu.memory_space<hbm>> -> memref<1x79x16xf32, #tpu.memory_space<hbm>>
      %dma_start3A_858 = tpu.memref_squeeze %dma_start3A_857 : memref<1x79x16xf32, #tpu.memory_space<hbm>> -> memref<79x16xf32, #tpu.memory_space<hbm>>
      %dma_start3A_859 = arith.constant 0 : i32
      %dma_start3A_860 = arith.constant 0 : i32
      %dma_start3A_861 = tpu.memref_slice %arg17[%dma_start3A_859, %dma_start3A_860] : memref<80x16xf32, #tpu.memory_space<vmem>> -> memref<79x16xf32, #tpu.memory_space<vmem>>
      tpu.enqueue_dma source(%dma_start3A_861 : memref<79x16xf32, #tpu.memory_space<vmem>>) target(%dma_start3A_858 : memref<79x16xf32, #tpu.memory_space<hbm>>) target_semaphore(%run_scoped3A_849 : memref<!tpu.dma_semaphore, #tpu.memory_space<semaphore_mem>>)
      %dma_wait3A_862 = arith.constant 0 : i32
      %dma_wait3A_863 = arith.constant 0 : i32
      %dma_wait3A_864 = tpu.memref_slice %arg17[%dma_wait3A_862, %dma_wait3A_863] : memref<80x16xf32, #tpu.memory_space<vmem>> -> memref<79x16xf32, #tpu.memory_space<vmem>>
      %dma_wait3A_865 = arith.constant 0 : i32
      %dma_wait3A_866 = tpu.memref_slice %arg8[%arg0, %add3A_682, %dma_wait3A_865] : memref<2x10112x16xf32, #tpu.memory_space<hbm>> -> memref<1x79x16xf32, #tpu.memory_space<hbm>>
      %dma_wait3A_867 = tpu.memref_squeeze %dma_wait3A_866 : memref<1x79x16xf32, #tpu.memory_space<hbm>> -> memref<79x16xf32, #tpu.memory_space<hbm>>
      %dma_wait3A_868 = arith.constant 0 : i32
      %dma_wait3A_869 = tpu.memref_slice %arg8[%arg0, %add3A_682, %dma_wait3A_868] : memref<2x10112x16xf32, #tpu.memory_space<hbm>> -> memref<1x79x16xf32, #tpu.memory_space<hbm>>
      %dma_wait3A_870 = tpu.memref_squeeze %dma_wait3A_869 : memref<1x79x16xf32, #tpu.memory_space<hbm>> -> memref<79x16xf32, #tpu.memory_space<hbm>>
      %dma_wait3A_871 = arith.constant 0 : i32
      %dma_wait3A_872 = arith.constant 0 : i32
      %dma_wait3A_873 = tpu.memref_slice %arg17[%dma_wait3A_871, %dma_wait3A_872] : memref<80x16xf32, #tpu.memory_space<vmem>> -> memref<79x16xf32, #tpu.memory_space<vmem>>
      tpu.wait_dma2 semaphore(%run_scoped3A_849 : memref<!tpu.dma_semaphore, #tpu.memory_space<semaphore_mem>>) src(%dma_wait3A_873 : memref<79x16xf32, #tpu.memory_space<vmem>>) dst(%dma_wait3A_870 : memref<79x16xf32, #tpu.memory_space<hbm>>)
      tpu.yield
    }) : () -> ()
    %add3A_709 = arith.constant 316 : i32
    %add3A_710 = arith.addi %mul3A_2, %add3A_709 : i32
    %add3A_711 = arith.constant 158 : i32
    %add3A_712 = arith.addi %mul3A_2, %add3A_711 : i32
    %dma_wait3A_713 = arith.constant 0 : i32
    %dma_wait3A_714 = arith.constant 0 : i32
    %dma_wait3A_715 = tpu.memref_slice %arg15[%dma_wait3A_713, %dma_wait3A_714] : memref<80x128xf32, #tpu.memory_space<vmem>> -> memref<79x128xf32, #tpu.memory_space<vmem>>
    %dma_wait3A_716 = arith.constant 0 : i32
    %dma_wait3A_717 = tpu.memref_slice %arg7[%arg0, %add3A_712, %dma_wait3A_716] : memref<2x10112x128xf32, #tpu.memory_space<hbm>> -> memref<1x79x128xf32, #tpu.memory_space<hbm>>
    %dma_wait3A_718 = tpu.memref_squeeze %dma_wait3A_717 : memref<1x79x128xf32, #tpu.memory_space<hbm>> -> memref<79x128xf32, #tpu.memory_space<hbm>>
    %dma_wait3A_719 = arith.constant 0 : i32
    %dma_wait3A_720 = tpu.memref_slice %arg7[%arg0, %add3A_712, %dma_wait3A_719] : memref<2x10112x128xf32, #tpu.memory_space<hbm>> -> memref<1x79x128xf32, #tpu.memory_space<hbm>>
    %dma_wait3A_721 = tpu.memref_squeeze %dma_wait3A_720 : memref<1x79x128xf32, #tpu.memory_space<hbm>> -> memref<79x128xf32, #tpu.memory_space<hbm>>
    %dma_wait3A_722 = arith.constant 0 : i32
    %dma_wait3A_723 = arith.constant 0 : i32
    %dma_wait3A_724 = tpu.memref_slice %arg15[%dma_wait3A_722, %dma_wait3A_723] : memref<80x128xf32, #tpu.memory_space<vmem>> -> memref<79x128xf32, #tpu.memory_space<vmem>>
    tpu.wait_dma2 semaphore(%arg24 : memref<!tpu.dma_semaphore, #tpu.memory_space<semaphore_mem>>) src(%dma_wait3A_724 : memref<79x128xf32, #tpu.memory_space<vmem>>) dst(%dma_wait3A_721 : memref<79x128xf32, #tpu.memory_space<hbm>>)
    "tpu.region"() ({
      %run_scoped3A_849 = tpu.sem_alloc : memref<!tpu.dma_semaphore, #tpu.memory_space<semaphore_mem>>
      %dma_start3A_850 = arith.constant 0 : i32
      %dma_start3A_851 = arith.constant 0 : i32
      %dma_start3A_852 = tpu.memref_slice %arg15[%dma_start3A_850, %dma_start3A_851] : memref<80x128xf32, #tpu.memory_space<vmem>> -> memref<79x128xf32, #tpu.memory_space<vmem>>
      %dma_start3A_853 = arith.constant 0 : i32
      %dma_start3A_854 = tpu.memref_slice %arg9[%add3A_710, %dma_start3A_853] : memref<10112x128xf32, #tpu.memory_space<vmem_shared>> -> memref<79x128xf32, #tpu.memory_space<vmem_shared>>
      %dma_start3A_855 = arith.constant 0 : i32
      %dma_start3A_856 = arith.constant 0 : i32
      %dma_start3A_857 = tpu.memref_slice %arg15[%dma_start3A_855, %dma_start3A_856] : memref<80x128xf32, #tpu.memory_space<vmem>> -> memref<79x128xf32, #tpu.memory_space<vmem>>
      %dma_start3A_858 = arith.constant 0 : i32
      %dma_start3A_859 = tpu.memref_slice %arg9[%add3A_710, %dma_start3A_858] : memref<10112x128xf32, #tpu.memory_space<vmem_shared>> -> memref<79x128xf32, #tpu.memory_space<vmem_shared>>
      tpu.enqueue_dma source(%dma_start3A_859 : memref<79x128xf32, #tpu.memory_space<vmem_shared>>) target(%dma_start3A_857 : memref<79x128xf32, #tpu.memory_space<vmem>>) target_semaphore(%run_scoped3A_849 : memref<!tpu.dma_semaphore, #tpu.memory_space<semaphore_mem>>)
      %dma_wait3A_860 = arith.constant 0 : i32
      %dma_wait3A_861 = arith.constant 0 : i32
      %dma_wait3A_862 = tpu.memref_slice %arg15[%dma_wait3A_860, %dma_wait3A_861] : memref<80x128xf32, #tpu.memory_space<vmem>> -> memref<79x128xf32, #tpu.memory_space<vmem>>
      %dma_wait3A_863 = arith.constant 0 : i32
      %dma_wait3A_864 = tpu.memref_slice %arg9[%add3A_710, %dma_wait3A_863] : memref<10112x128xf32, #tpu.memory_space<vmem_shared>> -> memref<79x128xf32, #tpu.memory_space<vmem_shared>>
      %dma_wait3A_865 = arith.constant 0 : i32
      %dma_wait3A_866 = arith.constant 0 : i32
      %dma_wait3A_867 = tpu.memref_slice %arg15[%dma_wait3A_865, %dma_wait3A_866] : memref<80x128xf32, #tpu.memory_space<vmem>> -> memref<79x128xf32, #tpu.memory_space<vmem>>
      %dma_wait3A_868 = arith.constant 0 : i32
      %dma_wait3A_869 = tpu.memref_slice %arg9[%add3A_710, %dma_wait3A_868] : memref<10112x128xf32, #tpu.memory_space<vmem_shared>> -> memref<79x128xf32, #tpu.memory_space<vmem_shared>>
      tpu.wait_dma2 semaphore(%run_scoped3A_849 : memref<!tpu.dma_semaphore, #tpu.memory_space<semaphore_mem>>) src(%dma_wait3A_869 : memref<79x128xf32, #tpu.memory_space<vmem_shared>>) dst(%dma_wait3A_867 : memref<79x128xf32, #tpu.memory_space<vmem>>)
      tpu.yield
    }) : () -> ()
    %dma_start3A_725 = arith.constant 0 : i32
    %dma_start3A_726 = arith.constant 0 : i32
    %dma_start3A_727 = tpu.memref_slice %arg15[%dma_start3A_725, %dma_start3A_726] : memref<80x128xf32, #tpu.memory_space<vmem>> -> memref<79x128xf32, #tpu.memory_space<vmem>>
    %dma_start3A_728 = arith.constant 0 : i32
    %dma_start3A_729 = tpu.memref_slice %arg7[%arg0, %add3A_710, %dma_start3A_728] : memref<2x10112x128xf32, #tpu.memory_space<hbm>> -> memref<1x79x128xf32, #tpu.memory_space<hbm>>
    %dma_start3A_730 = tpu.memref_squeeze %dma_start3A_729 : memref<1x79x128xf32, #tpu.memory_space<hbm>> -> memref<79x128xf32, #tpu.memory_space<hbm>>
    %dma_start3A_731 = arith.constant 0 : i32
    %dma_start3A_732 = tpu.memref_slice %arg7[%arg0, %add3A_710, %dma_start3A_731] : memref<2x10112x128xf32, #tpu.memory_space<hbm>> -> memref<1x79x128xf32, #tpu.memory_space<hbm>>
    %dma_start3A_733 = tpu.memref_squeeze %dma_start3A_732 : memref<1x79x128xf32, #tpu.memory_space<hbm>> -> memref<79x128xf32, #tpu.memory_space<hbm>>
    %dma_start3A_734 = arith.constant 0 : i32
    %dma_start3A_735 = arith.constant 0 : i32
    %dma_start3A_736 = tpu.memref_slice %arg15[%dma_start3A_734, %dma_start3A_735] : memref<80x128xf32, #tpu.memory_space<vmem>> -> memref<79x128xf32, #tpu.memory_space<vmem>>
    tpu.enqueue_dma source(%dma_start3A_736 : memref<79x128xf32, #tpu.memory_space<vmem>>) target(%dma_start3A_733 : memref<79x128xf32, #tpu.memory_space<hbm>>) target_semaphore(%arg24 : memref<!tpu.dma_semaphore, #tpu.memory_space<semaphore_mem>>)
    "tpu.region"() ({
      %run_scoped3A_849 = tpu.sem_alloc : memref<!tpu.dma_semaphore, #tpu.memory_space<semaphore_mem>>
      %dma_start3A_850 = arith.constant 0 : i32
      %dma_start3A_851 = arith.constant 0 : i32
      %dma_start3A_852 = tpu.memref_slice %arg17[%dma_start3A_850, %dma_start3A_851] : memref<80x16xf32, #tpu.memory_space<vmem>> -> memref<79x16xf32, #tpu.memory_space<vmem>>
      %dma_start3A_853 = arith.constant 0 : i32
      %dma_start3A_854 = tpu.memref_slice %arg10[%add3A_710, %dma_start3A_853] : memref<10112x16xf32, #tpu.memory_space<vmem_shared>> -> memref<79x16xf32, #tpu.memory_space<vmem_shared>>
      %dma_start3A_855 = arith.constant 0 : i32
      %dma_start3A_856 = arith.constant 0 : i32
      %dma_start3A_857 = tpu.memref_slice %arg17[%dma_start3A_855, %dma_start3A_856] : memref<80x16xf32, #tpu.memory_space<vmem>> -> memref<79x16xf32, #tpu.memory_space<vmem>>
      %dma_start3A_858 = arith.constant 0 : i32
      %dma_start3A_859 = tpu.memref_slice %arg10[%add3A_710, %dma_start3A_858] : memref<10112x16xf32, #tpu.memory_space<vmem_shared>> -> memref<79x16xf32, #tpu.memory_space<vmem_shared>>
      tpu.enqueue_dma source(%dma_start3A_859 : memref<79x16xf32, #tpu.memory_space<vmem_shared>>) target(%dma_start3A_857 : memref<79x16xf32, #tpu.memory_space<vmem>>) target_semaphore(%run_scoped3A_849 : memref<!tpu.dma_semaphore, #tpu.memory_space<semaphore_mem>>)
      %dma_wait3A_860 = arith.constant 0 : i32
      %dma_wait3A_861 = arith.constant 0 : i32
      %dma_wait3A_862 = tpu.memref_slice %arg17[%dma_wait3A_860, %dma_wait3A_861] : memref<80x16xf32, #tpu.memory_space<vmem>> -> memref<79x16xf32, #tpu.memory_space<vmem>>
      %dma_wait3A_863 = arith.constant 0 : i32
      %dma_wait3A_864 = tpu.memref_slice %arg10[%add3A_710, %dma_wait3A_863] : memref<10112x16xf32, #tpu.memory_space<vmem_shared>> -> memref<79x16xf32, #tpu.memory_space<vmem_shared>>
      %dma_wait3A_865 = arith.constant 0 : i32
      %dma_wait3A_866 = arith.constant 0 : i32
      %dma_wait3A_867 = tpu.memref_slice %arg17[%dma_wait3A_865, %dma_wait3A_866] : memref<80x16xf32, #tpu.memory_space<vmem>> -> memref<79x16xf32, #tpu.memory_space<vmem>>
      %dma_wait3A_868 = arith.constant 0 : i32
      %dma_wait3A_869 = tpu.memref_slice %arg10[%add3A_710, %dma_wait3A_868] : memref<10112x16xf32, #tpu.memory_space<vmem_shared>> -> memref<79x16xf32, #tpu.memory_space<vmem_shared>>
      tpu.wait_dma2 semaphore(%run_scoped3A_849 : memref<!tpu.dma_semaphore, #tpu.memory_space<semaphore_mem>>) src(%dma_wait3A_869 : memref<79x16xf32, #tpu.memory_space<vmem_shared>>) dst(%dma_wait3A_867 : memref<79x16xf32, #tpu.memory_space<vmem>>)
      tpu.yield
    }) : () -> ()
    "tpu.region"() ({
      %run_scoped3A_849 = tpu.sem_alloc : memref<!tpu.dma_semaphore, #tpu.memory_space<semaphore_mem>>
      %dma_start3A_850 = arith.constant 0 : i32
      %dma_start3A_851 = arith.constant 0 : i32
      %dma_start3A_852 = tpu.memref_slice %arg17[%dma_start3A_850, %dma_start3A_851] : memref<80x16xf32, #tpu.memory_space<vmem>> -> memref<79x16xf32, #tpu.memory_space<vmem>>
      %dma_start3A_853 = arith.constant 0 : i32
      %dma_start3A_854 = tpu.memref_slice %arg8[%arg0, %add3A_710, %dma_start3A_853] : memref<2x10112x16xf32, #tpu.memory_space<hbm>> -> memref<1x79x16xf32, #tpu.memory_space<hbm>>
      %dma_start3A_855 = tpu.memref_squeeze %dma_start3A_854 : memref<1x79x16xf32, #tpu.memory_space<hbm>> -> memref<79x16xf32, #tpu.memory_space<hbm>>
      %dma_start3A_856 = arith.constant 0 : i32
      %dma_start3A_857 = tpu.memref_slice %arg8[%arg0, %add3A_710, %dma_start3A_856] : memref<2x10112x16xf32, #tpu.memory_space<hbm>> -> memref<1x79x16xf32, #tpu.memory_space<hbm>>
      %dma_start3A_858 = tpu.memref_squeeze %dma_start3A_857 : memref<1x79x16xf32, #tpu.memory_space<hbm>> -> memref<79x16xf32, #tpu.memory_space<hbm>>
      %dma_start3A_859 = arith.constant 0 : i32
      %dma_start3A_860 = arith.constant 0 : i32
      %dma_start3A_861 = tpu.memref_slice %arg17[%dma_start3A_859, %dma_start3A_860] : memref<80x16xf32, #tpu.memory_space<vmem>> -> memref<79x16xf32, #tpu.memory_space<vmem>>
      tpu.enqueue_dma source(%dma_start3A_861 : memref<79x16xf32, #tpu.memory_space<vmem>>) target(%dma_start3A_858 : memref<79x16xf32, #tpu.memory_space<hbm>>) target_semaphore(%run_scoped3A_849 : memref<!tpu.dma_semaphore, #tpu.memory_space<semaphore_mem>>)
      %dma_wait3A_862 = arith.constant 0 : i32
      %dma_wait3A_863 = arith.constant 0 : i32
      %dma_wait3A_864 = tpu.memref_slice %arg17[%dma_wait3A_862, %dma_wait3A_863] : memref<80x16xf32, #tpu.memory_space<vmem>> -> memref<79x16xf32, #tpu.memory_space<vmem>>
      %dma_wait3A_865 = arith.constant 0 : i32
      %dma_wait3A_866 = tpu.memref_slice %arg8[%arg0, %add3A_710, %dma_wait3A_865] : memref<2x10112x16xf32, #tpu.memory_space<hbm>> -> memref<1x79x16xf32, #tpu.memory_space<hbm>>
      %dma_wait3A_867 = tpu.memref_squeeze %dma_wait3A_866 : memref<1x79x16xf32, #tpu.memory_space<hbm>> -> memref<79x16xf32, #tpu.memory_space<hbm>>
      %dma_wait3A_868 = arith.constant 0 : i32
      %dma_wait3A_869 = tpu.memref_slice %arg8[%arg0, %add3A_710, %dma_wait3A_868] : memref<2x10112x16xf32, #tpu.memory_space<hbm>> -> memref<1x79x16xf32, #tpu.memory_space<hbm>>
      %dma_wait3A_870 = tpu.memref_squeeze %dma_wait3A_869 : memref<1x79x16xf32, #tpu.memory_space<hbm>> -> memref<79x16xf32, #tpu.memory_space<hbm>>
      %dma_wait3A_871 = arith.constant 0 : i32
      %dma_wait3A_872 = arith.constant 0 : i32
      %dma_wait3A_873 = tpu.memref_slice %arg17[%dma_wait3A_871, %dma_wait3A_872] : memref<80x16xf32, #tpu.memory_space<vmem>> -> memref<79x16xf32, #tpu.memory_space<vmem>>
      tpu.wait_dma2 semaphore(%run_scoped3A_849 : memref<!tpu.dma_semaphore, #tpu.memory_space<semaphore_mem>>) src(%dma_wait3A_873 : memref<79x16xf32, #tpu.memory_space<vmem>>) dst(%dma_wait3A_870 : memref<79x16xf32, #tpu.memory_space<hbm>>)
      tpu.yield
    }) : () -> ()
    %add3A_737 = arith.constant 395 : i32
    %add3A_738 = arith.addi %mul3A_2, %add3A_737 : i32
    %add3A_739 = arith.constant 237 : i32
    %add3A_740 = arith.addi %mul3A_2, %add3A_739 : i32
    %dma_wait3A_741 = arith.constant 0 : i32
    %dma_wait3A_742 = arith.constant 0 : i32
    %dma_wait3A_743 = tpu.memref_slice %arg16[%dma_wait3A_741, %dma_wait3A_742] : memref<80x128xf32, #tpu.memory_space<vmem>> -> memref<79x128xf32, #tpu.memory_space<vmem>>
    %dma_wait3A_744 = arith.constant 0 : i32
    %dma_wait3A_745 = tpu.memref_slice %arg7[%arg0, %add3A_740, %dma_wait3A_744] : memref<2x10112x128xf32, #tpu.memory_space<hbm>> -> memref<1x79x128xf32, #tpu.memory_space<hbm>>
    %dma_wait3A_746 = tpu.memref_squeeze %dma_wait3A_745 : memref<1x79x128xf32, #tpu.memory_space<hbm>> -> memref<79x128xf32, #tpu.memory_space<hbm>>
    %dma_wait3A_747 = arith.constant 0 : i32
    %dma_wait3A_748 = tpu.memref_slice %arg7[%arg0, %add3A_740, %dma_wait3A_747] : memref<2x10112x128xf32, #tpu.memory_space<hbm>> -> memref<1x79x128xf32, #tpu.memory_space<hbm>>
    %dma_wait3A_749 = tpu.memref_squeeze %dma_wait3A_748 : memref<1x79x128xf32, #tpu.memory_space<hbm>> -> memref<79x128xf32, #tpu.memory_space<hbm>>
    %dma_wait3A_750 = arith.constant 0 : i32
    %dma_wait3A_751 = arith.constant 0 : i32
    %dma_wait3A_752 = tpu.memref_slice %arg16[%dma_wait3A_750, %dma_wait3A_751] : memref<80x128xf32, #tpu.memory_space<vmem>> -> memref<79x128xf32, #tpu.memory_space<vmem>>
    tpu.wait_dma2 semaphore(%arg25 : memref<!tpu.dma_semaphore, #tpu.memory_space<semaphore_mem>>) src(%dma_wait3A_752 : memref<79x128xf32, #tpu.memory_space<vmem>>) dst(%dma_wait3A_749 : memref<79x128xf32, #tpu.memory_space<hbm>>)
    "tpu.region"() ({
      %run_scoped3A_849 = tpu.sem_alloc : memref<!tpu.dma_semaphore, #tpu.memory_space<semaphore_mem>>
      %dma_start3A_850 = arith.constant 0 : i32
      %dma_start3A_851 = arith.constant 0 : i32
      %dma_start3A_852 = tpu.memref_slice %arg16[%dma_start3A_850, %dma_start3A_851] : memref<80x128xf32, #tpu.memory_space<vmem>> -> memref<79x128xf32, #tpu.memory_space<vmem>>
      %dma_start3A_853 = arith.constant 0 : i32
      %dma_start3A_854 = tpu.memref_slice %arg9[%add3A_738, %dma_start3A_853] : memref<10112x128xf32, #tpu.memory_space<vmem_shared>> -> memref<79x128xf32, #tpu.memory_space<vmem_shared>>
      %dma_start3A_855 = arith.constant 0 : i32
      %dma_start3A_856 = arith.constant 0 : i32
      %dma_start3A_857 = tpu.memref_slice %arg16[%dma_start3A_855, %dma_start3A_856] : memref<80x128xf32, #tpu.memory_space<vmem>> -> memref<79x128xf32, #tpu.memory_space<vmem>>
      %dma_start3A_858 = arith.constant 0 : i32
      %dma_start3A_859 = tpu.memref_slice %arg9[%add3A_738, %dma_start3A_858] : memref<10112x128xf32, #tpu.memory_space<vmem_shared>> -> memref<79x128xf32, #tpu.memory_space<vmem_shared>>
      tpu.enqueue_dma source(%dma_start3A_859 : memref<79x128xf32, #tpu.memory_space<vmem_shared>>) target(%dma_start3A_857 : memref<79x128xf32, #tpu.memory_space<vmem>>) target_semaphore(%run_scoped3A_849 : memref<!tpu.dma_semaphore, #tpu.memory_space<semaphore_mem>>)
      %dma_wait3A_860 = arith.constant 0 : i32
      %dma_wait3A_861 = arith.constant 0 : i32
      %dma_wait3A_862 = tpu.memref_slice %arg16[%dma_wait3A_860, %dma_wait3A_861] : memref<80x128xf32, #tpu.memory_space<vmem>> -> memref<79x128xf32, #tpu.memory_space<vmem>>
      %dma_wait3A_863 = arith.constant 0 : i32
      %dma_wait3A_864 = tpu.memref_slice %arg9[%add3A_738, %dma_wait3A_863] : memref<10112x128xf32, #tpu.memory_space<vmem_shared>> -> memref<79x128xf32, #tpu.memory_space<vmem_shared>>
      %dma_wait3A_865 = arith.constant 0 : i32
      %dma_wait3A_866 = arith.constant 0 : i32
      %dma_wait3A_867 = tpu.memref_slice %arg16[%dma_wait3A_865, %dma_wait3A_866] : memref<80x128xf32, #tpu.memory_space<vmem>> -> memref<79x128xf32, #tpu.memory_space<vmem>>
      %dma_wait3A_868 = arith.constant 0 : i32
      %dma_wait3A_869 = tpu.memref_slice %arg9[%add3A_738, %dma_wait3A_868] : memref<10112x128xf32, #tpu.memory_space<vmem_shared>> -> memref<79x128xf32, #tpu.memory_space<vmem_shared>>
      tpu.wait_dma2 semaphore(%run_scoped3A_849 : memref<!tpu.dma_semaphore, #tpu.memory_space<semaphore_mem>>) src(%dma_wait3A_869 : memref<79x128xf32, #tpu.memory_space<vmem_shared>>) dst(%dma_wait3A_867 : memref<79x128xf32, #tpu.memory_space<vmem>>)
      tpu.yield
    }) : () -> ()
    %dma_start3A_753 = arith.constant 0 : i32
    %dma_start3A_754 = arith.constant 0 : i32
    %dma_start3A_755 = tpu.memref_slice %arg16[%dma_start3A_753, %dma_start3A_754] : memref<80x128xf32, #tpu.memory_space<vmem>> -> memref<79x128xf32, #tpu.memory_space<vmem>>
    %dma_start3A_756 = arith.constant 0 : i32
    %dma_start3A_757 = tpu.memref_slice %arg7[%arg0, %add3A_738, %dma_start3A_756] : memref<2x10112x128xf32, #tpu.memory_space<hbm>> -> memref<1x79x128xf32, #tpu.memory_space<hbm>>
    %dma_start3A_758 = tpu.memref_squeeze %dma_start3A_757 : memref<1x79x128xf32, #tpu.memory_space<hbm>> -> memref<79x128xf32, #tpu.memory_space<hbm>>
    %dma_start3A_759 = arith.constant 0 : i32
    %dma_start3A_760 = tpu.memref_slice %arg7[%arg0, %add3A_738, %dma_start3A_759] : memref<2x10112x128xf32, #tpu.memory_space<hbm>> -> memref<1x79x128xf32, #tpu.memory_space<hbm>>
    %dma_start3A_761 = tpu.memref_squeeze %dma_start3A_760 : memref<1x79x128xf32, #tpu.memory_space<hbm>> -> memref<79x128xf32, #tpu.memory_space<hbm>>
    %dma_start3A_762 = arith.constant 0 : i32
    %dma_start3A_763 = arith.constant 0 : i32
    %dma_start3A_764 = tpu.memref_slice %arg16[%dma_start3A_762, %dma_start3A_763] : memref<80x128xf32, #tpu.memory_space<vmem>> -> memref<79x128xf32, #tpu.memory_space<vmem>>
    tpu.enqueue_dma source(%dma_start3A_764 : memref<79x128xf32, #tpu.memory_space<vmem>>) target(%dma_start3A_761 : memref<79x128xf32, #tpu.memory_space<hbm>>) target_semaphore(%arg25 : memref<!tpu.dma_semaphore, #tpu.memory_space<semaphore_mem>>)
    "tpu.region"() ({
      %run_scoped3A_849 = tpu.sem_alloc : memref<!tpu.dma_semaphore, #tpu.memory_space<semaphore_mem>>
      %dma_start3A_850 = arith.constant 0 : i32
      %dma_start3A_851 = arith.constant 0 : i32
      %dma_start3A_852 = tpu.memref_slice %arg17[%dma_start3A_850, %dma_start3A_851] : memref<80x16xf32, #tpu.memory_space<vmem>> -> memref<79x16xf32, #tpu.memory_space<vmem>>
      %dma_start3A_853 = arith.constant 0 : i32
      %dma_start3A_854 = tpu.memref_slice %arg10[%add3A_738, %dma_start3A_853] : memref<10112x16xf32, #tpu.memory_space<vmem_shared>> -> memref<79x16xf32, #tpu.memory_space<vmem_shared>>
      %dma_start3A_855 = arith.constant 0 : i32
      %dma_start3A_856 = arith.constant 0 : i32
      %dma_start3A_857 = tpu.memref_slice %arg17[%dma_start3A_855, %dma_start3A_856] : memref<80x16xf32, #tpu.memory_space<vmem>> -> memref<79x16xf32, #tpu.memory_space<vmem>>
      %dma_start3A_858 = arith.constant 0 : i32
      %dma_start3A_859 = tpu.memref_slice %arg10[%add3A_738, %dma_start3A_858] : memref<10112x16xf32, #tpu.memory_space<vmem_shared>> -> memref<79x16xf32, #tpu.memory_space<vmem_shared>>
      tpu.enqueue_dma source(%dma_start3A_859 : memref<79x16xf32, #tpu.memory_space<vmem_shared>>) target(%dma_start3A_857 : memref<79x16xf32, #tpu.memory_space<vmem>>) target_semaphore(%run_scoped3A_849 : memref<!tpu.dma_semaphore, #tpu.memory_space<semaphore_mem>>)
      %dma_wait3A_860 = arith.constant 0 : i32
      %dma_wait3A_861 = arith.constant 0 : i32
      %dma_wait3A_862 = tpu.memref_slice %arg17[%dma_wait3A_860, %dma_wait3A_861] : memref<80x16xf32, #tpu.memory_space<vmem>> -> memref<79x16xf32, #tpu.memory_space<vmem>>
      %dma_wait3A_863 = arith.constant 0 : i32
      %dma_wait3A_864 = tpu.memref_slice %arg10[%add3A_738, %dma_wait3A_863] : memref<10112x16xf32, #tpu.memory_space<vmem_shared>> -> memref<79x16xf32, #tpu.memory_space<vmem_shared>>
      %dma_wait3A_865 = arith.constant 0 : i32
      %dma_wait3A_866 = arith.constant 0 : i32
      %dma_wait3A_867 = tpu.memref_slice %arg17[%dma_wait3A_865, %dma_wait3A_866] : memref<80x16xf32, #tpu.memory_space<vmem>> -> memref<79x16xf32, #tpu.memory_space<vmem>>
      %dma_wait3A_868 = arith.constant 0 : i32
      %dma_wait3A_869 = tpu.memref_slice %arg10[%add3A_738, %dma_wait3A_868] : memref<10112x16xf32, #tpu.memory_space<vmem_shared>> -> memref<79x16xf32, #tpu.memory_space<vmem_shared>>
      tpu.wait_dma2 semaphore(%run_scoped3A_849 : memref<!tpu.dma_semaphore, #tpu.memory_space<semaphore_mem>>) src(%dma_wait3A_869 : memref<79x16xf32, #tpu.memory_space<vmem_shared>>) dst(%dma_wait3A_867 : memref<79x16xf32, #tpu.memory_space<vmem>>)
      tpu.yield
    }) : () -> ()
    "tpu.region"() ({
      %run_scoped3A_849 = tpu.sem_alloc : memref<!tpu.dma_semaphore, #tpu.memory_space<semaphore_mem>>
      %dma_start3A_850 = arith.constant 0 : i32
      %dma_start3A_851 = arith.constant 0 : i32
      %dma_start3A_852 = tpu.memref_slice %arg17[%dma_start3A_850, %dma_start3A_851] : memref<80x16xf32, #tpu.memory_space<vmem>> -> memref<79x16xf32, #tpu.memory_space<vmem>>
      %dma_start3A_853 = arith.constant 0 : i32
      %dma_start3A_854 = tpu.memref_slice %arg8[%arg0, %add3A_738, %dma_start3A_853] : memref<2x10112x16xf32, #tpu.memory_space<hbm>> -> memref<1x79x16xf32, #tpu.memory_space<hbm>>
      %dma_start3A_855 = tpu.memref_squeeze %dma_start3A_854 : memref<1x79x16xf32, #tpu.memory_space<hbm>> -> memref<79x16xf32, #tpu.memory_space<hbm>>
      %dma_start3A_856 = arith.constant 0 : i32
      %dma_start3A_857 = tpu.memref_slice %arg8[%arg0, %add3A_738, %dma_start3A_856] : memref<2x10112x16xf32, #tpu.memory_space<hbm>> -> memref<1x79x16xf32, #tpu.memory_space<hbm>>
      %dma_start3A_858 = tpu.memref_squeeze %dma_start3A_857 : memref<1x79x16xf32, #tpu.memory_space<hbm>> -> memref<79x16xf32, #tpu.memory_space<hbm>>
      %dma_start3A_859 = arith.constant 0 : i32
      %dma_start3A_860 = arith.constant 0 : i32
      %dma_start3A_861 = tpu.memref_slice %arg17[%dma_start3A_859, %dma_start3A_860] : memref<80x16xf32, #tpu.memory_space<vmem>> -> memref<79x16xf32, #tpu.memory_space<vmem>>
      tpu.enqueue_dma source(%dma_start3A_861 : memref<79x16xf32, #tpu.memory_space<vmem>>) target(%dma_start3A_858 : memref<79x16xf32, #tpu.memory_space<hbm>>) target_semaphore(%run_scoped3A_849 : memref<!tpu.dma_semaphore, #tpu.memory_space<semaphore_mem>>)
      %dma_wait3A_862 = arith.constant 0 : i32
      %dma_wait3A_863 = arith.constant 0 : i32
      %dma_wait3A_864 = tpu.memref_slice %arg17[%dma_wait3A_862, %dma_wait3A_863] : memref<80x16xf32, #tpu.memory_space<vmem>> -> memref<79x16xf32, #tpu.memory_space<vmem>>
      %dma_wait3A_865 = arith.constant 0 : i32
      %dma_wait3A_866 = tpu.memref_slice %arg8[%arg0, %add3A_738, %dma_wait3A_865] : memref<2x10112x16xf32, #tpu.memory_space<hbm>> -> memref<1x79x16xf32, #tpu.memory_space<hbm>>
      %dma_wait3A_867 = tpu.memref_squeeze %dma_wait3A_866 : memref<1x79x16xf32, #tpu.memory_space<hbm>> -> memref<79x16xf32, #tpu.memory_space<hbm>>
      %dma_wait3A_868 = arith.constant 0 : i32
      %dma_wait3A_869 = tpu.memref_slice %arg8[%arg0, %add3A_738, %dma_wait3A_868] : memref<2x10112x16xf32, #tpu.memory_space<hbm>> -> memref<1x79x16xf32, #tpu.memory_space<hbm>>
      %dma_wait3A_870 = tpu.memref_squeeze %dma_wait3A_869 : memref<1x79x16xf32, #tpu.memory_space<hbm>> -> memref<79x16xf32, #tpu.memory_space<hbm>>
      %dma_wait3A_871 = arith.constant 0 : i32
      %dma_wait3A_872 = arith.constant 0 : i32
      %dma_wait3A_873 = tpu.memref_slice %arg17[%dma_wait3A_871, %dma_wait3A_872] : memref<80x16xf32, #tpu.memory_space<vmem>> -> memref<79x16xf32, #tpu.memory_space<vmem>>
      tpu.wait_dma2 semaphore(%run_scoped3A_849 : memref<!tpu.dma_semaphore, #tpu.memory_space<semaphore_mem>>) src(%dma_wait3A_873 : memref<79x16xf32, #tpu.memory_space<vmem>>) dst(%dma_wait3A_870 : memref<79x16xf32, #tpu.memory_space<hbm>>)
      tpu.yield
    }) : () -> ()
    %add3A_765 = arith.constant 474 : i32
    %add3A_766 = arith.addi %mul3A_2, %add3A_765 : i32
    %add3A_767 = arith.constant 316 : i32
    %add3A_768 = arith.addi %mul3A_2, %add3A_767 : i32
    %dma_wait3A_769 = arith.constant 0 : i32
    %dma_wait3A_770 = arith.constant 0 : i32
    %dma_wait3A_771 = tpu.memref_slice %arg15[%dma_wait3A_769, %dma_wait3A_770] : memref<80x128xf32, #tpu.memory_space<vmem>> -> memref<79x128xf32, #tpu.memory_space<vmem>>
    %dma_wait3A_772 = arith.constant 0 : i32
    %dma_wait3A_773 = tpu.memref_slice %arg7[%arg0, %add3A_768, %dma_wait3A_772] : memref<2x10112x128xf32, #tpu.memory_space<hbm>> -> memref<1x79x128xf32, #tpu.memory_space<hbm>>
    %dma_wait3A_774 = tpu.memref_squeeze %dma_wait3A_773 : memref<1x79x128xf32, #tpu.memory_space<hbm>> -> memref<79x128xf32, #tpu.memory_space<hbm>>
    %dma_wait3A_775 = arith.constant 0 : i32
    %dma_wait3A_776 = tpu.memref_slice %arg7[%arg0, %add3A_768, %dma_wait3A_775] : memref<2x10112x128xf32, #tpu.memory_space<hbm>> -> memref<1x79x128xf32, #tpu.memory_space<hbm>>
    %dma_wait3A_777 = tpu.memref_squeeze %dma_wait3A_776 : memref<1x79x128xf32, #tpu.memory_space<hbm>> -> memref<79x128xf32, #tpu.memory_space<hbm>>
    %dma_wait3A_778 = arith.constant 0 : i32
    %dma_wait3A_779 = arith.constant 0 : i32
    %dma_wait3A_780 = tpu.memref_slice %arg15[%dma_wait3A_778, %dma_wait3A_779] : memref<80x128xf32, #tpu.memory_space<vmem>> -> memref<79x128xf32, #tpu.memory_space<vmem>>
    tpu.wait_dma2 semaphore(%arg24 : memref<!tpu.dma_semaphore, #tpu.memory_space<semaphore_mem>>) src(%dma_wait3A_780 : memref<79x128xf32, #tpu.memory_space<vmem>>) dst(%dma_wait3A_777 : memref<79x128xf32, #tpu.memory_space<hbm>>)
    "tpu.region"() ({
      %run_scoped3A_849 = tpu.sem_alloc : memref<!tpu.dma_semaphore, #tpu.memory_space<semaphore_mem>>
      %dma_start3A_850 = arith.constant 0 : i32
      %dma_start3A_851 = arith.constant 0 : i32
      %dma_start3A_852 = tpu.memref_slice %arg15[%dma_start3A_850, %dma_start3A_851] : memref<80x128xf32, #tpu.memory_space<vmem>> -> memref<79x128xf32, #tpu.memory_space<vmem>>
      %dma_start3A_853 = arith.constant 0 : i32
      %dma_start3A_854 = tpu.memref_slice %arg9[%add3A_766, %dma_start3A_853] : memref<10112x128xf32, #tpu.memory_space<vmem_shared>> -> memref<79x128xf32, #tpu.memory_space<vmem_shared>>
      %dma_start3A_855 = arith.constant 0 : i32
      %dma_start3A_856 = arith.constant 0 : i32
      %dma_start3A_857 = tpu.memref_slice %arg15[%dma_start3A_855, %dma_start3A_856] : memref<80x128xf32, #tpu.memory_space<vmem>> -> memref<79x128xf32, #tpu.memory_space<vmem>>
      %dma_start3A_858 = arith.constant 0 : i32
      %dma_start3A_859 = tpu.memref_slice %arg9[%add3A_766, %dma_start3A_858] : memref<10112x128xf32, #tpu.memory_space<vmem_shared>> -> memref<79x128xf32, #tpu.memory_space<vmem_shared>>
      tpu.enqueue_dma source(%dma_start3A_859 : memref<79x128xf32, #tpu.memory_space<vmem_shared>>) target(%dma_start3A_857 : memref<79x128xf32, #tpu.memory_space<vmem>>) target_semaphore(%run_scoped3A_849 : memref<!tpu.dma_semaphore, #tpu.memory_space<semaphore_mem>>)
      %dma_wait3A_860 = arith.constant 0 : i32
      %dma_wait3A_861 = arith.constant 0 : i32
      %dma_wait3A_862 = tpu.memref_slice %arg15[%dma_wait3A_860, %dma_wait3A_861] : memref<80x128xf32, #tpu.memory_space<vmem>> -> memref<79x128xf32, #tpu.memory_space<vmem>>
      %dma_wait3A_863 = arith.constant 0 : i32
      %dma_wait3A_864 = tpu.memref_slice %arg9[%add3A_766, %dma_wait3A_863] : memref<10112x128xf32, #tpu.memory_space<vmem_shared>> -> memref<79x128xf32, #tpu.memory_space<vmem_shared>>
      %dma_wait3A_865 = arith.constant 0 : i32
      %dma_wait3A_866 = arith.constant 0 : i32
      %dma_wait3A_867 = tpu.memref_slice %arg15[%dma_wait3A_865, %dma_wait3A_866] : memref<80x128xf32, #tpu.memory_space<vmem>> -> memref<79x128xf32, #tpu.memory_space<vmem>>
      %dma_wait3A_868 = arith.constant 0 : i32
      %dma_wait3A_869 = tpu.memref_slice %arg9[%add3A_766, %dma_wait3A_868] : memref<10112x128xf32, #tpu.memory_space<vmem_shared>> -> memref<79x128xf32, #tpu.memory_space<vmem_shared>>
      tpu.wait_dma2 semaphore(%run_scoped3A_849 : memref<!tpu.dma_semaphore, #tpu.memory_space<semaphore_mem>>) src(%dma_wait3A_869 : memref<79x128xf32, #tpu.memory_space<vmem_shared>>) dst(%dma_wait3A_867 : memref<79x128xf32, #tpu.memory_space<vmem>>)
      tpu.yield
    }) : () -> ()
    %dma_start3A_781 = arith.constant 0 : i32
    %dma_start3A_782 = arith.constant 0 : i32
    %dma_start3A_783 = tpu.memref_slice %arg15[%dma_start3A_781, %dma_start3A_782] : memref<80x128xf32, #tpu.memory_space<vmem>> -> memref<79x128xf32, #tpu.memory_space<vmem>>
    %dma_start3A_784 = arith.constant 0 : i32
    %dma_start3A_785 = tpu.memref_slice %arg7[%arg0, %add3A_766, %dma_start3A_784] : memref<2x10112x128xf32, #tpu.memory_space<hbm>> -> memref<1x79x128xf32, #tpu.memory_space<hbm>>
    %dma_start3A_786 = tpu.memref_squeeze %dma_start3A_785 : memref<1x79x128xf32, #tpu.memory_space<hbm>> -> memref<79x128xf32, #tpu.memory_space<hbm>>
    %dma_start3A_787 = arith.constant 0 : i32
    %dma_start3A_788 = tpu.memref_slice %arg7[%arg0, %add3A_766, %dma_start3A_787] : memref<2x10112x128xf32, #tpu.memory_space<hbm>> -> memref<1x79x128xf32, #tpu.memory_space<hbm>>
    %dma_start3A_789 = tpu.memref_squeeze %dma_start3A_788 : memref<1x79x128xf32, #tpu.memory_space<hbm>> -> memref<79x128xf32, #tpu.memory_space<hbm>>
    %dma_start3A_790 = arith.constant 0 : i32
    %dma_start3A_791 = arith.constant 0 : i32
    %dma_start3A_792 = tpu.memref_slice %arg15[%dma_start3A_790, %dma_start3A_791] : memref<80x128xf32, #tpu.memory_space<vmem>> -> memref<79x128xf32, #tpu.memory_space<vmem>>
    tpu.enqueue_dma source(%dma_start3A_792 : memref<79x128xf32, #tpu.memory_space<vmem>>) target(%dma_start3A_789 : memref<79x128xf32, #tpu.memory_space<hbm>>) target_semaphore(%arg24 : memref<!tpu.dma_semaphore, #tpu.memory_space<semaphore_mem>>)
    "tpu.region"() ({
      %run_scoped3A_849 = tpu.sem_alloc : memref<!tpu.dma_semaphore, #tpu.memory_space<semaphore_mem>>
      %dma_start3A_850 = arith.constant 0 : i32
      %dma_start3A_851 = arith.constant 0 : i32
      %dma_start3A_852 = tpu.memref_slice %arg17[%dma_start3A_850, %dma_start3A_851] : memref<80x16xf32, #tpu.memory_space<vmem>> -> memref<79x16xf32, #tpu.memory_space<vmem>>
      %dma_start3A_853 = arith.constant 0 : i32
      %dma_start3A_854 = tpu.memref_slice %arg10[%add3A_766, %dma_start3A_853] : memref<10112x16xf32, #tpu.memory_space<vmem_shared>> -> memref<79x16xf32, #tpu.memory_space<vmem_shared>>
      %dma_start3A_855 = arith.constant 0 : i32
      %dma_start3A_856 = arith.constant 0 : i32
      %dma_start3A_857 = tpu.memref_slice %arg17[%dma_start3A_855, %dma_start3A_856] : memref<80x16xf32, #tpu.memory_space<vmem>> -> memref<79x16xf32, #tpu.memory_space<vmem>>
      %dma_start3A_858 = arith.constant 0 : i32
      %dma_start3A_859 = tpu.memref_slice %arg10[%add3A_766, %dma_start3A_858] : memref<10112x16xf32, #tpu.memory_space<vmem_shared>> -> memref<79x16xf32, #tpu.memory_space<vmem_shared>>
      tpu.enqueue_dma source(%dma_start3A_859 : memref<79x16xf32, #tpu.memory_space<vmem_shared>>) target(%dma_start3A_857 : memref<79x16xf32, #tpu.memory_space<vmem>>) target_semaphore(%run_scoped3A_849 : memref<!tpu.dma_semaphore, #tpu.memory_space<semaphore_mem>>)
      %dma_wait3A_860 = arith.constant 0 : i32
      %dma_wait3A_861 = arith.constant 0 : i32
      %dma_wait3A_862 = tpu.memref_slice %arg17[%dma_wait3A_860, %dma_wait3A_861] : memref<80x16xf32, #tpu.memory_space<vmem>> -> memref<79x16xf32, #tpu.memory_space<vmem>>
      %dma_wait3A_863 = arith.constant 0 : i32
      %dma_wait3A_864 = tpu.memref_slice %arg10[%add3A_766, %dma_wait3A_863] : memref<10112x16xf32, #tpu.memory_space<vmem_shared>> -> memref<79x16xf32, #tpu.memory_space<vmem_shared>>
      %dma_wait3A_865 = arith.constant 0 : i32
      %dma_wait3A_866 = arith.constant 0 : i32
      %dma_wait3A_867 = tpu.memref_slice %arg17[%dma_wait3A_865, %dma_wait3A_866] : memref<80x16xf32, #tpu.memory_space<vmem>> -> memref<79x16xf32, #tpu.memory_space<vmem>>
      %dma_wait3A_868 = arith.constant 0 : i32
      %dma_wait3A_869 = tpu.memref_slice %arg10[%add3A_766, %dma_wait3A_868] : memref<10112x16xf32, #tpu.memory_space<vmem_shared>> -> memref<79x16xf32, #tpu.memory_space<vmem_shared>>
      tpu.wait_dma2 semaphore(%run_scoped3A_849 : memref<!tpu.dma_semaphore, #tpu.memory_space<semaphore_mem>>) src(%dma_wait3A_869 : memref<79x16xf32, #tpu.memory_space<vmem_shared>>) dst(%dma_wait3A_867 : memref<79x16xf32, #tpu.memory_space<vmem>>)
      tpu.yield
    }) : () -> ()
    "tpu.region"() ({
      %run_scoped3A_849 = tpu.sem_alloc : memref<!tpu.dma_semaphore, #tpu.memory_space<semaphore_mem>>
      %dma_start3A_850 = arith.constant 0 : i32
      %dma_start3A_851 = arith.constant 0 : i32
      %dma_start3A_852 = tpu.memref_slice %arg17[%dma_start3A_850, %dma_start3A_851] : memref<80x16xf32, #tpu.memory_space<vmem>> -> memref<79x16xf32, #tpu.memory_space<vmem>>
      %dma_start3A_853 = arith.constant 0 : i32
      %dma_start3A_854 = tpu.memref_slice %arg8[%arg0, %add3A_766, %dma_start3A_853] : memref<2x10112x16xf32, #tpu.memory_space<hbm>> -> memref<1x79x16xf32, #tpu.memory_space<hbm>>
      %dma_start3A_855 = tpu.memref_squeeze %dma_start3A_854 : memref<1x79x16xf32, #tpu.memory_space<hbm>> -> memref<79x16xf32, #tpu.memory_space<hbm>>
      %dma_start3A_856 = arith.constant 0 : i32
      %dma_start3A_857 = tpu.memref_slice %arg8[%arg0, %add3A_766, %dma_start3A_856] : memref<2x10112x16xf32, #tpu.memory_space<hbm>> -> memref<1x79x16xf32, #tpu.memory_space<hbm>>
      %dma_start3A_858 = tpu.memref_squeeze %dma_start3A_857 : memref<1x79x16xf32, #tpu.memory_space<hbm>> -> memref<79x16xf32, #tpu.memory_space<hbm>>
      %dma_start3A_859 = arith.constant 0 : i32
      %dma_start3A_860 = arith.constant 0 : i32
      %dma_start3A_861 = tpu.memref_slice %arg17[%dma_start3A_859, %dma_start3A_860] : memref<80x16xf32, #tpu.memory_space<vmem>> -> memref<79x16xf32, #tpu.memory_space<vmem>>
      tpu.enqueue_dma source(%dma_start3A_861 : memref<79x16xf32, #tpu.memory_space<vmem>>) target(%dma_start3A_858 : memref<79x16xf32, #tpu.memory_space<hbm>>) target_semaphore(%run_scoped3A_849 : memref<!tpu.dma_semaphore, #tpu.memory_space<semaphore_mem>>)
      %dma_wait3A_862 = arith.constant 0 : i32
      %dma_wait3A_863 = arith.constant 0 : i32
      %dma_wait3A_864 = tpu.memref_slice %arg17[%dma_wait3A_862, %dma_wait3A_863] : memref<80x16xf32, #tpu.memory_space<vmem>> -> memref<79x16xf32, #tpu.memory_space<vmem>>
      %dma_wait3A_865 = arith.constant 0 : i32
      %dma_wait3A_866 = tpu.memref_slice %arg8[%arg0, %add3A_766, %dma_wait3A_865] : memref<2x10112x16xf32, #tpu.memory_space<hbm>> -> memref<1x79x16xf32, #tpu.memory_space<hbm>>
      %dma_wait3A_867 = tpu.memref_squeeze %dma_wait3A_866 : memref<1x79x16xf32, #tpu.memory_space<hbm>> -> memref<79x16xf32, #tpu.memory_space<hbm>>
      %dma_wait3A_868 = arith.constant 0 : i32
      %dma_wait3A_869 = tpu.memref_slice %arg8[%arg0, %add3A_766, %dma_wait3A_868] : memref<2x10112x16xf32, #tpu.memory_space<hbm>> -> memref<1x79x16xf32, #tpu.memory_space<hbm>>
      %dma_wait3A_870 = tpu.memref_squeeze %dma_wait3A_869 : memref<1x79x16xf32, #tpu.memory_space<hbm>> -> memref<79x16xf32, #tpu.memory_space<hbm>>
      %dma_wait3A_871 = arith.constant 0 : i32
      %dma_wait3A_872 = arith.constant 0 : i32
      %dma_wait3A_873 = tpu.memref_slice %arg17[%dma_wait3A_871, %dma_wait3A_872] : memref<80x16xf32, #tpu.memory_space<vmem>> -> memref<79x16xf32, #tpu.memory_space<vmem>>
      tpu.wait_dma2 semaphore(%run_scoped3A_849 : memref<!tpu.dma_semaphore, #tpu.memory_space<semaphore_mem>>) src(%dma_wait3A_873 : memref<79x16xf32, #tpu.memory_space<vmem>>) dst(%dma_wait3A_870 : memref<79x16xf32, #tpu.memory_space<hbm>>)
      tpu.yield
    }) : () -> ()
    %add3A_793 = arith.constant 553 : i32
    %add3A_794 = arith.addi %mul3A_2, %add3A_793 : i32
    %add3A_795 = arith.constant 395 : i32
    %add3A_796 = arith.addi %mul3A_2, %add3A_795 : i32
    %dma_wait3A_797 = arith.constant 0 : i32
    %dma_wait3A_798 = arith.constant 0 : i32
    %dma_wait3A_799 = tpu.memref_slice %arg16[%dma_wait3A_797, %dma_wait3A_798] : memref<80x128xf32, #tpu.memory_space<vmem>> -> memref<79x128xf32, #tpu.memory_space<vmem>>
    %dma_wait3A_800 = arith.constant 0 : i32
    %dma_wait3A_801 = tpu.memref_slice %arg7[%arg0, %add3A_796, %dma_wait3A_800] : memref<2x10112x128xf32, #tpu.memory_space<hbm>> -> memref<1x79x128xf32, #tpu.memory_space<hbm>>
    %dma_wait3A_802 = tpu.memref_squeeze %dma_wait3A_801 : memref<1x79x128xf32, #tpu.memory_space<hbm>> -> memref<79x128xf32, #tpu.memory_space<hbm>>
    %dma_wait3A_803 = arith.constant 0 : i32
    %dma_wait3A_804 = tpu.memref_slice %arg7[%arg0, %add3A_796, %dma_wait3A_803] : memref<2x10112x128xf32, #tpu.memory_space<hbm>> -> memref<1x79x128xf32, #tpu.memory_space<hbm>>
    %dma_wait3A_805 = tpu.memref_squeeze %dma_wait3A_804 : memref<1x79x128xf32, #tpu.memory_space<hbm>> -> memref<79x128xf32, #tpu.memory_space<hbm>>
    %dma_wait3A_806 = arith.constant 0 : i32
    %dma_wait3A_807 = arith.constant 0 : i32
    %dma_wait3A_808 = tpu.memref_slice %arg16[%dma_wait3A_806, %dma_wait3A_807] : memref<80x128xf32, #tpu.memory_space<vmem>> -> memref<79x128xf32, #tpu.memory_space<vmem>>
    tpu.wait_dma2 semaphore(%arg25 : memref<!tpu.dma_semaphore, #tpu.memory_space<semaphore_mem>>) src(%dma_wait3A_808 : memref<79x128xf32, #tpu.memory_space<vmem>>) dst(%dma_wait3A_805 : memref<79x128xf32, #tpu.memory_space<hbm>>)
    "tpu.region"() ({
      %run_scoped3A_849 = tpu.sem_alloc : memref<!tpu.dma_semaphore, #tpu.memory_space<semaphore_mem>>
      %dma_start3A_850 = arith.constant 0 : i32
      %dma_start3A_851 = arith.constant 0 : i32
      %dma_start3A_852 = tpu.memref_slice %arg16[%dma_start3A_850, %dma_start3A_851] : memref<80x128xf32, #tpu.memory_space<vmem>> -> memref<79x128xf32, #tpu.memory_space<vmem>>
      %dma_start3A_853 = arith.constant 0 : i32
      %dma_start3A_854 = tpu.memref_slice %arg9[%add3A_794, %dma_start3A_853] : memref<10112x128xf32, #tpu.memory_space<vmem_shared>> -> memref<79x128xf32, #tpu.memory_space<vmem_shared>>
      %dma_start3A_855 = arith.constant 0 : i32
      %dma_start3A_856 = arith.constant 0 : i32
      %dma_start3A_857 = tpu.memref_slice %arg16[%dma_start3A_855, %dma_start3A_856] : memref<80x128xf32, #tpu.memory_space<vmem>> -> memref<79x128xf32, #tpu.memory_space<vmem>>
      %dma_start3A_858 = arith.constant 0 : i32
      %dma_start3A_859 = tpu.memref_slice %arg9[%add3A_794, %dma_start3A_858] : memref<10112x128xf32, #tpu.memory_space<vmem_shared>> -> memref<79x128xf32, #tpu.memory_space<vmem_shared>>
      tpu.enqueue_dma source(%dma_start3A_859 : memref<79x128xf32, #tpu.memory_space<vmem_shared>>) target(%dma_start3A_857 : memref<79x128xf32, #tpu.memory_space<vmem>>) target_semaphore(%run_scoped3A_849 : memref<!tpu.dma_semaphore, #tpu.memory_space<semaphore_mem>>)
      %dma_wait3A_860 = arith.constant 0 : i32
      %dma_wait3A_861 = arith.constant 0 : i32
      %dma_wait3A_862 = tpu.memref_slice %arg16[%dma_wait3A_860, %dma_wait3A_861] : memref<80x128xf32, #tpu.memory_space<vmem>> -> memref<79x128xf32, #tpu.memory_space<vmem>>
      %dma_wait3A_863 = arith.constant 0 : i32
      %dma_wait3A_864 = tpu.memref_slice %arg9[%add3A_794, %dma_wait3A_863] : memref<10112x128xf32, #tpu.memory_space<vmem_shared>> -> memref<79x128xf32, #tpu.memory_space<vmem_shared>>
      %dma_wait3A_865 = arith.constant 0 : i32
      %dma_wait3A_866 = arith.constant 0 : i32
      %dma_wait3A_867 = tpu.memref_slice %arg16[%dma_wait3A_865, %dma_wait3A_866] : memref<80x128xf32, #tpu.memory_space<vmem>> -> memref<79x128xf32, #tpu.memory_space<vmem>>
      %dma_wait3A_868 = arith.constant 0 : i32
      %dma_wait3A_869 = tpu.memref_slice %arg9[%add3A_794, %dma_wait3A_868] : memref<10112x128xf32, #tpu.memory_space<vmem_shared>> -> memref<79x128xf32, #tpu.memory_space<vmem_shared>>
      tpu.wait_dma2 semaphore(%run_scoped3A_849 : memref<!tpu.dma_semaphore, #tpu.memory_space<semaphore_mem>>) src(%dma_wait3A_869 : memref<79x128xf32, #tpu.memory_space<vmem_shared>>) dst(%dma_wait3A_867 : memref<79x128xf32, #tpu.memory_space<vmem>>)
      tpu.yield
    }) : () -> ()
    %dma_start3A_809 = arith.constant 0 : i32
    %dma_start3A_810 = arith.constant 0 : i32
    %dma_start3A_811 = tpu.memref_slice %arg16[%dma_start3A_809, %dma_start3A_810] : memref<80x128xf32, #tpu.memory_space<vmem>> -> memref<79x128xf32, #tpu.memory_space<vmem>>
    %dma_start3A_812 = arith.constant 0 : i32
    %dma_start3A_813 = tpu.memref_slice %arg7[%arg0, %add3A_794, %dma_start3A_812] : memref<2x10112x128xf32, #tpu.memory_space<hbm>> -> memref<1x79x128xf32, #tpu.memory_space<hbm>>
    %dma_start3A_814 = tpu.memref_squeeze %dma_start3A_813 : memref<1x79x128xf32, #tpu.memory_space<hbm>> -> memref<79x128xf32, #tpu.memory_space<hbm>>
    %dma_start3A_815 = arith.constant 0 : i32
    %dma_start3A_816 = tpu.memref_slice %arg7[%arg0, %add3A_794, %dma_start3A_815] : memref<2x10112x128xf32, #tpu.memory_space<hbm>> -> memref<1x79x128xf32, #tpu.memory_space<hbm>>
    %dma_start3A_817 = tpu.memref_squeeze %dma_start3A_816 : memref<1x79x128xf32, #tpu.memory_space<hbm>> -> memref<79x128xf32, #tpu.memory_space<hbm>>
    %dma_start3A_818 = arith.constant 0 : i32
    %dma_start3A_819 = arith.constant 0 : i32
    %dma_start3A_820 = tpu.memref_slice %arg16[%dma_start3A_818, %dma_start3A_819] : memref<80x128xf32, #tpu.memory_space<vmem>> -> memref<79x128xf32, #tpu.memory_space<vmem>>
    tpu.enqueue_dma source(%dma_start3A_820 : memref<79x128xf32, #tpu.memory_space<vmem>>) target(%dma_start3A_817 : memref<79x128xf32, #tpu.memory_space<hbm>>) target_semaphore(%arg25 : memref<!tpu.dma_semaphore, #tpu.memory_space<semaphore_mem>>)
    "tpu.region"() ({
      %run_scoped3A_849 = tpu.sem_alloc : memref<!tpu.dma_semaphore, #tpu.memory_space<semaphore_mem>>
      %dma_start3A_850 = arith.constant 0 : i32
      %dma_start3A_851 = arith.constant 0 : i32
      %dma_start3A_852 = tpu.memref_slice %arg17[%dma_start3A_850, %dma_start3A_851] : memref<80x16xf32, #tpu.memory_space<vmem>> -> memref<79x16xf32, #tpu.memory_space<vmem>>
      %dma_start3A_853 = arith.constant 0 : i32
      %dma_start3A_854 = tpu.memref_slice %arg10[%add3A_794, %dma_start3A_853] : memref<10112x16xf32, #tpu.memory_space<vmem_shared>> -> memref<79x16xf32, #tpu.memory_space<vmem_shared>>
      %dma_start3A_855 = arith.constant 0 : i32
      %dma_start3A_856 = arith.constant 0 : i32
      %dma_start3A_857 = tpu.memref_slice %arg17[%dma_start3A_855, %dma_start3A_856] : memref<80x16xf32, #tpu.memory_space<vmem>> -> memref<79x16xf32, #tpu.memory_space<vmem>>
      %dma_start3A_858 = arith.constant 0 : i32
      %dma_start3A_859 = tpu.memref_slice %arg10[%add3A_794, %dma_start3A_858] : memref<10112x16xf32, #tpu.memory_space<vmem_shared>> -> memref<79x16xf32, #tpu.memory_space<vmem_shared>>
      tpu.enqueue_dma source(%dma_start3A_859 : memref<79x16xf32, #tpu.memory_space<vmem_shared>>) target(%dma_start3A_857 : memref<79x16xf32, #tpu.memory_space<vmem>>) target_semaphore(%run_scoped3A_849 : memref<!tpu.dma_semaphore, #tpu.memory_space<semaphore_mem>>)
      %dma_wait3A_860 = arith.constant 0 : i32
      %dma_wait3A_861 = arith.constant 0 : i32
      %dma_wait3A_862 = tpu.memref_slice %arg17[%dma_wait3A_860, %dma_wait3A_861] : memref<80x16xf32, #tpu.memory_space<vmem>> -> memref<79x16xf32, #tpu.memory_space<vmem>>
      %dma_wait3A_863 = arith.constant 0 : i32
      %dma_wait3A_864 = tpu.memref_slice %arg10[%add3A_794, %dma_wait3A_863] : memref<10112x16xf32, #tpu.memory_space<vmem_shared>> -> memref<79x16xf32, #tpu.memory_space<vmem_shared>>
      %dma_wait3A_865 = arith.constant 0 : i32
      %dma_wait3A_866 = arith.constant 0 : i32
      %dma_wait3A_867 = tpu.memref_slice %arg17[%dma_wait3A_865, %dma_wait3A_866] : memref<80x16xf32, #tpu.memory_space<vmem>> -> memref<79x16xf32, #tpu.memory_space<vmem>>
      %dma_wait3A_868 = arith.constant 0 : i32
      %dma_wait3A_869 = tpu.memref_slice %arg10[%add3A_794, %dma_wait3A_868] : memref<10112x16xf32, #tpu.memory_space<vmem_shared>> -> memref<79x16xf32, #tpu.memory_space<vmem_shared>>
      tpu.wait_dma2 semaphore(%run_scoped3A_849 : memref<!tpu.dma_semaphore, #tpu.memory_space<semaphore_mem>>) src(%dma_wait3A_869 : memref<79x16xf32, #tpu.memory_space<vmem_shared>>) dst(%dma_wait3A_867 : memref<79x16xf32, #tpu.memory_space<vmem>>)
      tpu.yield
    }) : () -> ()
    "tpu.region"() ({
      %run_scoped3A_849 = tpu.sem_alloc : memref<!tpu.dma_semaphore, #tpu.memory_space<semaphore_mem>>
      %dma_start3A_850 = arith.constant 0 : i32
      %dma_start3A_851 = arith.constant 0 : i32
      %dma_start3A_852 = tpu.memref_slice %arg17[%dma_start3A_850, %dma_start3A_851] : memref<80x16xf32, #tpu.memory_space<vmem>> -> memref<79x16xf32, #tpu.memory_space<vmem>>
      %dma_start3A_853 = arith.constant 0 : i32
      %dma_start3A_854 = tpu.memref_slice %arg8[%arg0, %add3A_794, %dma_start3A_853] : memref<2x10112x16xf32, #tpu.memory_space<hbm>> -> memref<1x79x16xf32, #tpu.memory_space<hbm>>
      %dma_start3A_855 = tpu.memref_squeeze %dma_start3A_854 : memref<1x79x16xf32, #tpu.memory_space<hbm>> -> memref<79x16xf32, #tpu.memory_space<hbm>>
      %dma_start3A_856 = arith.constant 0 : i32
      %dma_start3A_857 = tpu.memref_slice %arg8[%arg0, %add3A_794, %dma_start3A_856] : memref<2x10112x16xf32, #tpu.memory_space<hbm>> -> memref<1x79x16xf32, #tpu.memory_space<hbm>>
      %dma_start3A_858 = tpu.memref_squeeze %dma_start3A_857 : memref<1x79x16xf32, #tpu.memory_space<hbm>> -> memref<79x16xf32, #tpu.memory_space<hbm>>
      %dma_start3A_859 = arith.constant 0 : i32
      %dma_start3A_860 = arith.constant 0 : i32
      %dma_start3A_861 = tpu.memref_slice %arg17[%dma_start3A_859, %dma_start3A_860] : memref<80x16xf32, #tpu.memory_space<vmem>> -> memref<79x16xf32, #tpu.memory_space<vmem>>
      tpu.enqueue_dma source(%dma_start3A_861 : memref<79x16xf32, #tpu.memory_space<vmem>>) target(%dma_start3A_858 : memref<79x16xf32, #tpu.memory_space<hbm>>) target_semaphore(%run_scoped3A_849 : memref<!tpu.dma_semaphore, #tpu.memory_space<semaphore_mem>>)
      %dma_wait3A_862 = arith.constant 0 : i32
      %dma_wait3A_863 = arith.constant 0 : i32
      %dma_wait3A_864 = tpu.memref_slice %arg17[%dma_wait3A_862, %dma_wait3A_863] : memref<80x16xf32, #tpu.memory_space<vmem>> -> memref<79x16xf32, #tpu.memory_space<vmem>>
      %dma_wait3A_865 = arith.constant 0 : i32
      %dma_wait3A_866 = tpu.memref_slice %arg8[%arg0, %add3A_794, %dma_wait3A_865] : memref<2x10112x16xf32, #tpu.memory_space<hbm>> -> memref<1x79x16xf32, #tpu.memory_space<hbm>>
      %dma_wait3A_867 = tpu.memref_squeeze %dma_wait3A_866 : memref<1x79x16xf32, #tpu.memory_space<hbm>> -> memref<79x16xf32, #tpu.memory_space<hbm>>
      %dma_wait3A_868 = arith.constant 0 : i32
      %dma_wait3A_869 = tpu.memref_slice %arg8[%arg0, %add3A_794, %dma_wait3A_868] : memref<2x10112x16xf32, #tpu.memory_space<hbm>> -> memref<1x79x16xf32, #tpu.memory_space<hbm>>
      %dma_wait3A_870 = tpu.memref_squeeze %dma_wait3A_869 : memref<1x79x16xf32, #tpu.memory_space<hbm>> -> memref<79x16xf32, #tpu.memory_space<hbm>>
      %dma_wait3A_871 = arith.constant 0 : i32
      %dma_wait3A_872 = arith.constant 0 : i32
      %dma_wait3A_873 = tpu.memref_slice %arg17[%dma_wait3A_871, %dma_wait3A_872] : memref<80x16xf32, #tpu.memory_space<vmem>> -> memref<79x16xf32, #tpu.memory_space<vmem>>
      tpu.wait_dma2 semaphore(%run_scoped3A_849 : memref<!tpu.dma_semaphore, #tpu.memory_space<semaphore_mem>>) src(%dma_wait3A_873 : memref<79x16xf32, #tpu.memory_space<vmem>>) dst(%dma_wait3A_870 : memref<79x16xf32, #tpu.memory_space<hbm>>)
      tpu.yield
    }) : () -> ()
    %add3A_821 = arith.constant 474 : i32
    %add3A_822 = arith.addi %mul3A_2, %add3A_821 : i32
    %dma_wait3A_823 = arith.constant 0 : i32
    %dma_wait3A_824 = arith.constant 0 : i32
    %dma_wait3A_825 = tpu.memref_slice %arg15[%dma_wait3A_823, %dma_wait3A_824] : memref<80x128xf32, #tpu.memory_space<vmem>> -> memref<79x128xf32, #tpu.memory_space<vmem>>
    %dma_wait3A_826 = arith.constant 0 : i32
    %dma_wait3A_827 = tpu.memref_slice %arg7[%arg0, %add3A_822, %dma_wait3A_826] : memref<2x10112x128xf32, #tpu.memory_space<hbm>> -> memref<1x79x128xf32, #tpu.memory_space<hbm>>
    %dma_wait3A_828 = tpu.memref_squeeze %dma_wait3A_827 : memref<1x79x128xf32, #tpu.memory_space<hbm>> -> memref<79x128xf32, #tpu.memory_space<hbm>>
    %dma_wait3A_829 = arith.constant 0 : i32
    %dma_wait3A_830 = tpu.memref_slice %arg7[%arg0, %add3A_822, %dma_wait3A_829] : memref<2x10112x128xf32, #tpu.memory_space<hbm>> -> memref<1x79x128xf32, #tpu.memory_space<hbm>>
    %dma_wait3A_831 = tpu.memref_squeeze %dma_wait3A_830 : memref<1x79x128xf32, #tpu.memory_space<hbm>> -> memref<79x128xf32, #tpu.memory_space<hbm>>
    %dma_wait3A_832 = arith.constant 0 : i32
    %dma_wait3A_833 = arith.constant 0 : i32
    %dma_wait3A_834 = tpu.memref_slice %arg15[%dma_wait3A_832, %dma_wait3A_833] : memref<80x128xf32, #tpu.memory_space<vmem>> -> memref<79x128xf32, #tpu.memory_space<vmem>>
    tpu.wait_dma2 semaphore(%arg24 : memref<!tpu.dma_semaphore, #tpu.memory_space<semaphore_mem>>) src(%dma_wait3A_834 : memref<79x128xf32, #tpu.memory_space<vmem>>) dst(%dma_wait3A_831 : memref<79x128xf32, #tpu.memory_space<hbm>>)
    %add3A_835 = arith.constant 553 : i32
    %add3A_836 = arith.addi %mul3A_2, %add3A_835 : i32
    %dma_wait3A_837 = arith.constant 0 : i32
    %dma_wait3A_838 = arith.constant 0 : i32
    %dma_wait3A_839 = tpu.memref_slice %arg16[%dma_wait3A_837, %dma_wait3A_838] : memref<80x128xf32, #tpu.memory_space<vmem>> -> memref<79x128xf32, #tpu.memory_space<vmem>>
    %dma_wait3A_840 = arith.constant 0 : i32
    %dma_wait3A_841 = tpu.memref_slice %arg7[%arg0, %add3A_836, %dma_wait3A_840] : memref<2x10112x128xf32, #tpu.memory_space<hbm>> -> memref<1x79x128xf32, #tpu.memory_space<hbm>>
    %dma_wait3A_842 = tpu.memref_squeeze %dma_wait3A_841 : memref<1x79x128xf32, #tpu.memory_space<hbm>> -> memref<79x128xf32, #tpu.memory_space<hbm>>
    %dma_wait3A_843 = arith.constant 0 : i32
    %dma_wait3A_844 = tpu.memref_slice %arg7[%arg0, %add3A_836, %dma_wait3A_843] : memref<2x10112x128xf32, #tpu.memory_space<hbm>> -> memref<1x79x128xf32, #tpu.memory_space<hbm>>
    %dma_wait3A_845 = tpu.memref_squeeze %dma_wait3A_844 : memref<1x79x128xf32, #tpu.memory_space<hbm>> -> memref<79x128xf32, #tpu.memory_space<hbm>>
    %dma_wait3A_846 = arith.constant 0 : i32
    %dma_wait3A_847 = arith.constant 0 : i32
    %dma_wait3A_848 = tpu.memref_slice %arg16[%dma_wait3A_846, %dma_wait3A_847] : memref<80x128xf32, #tpu.memory_space<vmem>> -> memref<79x128xf32, #tpu.memory_space<vmem>>
    tpu.wait_dma2 semaphore(%arg25 : memref<!tpu.dma_semaphore, #tpu.memory_space<semaphore_mem>>) src(%dma_wait3A_848 : memref<79x128xf32, #tpu.memory_space<vmem>>) dst(%dma_wait3A_845 : memref<79x128xf32, #tpu.memory_space<hbm>>)
    return
  }
}

module attributes {stable_mosaic.version = 14 : i64} {
  func.func @_tc_finish_body(%arg0: i32, %arg1: memref<2x2000x128xf32, #tpu.memory_space<vmem>>, %arg2: memref<2x2000x16xf32, #tpu.memory_space<vmem>>, %arg3: memref<1x128xf32, #tpu.memory_space<vmem>>, %arg4: memref<128x128xf32, #tpu.memory_space<vmem>>, %arg5: memref<2000x128xf32, #tpu.memory_space<vmem>>) attributes {dimension_semantics = [#tpu.dimension_semantics<arbitrary>], iteration_bounds = array<i64: 5>, scalar_prefetch = 0 : i64, scratch_operands = 0 : i64, tpu.core_type = #tpu.core_type<tc>, window_params = [{transform_indices = @transform_0, window_bounds = array<i64: 2, 2000, 128>}, {transform_indices = @transform_1, window_bounds = array<i64: 2, 2000, 16>}, {pipeline_mode = #tpu.pipeline_mode<synchronous>, transform_indices = @transform_2, window_bounds = array<i64: 1, 128>}, {pipeline_mode = #tpu.pipeline_mode<synchronous>, transform_indices = @transform_3, window_bounds = array<i64: 128, 128>}, {transform_indices = @transform_4, window_bounds = array<i64: 2000, 128>}]} {
    %get3A = arith.constant 0 : index
    %get3A_0 = arith.constant 0 : index
    %get3A_1 = arith.constant 0 : index
    %get3A_2 = vector.load %arg1[%get3A, %get3A_0, %get3A_1] : memref<2x2000x128xf32, #tpu.memory_space<vmem>>, vector<1x2000x128xf32>
    %get3A_3 = vector.shape_cast %get3A_2 : vector<1x2000x128xf32> to vector<2000x128xf32>
    %get3A_4 = arith.constant 1 : index
    %get3A_5 = arith.constant 0 : index
    %get3A_6 = arith.constant 0 : index
    %get3A_7 = vector.load %arg1[%get3A_4, %get3A_5, %get3A_6] : memref<2x2000x128xf32, #tpu.memory_space<vmem>>, vector<1x2000x128xf32>
    %get3A_8 = vector.shape_cast %get3A_7 : vector<1x2000x128xf32> to vector<2000x128xf32>
    %add3A = arith.addf %get3A_3, %get3A_8 : vector<2000x128xf32>
    %get3A_9 = arith.constant 0 : index
    %get3A_10 = arith.constant 0 : index
    %get3A_11 = vector.load %arg3[%get3A_9, %get3A_10] : memref<1x128xf32, #tpu.memory_space<vmem>>, vector<1x128xf32>
    %mul3A = vector.broadcast %get3A_11 : vector<1x128xf32> to vector<2000x128xf32>
    %mul3A_12 = arith.mulf %add3A, %mul3A : vector<2000x128xf32>
    %get3A_13 = arith.constant 0 : index
    %get3A_14 = arith.constant 0 : index
    %get3A_15 = vector.load %arg4[%get3A_13, %get3A_14] : memref<128x128xf32, #tpu.memory_space<vmem>>, vector<128x128xf32>
    %dot_general3A = arith.constant dense<0.000000e+00> : vector<2000x128xf32>
    %dot_general3A_16 = tpu.matmul %mul3A_12, %get3A_15, %dot_general3A {dimension_numbers = #tpu.dot_dimension_numbers<[1], [0], [0], [1], [0, 0, 1, 1], [], []>, transpose_lhs_hint = false} : vector<2000x128xf32>, vector<128x128xf32>, vector<2000x128xf32> -> vector<2000x128xf32>
    %get3A_17 = arith.constant 0 : index
    %get3A_18 = arith.constant 0 : index
    %get3A_19 = arith.constant 0 : index
    %get3A_20 = vector.load %arg2[%get3A_17, %get3A_18, %get3A_19] : memref<2x2000x16xf32, #tpu.memory_space<vmem>>, vector<1x2000x1xf32>
    %get3A_21 = vector.shape_cast %get3A_20 : vector<1x2000x1xf32> to vector<2000x1xf32>
    %get3A_22 = arith.constant 1 : index
    %get3A_23 = arith.constant 0 : index
    %get3A_24 = arith.constant 0 : index
    %get3A_25 = vector.load %arg2[%get3A_22, %get3A_23, %get3A_24] : memref<2x2000x16xf32, #tpu.memory_space<vmem>>, vector<1x2000x1xf32>
    %get3A_26 = vector.shape_cast %get3A_25 : vector<1x2000x1xf32> to vector<2000x1xf32>
    %add3A_27 = arith.addf %get3A_21, %get3A_26 : vector<2000x1xf32>
    %max3A = arith.constant 1.000000e+00 : f32
    %max3A_28 = vector.broadcast %max3A : f32 to vector<2000x1xf32>
    %max3A_29 = arith.maximumf %add3A_27, %max3A_28 : vector<2000x1xf32>
    %div3A = arith.constant 1.000000e+00 : f32
    %div3A_30 = vector.broadcast %div3A : f32 to vector<2000x1xf32>
    %div3A_31 = arith.divf %div3A_30, %max3A_29 : vector<2000x1xf32>
    %mul3A_32 = vector.broadcast %div3A_31 : vector<2000x1xf32> to vector<2000x128xf32>
    %mul3A_33 = arith.mulf %dot_general3A_16, %mul3A_32 : vector<2000x128xf32>
    %swap3A = arith.constant 0 : index
    %swap3A_34 = arith.constant 0 : index
    %swap3A_35 = vector.load %arg5[%swap3A, %swap3A_34] : memref<2000x128xf32, #tpu.memory_space<vmem>>, vector<2000x128xf32>
    tpu.vector_store %arg5[%swap3A, %swap3A_34], %mul3A_33 {strides = array<i32>} : memref<2000x128xf32, #tpu.memory_space<vmem>>, vector<2000x128xf32>,
    return
  }
  func.func @transform_0(%arg0: i32) -> (i32, i32, i32) {
    %c0_i32 = arith.constant 0 : i32
    %c0_i32_0 = arith.constant 0 : i32
    %c0_i32_1 = arith.constant 0 : i32
    return %c0_i32, %arg0, %c0_i32_0 : i32, i32, i32
  }
  func.func @transform_1(%arg0: i32) -> (i32, i32, i32) {
    %c0_i32 = arith.constant 0 : i32
    %c0_i32_0 = arith.constant 0 : i32
    %c0_i32_1 = arith.constant 0 : i32
    return %c0_i32, %arg0, %c0_i32_0 : i32, i32, i32
  }
  func.func @transform_2(%arg0: i32) -> (i32, i32) {
    %c0_i32 = arith.constant 0 : i32
    %c0_i32_0 = arith.constant 0 : i32
    %c0_i32_1 = arith.constant 0 : i32
    return %c0_i32, %c0_i32_0 : i32, i32
  }
  func.func @transform_3(%arg0: i32) -> (i32, i32) {
    %c0_i32 = arith.constant 0 : i32
    %c0_i32_0 = arith.constant 0 : i32
    %c0_i32_1 = arith.constant 0 : i32
    return %c0_i32, %c0_i32_0 : i32, i32
  }
  func.func @transform_4(%arg0: i32) -> (i32, i32) {
    %c0_i32 = arith.constant 0 : i32
    %c0_i32_0 = arith.constant 0 : i32
    return %arg0, %c0_i32 : i32, i32
  }
}

</mosaic_0001>

<sc_bundles>
// kernel: kernel.4.cloned.1.call-start
scs
__scs_entry_jumppad:
0x0: {  	(pc) =	sbr.rel $0x88, $3  }
0x1: {  	(tag) =	ssettag $0x0;
	lr =	simm.s32 $0x1  }
0x2: {  	[smem:$0x3F9D] =	sst lr;
	_ =	strace $0xD0000000  }
0x3: {  	_ = 	snop  }
0x4: {  	_ = 	snop  }
0x5: {  	_ = 	snop  }
0x6: {  	_ = 	snop  }
0x7: {  	_ = 	snop  }
__scs_overlays_trampoline_lowered:
0x8: {  	[smem:$0x3FAC] =	sst s0  }
0x9: {  	[smem:$0x3FAD] =	sst s1  }
0xa: {  	[smem:$0x3FAE] =	sst s2  }
0xb: {  	[smem:$0x3FAF] =	sst s3  }
0xc: {  	[smem:$0x3FB0] =	sst s4  }
0xd: {  	[smem:$0x3FB1] =	sst s5  }
0xe: {  	[smem:$0x3FB2] =	sst s6  }
0xf: {  	[smem:$0x3FB3] =	sst s7  }
0x10: {  	[smem:$0x3FB4] =	sst s8  }
0x11: {  	[smem:$0x3FB5] =	sst s9;
	s0 =	simm.s32 @!p0 $0x0  }
0x12: {  	s1 =	sld [smem:$0x3F9B];
	s0 =	simm.s32 @p0 $0x1  }
0x13: {  	[smem:$0x3FB6] =	sst s0;
	s0 =	simm.s32 @!p1 $0x0  }
0x14: {  	s2 =	sld [smem:$0x3F9A];
	s0 =	simm.s32 @p1 $0x1  }
0x15: {  	[smem:$0x3FB7] =	sst s0;
	s0 =	simm.s32 @!p2 $0x0  }
0x16: {  	s3 =	sld [smem:$0x3FDB];
	s0 =	simm.s32 @p2 $0x1  }
0x17: {  	s4 =	simm.s32 $0x1BF5;
	[smem:$0x3FB9] =	sst s0  }
0x18: {  	s0 =	sld [smem:$0x3F9C];
	_ =	swait.ge [sflag:s4], $0x0  }
0x19: {  	s7 =	sld [smem:$0x3F9D]  }
0x1a: {  	s8 =	sadd.s32 $0xFFFFE003, lr  }
0x1b: {  	s9 =	sadd.s32 $0xFFFFFEF7, lr;
	s5 =	simm.s32 $0xFFFFFFFF;
	p2 =	slt.u32 s8, $0xFFFFF086  }
0x1c: {  	p1 =	slt.u32 s9, $0xF7A;
	s5 =	simm.s32 @!p2 $0x0  }
0x1d: {  	s5 =	simm.s32 @p1 $0x1;
	p0 =	seq.s32 s7, s2  }
0x1e: {  	s7 =	smul.u32 @!p0 $0xF7A, s2;
	p2 =	seq.s32 @!p0 s5, $0x0  }
0x1f: {  	s9 =	smul.u32 $0xF7A, s1;
	s8 =	simm.s32 @!p0 $0x1BF5;
	p2 =	por !p2, p0  }
0x20: {  	[sflag:s8] =	ssyncset.s32 @!p0 $0xFFFFF086;
	s6 =	sadd.s32 @!p0 s3, s7;
	s7 =	simm.s32 @!p0 $0x108  }
0x21: {  	s3 =	sadd.s32 s3, s9;
	s6 =	sadd.s32 @!p0 $0x88, s6;
	s7 =	simm.s32 @p2 $0x1082  }
0x22: {  	[simem:s7], [sflag:s8] =	dma.local @!p0 [hbm:s6], $0xF7A  }
0x23: {  	s9 =	sor.u32 $0xD0000000, s2;
	s6 =	simm.s32 $0x108;
	_ =	swait.ge @!p0 [sflag:s8], $0x0  }
0x24: {  	s3 =	sadd.s32 $0x88, s3;
	s6 =	simm.s32 @!p1 $0x1082;
	[sflag:s4] =	ssyncset.s32 $0xFFFFF086  }
0x25: {  	[simem:s6], [sflag:s4] =	dma.local [hbm:s3], $0xF7A  }
0x26: {  	[smem:$0x3F9D] =	sst s1;
	(tag) =	ssettag s2;
	_ =	strace s9  }
0x27: {  	s1 =	sld [smem:$0x3FAD]  }
0x28: {  	s2 =	sld [smem:$0x3FAE]  }
0x29: {  	s4 =	sld [smem:$0x3FB0]  }
0x2a: {  	p0 =	seq.s32 s5, $0x0;
	s5 =	sld [smem:$0x3FB1]  }
0x2b: {  	s6 =	sld [smem:$0x3FB2]  }
0x2c: {  	s7 =	sld [smem:$0x3FB3]  }
0x2d: {  	s3 =	simm.s32 $0x108;
	s8 =	sld [smem:$0x3FB4]  }
0x2e: {  	s3 =	simm.s32 @!p0 $0x1082;
	s9 =	sld [smem:$0x3FB5]  }
0x2f: {  	lr =	sadd.s32 s0, s3;
	s0 =	sld [smem:$0x3FAC]  }
0x30: {  	s3 =	sld [smem:$0x3FAF]  }
0x31: {  	[smem:$0x3FB8] =	sst s10  }
0x32: {  	s10 =	sld [smem:$0x3FB6];
	_ =	sdelay $0x3  }
0x33: {  	p0 =	seq.s32 s10, $0x1;
	s10 =	sld [smem:$0x3FB8];
	_ =	sdelay $0x3  }
0x34: {  	[smem:$0x3FB8] =	sst s10  }
0x35: {  	s10 =	sld [smem:$0x3FB7];
	_ =	sdelay $0x3  }
0x36: {  	p1 =	seq.s32 s10, $0x1;
	s10 =	sld [smem:$0x3FB8];
	_ =	sdelay $0x3  }
0x37: {  	[smem:$0x3FB8] =	sst s10  }
0x38: {  	s10 =	sld [smem:$0x3FB9]  }
0x39: {  	_ = 	snop;
	(pc) =	sbr.ind lr, $3  }
0x3a: {  	_ = 	snop  }
0x3b: {  	_ = 	snop  }
0x3c: {  	p2 =	seq.s32 s10, $0x1;
	s10 =	sld [smem:$0x3FB8]  }
0x3d: {  	_ =	shalt  }
0x3e: {  	_ =	shalt  }
0x3f: {  	_ =	shalt  }
0x40: {  	_ =	shalt  }
0x41: {  	_ =	shalt  }
0x42: {  	_ =	shalt  }
0x43: {  	_ =	shalt  }
0x44: {  	_ =	shalt  }
0x45: {  	_ =	shalt  }
0x46: {  	_ =	shalt  }
0x47: {  	_ =	shalt  }
0x48: {  	_ =	shalt  }
0x49: {  	_ =	shalt  }
0x4a: {  	_ =	shalt  }
0x4b: {  	_ =	shalt  }
0x4c: {  	_ =	shalt  }
0x4d: {  	_ =	shalt  }
0x4e: {  	_ =	shalt  }
0x4f: {  	_ =	shalt  }
0x50: {  	_ =	shalt  }
0x51: {  	_ =	shalt  }
0x52: {  	_ =	shalt  }
0x53: {  	_ =	shalt  }
0x54: {  	_ =	shalt  }
0x55: {  	_ =	shalt  }
0x56: {  	_ =	shalt  }
0x57: {  	_ =	shalt  }
0x58: {  	_ =	shalt  }
0x59: {  	_ =	shalt  }
0x5a: {  	_ =	shalt  }
0x5b: {  	_ =	shalt  }
0x5c: {  	_ =	shalt  }
0x5d: {  	_ =	shalt  }
0x5e: {  	_ =	shalt  }
0x5f: {  	_ =	shalt  }
0x60: {  	_ =	shalt  }
0x61: {  	_ =	shalt  }
0x62: {  	_ =	shalt  }
0x63: {  	_ =	shalt  }
0x64: {  	_ =	shalt  }
0x65: {  	_ =	shalt  }
0x66: {  	_ =	shalt  }
0x67: {  	_ =	shalt  }
0x68: {  	_ =	shalt  }
0x69: {  	_ =	shalt  }
0x6a: {  	_ =	shalt  }
0x6b: {  	_ =	shalt  }
0x6c: {  	_ =	shalt  }
0x6d: {  	_ =	shalt  }
0x6e: {  	_ =	shalt  }
0x6f: {  	_ =	shalt  }
0x70: {  	_ =	shalt  }
0x71: {  	_ =	shalt  }
0x72: {  	_ =	shalt  }
0x73: {  	_ =	shalt  }
0x74: {  	_ =	shalt  }
0x75: {  	_ =	shalt  }
0x76: {  	_ =	shalt  }
0x77: {  	_ =	shalt  }
0x78: {  	_ =	shalt  }
0x79: {  	_ =	shalt  }
0x7a: {  	_ =	shalt  }
0x7b: {  	_ =	shalt  }
0x7c: {  	_ =	shalt  }
0x7d: {  	_ =	shalt  }
0x7e: {  	_ =	shalt  }
0x7f: {  	_ =	shalt  }
0x80: {  	_ =	shalt  }
0x81: {  	_ =	shalt  }
0x82: {  	_ =	shalt  }
0x83: {  	_ =	shalt  }
0x84: {  	_ =	shalt  }
0x85: {  	_ =	shalt  }
0x86: {  	_ =	shalt  }
0x87: {  	_ =	shalt  }
.Lfunc_end0:
.L_simem_size_0:
called_computation_lowered:
.L_overlay_start_0:
0x88: {  	s2 =	sld [smem:$0x3FD9]  }
0x89: {  	s3 =	sld [smem:$0x3FFE];
	_ =	sdelay $0x1  }
0x8a: {  	s1 =	srdreg.scid  }
0x8b: {  	s0 =	sand.u32 $0x1, s1  }
0x8c: {  	s17 =	sshll.u32 s0, $0xA;
	s2 =	sadd.s32 s3, s2  }
0x8d: {  	s2 =	sadd.s32 s2, s17  }
0x8e: {  	[smem:$0x3FC4] =	sst s2  }
0x8f: {  	_ = 	snop  }
0x90: {  	s2 =	sld [smem:$0x3FC9]  }
0x91: {  	s18 =	sld [smem:$0x3FD0];
	(tm) =	ssettm $0x1  }
0x92: {  	s4 =	sld [smem:$0x3FFB];
	_ =	sdelay $0x3  }
0x93: {  	_ =	strace s4  }
0x94: {  	s4 =	sld [smem:$0x3FFC];
	_ =	sdelay $0x3  }
0x95: {  	_ =	strace s4  }
0x96: {  	s4 =	sld [smem:$0x3FFD];
	_ =	sdelay $0x3  }
0x97: {  	_ =	strace s4  }
0x98: {  	_ =	strace $0x8FFFFFFF  }
0x99: {  	s19 =	sld [smem:$0x3FDB];
	_ =	sdelay $0x1  }
0x9a: {  	s5 =	simm.s32 $_scs_section_size  }
0x9b: {  	s6 =	simm.s32 $_size__tile_overlayer_lowered;
	s7 =	simm.s32 $_tile_overlayer_lowered  }
0x9c: {  	s22 =	simm.s32 $0x1BFF;
	s21 =	sshll.u32 s7, $0x1;
	s4 =	sadd.s32 s5, s19  }
0x9d: {  	s8 =	simm.s32 $0x0;
	s20 =	sshll.u32 s6, $0x1;
	s6 =	sadd.s32 s21, s4  }
0x9e: {  	[timem:s8], [sflag:s22] =	dma.local [hbm:s6], s20  }
0x9f: {  	_ =	swait.ge [sflag:s22], s20  }
0xa0: {  	s5 =	ssub.s32 $0x0, s20;
	[sflag:s22] =	ssyncset.done $0x0  }
0xa1: {  	[sflag:s22] =	ssyncadd.s32 s5;
	_ =	sdelay $0x1  }
0xa2: {  	s23 =	simm.s32 $0x1B8B  }
0xa3: {  	_ =	swait.ge [sflag:s23], $0x1  }
0xa4: {  	[sflag:s23] =	ssyncset.done $0x0  }
0xa5: {  	s25 =	simm.s32 $0x1B8E;
	s24 =	sld [smem:$0x3FFE];
	[sflag:s23] =	ssyncadd.s32 $0xFFFFFFFF  }
0xa6: {  	s26 =	simm.s32 $execute0_lowered;
	[smem:$0x3FD2] =	sst s25  }
0xa7: {  	s6 =	sshll.u32 s26, $0x1;
	_ =	strace $0x80000046;
	[dreg:$0x1] =	wrdreg $0xFFFFFFFF  }
0xa8: {  	s28 =	simm.s32 $_size_execute0_lowered;
	s4 =	sadd.s32 s4, s6;
	[dreg:$0x0] =	wrdreg $0x0  }
0xa9: {  	s6 =	sshll.u32 s28, $0x1;
	[dreg:$0x2] =	wrdreg s4  }
0xaa: {  	[dreg:$0x3] =	wrdreg s6  }
0xab: {  	[dreg:$0x4] =	wrdreg $0xC0  }
0xac: {  	_ =	task [dreg:s8], $0x5FFFF  }
0xad: {  	[dreg:$0x1] =	wrdreg $0xFFFFFFFF  }
0xae: {  	[dreg:$0x0] =	wrdreg $0x60  }
0xaf: {  	[dreg:$0x2] =	wrdreg s18  }
0xb0: {  	[dreg:$0x3] =	wrdreg s2  }
0xb1: {  	[dreg:$0x4] =	wrdreg s24  }
0xb2: {  	[dreg:$0x5] =	wrdreg $0x0  }
0xb3: {  	[dreg:$0x6] =	wrdreg $0x13C000  }
0xb4: {  	[dreg:$0x7] =	wrdreg $0x9  }
0xb5: {  	_ =	task.clear_ibuf [dreg:s8], $0x8FFFF;
	_ =	strace $0x90000046  }
0xb6: {  	s29 =	simm.s32 $0x9;
	_ =	strace $0x80000048  }
0xb7: {  	_ =	swait.ge [sflag:s29], $0x1  }
0xb8: {  	[sflag:s29] =	ssyncadd.s32 $0xFFFFFFFF  }
0xb9: {  	_ =	strace $0x90000048  }
0xba: {  	_ =	sfence  }
0xbb: {  	s30 =	sld [smem:$0x0];
	_ =	sdelay $0x2  }
0xbc: {  	s31 =	sshll.u32 s1, $0xD;
	s1 =	sshrl.u32 s1, $0x2  }
0xbd: {  	s3 =	sand.u32 $0x4000, s31;
	s1 =	sadd.s32 s1, s30  }
0xbe: {  	s0 =	sor.u32 s3, s0;
	s1 =	sshll.u32 s1, $0x11  }
0xbf: {  	s0 =	sor.u32 s1, s0  }
0xc0: {  	s0 =	sadd.s32 $0x8F2B, s0  }
0xc1: {  	[sflag:s0] =	ssyncadd.remote.s32 $0x1  }
0xc2: {  	_ =	sfence.sel $0xFFFF  }
0xc3: {  	[dreg:$0x0] =	wrdreg $0xFFFFFFFF;
	(pc) =	sbr.abs _section_cstart, $3  }
0xc4: {  	[dreg:$0x1] =	wrdreg $0xFFFFFFFF  }
0xc5: {  	_ =	task.clear_ibuf [dreg:s8], $0x2FFFF;
	_ =	strace $0x9FFFFFFF  }
0xc6: {  	(tm) =	ssettm $0x7FFFFFFF  }
0xc7: {  	_ =	shalt  }
tec
execute0_lowered:
.L_overlay_start_1:
0x0: {  	(tag) =	ssettag $0x1  }
0x1: {  	s6 =	rddreg [dreg:$0x0]  }
0x2: {  	s2 =	rddreg [dreg:$0x1]  }
0x3: {  	s1 =	rddreg [dreg:$0x2]  }
0x4: {  	s3 =	rddreg [dreg:$0x3]  }
0x5: {  	s5 =	rddreg [dreg:$0x4];
	s28 =	stileid.u32  }
0x6: {  	s0 =	srdreg.scid;
	s10 =	smul.u32 $0x278, s28  }
0x7: {  	s4 =	simm.s32 $0x0;
	s15 =	sand.u32 $0x1, s0;
	s7 =	smul.u32 $0x13C00, s28  }
0x8: {  	[smem:$0x7FF] =	sst s4;
	s16 =	sadd.s32 $0xB600, s1;
	s12 =	smul.u32 $0x4E20, s28  }
0x9: {  	s0 =	ssub.s32 $0x2, s15;
	_ =	strace $0x80000047;
	s23 =	smul.u32 $0x13C000, s15  }
0xa: {  	s11 =	sshrl.u32 s0, $0x1;
	s17 =	sadd.s32 $0x4F, s10;
	s18 =	sadd.s32 $0x9E, s10  }
0xb: {  	s19 =	sadd.s32 $0xED, s10;
	s20 =	sadd.s32 $0x13C, s10;
	s21 =	sadd.s32 $0x18B, s10  }
0xc: {  	s22 =	sadd.s32 $0x1DA, s10;
	s24 =	sadd.s32 $0x229, s10;
	s0 =	ssub.s32 s0, s11  }
0xd: {  	s11 =	smul.u32 $0x2710, s15;
	s9 =	sshll.u32 s17, $0x7;
	s8 =	sshll.u32 s18, $0x7  }
0xe: {  	s29 =	sshll.u32 s20, $0x7;
	s30 =	sshll.u32 s24, $0x7;
	s17 =	sshll.u32 s17, $0x4  }
0xf: {  	s18 =	sshll.u32 s18, $0x4;
	s20 =	sshll.u32 s20, $0x4;
	s24 =	sshll.u32 s24, $0x4  }
0x10: {  	s26 =	sadd.s32 s23, s9;
	s0 =	smax.u32 s0, $0x1;
	s4 =	sadd.s32 s11, s12  }
0x11: {  	s12 =	sadd.s32 s7, s23;
	[smem:$0x7EE] =	sst s0;
	s11 =	sadd.s32 $0x4E6B0, s4  }
0x12: {  	s14 =	sadd.s32 $0x4B0, s4;
	s12 =	sshrl.u32 s12, $0x3;
	s13 =	sshrl.u32 s11, $0x3  }
0x13: {  	s11 =	sshrl.u32 s14, $0x3;
	s12 =	sadd.s32 s16, s12;
	s14 =	sadd.s32 s23, s29  }
0x14: {  	s10 =	sadd.s32 s13, s6;
	s25 =	sadd.s32 s11, s6;
	[dreg:$0xd] =	wrdreg s12  }
0x15: {  	s13 =	sadd.s32 s23, s8;
	s11 =	sshrl.u32 s26, $0x3;
	[dreg:$0x6] =	wrdreg s10  }
0x16: {  	s12 =	sshll.u32 s19, $0x7;
	s14 =	sshrl.u32 s14, $0x3;
	[dreg:$0x7] =	wrdreg s25  }
0x17: {  	s10 =	sshrl.u32 s13, $0x3;
	s11 =	sadd.s32 s16, s11;
	s13 =	sadd.s32 s23, s12  }
0x18: {  	[dreg:$0xe] =	wrdreg s11;
	s10 =	sadd.s32 s16, s10;
	s13 =	sshrl.u32 s13, $0x3  }
0x19: {  	[dreg:$0xf] =	wrdreg s10;
	s10 =	sshll.u32 s21, $0x7;
	s13 =	sadd.s32 s16, s13  }
0x1a: {  	s25 =	sadd.s32 s23, s10;
	[dreg:$0x10] =	wrdreg s13;
	s13 =	sadd.s32 s16, s14  }
0x1b: {  	s14 =	sshll.u32 s22, $0x7;
	s25 =	sshrl.u32 s25, $0x3;
	[dreg:$0x11] =	wrdreg s13  }
0x1c: {  	s11 =	sadd.s32 s23, s14;
	s23 =	sadd.s32 s23, s30;
	s26 =	sadd.s32 s16, s25  }
0x1d: {  	s25 =	sshrl.u32 s11, $0x3;
	s11 =	simm.s32 $0x165B0;
	[dreg:$0x12] =	wrdreg s26  }
0x1e: {  	s23 =	sshrl.u32 s23, $0x3;
	s25 =	sadd.s32 s16, s25;
	[dreg:$0xa] =	wrdreg s11  }
0x1f: {  	s26 =	sadd.s32 $0x4E520, s4;
	s16 =	sadd.s32 s16, s23;
	[dreg:$0x13] =	wrdreg s25  }
0x20: {  	s23 =	smul.u32 $0x2780, s28;
	s26 =	sshrl.u32 s26, $0x3;
	[dreg:$0x14] =	wrdreg s16  }
0x21: {  	s25 =	simm.s32 $0x16560;
	s13 =	sadd.s32 s26, s6;
	s26 =	sshll.u32 s28, $0x1  }
0x22: {  	[dreg:$0x9] =	wrdreg s25;
	s16 =	sor.u32 s15, s26;
	s15 =	smul.u32 $0x27800, s15  }
0x23: {  	s19 =	sshll.u32 s19, $0x4;
	s11 =	sshll.u32 s21, $0x4;
	[dreg:$0x8] =	wrdreg s13  }
0x24: {  	s26 =	sadd.s32 $0x1800, s1;
	s13 =	sadd.s32 s23, s15;
	s28 =	sadd.s32 s15, s17  }
0x25: {  	s25 =	sshrl.u32 s13, $0x3;
	s21 =	sshrl.u32 s28, $0x3;
	s28 =	sadd.s32 s15, s18  }
0x26: {  	s25 =	sadd.s32 s26, s25;
	s13 =	sshrl.u32 s28, $0x3;
	s28 =	sadd.s32 s15, s19  }
0x27: {  	[dreg:$0x15] =	wrdreg s25;
	s25 =	sadd.s32 s26, s21;
	s21 =	sshrl.u32 s28, $0x3  }
0x28: {  	s28 =	sadd.s32 s15, s20;
	s20 =	sadd.s32 s20, s5;
	[dreg:$0x16] =	wrdreg s25  }
0x29: {  	s22 =	sshll.u32 s22, $0x4;
	s25 =	sadd.s32 s26, s13;
	[smem:$0x7F9] =	sst s20  }
0x2a: {  	s13 =	sshrl.u32 s28, $0x3;
	s28 =	sadd.s32 s15, s11;
	[dreg:$0x17] =	wrdreg s25  }
0x2b: {  	s25 =	sadd.s32 s26, s21;
	s21 =	sshrl.u32 s28, $0x3;
	s28 =	sadd.s32 s15, s22  }
0x2c: {  	s15 =	sadd.s32 s15, s24;
	[dreg:$0x18] =	wrdreg s25;
	s25 =	sadd.s32 s26, s13  }
0x2d: {  	s13 =	sshrl.u32 s28, $0x3;
	s28 =	sadd.s32 s14, s3;
	[dreg:$0x19] =	wrdreg s25  }
0x2e: {  	s15 =	sshrl.u32 s15, $0x3;
	s25 =	sadd.s32 s26, s21;
	[smem:$0x7FA] =	sst s28  }
0x2f: {  	s15 =	sadd.s32 s26, s15;
	[dreg:$0x1a] =	wrdreg s25  }
0x30: {  	s21 =	simm.s32 $0x16600;
	[dreg:$0x1c] =	wrdreg s15  }
0x31: {  	s25 =	sadd.s32 s26, s13;
	[dreg:$0xb] =	wrdreg s21  }
0x32: {  	s26 =	sadd.s32 $0x1200, s1;
	[dreg:$0x1b] =	wrdreg s25  }
0x33: {  	s13 =	sadd.s32 $0x1000, s1;
	[dreg:$0x1d] =	wrdreg s26  }
0x34: {  	s1 =	sadd.s32 $0xE00, s1;
	[dreg:$0x1e] =	wrdreg s13  }
0x35: {  	s15 =	sadd.s32 s23, s5;
	s23 =	sadd.s32 s9, s3;
	[dreg:$0x1f] =	wrdreg s1  }
0x36: {  	s9 =	sadd.s32 s18, s5;
	[smem:$0x7E8] =	sst s23  }
0x37: {  	s21 =	sadd.s32 s8, s3;
	[smem:$0x7EA] =	sst s9  }
0x38: {  	s25 =	simm.s32 $0x16650;
	[smem:$0x7F6] =	sst s21  }
0x39: {  	s26 =	sadd.s32 s17, s5;
	[dreg:$0xc] =	wrdreg s25  }
0x3a: {  	s23 =	sadd.s32 s12, s3;
	s12 =	sadd.s32 s29, s3;
	[smem:$0x7E9] =	sst s26  }
0x3b: {  	s18 =	smov.u32 s15;
	s15 =	sadd.s32 s10, s3;
	[smem:$0x7EB] =	sst s12  }
0x3c: {  	s13 =	smul.u32 $0x2710, s16;
	s16 =	sadd.s32 s11, s5;
	[smem:$0x7EC] =	sst s15  }
0x3d: {  	s17 =	sadd.s32 s19, s5;
	s19 =	sadd.s32 $0x320, s4;
	[smem:$0x7ED] =	sst s16  }
0x3e: {  	[smem:$0x7EF] =	sst s19  }
0x3f: {  	[smem:$0x7F5] =	sst s18  }
0x40: {  	s31 =	simm.s32 $0x3;
	s0 =	simm.s32 $0x5;
	[smem:$0x7F7] =	sst s23  }
0x41: {  	s8 =	smov.u32 s6;
	s11 =	sadd.s32 s22, s5;
	[smem:$0x7F8] =	sst s17  }
0x42: {  	s6 =	simm.s32 $0x0;
	s25 =	sadd.s32 s7, s3;
	[smem:$0x7FB] =	sst s11  }
0x43: {  	s29 =	simm.s32 $0x191C0;
	s12 =	sadd.s32 s30, s3;
	[smem:$0x7F4] =	sst s25  }
0x44: {  	s1 =	sshrl.u32 s13, $0x3;
	s13 =	sadd.s32 s24, s5;
	[smem:$0x7FC] =	sst s12  }
0x45: {  	s9 =	simm.s32 $0x4;
	s1 =	sadd.s32 s8, s1;
	[smem:$0x7FD] =	sst s13  }
0x46: {  	s10 =	simm.s32 $0x6;
	s22 =	sadd.s32 $0x9C40, s1;
	[smem:$0x7F2] =	sst s1  }
0x47: {  	s30 =	simm.s32 $0x1;
	s24 =	sadd.s32 $0x32, s1;
	[smem:$0x7F0] =	sst s22  }
0x48: {  	s7 =	simm.s32 $0x2;
	s26 =	sadd.s32 $0x9C72, s1;
	[smem:$0x7F1] =	sst s24  }
0x49: {  	s15 =	simm.s32 $0xA;
	s1 =	simm.s32 $0x9;
	[smem:$0x7F3] =	sst s26  }
0x4a: {  	s22 =	simm.s32 $0x169C0;
	s24 =	simm.s32 $0x1B9C0;
	s26 =	simm.s32 $0x50  }
.LBB2_1:
0x4b: {  	[smem:$0x7E7] =	sst s6;
	s16 =	simm.s32 $0xB  }
0x4c: {  	s14 =	smov.u32 s20;
	s20 =	simm.s32 $0x0;
	s4 =	rddreg [dreg:$0x1d]  }
0x4d: {  	[tilespmem:s22], [sflag:$0xB] =	stream.linear.gather [hbm4b:s4+s20], $0x2780, $0x38;
	[tilespmem:$0x1BEC0] =	vst v63  }
0x4e: {  	_ =	swait.ge [sflag:s16], $0x2780  }
0x4f: {  	[sflag:s16] =	ssyncset.done $0x0  }
0x50: {  	s4 =	rddreg [dreg:$0x1e];
	[sflag:s16] =	ssyncadd.s32 $0xFFFFD880  }
0x51: {  	[tilespmem:s24], [sflag:$0xB] =	stream.linear.gather [hbm4b:s4+s20], $0x4F0, $0x38;
	[tilespmem:$0x1BEC0] =	vst v63  }
0x52: {  	_ =	swait.ge [sflag:s16], $0x4F0  }
0x53: {  	[sflag:s16] =	ssyncset.done $0x0  }
0x54: {  	[sflag:s16] =	ssyncadd.s32 $0xFFFFFB10  }
0x55: {  	[spmem:s25] =	stream.linear.scatter [tilespmem:s22], [sflag:$0x7], $0x2780, $0x38;
	[tilespmem:$0x1BEC0] =	vst v63  }
0x56: {  	s25 =	sld [smem:$0x7E8]  }
0x57: {  	[spmem:s18] =	stream.linear.scatter [tilespmem:s24], [sflag:$0x8], $0x4F0, $0x38;
	[tilespmem:$0x1BEC0] =	vst v63  }
0x58: {  	s18 =	sld [smem:$0x7E9]  }
0x59: {  	[spmem:s25] =	stream.linear.scatter [tilespmem:s22], [sflag:$0x7], $0x2780, $0x38;
	[tilespmem:$0x1BEC0] =	vst v63  }
0x5a: {  	_ = 	snop  }
0x5b: {  	[spmem:s18] =	stream.linear.scatter [tilespmem:s24], [sflag:$0x8], $0x4F0, $0x38;
	[tilespmem:$0x1BEC0] =	vst v63  }
0x5c: {  	s20 =	sld [smem:$0x7EA]  }
0x5d: {  	[spmem:s21] =	stream.linear.scatter [tilespmem:s22], [sflag:$0x7], $0x2780, $0x38;
	[tilespmem:$0x1BEC0] =	vst v63  }
0x5e: {  	_ = 	snop  }
0x5f: {  	[spmem:s20] =	stream.linear.scatter [tilespmem:s24], [sflag:$0x8], $0x4F0, $0x38;
	[tilespmem:$0x1BEC0] =	vst v63  }
0x60: {  	_ = 	snop  }
0x61: {  	[spmem:s23] =	stream.linear.scatter [tilespmem:s22], [sflag:$0x7], $0x2780, $0x38;
	[tilespmem:$0x1BEC0] =	vst v63  }
0x62: {  	s21 =	sld [smem:$0x7EB]  }
0x63: {  	[spmem:s17] =	stream.linear.scatter [tilespmem:s24], [sflag:$0x8], $0x4F0, $0x38;
	[tilespmem:$0x1BEC0] =	vst v63  }
0x64: {  	_ = 	snop  }
0x65: {  	[spmem:s21] =	stream.linear.scatter [tilespmem:s22], [sflag:$0x7], $0x2780, $0x38;
	[tilespmem:$0x1BEC0] =	vst v63  }
0x66: {  	s23 =	sld [smem:$0x7EC]  }
0x67: {  	[spmem:s14] =	stream.linear.scatter [tilespmem:s24], [sflag:$0x8], $0x4F0, $0x38;
	[tilespmem:$0x1BEC0] =	vst v63  }
0x68: {  	s25 =	sld [smem:$0x7ED]  }
0x69: {  	[spmem:s23] =	stream.linear.scatter [tilespmem:s22], [sflag:$0x7], $0x2780, $0x38;
	[tilespmem:$0x1BEC0] =	vst v63  }
0x6a: {  	_ = 	snop  }
0x6b: {  	[spmem:s25] =	stream.linear.scatter [tilespmem:s24], [sflag:$0x8], $0x4F0, $0x38;
	[tilespmem:$0x1BEC0] =	vst v63  }
0x6c: {  	_ = 	snop  }
0x6d: {  	[spmem:s28] =	stream.linear.scatter [tilespmem:s22], [sflag:$0x7], $0x2780, $0x38;
	[tilespmem:$0x1BEC0] =	vst v63  }
0x6e: {  	_ = 	snop  }
0x6f: {  	[spmem:s11] =	stream.linear.scatter [tilespmem:s24], [sflag:$0x8], $0x4F0, $0x38;
	[tilespmem:$0x1BEC0] =	vst v63  }
0x70: {  	_ = 	snop  }
0x71: {  	[spmem:s12] =	stream.linear.scatter [tilespmem:s22], [sflag:$0x7], $0x2780, $0x38;
	[tilespmem:$0x1BEC0] =	vst v63  }
0x72: {  	s6 =	simm.s32 $0x7  }
0x73: {  	[spmem:s13] =	stream.linear.scatter [tilespmem:s24], [sflag:$0x8], $0x4F0, $0x38;
	[tilespmem:$0x1BEC0] =	vst v63  }
0x74: {  	_ =	swait.ge [sflag:s6], $0x2780  }
0x75: {  	[sflag:s6] =	ssyncset.done $0x0  }
0x76: {  	s19 =	simm.s32 $0x8;
	[sflag:s6] =	ssyncadd.s32 $0xFFFFD880  }
0x77: {  	_ =	swait.ge [sflag:s19], $0x4F0  }
0x78: {  	[sflag:s19] =	ssyncset.done $0x0  }
0x79: {  	[sflag:s19] =	ssyncadd.s32 $0xFFFFFB10  }
0x7a: {  	_ =	swait.ge [sflag:s6], $0x2780  }
0x7b: {  	[sflag:s6] =	ssyncset.done $0x0  }
0x7c: {  	[sflag:s6] =	ssyncadd.s32 $0xFFFFD880  }
0x7d: {  	_ =	swait.ge [sflag:s19], $0x4F0  }
0x7e: {  	[sflag:s19] =	ssyncset.done $0x0  }
0x7f: {  	[sflag:s19] =	ssyncadd.s32 $0xFFFFFB10  }
0x80: {  	_ =	swait.ge [sflag:s6], $0x2780  }
0x81: {  	[sflag:s6] =	ssyncset.done $0x0  }
0x82: {  	[sflag:s6] =	ssyncadd.s32 $0xFFFFD880  }
0x83: {  	_ =	swait.ge [sflag:s19], $0x4F0  }
0x84: {  	[sflag:s19] =	ssyncset.done $0x0  }
0x85: {  	[sflag:s19] =	ssyncadd.s32 $0xFFFFFB10  }
0x86: {  	_ =	swait.ge [sflag:s6], $0x2780  }
0x87: {  	[sflag:s6] =	ssyncset.done $0x0  }
0x88: {  	[sflag:s6] =	ssyncadd.s32 $0xFFFFD880  }
0x89: {  	_ =	swait.ge [sflag:s19], $0x4F0  }
0x8a: {  	[sflag:s19] =	ssyncset.done $0x0  }
0x8b: {  	[sflag:s19] =	ssyncadd.s32 $0xFFFFFB10  }
0x8c: {  	_ =	swait.ge [sflag:s6], $0x2780  }
0x8d: {  	[sflag:s6] =	ssyncset.done $0x0  }
0x8e: {  	[sflag:s6] =	ssyncadd.s32 $0xFFFFD880  }
0x8f: {  	_ =	swait.ge [sflag:s19], $0x4F0  }
0x90: {  	[sflag:s19] =	ssyncset.done $0x0  }
0x91: {  	[sflag:s19] =	ssyncadd.s32 $0xFFFFFB10  }
0x92: {  	_ =	swait.ge [sflag:s6], $0x2780  }
0x93: {  	[sflag:s6] =	ssyncset.done $0x0  }
0x94: {  	[sflag:s6] =	ssyncadd.s32 $0xFFFFD880  }
0x95: {  	_ =	swait.ge [sflag:s19], $0x4F0  }
0x96: {  	[sflag:s19] =	ssyncset.done $0x0  }
0x97: {  	[sflag:s19] =	ssyncadd.s32 $0xFFFFFB10  }
0x98: {  	_ =	swait.ge [sflag:s6], $0x2780  }
0x99: {  	[sflag:s6] =	ssyncset.done $0x0  }
0x9a: {  	[sflag:s6] =	ssyncadd.s32 $0xFFFFD880  }
0x9b: {  	_ =	swait.ge [sflag:s19], $0x4F0  }
0x9c: {  	[sflag:s19] =	ssyncset.done $0x0  }
0x9d: {  	[sflag:s19] =	ssyncadd.s32 $0xFFFFFB10  }
0x9e: {  	_ =	swait.ge [sflag:s6], $0x2780  }
0x9f: {  	[sflag:s6] =	ssyncset.done $0x0  }
0xa0: {  	[sflag:s6] =	ssyncadd.s32 $0xFFFFD880  }
0xa1: {  	_ =	swait.ge [sflag:s19], $0x4F0  }
0xa2: {  	[sflag:s19] =	ssyncset.done $0x0  }
0xa3: {  	s17 =	simm.s32 $0x0;
	s14 =	rddreg [dreg:$0x1f];
	[sflag:s19] =	ssyncadd.s32 $0xFFFFFB10  }
0xa4: {  	[tilespmem:s24], [sflag:$0xB] =	stream.linear.gather [hbm4b:s14+s17], $0x500, $0x38;
	[tilespmem:$0x1BEC0] =	vst v63  }
0xa5: {  	_ =	swait.ge [sflag:s16], $0x500  }
0xa6: {  	[sflag:s16] =	ssyncset.done $0x0  }
0xa7: {  	[sflag:s16] =	ssyncadd.s32 $0xFFFFFB00  }
0xa8: {  	[bflag:$0x0] =	sbarrier.arrive $0xFFFF  }
0xa9: {  	s19 =	sld [smem:$0x7F2];
	_ =	sdelay $0x1  }
0xaa: {  	s13 =	simm.s32 $0x16380  }
0xab: {  	[tilespmem:s13], [sflag:$0xB] =	stream.linear.gather [hbm4b:s19+s17], $0x190, $0x38;
	[tilespmem:$0x1BEC0] =	vst v63  }
0xac: {  	_ =	swait.ge [sflag:s16], $0x190  }
0xad: {  	s20 =	sld [smem:$0x7F0]  }
0xae: {  	[sflag:s16] =	ssyncset.done $0x0  }
0xaf: {  	s21 =	simm.s32 $0x166A0;
	[sflag:s16] =	ssyncadd.s32 $0xFFFFFE70  }
0xb0: {  	[tilespmem:s21], [sflag:$0xB] =	stream.linear.gather [hbm4b:s20+s17], $0x190, $0x38;
	[tilespmem:$0x1BEC0] =	vst v63  }
0xb1: {  	_ =	swait.ge [sflag:s16], $0x190  }
0xb2: {  	s23 =	sld [smem:$0x7F1]  }
0xb3: {  	[sflag:s16] =	ssyncset.done $0x0  }
0xb4: {  	s11 =	simm.s32 $0x16510;
	s25 =	sld [smem:$0x7F3];
	[sflag:s16] =	ssyncadd.s32 $0xFFFFFE70  }
0xb5: {  	[tilespmem:s11], [sflag:$0xA] =	stream.linear.gather [hbm4b:s23+s17], $0x190, $0x38;
	[tilespmem:$0x1BEC0] =	vst v63  }
0xb6: {  	s18 =	simm.s32 $0x16830  }
0xb7: {  	[tilespmem:s18], [sflag:$0xA] =	stream.linear.gather [hbm4b:s25+s17], $0x190, $0x38;
	[tilespmem:$0x1BEC0] =	vst v63  }
0xb8: {  	_ = 	snop  }
0xb9: {  	[tilespmem:s22], [sflag:$0x1] =	stream.indirect.gather [hbm4b:s2+s26], $0x80, s13, s26, $0xb8;
	[tilespmem:$0x1BEC0] =	vst v63  }
0xba: {  	s16 =	simm.s32 $0x163D0  }
0xbb: {  	[tilespmem:s29], [sflag:$0x2] =	stream.indirect.gather [hbm4b:s2+s26], $0x80, s16, s26, $0xb8;
	[tilespmem:$0x1BEC0] =	vst v63  }
0xbc: {  	_ =	swait.ge [sflag:s30], $0x2800  }
0xbd: {  	[sflag:s30] =	ssyncset.done $0x0  }
0xbe: {  	s6 =	simm.s32 $0x166A0;
	[sflag:s30] =	ssyncadd.s32 $0xFFFFD800  }
0xbf: {  	[spmem:s3] =	stream.indirect.scatter.add.f32 [tilespmem:s22], [sflag:$0x3], $0x80, s6, s26, $0xb8;
	[tilespmem:$0x1BEC0] =	vst v63  }
0xc0: {  	_ = 	snop  }
0xc1: {  	[spmem:s5] =	stream.indirect.scatter.add.f32 [tilespmem:s24], [sflag:$0x5], $0x10, s6, s26, $0xb8;
	[tilespmem:$0x1BEC0] =	vst v63  }
0xc2: {  	_ =	swait.ge [sflag:s31], $0x2800  }
0xc3: {  	[sflag:s31] =	ssyncset.done $0x0  }
0xc4: {  	[sflag:s31] =	ssyncadd.s32 $0xFFFFD800  }
0xc5: {  	_ =	swait.ge [sflag:s0], $0x500  }
0xc6: {  	[sflag:s0] =	ssyncset.done $0x0  }
0xc7: {  	s19 =	simm.s32 $0x16420;
	[sflag:s0] =	ssyncadd.s32 $0xFFFFFB00  }
0xc8: {  	[tilespmem:s22], [sflag:$0x1] =	stream.indirect.gather [hbm4b:s2+s26], $0x80, s19, s26, $0xb8;
	[tilespmem:$0x1BEC0] =	vst v63  }
0xc9: {  	_ =	swait.ge [sflag:s7], $0x2800  }
0xca: {  	[sflag:s7] =	ssyncset.done $0x0  }
0xcb: {  	s6 =	simm.s32 $0x166F0;
	[sflag:s7] =	ssyncadd.s32 $0xFFFFD800  }
0xcc: {  	[spmem:s3] =	stream.indirect.scatter.add.f32 [tilespmem:s29], [sflag:$0x4], $0x80, s6, s26, $0xb8;
	[tilespmem:$0x1BEC0] =	vst v63  }
0xcd: {  	_ = 	snop  }
0xce: {  	[spmem:s5] =	stream.indirect.scatter.add.f32 [tilespmem:s24], [sflag:$0x6], $0x10, s6, s26, $0xb8;
	[tilespmem:$0x1BEC0] =	vst v63  }
0xcf: {  	_ =	swait.ge [sflag:s9], $0x2800  }
0xd0: {  	[sflag:s9] =	ssyncset.done $0x0  }
0xd1: {  	[sflag:s9] =	ssyncadd.s32 $0xFFFFD800  }
0xd2: {  	_ =	swait.ge [sflag:s10], $0x500  }
0xd3: {  	[sflag:s10] =	ssyncset.done $0x0  }
0xd4: {  	s12 =	simm.s32 $0x16470;
	[sflag:s10] =	ssyncadd.s32 $0xFFFFFB00  }
0xd5: {  	[tilespmem:s29], [sflag:$0x2] =	stream.indirect.gather [hbm4b:s2+s26], $0x80, s12, s26, $0xb8;
	[tilespmem:$0x1BEC0] =	vst v63  }
0xd6: {  	_ =	swait.ge [sflag:s30], $0x2800  }
0xd7: {  	[sflag:s30] =	ssyncset.done $0x0  }
0xd8: {  	s17 =	simm.s32 $0x16740;
	[sflag:s30] =	ssyncadd.s32 $0xFFFFD800  }
0xd9: {  	[spmem:s3] =	stream.indirect.scatter.add.f32 [tilespmem:s22], [sflag:$0x3], $0x80, s17, s26, $0xb8;
	[tilespmem:$0x1BEC0] =	vst v63  }
0xda: {  	_ = 	snop  }
0xdb: {  	[spmem:s5] =	stream.indirect.scatter.add.f32 [tilespmem:s24], [sflag:$0x5], $0x10, s17, s26, $0xb8;
	[tilespmem:$0x1BEC0] =	vst v63  }
0xdc: {  	_ =	swait.ge [sflag:s31], $0x2800  }
0xdd: {  	[sflag:s31] =	ssyncset.done $0x0  }
0xde: {  	[sflag:s31] =	ssyncadd.s32 $0xFFFFD800  }
0xdf: {  	_ =	swait.ge [sflag:s0], $0x500  }
0xe0: {  	[sflag:s0] =	ssyncset.done $0x0  }
0xe1: {  	s21 =	simm.s32 $0x164C0;
	[sflag:s0] =	ssyncadd.s32 $0xFFFFFB00  }
0xe2: {  	[tilespmem:s22], [sflag:$0x1] =	stream.indirect.gather [hbm4b:s2+s26], $0x80, s21, s26, $0xb8;
	[tilespmem:$0x1BEC0] =	vst v63  }
0xe3: {  	_ =	swait.ge [sflag:s7], $0x2800  }
0xe4: {  	[sflag:s7] =	ssyncset.done $0x0  }
0xe5: {  	s23 =	simm.s32 $0x16790;
	[sflag:s7] =	ssyncadd.s32 $0xFFFFD800  }
0xe6: {  	[spmem:s3] =	stream.indirect.scatter.add.f32 [tilespmem:s29], [sflag:$0x4], $0x80, s23, s26, $0xb8;
	[tilespmem:$0x1BEC0] =	vst v63  }
0xe7: {  	_ = 	snop  }
0xe8: {  	[spmem:s5] =	stream.indirect.scatter.add.f32 [tilespmem:s24], [sflag:$0x6], $0x10, s23, s26, $0xb8;
	[tilespmem:$0x1BEC0] =	vst v63  }
0xe9: {  	_ =	swait.ge [sflag:s9], $0x2800  }
0xea: {  	[sflag:s9] =	ssyncset.done $0x0  }
0xeb: {  	[sflag:s9] =	ssyncadd.s32 $0xFFFFD800  }
0xec: {  	_ =	swait.ge [sflag:s10], $0x500  }
0xed: {  	[sflag:s10] =	ssyncset.done $0x0  }
0xee: {  	[sflag:s10] =	ssyncadd.s32 $0xFFFFFB00  }
0xef: {  	_ =	swait.ge [sflag:s15], $0x190  }
0xf0: {  	[sflag:s15] =	ssyncset.done $0x0  }
0xf1: {  	[sflag:s15] =	ssyncadd.s32 $0xFFFFFE70  }
0xf2: {  	_ =	swait.ge [sflag:s15], $0x190  }
0xf3: {  	[sflag:s15] =	ssyncset.done $0x0  }
0xf4: {  	[sflag:s15] =	ssyncadd.s32 $0xFFFFFE70  }
0xf5: {  	[tilespmem:s29], [sflag:$0x2] =	stream.indirect.gather [hbm4b:s2+s26], $0x80, s11, s26, $0xb8;
	[tilespmem:$0x1BEC0] =	vst v63  }
0xf6: {  	_ =	swait.ge [sflag:s30], $0x2800  }
0xf7: {  	[sflag:s30] =	ssyncset.done $0x0  }
0xf8: {  	s25 =	simm.s32 $0x167E0;
	[sflag:s30] =	ssyncadd.s32 $0xFFFFD800  }
0xf9: {  	[spmem:s3] =	stream.indirect.scatter.add.f32 [tilespmem:s22], [sflag:$0x3], $0x80, s25, s26, $0xb8;
	[tilespmem:$0x1BEC0] =	vst v63  }
0xfa: {  	_ = 	snop  }
0xfb: {  	[spmem:s5] =	stream.indirect.scatter.add.f32 [tilespmem:s24], [sflag:$0x5], $0x10, s25, s26, $0xb8;
	[tilespmem:$0x1BEC0] =	vst v63  }
0xfc: {  	_ =	swait.ge [sflag:s31], $0x2800  }
0xfd: {  	[sflag:s31] =	ssyncset.done $0x0  }
0xfe: {  	[sflag:s31] =	ssyncadd.s32 $0xFFFFD800  }
0xff: {  	_ =	swait.ge [sflag:s0], $0x500  }
0x100: {  	s12 =	sld [smem:$0x7EF];
	_ =	sdelay $0x2  }
0x101: {  	s20 =	simm.s32 $0x0;
	[sflag:s0] =	ssyncset.done $0x0;
	s11 =	sshrl.u32 s12, $0x3  }
0x102: {  	s17 =	rddreg [dreg:$0x8];
	[sflag:s0] =	ssyncadd.s32 $0xFFFFFB00;
	s4 =	sadd.s32 s8, s11  }
0x103: {  	[tilespmem:s13], [sflag:$0x9] =	stream.linear.gather [hbm4b:s4+s20], $0x190, $0x38;
	[tilespmem:$0x1BEC0] =	vst v63  }
0x104: {  	s14 =	simm.s32 $0x166A0;
	s21 =	sadd.s32 $0x0, s17  }
0x105: {  	[tilespmem:s14], [sflag:$0x9] =	stream.linear.gather [hbm4b:s21+s20], $0x190, $0x38;
	[tilespmem:$0x1BEC0] =	vst v63  }
0x106: {  	s23 =	rddreg [dreg:$0x9]  }
0x107: {  	[tilespmem:s22], [sflag:$0x1] =	stream.indirect.gather [hbm4b:s2+s26], $0x80, s23, s26, $0xb8;
	[tilespmem:$0x1BEC0] =	vst v63  }
0x108: {  	_ =	swait.ge [sflag:s7], $0x2800  }
0x109: {  	[sflag:s7] =	ssyncset.done $0x0  }
0x10a: {  	[sflag:s7] =	ssyncadd.s32 $0xFFFFD800  }
0x10b: {  	[spmem:s3] =	stream.indirect.scatter.add.f32 [tilespmem:s29], [sflag:$0x4], $0x80, s18, s26, $0xb8;
	[tilespmem:$0x1BEC0] =	vst v63  }
0x10c: {  	_ = 	snop  }
0x10d: {  	[spmem:s5] =	stream.indirect.scatter.add.f32 [tilespmem:s24], [sflag:$0x6], $0x10, s18, s26, $0xb8;
	[tilespmem:$0x1BEC0] =	vst v63  }
0x10e: {  	_ =	swait.ge [sflag:s9], $0x2800  }
0x10f: {  	[sflag:s9] =	ssyncset.done $0x0  }
0x110: {  	[sflag:s9] =	ssyncadd.s32 $0xFFFFD800  }
0x111: {  	_ =	swait.ge [sflag:s10], $0x500  }
0x112: {  	[sflag:s10] =	ssyncset.done $0x0  }
0x113: {  	s25 =	rddreg [dreg:$0xa];
	[sflag:s10] =	ssyncadd.s32 $0xFFFFFB00  }
0x114: {  	[tilespmem:s29], [sflag:$0x2] =	stream.indirect.gather [hbm4b:s2+s26], $0x80, s25, s26, $0xb8;
	[tilespmem:$0x1BEC0] =	vst v63  }
0x115: {  	_ =	swait.ge [sflag:s30], $0x2800  }
0x116: {  	[sflag:s30] =	ssyncset.done $0x0  }
0x117: {  	s11 =	simm.s32 $0x16880;
	[sflag:s30] =	ssyncadd.s32 $0xFFFFD800  }
0x118: {  	[spmem:s3] =	stream.indirect.scatter.add.f32 [tilespmem:s22], [sflag:$0x3], $0x80, s11, s26, $0xb8;
	[tilespmem:$0x1BEC0] =	vst v63  }
0x119: {  	_ = 	snop  }
0x11a: {  	[spmem:s5] =	stream.indirect.scatter.add.f32 [tilespmem:s24], [sflag:$0x5], $0x10, s11, s26, $0xb8;
	[tilespmem:$0x1BEC0] =	vst v63  }
0x11b: {  	_ =	swait.ge [sflag:s31], $0x2800  }
0x11c: {  	[sflag:s31] =	ssyncset.done $0x0  }
0x11d: {  	[sflag:s31] =	ssyncadd.s32 $0xFFFFD800  }
0x11e: {  	_ =	swait.ge [sflag:s0], $0x500  }
0x11f: {  	[sflag:s0] =	ssyncset.done $0x0  }
0x120: {  	s17 =	rddreg [dreg:$0xb];
	[sflag:s0] =	ssyncadd.s32 $0xFFFFFB00  }
0x121: {  	[tilespmem:s22], [sflag:$0x1] =	stream.indirect.gather [hbm4b:s2+s26], $0x80, s17, s26, $0xb8;
	[tilespmem:$0x1BEC0] =	vst v63  }
0x122: {  	_ =	swait.ge [sflag:s7], $0x2800  }
0x123: {  	[sflag:s7] =	ssyncset.done $0x0  }
0x124: {  	s20 =	simm.s32 $0x168D0;
	[sflag:s7] =	ssyncadd.s32 $0xFFFFD800  }
0x125: {  	[spmem:s3] =	stream.indirect.scatter.add.f32 [tilespmem:s29], [sflag:$0x4], $0x80, s20, s26, $0xb8;
	[tilespmem:$0x1BEC0] =	vst v63  }
0x126: {  	_ = 	snop  }
0x127: {  	[spmem:s5] =	stream.indirect.scatter.add.f32 [tilespmem:s24], [sflag:$0x6], $0x10, s20, s26, $0xb8;
	[tilespmem:$0x1BEC0] =	vst v63  }
0x128: {  	_ =	swait.ge [sflag:s9], $0x2800  }
0x129: {  	[sflag:s9] =	ssyncset.done $0x0  }
0x12a: {  	[sflag:s9] =	ssyncadd.s32 $0xFFFFD800  }
0x12b: {  	_ =	swait.ge [sflag:s10], $0x500  }
0x12c: {  	[sflag:s10] =	ssyncset.done $0x0  }
0x12d: {  	s21 =	rddreg [dreg:$0xc];
	[sflag:s10] =	ssyncadd.s32 $0xFFFFFB00  }
0x12e: {  	[tilespmem:s29], [sflag:$0x2] =	stream.indirect.gather [hbm4b:s2+s26], $0x80, s21, s26, $0xb8;
	[tilespmem:$0x1BEC0] =	vst v63  }
0x12f: {  	_ =	swait.ge [sflag:s30], $0x2800  }
0x130: {  	[sflag:s30] =	ssyncset.done $0x0  }
0x131: {  	s23 =	simm.s32 $0x16920;
	[sflag:s30] =	ssyncadd.s32 $0xFFFFD800  }
0x132: {  	[spmem:s3] =	stream.indirect.scatter.add.f32 [tilespmem:s22], [sflag:$0x3], $0x80, s23, s26, $0xb8;
	[tilespmem:$0x1BEC0] =	vst v63  }
0x133: {  	_ = 	snop  }
0x134: {  	[spmem:s5] =	stream.indirect.scatter.add.f32 [tilespmem:s24], [sflag:$0x5], $0x10, s23, s26, $0xb8;
	[tilespmem:$0x1BEC0] =	vst v63  }
0x135: {  	_ =	swait.ge [sflag:s31], $0x2800  }
0x136: {  	[sflag:s31] =	ssyncset.done $0x0  }
0x137: {  	[sflag:s31] =	ssyncadd.s32 $0xFFFFD800  }
0x138: {  	_ =	swait.ge [sflag:s0], $0x500  }
0x139: {  	[sflag:s0] =	ssyncset.done $0x0  }
0x13a: {  	[sflag:s0] =	ssyncadd.s32 $0xFFFFFB00  }
0x13b: {  	_ =	swait.ge [sflag:s1], $0x190  }
0x13c: {  	[sflag:s1] =	ssyncset.done $0x0  }
0x13d: {  	[sflag:s1] =	ssyncadd.s32 $0xFFFFFE70  }
0x13e: {  	_ =	swait.ge [sflag:s1], $0x190  }
0x13f: {  	[sflag:s1] =	ssyncset.done $0x0  }
0x140: {  	[sflag:s1] =	ssyncadd.s32 $0xFFFFFE70  }
0x141: {  	[tilespmem:s22], [sflag:$0x1] =	stream.indirect.gather [hbm4b:s2+s26], $0x80, s13, s26, $0xb8;
	[tilespmem:$0x1BEC0] =	vst v63  }
0x142: {  	_ =	swait.ge [sflag:s7], $0x2800  }
0x143: {  	[sflag:s7] =	ssyncset.done $0x0  }
0x144: {  	s25 =	simm.s32 $0x16970;
	[sflag:s7] =	ssyncadd.s32 $0xFFFFD800  }
0x145: {  	[spmem:s3] =	stream.indirect.scatter.add.f32 [tilespmem:s29], [sflag:$0x4], $0x80, s25, s26, $0xb8;
	[tilespmem:$0x1BEC0] =	vst v63  }
0x146: {  	_ = 	snop  }
0x147: {  	[spmem:s5] =	stream.indirect.scatter.add.f32 [tilespmem:s24], [sflag:$0x6], $0x10, s25, s26, $0xb8;
	[tilespmem:$0x1BEC0] =	vst v63  }
0x148: {  	_ =	swait.ge [sflag:s9], $0x2800  }
0x149: {  	[sflag:s9] =	ssyncset.done $0x0  }
0x14a: {  	p0 =	por $0x0, $0x0;
	[sflag:s9] =	ssyncadd.s32 $0xFFFFD800  }
0x14b: {  	s28 =	simm.s32 @!p0 $0x16510;
	_ =	swait.ge [sflag:s10], $0x500  }
0x14c: {  	s13 =	simm.s32 @!p0 $0x0;
	s4 =	rddreg [dreg:$0x7];
	[sflag:s10] =	ssyncset.done $0x0  }
0x14d: {  	s11 =	rddreg [dreg:$0x6];
	[sflag:s10] =	ssyncadd.s32 $0xFFFFFB00;
	s4 =	sadd.s32 @!p0 $0x0, s4  }
0x14e: {  	[tilespmem:s28], [sflag:$0xA] =	stream.linear.gather @!p0 [hbm4b:s4+s13], $0x190, $0x38;
	[tilespmem:$0x1BEC0] =	vst v63  }
0x14f: {  	s11 =	sadd.s32 @!p0 $0x0, s11;
	s4 =	simm.s32 @!p0 $0x16830  }
0x150: {  	[tilespmem:s4], [sflag:$0xA] =	stream.linear.gather @!p0 [hbm4b:s11+s13], $0x190, $0x38;
	[tilespmem:$0x1BEC0] =	vst v63  }
0x151: {  	_ = 	snop  }
0x152: {  	[tilespmem:s29], [sflag:$0x2] =	stream.indirect.gather [hbm4b:s2+s26], $0x80, s16, s26, $0xb8;
	[tilespmem:$0x1BEC0] =	vst v63  }
0x153: {  	_ =	swait.ge [sflag:s30], $0x2800  }
0x154: {  	[sflag:s30] =	ssyncset.done $0x0  }
0x155: {  	[sflag:s30] =	ssyncadd.s32 $0xFFFFD800  }
0x156: {  	[spmem:s3] =	stream.indirect.scatter.add.f32 [tilespmem:s22], [sflag:$0x3], $0x80, s14, s26, $0xb8;
	[tilespmem:$0x1BEC0] =	vst v63  }
0x157: {  	_ = 	snop  }
0x158: {  	[spmem:s5] =	stream.indirect.scatter.add.f32 [tilespmem:s24], [sflag:$0x5], $0x10, s14, s26, $0xb8;
	[tilespmem:$0x1BEC0] =	vst v63  }
0x159: {  	_ =	swait.ge [sflag:s31], $0x2800  }
0x15a: {  	[sflag:s31] =	ssyncset.done $0x0  }
0x15b: {  	[sflag:s31] =	ssyncadd.s32 $0xFFFFD800  }
0x15c: {  	_ =	swait.ge [sflag:s0], $0x500  }
0x15d: {  	[sflag:s0] =	ssyncset.done $0x0  }
0x15e: {  	s17 =	simm.s32 $0x16880;
	[sflag:s0] =	ssyncadd.s32 $0xFFFFFB00  }
0x15f: {  	[tilespmem:s22], [sflag:$0x1] =	stream.indirect.gather [hbm4b:s2+s26], $0x80, s19, s26, $0xb8;
	[tilespmem:$0x1BEC0] =	vst v63  }
0x160: {  	s20 =	simm.s32 $0x16970;
	s21 =	simm.s32 $0x16920;
	_ =	swait.ge [sflag:s7], $0x2800  }
0x161: {  	s23 =	simm.s32 $0x168D0;
	s28 =	simm.s32 $0x64;
	[sflag:s7] =	ssyncset.done $0x0  }
0x162: {  	s4 =	smov.u32 s12;
	s14 =	simm.s32 $0x166A0;
	[sflag:s7] =	ssyncadd.s32 $0xFFFFD800  }
0x163: {  	[spmem:s3] =	stream.indirect.scatter.add.f32 [tilespmem:s29], [sflag:$0x4], $0x80, s6, s26, $0xb8;
	[tilespmem:$0x1BEC0] =	vst v63  }
.LBB2_2:
0x164: {  	s25 =	simm.s32 $0x166F0  }
0x165: {  	[spmem:s5] =	stream.indirect.scatter.add.f32 [tilespmem:s24], [sflag:$0x6], $0x10, s25, s26, $0xb8;
	[tilespmem:$0x1BEC0] =	vst v63  }
0x166: {  	_ =	swait.ge [sflag:s9], $0x2800  }
0x167: {  	[sflag:s9] =	ssyncset.done $0x0  }
0x168: {  	[sflag:s9] =	ssyncadd.s32 $0xFFFFD800  }
0x169: {  	_ =	swait.ge [sflag:s10], $0x500  }
0x16a: {  	[sflag:s10] =	ssyncset.done $0x0  }
0x16b: {  	s6 =	simm.s32 $0x16470;
	[sflag:s10] =	ssyncadd.s32 $0xFFFFFB00  }
0x16c: {  	[tilespmem:s29], [sflag:$0x2] =	stream.indirect.gather [hbm4b:s2+s26], $0x80, s6, s26, $0xb8;
	[tilespmem:$0x1BEC0] =	vst v63  }
0x16d: {  	_ =	swait.ge [sflag:s30], $0x2800  }
0x16e: {  	[sflag:s30] =	ssyncset.done $0x0  }
0x16f: {  	s16 =	simm.s32 $0x16740;
	[sflag:s30] =	ssyncadd.s32 $0xFFFFD800  }
0x170: {  	[spmem:s3] =	stream.indirect.scatter.add.f32 [tilespmem:s22], [sflag:$0x3], $0x80, s16, s26, $0xb8;
	[tilespmem:$0x1BEC0] =	vst v63  }
0x171: {  	_ = 	snop  }
0x172: {  	[spmem:s5] =	stream.indirect.scatter.add.f32 [tilespmem:s24], [sflag:$0x5], $0x10, s16, s26, $0xb8;
	[tilespmem:$0x1BEC0] =	vst v63  }
0x173: {  	_ =	swait.ge [sflag:s31], $0x2800  }
0x174: {  	[sflag:s31] =	ssyncset.done $0x0  }
0x175: {  	[sflag:s31] =	ssyncadd.s32 $0xFFFFD800  }
0x176: {  	_ =	swait.ge [sflag:s0], $0x500  }
0x177: {  	[sflag:s0] =	ssyncset.done $0x0  }
0x178: {  	s19 =	simm.s32 $0x164C0;
	[sflag:s0] =	ssyncadd.s32 $0xFFFFFB00  }
0x179: {  	[tilespmem:s22], [sflag:$0x1] =	stream.indirect.gather [hbm4b:s2+s26], $0x80, s19, s26, $0xb8;
	[tilespmem:$0x1BEC0] =	vst v63  }
0x17a: {  	_ =	swait.ge [sflag:s7], $0x2800  }
0x17b: {  	[sflag:s7] =	ssyncset.done $0x0  }
0x17c: {  	s12 =	simm.s32 $0x16790;
	[sflag:s7] =	ssyncadd.s32 $0xFFFFD800  }
0x17d: {  	[spmem:s3] =	stream.indirect.scatter.add.f32 [tilespmem:s29], [sflag:$0x4], $0x80, s12, s26, $0xb8;
	[tilespmem:$0x1BEC0] =	vst v63  }
0x17e: {  	_ = 	snop  }
0x17f: {  	[spmem:s5] =	stream.indirect.scatter.add.f32 [tilespmem:s24], [sflag:$0x6], $0x10, s12, s26, $0xb8;
	[tilespmem:$0x1BEC0] =	vst v63  }
0x180: {  	_ =	swait.ge [sflag:s9], $0x2800  }
0x181: {  	[sflag:s9] =	ssyncset.done $0x0  }
0x182: {  	[sflag:s9] =	ssyncadd.s32 $0xFFFFD800  }
0x183: {  	_ =	swait.ge [sflag:s10], $0x500  }
0x184: {  	[sflag:s10] =	ssyncset.done $0x0  }
0x185: {  	[sflag:s10] =	ssyncadd.s32 $0xFFFFFB00  }
0x186: {  	_ =	swait.ge [sflag:s15], $0x190  }
0x187: {  	[sflag:s15] =	ssyncset.done $0x0  }
0x188: {  	[sflag:s15] =	ssyncadd.s32 $0xFFFFFE70  }
0x189: {  	_ =	swait.ge [sflag:s15], $0x190  }
0x18a: {  	[sflag:s15] =	ssyncset.done $0x0  }
0x18b: {  	s13 =	simm.s32 $0x16510;
	[sflag:s15] =	ssyncadd.s32 $0xFFFFFE70  }
0x18c: {  	[tilespmem:s29], [sflag:$0x2] =	stream.indirect.gather [hbm4b:s2+s26], $0x80, s13, s26, $0xb8;
	[tilespmem:$0x1BEC0] =	vst v63  }
0x18d: {  	_ =	swait.ge [sflag:s30], $0x2800  }
0x18e: {  	[sflag:s30] =	ssyncset.done $0x0  }
0x18f: {  	s16 =	simm.s32 $0x167E0;
	[sflag:s30] =	ssyncadd.s32 $0xFFFFD800  }
0x190: {  	[spmem:s3] =	stream.indirect.scatter.add.f32 [tilespmem:s22], [sflag:$0x3], $0x80, s16, s26, $0xb8;
	[tilespmem:$0x1BEC0] =	vst v63  }
0x191: {  	_ = 	snop  }
0x192: {  	[spmem:s5] =	stream.indirect.scatter.add.f32 [tilespmem:s24], [sflag:$0x5], $0x10, s16, s26, $0xb8;
	[tilespmem:$0x1BEC0] =	vst v63  }
0x193: {  	_ =	swait.ge [sflag:s31], $0x2800  }
0x194: {  	[sflag:s31] =	ssyncset.done $0x0  }
0x195: {  	s4 =	sadd.s32 $0x320, s4;
	[sflag:s31] =	ssyncadd.s32 $0xFFFFD800  }
0x196: {  	s11 =	smov.u32 s28;
	s13 =	sshrl.u32 s4, $0x3;
	_ =	swait.ge [sflag:s0], $0x500  }
0x197: {  	s12 =	simm.s32 $0x0;
	s13 =	sadd.s32 s8, s13;
	[sflag:s0] =	ssyncset.done $0x0  }
0x198: {  	s16 =	simm.s32 $0x16380;
	s19 =	rddreg [dreg:$0x8];
	[sflag:s0] =	ssyncadd.s32 $0xFFFFFB00  }
0x199: {  	[tilespmem:s16], [sflag:$0x9] =	stream.linear.gather [hbm4b:s13+s12], $0x190, $0x38;
	[tilespmem:$0x1BEC0] =	vst v63  }
0x19a: {  	s6 =	sadd.s32 s11, s19  }
0x19b: {  	[tilespmem:s14], [sflag:$0x9] =	stream.linear.gather [hbm4b:s6+s12], $0x190, $0x38;
	[tilespmem:$0x1BEC0] =	vst v63  }
0x19c: {  	s19 =	rddreg [dreg:$0x9]  }
0x19d: {  	[tilespmem:s22], [sflag:$0x1] =	stream.indirect.gather [hbm4b:s2+s26], $0x80, s19, s26, $0xb8;
	[tilespmem:$0x1BEC0] =	vst v63  }
0x19e: {  	_ =	swait.ge [sflag:s7], $0x2800  }
0x19f: {  	[sflag:s7] =	ssyncset.done $0x0  }
0x1a0: {  	[sflag:s7] =	ssyncadd.s32 $0xFFFFD800  }
0x1a1: {  	[spmem:s3] =	stream.indirect.scatter.add.f32 [tilespmem:s29], [sflag:$0x4], $0x80, s18, s26, $0xb8;
	[tilespmem:$0x1BEC0] =	vst v63  }
0x1a2: {  	_ = 	snop  }
0x1a3: {  	[spmem:s5] =	stream.indirect.scatter.add.f32 [tilespmem:s24], [sflag:$0x6], $0x10, s18, s26, $0xb8;
	[tilespmem:$0x1BEC0] =	vst v63  }
0x1a4: {  	_ =	swait.ge [sflag:s9], $0x2800  }
0x1a5: {  	[sflag:s9] =	ssyncset.done $0x0  }
0x1a6: {  	[sflag:s9] =	ssyncadd.s32 $0xFFFFD800  }
0x1a7: {  	_ =	swait.ge [sflag:s10], $0x500  }
0x1a8: {  	[sflag:s10] =	ssyncset.done $0x0  }
0x1a9: {  	s19 =	rddreg [dreg:$0xa];
	[sflag:s10] =	ssyncadd.s32 $0xFFFFFB00  }
0x1aa: {  	[tilespmem:s29], [sflag:$0x2] =	stream.indirect.gather [hbm4b:s2+s26], $0x80, s19, s26, $0xb8;
	[tilespmem:$0x1BEC0] =	vst v63  }
0x1ab: {  	_ =	swait.ge [sflag:s30], $0x2800  }
0x1ac: {  	[sflag:s30] =	ssyncset.done $0x0  }
0x1ad: {  	[sflag:s30] =	ssyncadd.s32 $0xFFFFD800  }
0x1ae: {  	[spmem:s3] =	stream.indirect.scatter.add.f32 [tilespmem:s22], [sflag:$0x3], $0x80, s17, s26, $0xb8;
	[tilespmem:$0x1BEC0] =	vst v63  }
0x1af: {  	_ = 	snop  }
0x1b0: {  	[spmem:s5] =	stream.indirect.scatter.add.f32 [tilespmem:s24], [sflag:$0x5], $0x10, s17, s26, $0xb8;
	[tilespmem:$0x1BEC0] =	vst v63  }
0x1b1: {  	_ =	swait.ge [sflag:s31], $0x2800  }
0x1b2: {  	[sflag:s31] =	ssyncset.done $0x0  }
0x1b3: {  	[sflag:s31] =	ssyncadd.s32 $0xFFFFD800  }
0x1b4: {  	_ =	swait.ge [sflag:s0], $0x500  }
0x1b5: {  	[sflag:s0] =	ssyncset.done $0x0  }
0x1b6: {  	s12 =	rddreg [dreg:$0xb];
	[sflag:s0] =	ssyncadd.s32 $0xFFFFFB00  }
0x1b7: {  	[tilespmem:s22], [sflag:$0x1] =	stream.indirect.gather [hbm4b:s2+s26], $0x80, s12, s26, $0xb8;
	[tilespmem:$0x1BEC0] =	vst v63  }
0x1b8: {  	_ =	swait.ge [sflag:s7], $0x2800  }
0x1b9: {  	[sflag:s7] =	ssyncset.done $0x0  }
0x1ba: {  	[sflag:s7] =	ssyncadd.s32 $0xFFFFD800  }
0x1bb: {  	[spmem:s3] =	stream.indirect.scatter.add.f32 [tilespmem:s29], [sflag:$0x4], $0x80, s23, s26, $0xb8;
	[tilespmem:$0x1BEC0] =	vst v63  }
0x1bc: {  	_ = 	snop  }
0x1bd: {  	[spmem:s5] =	stream.indirect.scatter.add.f32 [tilespmem:s24], [sflag:$0x6], $0x10, s23, s26, $0xb8;
	[tilespmem:$0x1BEC0] =	vst v63  }
0x1be: {  	_ =	swait.ge [sflag:s9], $0x2800  }
0x1bf: {  	[sflag:s9] =	ssyncset.done $0x0  }
0x1c0: {  	[sflag:s9] =	ssyncadd.s32 $0xFFFFD800  }
0x1c1: {  	_ =	swait.ge [sflag:s10], $0x500  }
0x1c2: {  	[sflag:s10] =	ssyncset.done $0x0  }
0x1c3: {  	s13 =	rddreg [dreg:$0xc];
	[sflag:s10] =	ssyncadd.s32 $0xFFFFFB00  }
0x1c4: {  	[tilespmem:s29], [sflag:$0x2] =	stream.indirect.gather [hbm4b:s2+s26], $0x80, s13, s26, $0xb8;
	[tilespmem:$0x1BEC0] =	vst v63  }
0x1c5: {  	_ =	swait.ge [sflag:s30], $0x2800  }
0x1c6: {  	[sflag:s30] =	ssyncset.done $0x0  }
0x1c7: {  	[sflag:s30] =	ssyncadd.s32 $0xFFFFD800  }
0x1c8: {  	[spmem:s3] =	stream.indirect.scatter.add.f32 [tilespmem:s22], [sflag:$0x3], $0x80, s21, s26, $0xb8;
	[tilespmem:$0x1BEC0] =	vst v63  }
0x1c9: {  	_ = 	snop  }
0x1ca: {  	[spmem:s5] =	stream.indirect.scatter.add.f32 [tilespmem:s24], [sflag:$0x5], $0x10, s21, s26, $0xb8;
	[tilespmem:$0x1BEC0] =	vst v63  }
0x1cb: {  	_ =	swait.ge [sflag:s31], $0x2800  }
0x1cc: {  	[sflag:s31] =	ssyncset.done $0x0  }
0x1cd: {  	[sflag:s31] =	ssyncadd.s32 $0xFFFFD800  }
0x1ce: {  	_ =	swait.ge [sflag:s0], $0x500  }
0x1cf: {  	[sflag:s0] =	ssyncset.done $0x0  }
0x1d0: {  	[sflag:s0] =	ssyncadd.s32 $0xFFFFFB00  }
0x1d1: {  	_ =	swait.ge [sflag:s1], $0x190  }
0x1d2: {  	[sflag:s1] =	ssyncset.done $0x0  }
0x1d3: {  	[sflag:s1] =	ssyncadd.s32 $0xFFFFFE70  }
0x1d4: {  	_ =	swait.ge [sflag:s1], $0x190  }
0x1d5: {  	[sflag:s1] =	ssyncset.done $0x0  }
0x1d6: {  	[sflag:s1] =	ssyncadd.s32 $0xFFFFFE70  }
0x1d7: {  	[tilespmem:s22], [sflag:$0x1] =	stream.indirect.gather [hbm4b:s2+s26], $0x80, s16, s26, $0xb8;
	[tilespmem:$0x1BEC0] =	vst v63  }
0x1d8: {  	_ =	swait.ge [sflag:s7], $0x2800  }
0x1d9: {  	[sflag:s7] =	ssyncset.done $0x0  }
0x1da: {  	[sflag:s7] =	ssyncadd.s32 $0xFFFFD800  }
0x1db: {  	[spmem:s3] =	stream.indirect.scatter.add.f32 [tilespmem:s29], [sflag:$0x4], $0x80, s20, s26, $0xb8;
	[tilespmem:$0x1BEC0] =	vst v63  }
0x1dc: {  	_ = 	snop  }
0x1dd: {  	[spmem:s5] =	stream.indirect.scatter.add.f32 [tilespmem:s24], [sflag:$0x6], $0x10, s20, s26, $0xb8;
	[tilespmem:$0x1BEC0] =	vst v63  }
0x1de: {  	_ =	swait.ge [sflag:s9], $0x2800  }
0x1df: {  	[sflag:s9] =	ssyncset.done $0x0  }
0x1e0: {  	p1 =	seq.s32 s11, $0x44C;
	[sflag:s9] =	ssyncadd.s32 $0xFFFFD800  }
0x1e1: {  	s19 =	simm.s32 @!p1 $0x0;
	_ =	swait.ge [sflag:s10], $0x500  }
0x1e2: {  	s16 =	simm.s32 @!p1 $0x16510;
	s6 =	rddreg [dreg:$0x7];
	[sflag:s10] =	ssyncset.done $0x0  }
0x1e3: {  	s13 =	rddreg [dreg:$0x6];
	[sflag:s10] =	ssyncadd.s32 $0xFFFFFB00;
	s6 =	sadd.s32 @!p1 s11, s6  }
0x1e4: {  	[tilespmem:s16], [sflag:$0xA] =	stream.linear.gather @!p1 [hbm4b:s6+s19], $0x190, $0x38;
	[tilespmem:$0x1BEC0] =	vst v63  }
0x1e5: {  	s12 =	simm.s32 @!p1 $0x16830;
	s6 =	sadd.s32 @!p1 s11, s13  }
0x1e6: {  	[tilespmem:s12], [sflag:$0xA] =	stream.linear.gather @!p1 [hbm4b:s6+s19], $0x190, $0x38;
	[tilespmem:$0x1BEC0] =	vst v63  }
0x1e7: {  	s16 =	simm.s32 $0x163D0  }
0x1e8: {  	[tilespmem:s29], [sflag:$0x2] =	stream.indirect.gather [hbm4b:s2+s26], $0x80, s16, s26, $0xb8;
	[tilespmem:$0x1BEC0] =	vst v63  }
0x1e9: {  	_ =	swait.ge [sflag:s30], $0x2800  }
0x1ea: {  	[sflag:s30] =	ssyncset.done $0x0  }
0x1eb: {  	[sflag:s30] =	ssyncadd.s32 $0xFFFFD800  }
0x1ec: {  	[spmem:s3] =	stream.indirect.scatter.add.f32 [tilespmem:s22], [sflag:$0x3], $0x80, s14, s26, $0xb8;
	[tilespmem:$0x1BEC0] =	vst v63  }
0x1ed: {  	_ = 	snop  }
0x1ee: {  	[spmem:s5] =	stream.indirect.scatter.add.f32 [tilespmem:s24], [sflag:$0x5], $0x10, s14, s26, $0xb8;
	[tilespmem:$0x1BEC0] =	vst v63  }
0x1ef: {  	_ =	swait.ge [sflag:s31], $0x2800  }
0x1f0: {  	[sflag:s31] =	ssyncset.done $0x0  }
0x1f1: {  	[sflag:s31] =	ssyncadd.s32 $0xFFFFD800  }
0x1f2: {  	_ =	swait.ge [sflag:s0], $0x500  }
0x1f3: {  	s28 =	sadd.s32 $0x64, s28;
	[sflag:s0] =	ssyncset.done $0x0  }
0x1f4: {  	p0 =	sne.s32 s28, $0x4B0;
	s19 =	simm.s32 $0x16420;
	[sflag:s0] =	ssyncadd.s32 $0xFFFFFB00  }
0x1f5: {  	[tilespmem:s22], [sflag:$0x1] =	stream.indirect.gather [hbm4b:s2+s26], $0x80, s19, s26, $0xb8;
	[tilespmem:$0x1BEC0] =	vst v63  }
.Ltmp0:
0x1f6: {  	_ = 	snop;
	(pc) =	sbr.rel @p0 .LBB2_2-.Ltmp0, $4  }
0x1f7: {  	_ =	swait.ge [sflag:s7], $0x2800  }
0x1f8: {  	[sflag:s7] =	ssyncset.done $0x0  }
0x1f9: {  	s6 =	simm.s32 $0x166F0;
	[sflag:s7] =	ssyncadd.s32 $0xFFFFD800  }
0x1fa: {  	[spmem:s3] =	stream.indirect.scatter.add.f32 [tilespmem:s29], [sflag:$0x4], $0x80, s25, s26, $0xb8;
	[tilespmem:$0x1BEC0] =	vst v63  }
0x1fb: {  	[spmem:s5] =	stream.indirect.scatter.add.f32 [tilespmem:s24], [sflag:$0x6], $0x10, s6, s26, $0xb8;
	[tilespmem:$0x1BEC0] =	vst v63  }
0x1fc: {  	_ =	swait.ge [sflag:s9], $0x2800  }
0x1fd: {  	[sflag:s9] =	ssyncset.done $0x0  }
0x1fe: {  	[sflag:s9] =	ssyncadd.s32 $0xFFFFD800  }
0x1ff: {  	_ =	swait.ge [sflag:s10], $0x500  }
0x200: {  	[sflag:s10] =	ssyncset.done $0x0  }
0x201: {  	s4 =	simm.s32 $0x16470;
	[sflag:s10] =	ssyncadd.s32 $0xFFFFFB00  }
0x202: {  	[tilespmem:s29], [sflag:$0x2] =	stream.indirect.gather [hbm4b:s2+s26], $0x80, s4, s26, $0xb8;
	[tilespmem:$0x1BEC0] =	vst v63  }
0x203: {  	_ =	swait.ge [sflag:s30], $0x2800  }
0x204: {  	[sflag:s30] =	ssyncset.done $0x0  }
0x205: {  	s14 =	simm.s32 $0x16740;
	[sflag:s30] =	ssyncadd.s32 $0xFFFFD800  }
0x206: {  	[spmem:s3] =	stream.indirect.scatter.add.f32 [tilespmem:s22], [sflag:$0x3], $0x80, s14, s26, $0xb8;
	[tilespmem:$0x1BEC0] =	vst v63  }
0x207: {  	_ = 	snop  }
0x208: {  	[spmem:s5] =	stream.indirect.scatter.add.f32 [tilespmem:s24], [sflag:$0x5], $0x10, s14, s26, $0xb8;
	[tilespmem:$0x1BEC0] =	vst v63  }
0x209: {  	_ =	swait.ge [sflag:s31], $0x2800  }
0x20a: {  	[sflag:s31] =	ssyncset.done $0x0  }
0x20b: {  	[sflag:s31] =	ssyncadd.s32 $0xFFFFD800  }
0x20c: {  	_ =	swait.ge [sflag:s0], $0x500  }
0x20d: {  	[sflag:s0] =	ssyncset.done $0x0  }
0x20e: {  	s16 =	simm.s32 $0x164C0;
	[sflag:s0] =	ssyncadd.s32 $0xFFFFFB00  }
0x20f: {  	[tilespmem:s22], [sflag:$0x1] =	stream.indirect.gather [hbm4b:s2+s26], $0x80, s16, s26, $0xb8;
	[tilespmem:$0x1BEC0] =	vst v63  }
0x210: {  	_ =	swait.ge [sflag:s7], $0x2800  }
0x211: {  	[sflag:s7] =	ssyncset.done $0x0  }
0x212: {  	s17 =	simm.s32 $0x16790;
	[sflag:s7] =	ssyncadd.s32 $0xFFFFD800  }
0x213: {  	[spmem:s3] =	stream.indirect.scatter.add.f32 [tilespmem:s29], [sflag:$0x4], $0x80, s17, s26, $0xb8;
	[tilespmem:$0x1BEC0] =	vst v63  }
0x214: {  	_ = 	snop  }
0x215: {  	[spmem:s5] =	stream.indirect.scatter.add.f32 [tilespmem:s24], [sflag:$0x6], $0x10, s17, s26, $0xb8;
	[tilespmem:$0x1BEC0] =	vst v63  }
0x216: {  	_ =	swait.ge [sflag:s9], $0x2800  }
0x217: {  	[sflag:s9] =	ssyncset.done $0x0  }
0x218: {  	[sflag:s9] =	ssyncadd.s32 $0xFFFFD800  }
0x219: {  	_ =	swait.ge [sflag:s10], $0x500  }
0x21a: {  	[sflag:s10] =	ssyncset.done $0x0  }
0x21b: {  	[sflag:s10] =	ssyncadd.s32 $0xFFFFFB00  }
0x21c: {  	_ =	swait.ge [sflag:s30], $0x2800  }
0x21d: {  	[sflag:s30] =	ssyncset.done $0x0  }
0x21e: {  	s18 =	simm.s32 $0x167E0;
	[sflag:s30] =	ssyncadd.s32 $0xFFFFD800  }
0x21f: {  	[spmem:s3] =	stream.indirect.scatter.add.f32 [tilespmem:s22], [sflag:$0x3], $0x80, s18, s26, $0xb8;
	[tilespmem:$0x1BEC0] =	vst v63  }
0x220: {  	_ = 	snop  }
0x221: {  	[spmem:s5] =	stream.indirect.scatter.add.f32 [tilespmem:s24], [sflag:$0x5], $0x10, s18, s26, $0xb8;
	[tilespmem:$0x1BEC0] =	vst v63  }
0x222: {  	_ =	swait.ge [sflag:s31], $0x2800  }
0x223: {  	[sflag:s31] =	ssyncset.done $0x0  }
0x224: {  	[sflag:s31] =	ssyncadd.s32 $0xFFFFD800  }
0x225: {  	_ =	swait.ge [sflag:s0], $0x500  }
0x226: {  	[sflag:s0] =	ssyncset.done $0x0  }
0x227: {  	[sflag:s0] =	ssyncadd.s32 $0xFFFFFB00  }
0x228: {  	[bflag:$0x0] =	sbarrier.arrive $0xFFFF  }
0x229: {  	s25 =	sld [smem:$0x7F4];
	_ =	sdelay $0x1  }
0x22a: {  	s16 =	simm.s32 $0xB  }
0x22b: {  	[tilespmem:s22], [sflag:$0xB] =	stream.linear.gather [spmem:s25], $0x2780, $0x38;
	[tilespmem:$0x1BEC0] =	vst v63  }
0x22c: {  	_ =	swait.ge [sflag:s16], $0x2780  }
0x22d: {  	[sflag:s16] =	ssyncset.done $0x0;
	s19 =	rddreg [dreg:$0xd]  }
0x22e: {  	s4 =	simm.s32 $0x0;
	s18 =	sld [smem:$0x7F5];
	[sflag:s16] =	ssyncadd.s32 $0xFFFFD880  }
0x22f: {  	[hbm4b:s19+s4] =	stream.linear.scatter [tilespmem:s22], [sflag:$0x7], $0x2780, $0x38;
	[tilespmem:$0x1BEC0] =	vst v63  }
0x230: {  	_ = 	snop  }
0x231: {  	[tilespmem:s24], [sflag:$0xB] =	stream.linear.gather [spmem:s18], $0x4F0, $0x38;
	[tilespmem:$0x1BEC0] =	vst v63  }
0x232: {  	_ =	swait.ge [sflag:s16], $0x4F0  }
0x233: {  	[sflag:s16] =	ssyncset.done $0x0  }
0x234: {  	s20 =	rddreg [dreg:$0x15];
	[sflag:s16] =	ssyncadd.s32 $0xFFFFFB10  }
0x235: {  	[hbm4b:s20+s4] =	stream.linear.scatter [tilespmem:s24], [sflag:$0xB], $0x4F0, $0x38;
	[tilespmem:$0x1BEC0] =	vst v63  }
0x236: {  	_ =	swait.ge [sflag:s16], $0x4F0  }
0x237: {  	s21 =	sld [smem:$0x7E8]  }
0x238: {  	[sflag:s16] =	ssyncset.done $0x0  }
0x239: {  	[sflag:s16] =	ssyncadd.s32 $0xFFFFFB10  }
0x23a: {  	[tilespmem:s29], [sflag:$0xB] =	stream.linear.gather [spmem:s21], $0x2780, $0x38;
	[tilespmem:$0x1BEC0] =	vst v63  }
0x23b: {  	_ =	swait.ge [sflag:s16], $0x2780  }
0x23c: {  	[sflag:s16] =	ssyncset.done $0x0;
	s23 =	rddreg [dreg:$0xe]  }
0x23d: {  	s11 =	sld [smem:$0x7E9];
	[sflag:s16] =	ssyncadd.s32 $0xFFFFD880  }
0x23e: {  	[hbm4b:s23+s4] =	stream.linear.scatter [tilespmem:s29], [sflag:$0x8], $0x2780, $0x38;
	[tilespmem:$0x1BEC0] =	vst v63  }
0x23f: {  	_ = 	snop  }
0x240: {  	[tilespmem:s24], [sflag:$0xB] =	stream.linear.gather [spmem:s11], $0x4F0, $0x38;
	[tilespmem:$0x1BEC0] =	vst v63  }
0x241: {  	_ =	swait.ge [sflag:s16], $0x4F0  }
0x242: {  	[sflag:s16] =	ssyncset.done $0x0  }
0x243: {  	s12 =	rddreg [dreg:$0x16];
	[sflag:s16] =	ssyncadd.s32 $0xFFFFFB10  }
0x244: {  	[hbm4b:s12+s4] =	stream.linear.scatter [tilespmem:s24], [sflag:$0xB], $0x4F0, $0x38;
	[tilespmem:$0x1BEC0] =	vst v63  }
0x245: {  	_ =	swait.ge [sflag:s16], $0x4F0  }
0x246: {  	[sflag:s16] =	ssyncset.done $0x0  }
0x247: {  	s11 =	simm.s32 $0x7;
	[sflag:s16] =	ssyncadd.s32 $0xFFFFFB10  }
0x248: {  	_ =	swait.ge [sflag:s11], $0x2780  }
0x249: {  	s13 =	sld [smem:$0x7F6]  }
0x24a: {  	[sflag:s11] =	ssyncset.done $0x0  }
0x24b: {  	[sflag:s11] =	ssyncadd.s32 $0xFFFFD880  }
0x24c: {  	[tilespmem:s22], [sflag:$0xB] =	stream.linear.gather [spmem:s13], $0x2780, $0x38;
	[tilespmem:$0x1BEC0] =	vst v63  }
0x24d: {  	_ =	swait.ge [sflag:s16], $0x2780  }
0x24e: {  	[sflag:s16] =	ssyncset.done $0x0;
	s14 =	rddreg [dreg:$0xf]  }
0x24f: {  	s17 =	sld [smem:$0x7EA];
	[sflag:s16] =	ssyncadd.s32 $0xFFFFD880  }
0x250: {  	[hbm4b:s14+s4] =	stream.linear.scatter [tilespmem:s22], [sflag:$0x7], $0x2780, $0x38;
	[tilespmem:$0x1BEC0] =	vst v63  }
0x251: {  	_ = 	snop  }
0x252: {  	[tilespmem:s24], [sflag:$0xB] =	stream.linear.gather [spmem:s17], $0x4F0, $0x38;
	[tilespmem:$0x1BEC0] =	vst v63  }
0x253: {  	_ =	swait.ge [sflag:s16], $0x4F0  }
0x254: {  	[sflag:s16] =	ssyncset.done $0x0  }
0x255: {  	s19 =	rddreg [dreg:$0x17];
	[sflag:s16] =	ssyncadd.s32 $0xFFFFFB10  }
0x256: {  	[hbm4b:s19+s4] =	stream.linear.scatter [tilespmem:s24], [sflag:$0xB], $0x4F0, $0x38;
	[tilespmem:$0x1BEC0] =	vst v63  }
0x257: {  	_ =	swait.ge [sflag:s16], $0x4F0  }
0x258: {  	[sflag:s16] =	ssyncset.done $0x0  }
0x259: {  	s19 =	simm.s32 $0x8;
	[sflag:s16] =	ssyncadd.s32 $0xFFFFFB10  }
0x25a: {  	_ =	swait.ge [sflag:s19], $0x2780  }
0x25b: {  	s20 =	sld [smem:$0x7F7]  }
0x25c: {  	[sflag:s19] =	ssyncset.done $0x0  }
0x25d: {  	[sflag:s19] =	ssyncadd.s32 $0xFFFFD880  }
0x25e: {  	[tilespmem:s29], [sflag:$0xB] =	stream.linear.gather [spmem:s20], $0x2780, $0x38;
	[tilespmem:$0x1BEC0] =	vst v63  }
0x25f: {  	_ =	swait.ge [sflag:s16], $0x2780  }
0x260: {  	[sflag:s16] =	ssyncset.done $0x0;
	s12 =	rddreg [dreg:$0x10]  }
0x261: {  	s21 =	smov.u32 s13;
	s13 =	sld [smem:$0x7F8];
	[sflag:s16] =	ssyncadd.s32 $0xFFFFD880  }
0x262: {  	[hbm4b:s12+s4] =	stream.linear.scatter [tilespmem:s29], [sflag:$0x8], $0x2780, $0x38;
	[tilespmem:$0x1BEC0] =	vst v63  }
0x263: {  	_ = 	snop  }
0x264: {  	[tilespmem:s24], [sflag:$0xB] =	stream.linear.gather [spmem:s13], $0x4F0, $0x38;
	[tilespmem:$0x1BEC0] =	vst v63  }
0x265: {  	_ =	swait.ge [sflag:s16], $0x4F0  }
0x266: {  	[sflag:s16] =	ssyncset.done $0x0  }
0x267: {  	s14 =	rddreg [dreg:$0x18];
	[sflag:s16] =	ssyncadd.s32 $0xFFFFFB10  }
0x268: {  	[hbm4b:s14+s4] =	stream.linear.scatter [tilespmem:s24], [sflag:$0xB], $0x4F0, $0x38;
	[tilespmem:$0x1BEC0] =	vst v63  }
0x269: {  	_ =	swait.ge [sflag:s16], $0x4F0  }
0x26a: {  	[sflag:s16] =	ssyncset.done $0x0  }
0x26b: {  	[sflag:s16] =	ssyncadd.s32 $0xFFFFFB10  }
0x26c: {  	_ =	swait.ge [sflag:s11], $0x2780  }
0x26d: {  	s23 =	smov.u32 s20;
	s20 =	sld [smem:$0x7EB]  }
0x26e: {  	[sflag:s11] =	ssyncset.done $0x0  }
0x26f: {  	[sflag:s11] =	ssyncadd.s32 $0xFFFFD880  }
0x270: {  	[tilespmem:s22], [sflag:$0xB] =	stream.linear.gather [spmem:s20], $0x2780, $0x38;
	[tilespmem:$0x1BEC0] =	vst v63  }
0x271: {  	_ =	swait.ge [sflag:s16], $0x2780  }
0x272: {  	[sflag:s16] =	ssyncset.done $0x0;
	s12 =	rddreg [dreg:$0x11]  }
0x273: {  	s20 =	sld [smem:$0x7F9];
	[sflag:s16] =	ssyncadd.s32 $0xFFFFD880  }
0x274: {  	[hbm4b:s12+s4] =	stream.linear.scatter [tilespmem:s22], [sflag:$0x7], $0x2780, $0x38;
	[tilespmem:$0x1BEC0] =	vst v63  }
0x275: {  	_ = 	snop  }
0x276: {  	[tilespmem:s24], [sflag:$0xB] =	stream.linear.gather [spmem:s20], $0x4F0, $0x38;
	[tilespmem:$0x1BEC0] =	vst v63  }
0x277: {  	_ =	swait.ge [sflag:s16], $0x4F0  }
0x278: {  	[sflag:s16] =	ssyncset.done $0x0  }
0x279: {  	s17 =	smov.u32 s13;
	s13 =	rddreg [dreg:$0x19];
	[sflag:s16] =	ssyncadd.s32 $0xFFFFFB10  }
0x27a: {  	[hbm4b:s13+s4] =	stream.linear.scatter [tilespmem:s24], [sflag:$0xB], $0x4F0, $0x38;
	[tilespmem:$0x1BEC0] =	vst v63  }
0x27b: {  	_ =	swait.ge [sflag:s16], $0x4F0  }
0x27c: {  	[sflag:s16] =	ssyncset.done $0x0  }
0x27d: {  	[sflag:s16] =	ssyncadd.s32 $0xFFFFFB10  }
0x27e: {  	_ =	swait.ge [sflag:s19], $0x2780  }
0x27f: {  	s14 =	sld [smem:$0x7EC]  }
0x280: {  	[sflag:s19] =	ssyncset.done $0x0  }
0x281: {  	[sflag:s19] =	ssyncadd.s32 $0xFFFFD880  }
0x282: {  	[tilespmem:s29], [sflag:$0xB] =	stream.linear.gather [spmem:s14], $0x2780, $0x38;
	[tilespmem:$0x1BEC0] =	vst v63  }
0x283: {  	_ =	swait.ge [sflag:s16], $0x2780  }
0x284: {  	[sflag:s16] =	ssyncset.done $0x0;
	s12 =	rddreg [dreg:$0x12]  }
0x285: {  	s13 =	sld [smem:$0x7ED];
	[sflag:s16] =	ssyncadd.s32 $0xFFFFD880  }
0x286: {  	[hbm4b:s12+s4] =	stream.linear.scatter [tilespmem:s29], [sflag:$0x8], $0x2780, $0x38;
	[tilespmem:$0x1BEC0] =	vst v63  }
0x287: {  	_ = 	snop  }
0x288: {  	[tilespmem:s24], [sflag:$0xB] =	stream.linear.gather [spmem:s13], $0x4F0, $0x38;
	[tilespmem:$0x1BEC0] =	vst v63  }
0x289: {  	_ =	swait.ge [sflag:s16], $0x4F0  }
0x28a: {  	[sflag:s16] =	ssyncset.done $0x0  }
0x28b: {  	s14 =	rddreg [dreg:$0x1a];
	[sflag:s16] =	ssyncadd.s32 $0xFFFFFB10  }
0x28c: {  	[hbm4b:s14+s4] =	stream.linear.scatter [tilespmem:s24], [sflag:$0xB], $0x4F0, $0x38;
	[tilespmem:$0x1BEC0] =	vst v63  }
0x28d: {  	_ =	swait.ge [sflag:s16], $0x4F0  }
0x28e: {  	[sflag:s16] =	ssyncset.done $0x0  }
0x28f: {  	[sflag:s16] =	ssyncadd.s32 $0xFFFFFB10  }
0x290: {  	_ =	swait.ge [sflag:s11], $0x2780  }
0x291: {  	s28 =	sld [smem:$0x7FA]  }
0x292: {  	[sflag:s11] =	ssyncset.done $0x0  }
0x293: {  	[sflag:s11] =	ssyncadd.s32 $0xFFFFD880  }
0x294: {  	[tilespmem:s22], [sflag:$0xB] =	stream.linear.gather [spmem:s28], $0x2780, $0x38;
	[tilespmem:$0x1BEC0] =	vst v63  }
0x295: {  	_ =	swait.ge [sflag:s16], $0x2780  }
0x296: {  	[sflag:s16] =	ssyncset.done $0x0;
	s12 =	rddreg [dreg:$0x13]  }
0x297: {  	s11 =	sld [smem:$0x7FB];
	[sflag:s16] =	ssyncadd.s32 $0xFFFFD880  }
0x298: {  	[hbm4b:s12+s4] =	stream.linear.scatter [tilespmem:s22], [sflag:$0x7], $0x2780, $0x38;
	[tilespmem:$0x1BEC0] =	vst v63  }
0x299: {  	_ = 	snop  }
0x29a: {  	[tilespmem:s24], [sflag:$0xB] =	stream.linear.gather [spmem:s11], $0x4F0, $0x38;
	[tilespmem:$0x1BEC0] =	vst v63  }
0x29b: {  	_ =	swait.ge [sflag:s16], $0x4F0  }
0x29c: {  	[sflag:s16] =	ssyncset.done $0x0  }
0x29d: {  	s13 =	rddreg [dreg:$0x1b];
	[sflag:s16] =	ssyncadd.s32 $0xFFFFFB10  }
0x29e: {  	[hbm4b:s13+s4] =	stream.linear.scatter [tilespmem:s24], [sflag:$0xB], $0x4F0, $0x38;
	[tilespmem:$0x1BEC0] =	vst v63  }
0x29f: {  	_ =	swait.ge [sflag:s16], $0x4F0  }
0x2a0: {  	[sflag:s16] =	ssyncset.done $0x0  }
0x2a1: {  	[sflag:s16] =	ssyncadd.s32 $0xFFFFFB10  }
0x2a2: {  	_ =	swait.ge [sflag:s19], $0x2780  }
0x2a3: {  	s12 =	sld [smem:$0x7FC]  }
0x2a4: {  	[sflag:s19] =	ssyncset.done $0x0  }
0x2a5: {  	[sflag:s19] =	ssyncadd.s32 $0xFFFFD880  }
0x2a6: {  	[tilespmem:s29], [sflag:$0xB] =	stream.linear.gather [spmem:s12], $0x2780, $0x38;
	[tilespmem:$0x1BEC0] =	vst v63  }
0x2a7: {  	_ =	swait.ge [sflag:s16], $0x2780  }
0x2a8: {  	[sflag:s16] =	ssyncset.done $0x0;
	s14 =	rddreg [dreg:$0x14]  }
0x2a9: {  	s13 =	sld [smem:$0x7FD];
	[sflag:s16] =	ssyncadd.s32 $0xFFFFD880  }
0x2aa: {  	[hbm4b:s14+s4] =	stream.linear.scatter [tilespmem:s29], [sflag:$0x8], $0x2780, $0x38;
	[tilespmem:$0x1BEC0] =	vst v63  }
0x2ab: {  	_ = 	snop  }
0x2ac: {  	[tilespmem:s24], [sflag:$0xB] =	stream.linear.gather [spmem:s13], $0x4F0, $0x38;
	[tilespmem:$0x1BEC0] =	vst v63  }
0x2ad: {  	_ =	swait.ge [sflag:s16], $0x4F0  }
0x2ae: {  	[sflag:s16] =	ssyncset.done $0x0  }
0x2af: {  	[sflag:s16] =	ssyncadd.s32 $0xFFFFFB10;
	s16 =	rddreg [dreg:$0x1c]  }
0x2b0: {  	[hbm4b:s16+s4] =	stream.linear.scatter [tilespmem:s24], [sflag:$0xB], $0x4F0, $0x38;
	[tilespmem:$0x1BEC0] =	vst v63  }
0x2b1: {  	s16 =	simm.s32 $0xB  }
0x2b2: {  	_ =	swait.ge [sflag:s16], $0x4F0  }
0x2b3: {  	[sflag:s16] =	ssyncset.done $0x0  }
0x2b4: {  	s14 =	simm.s32 $0x7;
	[sflag:s16] =	ssyncadd.s32 $0xFFFFFB10  }
0x2b5: {  	_ =	swait.ge [sflag:s14], $0x2780  }
0x2b6: {  	[sflag:s14] =	ssyncset.done $0x0  }
0x2b7: {  	[sflag:s14] =	ssyncadd.s32 $0xFFFFD880  }
0x2b8: {  	_ =	swait.ge [sflag:s19], $0x2780  }
0x2b9: {  	s14 =	sld [smem:$0x7E7]  }
0x2ba: {  	s16 =	sld [smem:$0x7EE];
	_ =	sdelay $0x1  }
0x2bb: {  	s6 =	sadd.s32 $0x1, s14  }
0x2bc: {  	p0 =	sne.s32 s6, s16  }
.Ltmp1:
0x2bd: {  	_ = 	snop;
	(pc) =	sbr.rel @p0 .LBB2_1-.Ltmp1, $3  }
0x2be: {  	_ =	sdelay $0x1  }
0x2bf: {  	[sflag:s19] =	ssyncset.done $0x0;
	s19 =	simm.s32 $0x8  }
0x2c0: {  	[sflag:s19] =	ssyncadd.s32 $0xFFFFD880  }
0x2c1: {  	_ =	sfence.sel $0x180000  }
0x2c2: {  	[bflag:$0x0] =	sbarrier.arrive $0xFFFF  }
0x2c3: {  	_ =	strace $0x90000047  }
0x2c4: {  	s0 =	stileid.u32;
	[bflag:$0x2] =	sbarrier.arrive $0xFFFF  }
0x2c5: {  	p0 =	sne.s32 s0, $0x0;
	s0 =	rddreg [dreg:$0x5]  }
0x2c6: {  	s0 =	sadd.s32 @!p0 $0x100000, s0  }
0x2c7: {  	[sflag:s0] =	ssyncadd.tile.s32 @!p0 $0x1;
	_ =	shalt  }
.Lfunc_end2:
_tile_overlayer_lowered:
.L_overlay_start_2:
0x2c8: {  	(tag) =	ssettag $0x2  }
0x2c9: {  	s0 =	rddreg [dreg:$0x0];
	s2 =	stileid.u32  }
0x2ca: {  	s1 =	rddreg [dreg:$0x1];
	p0 =	sne.s32 s2, $0x0  }
0x2cb: {  	s3 =	rddreg [dreg:$0x2];
	[bflag:$0x3] =	sbarrier.arrive $0xFFFF;
	s2 =	simm.s32 @!p0 $0x1C0B  }
0x2cc: {  	[timem:s3], [sflag:s2] =	dma.local @!p0 [hbm:s0], s1  }
0x2cd: {  	s0 =	simm.s32 @!p0 $0xB  }
0x2ce: {  	_ =	swait.ge @!p0 [sflag:s0], s1  }
0x2cf: {  	s1 =	ssub.s32 @!p0 $0x0, s1;
	[sflag:s0] =	ssyncset.done @!p0 $0x0  }
0x2d0: {  	[sflag:s0] =	ssyncadd.s32 @!p0 s1  }
0x2d1: {  	[bflag:$0x3] =	sbarrier.arrive $0xFFFF  }
0x2d2: {  	_ =	shalt  }

</sc_bundles>
